<compile_context>
chip_gen: v7x
topology: tpu7x:2x2x1
jax: 0.10.2.dev20260603
libtpu: 0.0.44.dev20260713+nightly
codegen_flags: <defaults>
</compile_context>

<pallas_src>
import functools

import jax
import jax.numpy as jnp
from jax import lax
from jax.experimental import pallas as pl
from jax.experimental.pallas import tpu as pltpu
from jax.experimental.pallas import tpu_sc as plsc

B, H, W, D = 4, 32, 32, 256
DEPTH = 4
K = 8192
M = B * H * W
TM = 1024
G = M // TM
CK = 1024
NSLC = CK // 128

NC, NS = 2, 16
NWORK = NC * NS
TPW = M // NWORK


def _make_argmin_body(nq, emit_r):
    def body(*refs):
        x_ref = refs[0]
        q_refs = refs[1:1 + nq]
        cb_ref = refs[1 + nq]
        idx_ref = refs[2 + nq]
        ss_ref = refs[3 + nq]
        rout_ref = refs[4 + nq] if emit_r else None
        cbsq_ref = refs[-1]

        r = x_ref[...]
        for q_ref in q_refs:
            r = r - q_ref[...]
        if emit_r:
            rout_ref[...] = r
        r2 = r + r
        in_sq = jnp.sum(r * r, axis=1, keepdims=True)
        ss_ref[...] = jnp.zeros((1, 1, 128), jnp.float32) + jnp.sum(in_sq)
        lane = lax.broadcasted_iota(jnp.int32, (TM, 128), 1)

        @pl.when(pl.program_id(0) == 0)
        def _():
            for c in range(K // CK):
                cbc = cb_ref[pl.ds(c * CK, CK), :]
                cbsq_ref[:, pl.ds(c * CK, CK)] = (
                    jnp.sum(cbc * cbc, axis=1)[None, :])

        def mm_chunk(c):
            cbc = cb_ref[pl.ds(c * CK, CK), :]
            return lax.dot_general(r2, cbc, (((1,), (1,)), ((), ())),
                                   preferred_element_type=jnp.float32)

        rm = jnp.full((TM, 128), jnp.inf, jnp.float32)
        rmi = jnp.zeros((TM, 128), jnp.int32)
        for c in range(K // CK):
            mm2 = mm_chunk(c)
            cb_sq = cbsq_ref[:, c * CK:(c + 1) * CK]
            for j in range(NSLC):
                sl = slice(j * 128, (j + 1) * 128)
                dj = (in_sq + cb_sq[:, sl]) - mm2[:, sl]
                slot = c * NSLC + j
                better = dj < rm
                rm = jnp.minimum(dj, rm)
                rmi = jnp.where(better, slot, rmi)
        best = jnp.min(rm, axis=1, keepdims=True)
        idx_ref[...] = jnp.min(jnp.where(rm == best, rmi * 128 + lane, K),
                               axis=1, keepdims=True)

    return body


@functools.cache
def _tc_argmin(nq, emit_r):
    mat_spec = pl.BlockSpec((TM, D), lambda m: (m, 0))
    out_specs = [
        pl.BlockSpec((TM, 1), lambda m: (m, 0)),
        pl.BlockSpec((1, 1, 128), lambda m: (m, 0, 0)),
    ]
    out_shape = [
        jax.ShapeDtypeStruct((M, 1), jnp.int32),
        jax.ShapeDtypeStruct((G, 1, 128), jnp.float32),
    ]
    if emit_r:
        out_specs.append(mat_spec)
        out_shape.append(jax.ShapeDtypeStruct((M, D), jnp.float32))
    return pl.pallas_call(
        _make_argmin_body(nq, emit_r),
        grid=(G,),
        in_specs=[mat_spec] * (1 + nq) + [pl.BlockSpec((K, D), lambda m: (0, 0))],
        out_specs=out_specs,
        out_shape=out_shape,
        scratch_shapes=[pltpu.VMEM((1, K), jnp.float32)],
    )


@functools.cache
def _make_sc_update(rows, last):
    TPW = rows // NWORK
    mesh = plsc.VectorSubcoreMesh(core_axis_name="c", subcore_axis_name="s")
    scratch = [
        pltpu.VMEM((TPW,), jnp.int32),
        pltpu.VMEM((TPW, D), jnp.float32),
        pltpu.VMEM((TPW, D), jnp.float32),
        pltpu.SemaphoreType.DMA,
    ]
    if last:
        out_type = [jax.ShapeDtypeStruct((rows, D), jnp.float32),
                    jax.ShapeDtypeStruct((NWORK, 16), jnp.float32)]
        scratch = [pltpu.VMEM((TPW, D), jnp.float32),
                   pltpu.VMEM((16,), jnp.float32)] + scratch
    else:
        out_type = jax.ShapeDtypeStruct((rows, D), jnp.float32)

    if not last:
        @functools.partial(pl.kernel, mesh=mesh, out_type=out_type,
                           scratch_types=scratch)
        def sc_gather(cb_hbm, idx_hbm, qout_hbm, idx_v, q_v, r_v, sem):
            del r_v
            wid = lax.axis_index("s") * NC + lax.axis_index("c")
            base = wid * TPW
            pltpu.sync_copy(idx_hbm.at[pl.ds(base, TPW)], idx_v)
            pltpu.async_copy(cb_hbm.at[idx_v], q_v, sem).wait()
            pltpu.sync_copy(q_v, qout_hbm.at[pl.ds(base, TPW), :])

        return sc_gather

    @functools.partial(pl.kernel, mesh=mesh, out_type=out_type,
                       scratch_types=scratch)
    def sc_update_last(cb_hbm, idx_hbm, r_hbm, x_hbm, qout_hbm, ss_hbm,
                       x_v, acc_v, idx_v, q_v, r_v, sem):
        wid = lax.axis_index("s") * NC + lax.axis_index("c")
        base = wid * TPW
        pltpu.sync_copy(idx_hbm.at[pl.ds(base, TPW)], idx_v)
        gather = pltpu.async_copy(cb_hbm.at[idx_v], q_v, sem)
        pltpu.sync_copy(r_hbm.at[pl.ds(base, TPW), :], r_v)
        pltpu.sync_copy(x_hbm.at[pl.ds(base, TPW), :], x_v)
        gather.wait()

        def token_body(t, acc):
            for c in range(D // 16):
                sl = pl.ds(c * 16, 16)
                v = r_v[t, sl] - q_v[t, sl]
                r_v[t, sl] = x_v[t, sl] - v
                acc = acc + v * v
            return acc

        acc = lax.fori_loop(0, TPW, token_body, jnp.zeros((16,), jnp.float32))
        acc_v[...] = acc
        pltpu.sync_copy(r_v, qout_hbm.at[pl.ds(base, TPW), :])
        pltpu.sync_copy(acc_v, ss_hbm.at[wid])

    return sc_update_last


def kernel(x, codebooks):
    x_flat = x.reshape(M, D)
    codes = []
    loss_parts = []
    qs = []
    for i in range(DEPTH):
        last = i == DEPTH - 1
        outs = _tc_argmin(i, last)(x_flat, *qs, codebooks[i])
        idx = outs[0].reshape(M)
        if i > 0:
            loss_parts.append(jnp.sum(outs[1][:, 0, 0]))
        if not last:
            qs.append(_make_sc_update(M, False)(codebooks[i], idx))
        else:
            quants_flat, ss_sc = _make_sc_update(M, True)(
                codebooks[i], idx, outs[2], x_flat)
            loss_parts.append(jnp.sum(ss_sc))
        codes.append(idx)
    losses = jnp.stack(loss_parts) / (M * D)
    commitment_loss = jnp.mean(losses)
    quants_trunc = quants_flat.reshape(x.shape)
    codes_arr = jnp.stack(codes, axis=-1).reshape(B, H, W, DEPTH)
    return quants_trunc, commitment_loss, codes_arr

# --- scband reference (transcript-rebuilt; emitter-appended) ---
"""Pipeline reference for scband-rqbottleneck-43645457662420 (READ-ONLY COPY).

The authoritative reference and input builder live on the scoring server;
editing this copy changes nothing except your own understanding.
"""

import jax, jax.numpy as jnp
import numpy as np

B, H, W, D = 4, 32, 32, 256
DEPTH = 4
K = 8192

def setup_inputs(seed: int = 0):
    key = jax.random.key(seed)
    k1, k2 = jax.random.split(key)
    x = jax.random.normal(k1, (B, H, W, D), dtype=jnp.float32)
    # VQEmbedding weights per depth (padding row excluded); init like nn.Embedding then used as codebook
    codebooks = jax.random.normal(k2, (DEPTH, K, D), dtype=jnp.float32)
    return {"x": x, "codebooks": codebooks}

def reference(x, codebooks):
    # RQBottleneck.forward (eval mode, ema buffers not updated).
    # latent_shape[:2] == code_shape[:2] so to_code_shape/to_latent_shape are identity reshapes.
    Bx, h, w, d = x.shape
    residual = jax.lax.stop_gradient(x)  # quantize() operates on x.detach()
    agg = jnp.zeros_like(residual)
    quant_list = []
    code_list = []
    for i in range(codebooks.shape[0]):
        cb = codebooks[i]
        flat = residual.reshape(-1, d)
        in_sq = jnp.sum(flat * flat, axis=1, keepdims=True)
        cb_sq = jnp.sum(cb * cb, axis=1)[None, :]
        dist = in_sq + cb_sq - 2.0 * (flat @ cb.T)  # torch.addmm(alpha=-2)
        idx = jnp.argmin(dist, axis=-1)
        quant = jnp.take(cb, idx, axis=0).reshape(Bx, h, w, d)
        residual = residual - quant
        agg = agg + quant
        quant_list.append(agg)
        code_list.append(idx.reshape(Bx, h, w))
    codes = jnp.stack(code_list, axis=-1).astype(jnp.int32)
    # cumsum commitment loss: mean over partial losses against aggregated (detached) quants
    losses = [jnp.mean(jnp.square(x - jax.lax.stop_gradient(q))) for q in quant_list]
    commitment_loss = jnp.mean(jnp.stack(losses))
    # straight-through estimator
    quants_trunc = x + jax.lax.stop_gradient(quant_list[-1] - x)
    return quants_trunc, commitment_loss, codes

if __name__ == "__main__":
    import jax
    _d = setup_inputs()
    print(jax.jit(kernel)(*tuple(_d.values())))

</pallas_src>

<mosaic_0001>
#map = affine_map<(d0, d1) -> (0, 0)>
#map1 = affine_map<(d0, d1) -> (0)>
module attributes {stable_mosaic.version = 14 : i64} {
  func.func @sc_gather(%arg0: i32, %arg1: i32, %arg2: memref<8192x256xf32, #tpu.memory_space<hbm>>, %arg3: memref<4096xi32, #tpu.memory_space<hbm>>, %arg4: memref<4096x256xf32, #tpu.memory_space<hbm>>, %arg5: memref<128xi32, #tpu.memory_space<vmem>>, %arg6: memref<128x256xf32, #tpu.memory_space<vmem>>, %arg7: memref<128x256xf32, #tpu.memory_space<vmem>>, %arg8: memref<!tpu.dma_semaphore, #tpu.memory_space<semaphore_mem>>) attributes {dimension_semantics = [#tpu.dimension_semantics<core_parallel>, #tpu.dimension_semantics<subcore_parallel>], iteration_bounds = array<i64: 2, 16>, scalar_prefetch = 0 : i64, scratch_operands = 4 : i64, tpu.core_type = #tpu.core_type<sc_vector_subcore>, window_params = [{transform_indices = #map}, {transform_indices = #map1}, {transform_indices = #map}]} {
    %mul3A = arith.constant 2 : i32
    %mul3A_0 = arith.muli %arg1, %mul3A : i32
    %add3A = arith.addi %mul3A_0, %arg0 : i32
    %mul3A_1 = arith.constant 128 : i32
    %mul3A_2 = arith.muli %add3A, %mul3A_1 : i32
    "tpu.region"() ({
      %run_scoped3A = tpu.sem_alloc : memref<!tpu.dma_semaphore, #tpu.memory_space<semaphore_mem>>
      %dma_start3A_7 = tpu.memref_slice %arg3[%mul3A_2] : memref<4096xi32, #tpu.memory_space<hbm>> -> memref<128xi32, #tpu.memory_space<hbm>>
      %dma_start3A_8 = tpu.memref_slice %arg3[%mul3A_2] : memref<4096xi32, #tpu.memory_space<hbm>> -> memref<128xi32, #tpu.memory_space<hbm>>
      tpu.enqueue_dma source(%dma_start3A_8 : memref<128xi32, #tpu.memory_space<hbm>>) target(%arg5 : memref<128xi32, #tpu.memory_space<vmem>>) target_semaphore(%run_scoped3A : memref<!tpu.dma_semaphore, #tpu.memory_space<semaphore_mem>>)
      %dma_wait3A_9 = tpu.memref_slice %arg3[%mul3A_2] : memref<4096xi32, #tpu.memory_space<hbm>> -> memref<128xi32, #tpu.memory_space<hbm>>
      %dma_wait3A_10 = tpu.memref_slice %arg3[%mul3A_2] : memref<4096xi32, #tpu.memory_space<hbm>> -> memref<128xi32, #tpu.memory_space<hbm>>
      tpu.wait_dma2 semaphore(%run_scoped3A : memref<!tpu.dma_semaphore, #tpu.memory_space<semaphore_mem>>) src(%dma_wait3A_10 : memref<128xi32, #tpu.memory_space<hbm>>) dst(%arg5 : memref<128xi32, #tpu.memory_space<vmem>>)
      tpu.yield
    }) : () -> ()
    %dma_start3A = arith.constant 0 : i32
    %dma_start3A_3 = arith.constant 0 : i32
    %dma_start3A_4 = tpu.memref_slice %arg2[%dma_start3A, %dma_start3A_3] : memref<8192x256xf32, #tpu.memory_space<hbm>> -> memref<8192x256xf32, #tpu.memory_space<hbm>>
    tpu.enqueue_indirect_dma source(%dma_start3A_4 : memref<8192x256xf32, #tpu.memory_space<hbm>>) target(%arg6 : memref<128x256xf32, #tpu.memory_space<vmem>>) offsets(%arg5 : memref<128xi32, #tpu.memory_space<vmem>>) semaphore(%arg8 : memref<!tpu.dma_semaphore, #tpu.memory_space<semaphore_mem>>)
    %dma_wait3A = arith.constant 0 : i32
    %dma_wait3A_5 = arith.constant 0 : i32
    %dma_wait3A_6 = tpu.memref_slice %arg2[%dma_wait3A, %dma_wait3A_5] : memref<8192x256xf32, #tpu.memory_space<hbm>> -> memref<8192x256xf32, #tpu.memory_space<hbm>>
    tpu.wait_indirect_dma semaphore(%arg8 : memref<!tpu.dma_semaphore, #tpu.memory_space<semaphore_mem>>) src(%dma_wait3A_6 : memref<8192x256xf32, #tpu.memory_space<hbm>>) dst(%arg6 : memref<128x256xf32, #tpu.memory_space<vmem>>)
    "tpu.region"() ({
      %run_scoped3A = tpu.sem_alloc : memref<!tpu.dma_semaphore, #tpu.memory_space<semaphore_mem>>
      %dma_start3A_7 = arith.constant 0 : i32
      %dma_start3A_8 = tpu.memref_slice %arg4[%mul3A_2, %dma_start3A_7] : memref<4096x256xf32, #tpu.memory_space<hbm>> -> memref<128x256xf32, #tpu.memory_space<hbm>>
      %dma_start3A_9 = arith.constant 0 : i32
      %dma_start3A_10 = tpu.memref_slice %arg4[%mul3A_2, %dma_start3A_9] : memref<4096x256xf32, #tpu.memory_space<hbm>> -> memref<128x256xf32, #tpu.memory_space<hbm>>
      tpu.enqueue_dma source(%arg6 : memref<128x256xf32, #tpu.memory_space<vmem>>) target(%dma_start3A_10 : memref<128x256xf32, #tpu.memory_space<hbm>>) target_semaphore(%run_scoped3A : memref<!tpu.dma_semaphore, #tpu.memory_space<semaphore_mem>>)
      %dma_wait3A_11 = arith.constant 0 : i32
      %dma_wait3A_12 = tpu.memref_slice %arg4[%mul3A_2, %dma_wait3A_11] : memref<4096x256xf32, #tpu.memory_space<hbm>> -> memref<128x256xf32, #tpu.memory_space<hbm>>
      %dma_wait3A_13 = arith.constant 0 : i32
      %dma_wait3A_14 = tpu.memref_slice %arg4[%mul3A_2, %dma_wait3A_13] : memref<4096x256xf32, #tpu.memory_space<hbm>> -> memref<128x256xf32, #tpu.memory_space<hbm>>
      tpu.wait_dma2 semaphore(%run_scoped3A : memref<!tpu.dma_semaphore, #tpu.memory_space<semaphore_mem>>) src(%arg6 : memref<128x256xf32, #tpu.memory_space<vmem>>) dst(%dma_wait3A_14 : memref<128x256xf32, #tpu.memory_space<hbm>>)
      tpu.yield
    }) : () -> ()
    return
  }
}

#map = affine_map<(d0, d1) -> (0, 0)>
#map1 = affine_map<(d0, d1) -> (0)>
module attributes {stable_mosaic.version = 14 : i64} {
  func.func @sc_gather(%arg0: i32, %arg1: i32, %arg2: memref<8192x256xf32, #tpu.memory_space<hbm>>, %arg3: memref<4096xi32, #tpu.memory_space<hbm>>, %arg4: memref<4096x256xf32, #tpu.memory_space<hbm>>, %arg5: memref<128xi32, #tpu.memory_space<vmem>>, %arg6: memref<128x256xf32, #tpu.memory_space<vmem>>, %arg7: memref<128x256xf32, #tpu.memory_space<vmem>>, %arg8: memref<!tpu.dma_semaphore, #tpu.memory_space<semaphore_mem>>) attributes {dimension_semantics = [#tpu.dimension_semantics<core_parallel>, #tpu.dimension_semantics<subcore_parallel>], iteration_bounds = array<i64: 2, 16>, scalar_prefetch = 0 : i64, scratch_operands = 4 : i64, tpu.core_type = #tpu.core_type<sc_vector_subcore>, window_params = [{transform_indices = #map}, {transform_indices = #map1}, {transform_indices = #map}]} {
    %mul3A = arith.constant 2 : i32
    %mul3A_0 = arith.muli %arg1, %mul3A : i32
    %add3A = arith.addi %mul3A_0, %arg0 : i32
    %mul3A_1 = arith.constant 128 : i32
    %mul3A_2 = arith.muli %add3A, %mul3A_1 : i32
    "tpu.region"() ({
      %run_scoped3A = tpu.sem_alloc : memref<!tpu.dma_semaphore, #tpu.memory_space<semaphore_mem>>
      %dma_start3A_7 = tpu.memref_slice %arg3[%mul3A_2] : memref<4096xi32, #tpu.memory_space<hbm>> -> memref<128xi32, #tpu.memory_space<hbm>>
      %dma_start3A_8 = tpu.memref_slice %arg3[%mul3A_2] : memref<4096xi32, #tpu.memory_space<hbm>> -> memref<128xi32, #tpu.memory_space<hbm>>
      tpu.enqueue_dma source(%dma_start3A_8 : memref<128xi32, #tpu.memory_space<hbm>>) target(%arg5 : memref<128xi32, #tpu.memory_space<vmem>>) target_semaphore(%run_scoped3A : memref<!tpu.dma_semaphore, #tpu.memory_space<semaphore_mem>>)
      %dma_wait3A_9 = tpu.memref_slice %arg3[%mul3A_2] : memref<4096xi32, #tpu.memory_space<hbm>> -> memref<128xi32, #tpu.memory_space<hbm>>
      %dma_wait3A_10 = tpu.memref_slice %arg3[%mul3A_2] : memref<4096xi32, #tpu.memory_space<hbm>> -> memref<128xi32, #tpu.memory_space<hbm>>
      tpu.wait_dma2 semaphore(%run_scoped3A : memref<!tpu.dma_semaphore, #tpu.memory_space<semaphore_mem>>) src(%dma_wait3A_10 : memref<128xi32, #tpu.memory_space<hbm>>) dst(%arg5 : memref<128xi32, #tpu.memory_space<vmem>>)
      tpu.yield
    }) : () -> ()
    %dma_start3A = arith.constant 0 : i32
    %dma_start3A_3 = arith.constant 0 : i32
    %dma_start3A_4 = tpu.memref_slice %arg2[%dma_start3A, %dma_start3A_3] : memref<8192x256xf32, #tpu.memory_space<hbm>> -> memref<8192x256xf32, #tpu.memory_space<hbm>>
    tpu.enqueue_indirect_dma source(%dma_start3A_4 : memref<8192x256xf32, #tpu.memory_space<hbm>>) target(%arg6 : memref<128x256xf32, #tpu.memory_space<vmem>>) offsets(%arg5 : memref<128xi32, #tpu.memory_space<vmem>>) semaphore(%arg8 : memref<!tpu.dma_semaphore, #tpu.memory_space<semaphore_mem>>)
    %dma_wait3A = arith.constant 0 : i32
    %dma_wait3A_5 = arith.constant 0 : i32
    %dma_wait3A_6 = tpu.memref_slice %arg2[%dma_wait3A, %dma_wait3A_5] : memref<8192x256xf32, #tpu.memory_space<hbm>> -> memref<8192x256xf32, #tpu.memory_space<hbm>>
    tpu.wait_indirect_dma semaphore(%arg8 : memref<!tpu.dma_semaphore, #tpu.memory_space<semaphore_mem>>) src(%dma_wait3A_6 : memref<8192x256xf32, #tpu.memory_space<hbm>>) dst(%arg6 : memref<128x256xf32, #tpu.memory_space<vmem>>)
    "tpu.region"() ({
      %run_scoped3A = tpu.sem_alloc : memref<!tpu.dma_semaphore, #tpu.memory_space<semaphore_mem>>
      %dma_start3A_7 = arith.constant 0 : i32
      %dma_start3A_8 = tpu.memref_slice %arg4[%mul3A_2, %dma_start3A_7] : memref<4096x256xf32, #tpu.memory_space<hbm>> -> memref<128x256xf32, #tpu.memory_space<hbm>>
      %dma_start3A_9 = arith.constant 0 : i32
      %dma_start3A_10 = tpu.memref_slice %arg4[%mul3A_2, %dma_start3A_9] : memref<4096x256xf32, #tpu.memory_space<hbm>> -> memref<128x256xf32, #tpu.memory_space<hbm>>
      tpu.enqueue_dma source(%arg6 : memref<128x256xf32, #tpu.memory_space<vmem>>) target(%dma_start3A_10 : memref<128x256xf32, #tpu.memory_space<hbm>>) target_semaphore(%run_scoped3A : memref<!tpu.dma_semaphore, #tpu.memory_space<semaphore_mem>>)
      %dma_wait3A_11 = arith.constant 0 : i32
      %dma_wait3A_12 = tpu.memref_slice %arg4[%mul3A_2, %dma_wait3A_11] : memref<4096x256xf32, #tpu.memory_space<hbm>> -> memref<128x256xf32, #tpu.memory_space<hbm>>
      %dma_wait3A_13 = arith.constant 0 : i32
      %dma_wait3A_14 = tpu.memref_slice %arg4[%mul3A_2, %dma_wait3A_13] : memref<4096x256xf32, #tpu.memory_space<hbm>> -> memref<128x256xf32, #tpu.memory_space<hbm>>
      tpu.wait_dma2 semaphore(%run_scoped3A : memref<!tpu.dma_semaphore, #tpu.memory_space<semaphore_mem>>) src(%arg6 : memref<128x256xf32, #tpu.memory_space<vmem>>) dst(%dma_wait3A_14 : memref<128x256xf32, #tpu.memory_space<hbm>>)
      tpu.yield
    }) : () -> ()
    return
  }
}

#map = affine_map<(d0, d1) -> (0, 0)>
#map1 = affine_map<(d0, d1) -> (0)>
module attributes {stable_mosaic.version = 14 : i64} {
  func.func @sc_gather(%arg0: i32, %arg1: i32, %arg2: memref<8192x256xf32, #tpu.memory_space<hbm>>, %arg3: memref<4096xi32, #tpu.memory_space<hbm>>, %arg4: memref<4096x256xf32, #tpu.memory_space<hbm>>, %arg5: memref<128xi32, #tpu.memory_space<vmem>>, %arg6: memref<128x256xf32, #tpu.memory_space<vmem>>, %arg7: memref<128x256xf32, #tpu.memory_space<vmem>>, %arg8: memref<!tpu.dma_semaphore, #tpu.memory_space<semaphore_mem>>) attributes {dimension_semantics = [#tpu.dimension_semantics<core_parallel>, #tpu.dimension_semantics<subcore_parallel>], iteration_bounds = array<i64: 2, 16>, scalar_prefetch = 0 : i64, scratch_operands = 4 : i64, tpu.core_type = #tpu.core_type<sc_vector_subcore>, window_params = [{transform_indices = #map}, {transform_indices = #map1}, {transform_indices = #map}]} {
    %mul3A = arith.constant 2 : i32
    %mul3A_0 = arith.muli %arg1, %mul3A : i32
    %add3A = arith.addi %mul3A_0, %arg0 : i32
    %mul3A_1 = arith.constant 128 : i32
    %mul3A_2 = arith.muli %add3A, %mul3A_1 : i32
    "tpu.region"() ({
      %run_scoped3A = tpu.sem_alloc : memref<!tpu.dma_semaphore, #tpu.memory_space<semaphore_mem>>
      %dma_start3A_7 = tpu.memref_slice %arg3[%mul3A_2] : memref<4096xi32, #tpu.memory_space<hbm>> -> memref<128xi32, #tpu.memory_space<hbm>>
      %dma_start3A_8 = tpu.memref_slice %arg3[%mul3A_2] : memref<4096xi32, #tpu.memory_space<hbm>> -> memref<128xi32, #tpu.memory_space<hbm>>
      tpu.enqueue_dma source(%dma_start3A_8 : memref<128xi32, #tpu.memory_space<hbm>>) target(%arg5 : memref<128xi32, #tpu.memory_space<vmem>>) target_semaphore(%run_scoped3A : memref<!tpu.dma_semaphore, #tpu.memory_space<semaphore_mem>>)
      %dma_wait3A_9 = tpu.memref_slice %arg3[%mul3A_2] : memref<4096xi32, #tpu.memory_space<hbm>> -> memref<128xi32, #tpu.memory_space<hbm>>
      %dma_wait3A_10 = tpu.memref_slice %arg3[%mul3A_2] : memref<4096xi32, #tpu.memory_space<hbm>> -> memref<128xi32, #tpu.memory_space<hbm>>
      tpu.wait_dma2 semaphore(%run_scoped3A : memref<!tpu.dma_semaphore, #tpu.memory_space<semaphore_mem>>) src(%dma_wait3A_10 : memref<128xi32, #tpu.memory_space<hbm>>) dst(%arg5 : memref<128xi32, #tpu.memory_space<vmem>>)
      tpu.yield
    }) : () -> ()
    %dma_start3A = arith.constant 0 : i32
    %dma_start3A_3 = arith.constant 0 : i32
    %dma_start3A_4 = tpu.memref_slice %arg2[%dma_start3A, %dma_start3A_3] : memref<8192x256xf32, #tpu.memory_space<hbm>> -> memref<8192x256xf32, #tpu.memory_space<hbm>>
    tpu.enqueue_indirect_dma source(%dma_start3A_4 : memref<8192x256xf32, #tpu.memory_space<hbm>>) target(%arg6 : memref<128x256xf32, #tpu.memory_space<vmem>>) offsets(%arg5 : memref<128xi32, #tpu.memory_space<vmem>>) semaphore(%arg8 : memref<!tpu.dma_semaphore, #tpu.memory_space<semaphore_mem>>)
    %dma_wait3A = arith.constant 0 : i32
    %dma_wait3A_5 = arith.constant 0 : i32
    %dma_wait3A_6 = tpu.memref_slice %arg2[%dma_wait3A, %dma_wait3A_5] : memref<8192x256xf32, #tpu.memory_space<hbm>> -> memref<8192x256xf32, #tpu.memory_space<hbm>>
    tpu.wait_indirect_dma semaphore(%arg8 : memref<!tpu.dma_semaphore, #tpu.memory_space<semaphore_mem>>) src(%dma_wait3A_6 : memref<8192x256xf32, #tpu.memory_space<hbm>>) dst(%arg6 : memref<128x256xf32, #tpu.memory_space<vmem>>)
    "tpu.region"() ({
      %run_scoped3A = tpu.sem_alloc : memref<!tpu.dma_semaphore, #tpu.memory_space<semaphore_mem>>
      %dma_start3A_7 = arith.constant 0 : i32
      %dma_start3A_8 = tpu.memref_slice %arg4[%mul3A_2, %dma_start3A_7] : memref<4096x256xf32, #tpu.memory_space<hbm>> -> memref<128x256xf32, #tpu.memory_space<hbm>>
      %dma_start3A_9 = arith.constant 0 : i32
      %dma_start3A_10 = tpu.memref_slice %arg4[%mul3A_2, %dma_start3A_9] : memref<4096x256xf32, #tpu.memory_space<hbm>> -> memref<128x256xf32, #tpu.memory_space<hbm>>
      tpu.enqueue_dma source(%arg6 : memref<128x256xf32, #tpu.memory_space<vmem>>) target(%dma_start3A_10 : memref<128x256xf32, #tpu.memory_space<hbm>>) target_semaphore(%run_scoped3A : memref<!tpu.dma_semaphore, #tpu.memory_space<semaphore_mem>>)
      %dma_wait3A_11 = arith.constant 0 : i32
      %dma_wait3A_12 = tpu.memref_slice %arg4[%mul3A_2, %dma_wait3A_11] : memref<4096x256xf32, #tpu.memory_space<hbm>> -> memref<128x256xf32, #tpu.memory_space<hbm>>
      %dma_wait3A_13 = arith.constant 0 : i32
      %dma_wait3A_14 = tpu.memref_slice %arg4[%mul3A_2, %dma_wait3A_13] : memref<4096x256xf32, #tpu.memory_space<hbm>> -> memref<128x256xf32, #tpu.memory_space<hbm>>
      tpu.wait_dma2 semaphore(%run_scoped3A : memref<!tpu.dma_semaphore, #tpu.memory_space<semaphore_mem>>) src(%arg6 : memref<128x256xf32, #tpu.memory_space<vmem>>) dst(%dma_wait3A_14 : memref<128x256xf32, #tpu.memory_space<hbm>>)
      tpu.yield
    }) : () -> ()
    return
  }
}

#map = affine_map<(d0, d1) -> (0, 0)>
#map1 = affine_map<(d0, d1) -> (0)>
module attributes {stable_mosaic.version = 14 : i64} {
  func.func @sc_update_last(%arg0: i32, %arg1: i32, %arg2: memref<8192x256xf32, #tpu.memory_space<hbm>>, %arg3: memref<4096xi32, #tpu.memory_space<hbm>>, %arg4: memref<4096x256xf32, #tpu.memory_space<hbm>>, %arg5: memref<4096x256xf32, #tpu.memory_space<hbm>>, %arg6: memref<4096x256xf32, #tpu.memory_space<hbm>>, %arg7: memref<32x16xf32, #tpu.memory_space<hbm>>, %arg8: memref<128x256xf32, #tpu.memory_space<vmem>>, %arg9: memref<16xf32, #tpu.memory_space<vmem>>, %arg10: memref<128xi32, #tpu.memory_space<vmem>>, %arg11: memref<128x256xf32, #tpu.memory_space<vmem>>, %arg12: memref<128x256xf32, #tpu.memory_space<vmem>>, %arg13: memref<!tpu.dma_semaphore, #tpu.memory_space<semaphore_mem>>) attributes {dimension_semantics = [#tpu.dimension_semantics<core_parallel>, #tpu.dimension_semantics<subcore_parallel>], iteration_bounds = array<i64: 2, 16>, scalar_prefetch = 0 : i64, scratch_operands = 6 : i64, tpu.core_type = #tpu.core_type<sc_vector_subcore>, window_params = [{transform_indices = #map}, {transform_indices = #map1}, {transform_indices = #map}, {transform_indices = #map}, {transform_indices = #map}, {transform_indices = #map}]} {
    %mul3A = arith.constant 2 : i32
    %mul3A_0 = arith.muli %arg1, %mul3A : i32
    %add3A = arith.addi %mul3A_0, %arg0 : i32
    %mul3A_1 = arith.constant 128 : i32
    %mul3A_2 = arith.muli %add3A, %mul3A_1 : i32
    "tpu.region"() ({
      %run_scoped3A = tpu.sem_alloc : memref<!tpu.dma_semaphore, #tpu.memory_space<semaphore_mem>>
      %dma_start3A_16 = tpu.memref_slice %arg3[%mul3A_2] : memref<4096xi32, #tpu.memory_space<hbm>> -> memref<128xi32, #tpu.memory_space<hbm>>
      %dma_start3A_17 = tpu.memref_slice %arg3[%mul3A_2] : memref<4096xi32, #tpu.memory_space<hbm>> -> memref<128xi32, #tpu.memory_space<hbm>>
      tpu.enqueue_dma source(%dma_start3A_17 : memref<128xi32, #tpu.memory_space<hbm>>) target(%arg10 : memref<128xi32, #tpu.memory_space<vmem>>) target_semaphore(%run_scoped3A : memref<!tpu.dma_semaphore, #tpu.memory_space<semaphore_mem>>)
      %dma_wait3A_18 = tpu.memref_slice %arg3[%mul3A_2] : memref<4096xi32, #tpu.memory_space<hbm>> -> memref<128xi32, #tpu.memory_space<hbm>>
      %dma_wait3A_19 = tpu.memref_slice %arg3[%mul3A_2] : memref<4096xi32, #tpu.memory_space<hbm>> -> memref<128xi32, #tpu.memory_space<hbm>>
      tpu.wait_dma2 semaphore(%run_scoped3A : memref<!tpu.dma_semaphore, #tpu.memory_space<semaphore_mem>>) src(%dma_wait3A_19 : memref<128xi32, #tpu.memory_space<hbm>>) dst(%arg10 : memref<128xi32, #tpu.memory_space<vmem>>)
      tpu.yield
    }) : () -> ()
    %dma_start3A = arith.constant 0 : i32
    %dma_start3A_3 = arith.constant 0 : i32
    %dma_start3A_4 = tpu.memref_slice %arg2[%dma_start3A, %dma_start3A_3] : memref<8192x256xf32, #tpu.memory_space<hbm>> -> memref<8192x256xf32, #tpu.memory_space<hbm>>
    tpu.enqueue_indirect_dma source(%dma_start3A_4 : memref<8192x256xf32, #tpu.memory_space<hbm>>) target(%arg11 : memref<128x256xf32, #tpu.memory_space<vmem>>) offsets(%arg10 : memref<128xi32, #tpu.memory_space<vmem>>) semaphore(%arg13 : memref<!tpu.dma_semaphore, #tpu.memory_space<semaphore_mem>>)
    "tpu.region"() ({
      %run_scoped3A = tpu.sem_alloc : memref<!tpu.dma_semaphore, #tpu.memory_space<semaphore_mem>>
      %dma_start3A_16 = arith.constant 0 : i32
      %dma_start3A_17 = tpu.memref_slice %arg4[%mul3A_2, %dma_start3A_16] : memref<4096x256xf32, #tpu.memory_space<hbm>> -> memref<128x256xf32, #tpu.memory_space<hbm>>
      %dma_start3A_18 = arith.constant 0 : i32
      %dma_start3A_19 = tpu.memref_slice %arg4[%mul3A_2, %dma_start3A_18] : memref<4096x256xf32, #tpu.memory_space<hbm>> -> memref<128x256xf32, #tpu.memory_space<hbm>>
      tpu.enqueue_dma source(%dma_start3A_19 : memref<128x256xf32, #tpu.memory_space<hbm>>) target(%arg12 : memref<128x256xf32, #tpu.memory_space<vmem>>) target_semaphore(%run_scoped3A : memref<!tpu.dma_semaphore, #tpu.memory_space<semaphore_mem>>)
      %dma_wait3A_20 = arith.constant 0 : i32
      %dma_wait3A_21 = tpu.memref_slice %arg4[%mul3A_2, %dma_wait3A_20] : memref<4096x256xf32, #tpu.memory_space<hbm>> -> memref<128x256xf32, #tpu.memory_space<hbm>>
      %dma_wait3A_22 = arith.constant 0 : i32
      %dma_wait3A_23 = tpu.memref_slice %arg4[%mul3A_2, %dma_wait3A_22] : memref<4096x256xf32, #tpu.memory_space<hbm>> -> memref<128x256xf32, #tpu.memory_space<hbm>>
      tpu.wait_dma2 semaphore(%run_scoped3A : memref<!tpu.dma_semaphore, #tpu.memory_space<semaphore_mem>>) src(%dma_wait3A_23 : memref<128x256xf32, #tpu.memory_space<hbm>>) dst(%arg12 : memref<128x256xf32, #tpu.memory_space<vmem>>)
      tpu.yield
    }) : () -> ()
    "tpu.region"() ({
      %run_scoped3A = tpu.sem_alloc : memref<!tpu.dma_semaphore, #tpu.memory_space<semaphore_mem>>
      %dma_start3A_16 = arith.constant 0 : i32
      %dma_start3A_17 = tpu.memref_slice %arg5[%mul3A_2, %dma_start3A_16] : memref<4096x256xf32, #tpu.memory_space<hbm>> -> memref<128x256xf32, #tpu.memory_space<hbm>>
      %dma_start3A_18 = arith.constant 0 : i32
      %dma_start3A_19 = tpu.memref_slice %arg5[%mul3A_2, %dma_start3A_18] : memref<4096x256xf32, #tpu.memory_space<hbm>> -> memref<128x256xf32, #tpu.memory_space<hbm>>
      tpu.enqueue_dma source(%dma_start3A_19 : memref<128x256xf32, #tpu.memory_space<hbm>>) target(%arg8 : memref<128x256xf32, #tpu.memory_space<vmem>>) target_semaphore(%run_scoped3A : memref<!tpu.dma_semaphore, #tpu.memory_space<semaphore_mem>>)
      %dma_wait3A_20 = arith.constant 0 : i32
      %dma_wait3A_21 = tpu.memref_slice %arg5[%mul3A_2, %dma_wait3A_20] : memref<4096x256xf32, #tpu.memory_space<hbm>> -> memref<128x256xf32, #tpu.memory_space<hbm>>
      %dma_wait3A_22 = arith.constant 0 : i32
      %dma_wait3A_23 = tpu.memref_slice %arg5[%mul3A_2, %dma_wait3A_22] : memref<4096x256xf32, #tpu.memory_space<hbm>> -> memref<128x256xf32, #tpu.memory_space<hbm>>
      tpu.wait_dma2 semaphore(%run_scoped3A : memref<!tpu.dma_semaphore, #tpu.memory_space<semaphore_mem>>) src(%dma_wait3A_23 : memref<128x256xf32, #tpu.memory_space<hbm>>) dst(%arg8 : memref<128x256xf32, #tpu.memory_space<vmem>>)
      tpu.yield
    }) : () -> ()
    %dma_wait3A = arith.constant 0 : i32
    %dma_wait3A_5 = arith.constant 0 : i32
    %dma_wait3A_6 = tpu.memref_slice %arg2[%dma_wait3A, %dma_wait3A_5] : memref<8192x256xf32, #tpu.memory_space<hbm>> -> memref<8192x256xf32, #tpu.memory_space<hbm>>
    tpu.wait_indirect_dma semaphore(%arg13 : memref<!tpu.dma_semaphore, #tpu.memory_space<semaphore_mem>>) src(%dma_wait3A_6 : memref<8192x256xf32, #tpu.memory_space<hbm>>) dst(%arg11 : memref<128x256xf32, #tpu.memory_space<vmem>>)
    %broadcast_in_dim3A = arith.constant 0.000000e+00 : f32
    %broadcast_in_dim3A_7 = vector.broadcast %broadcast_in_dim3A : f32 to vector<16xf32>
    %scan3A = arith.constant 0 : i32
    %scan3A_8 = arith.constant 128 : i32
    %scan3A_9 = arith.addi %scan3A, %scan3A_8 : i32
    %scan3A_10 = arith.constant 1 : i32
    %scan3A_11 = scf.for %scan3A_16 = %scan3A to %scan3A_9 step %scan3A_10 iter_args(%scan3A_17 = %broadcast_in_dim3A_7) -> (vector<16xf32>)  : i32 {
      %get3A = arith.index_cast %scan3A_16 : i32 to index
      %get3A_18 = arith.constant 0 : index
      %get3A_19 = tpu.vector_load %arg12[%get3A, %get3A_18] {strides = array<i32>} : memref<128x256xf32, #tpu.memory_space<vmem>>, vector<1x16xf32>,
      %get3A_20 = vector.shape_cast %get3A_19 : vector<1x16xf32> to vector<16xf32>
      %get3A_21 = arith.index_cast %scan3A_16 : i32 to index
      %get3A_22 = arith.constant 0 : index
      %get3A_23 = tpu.vector_load %arg11[%get3A_21, %get3A_22] {strides = array<i32>} : memref<128x256xf32, #tpu.memory_space<vmem>>, vector<1x16xf32>,
      %get3A_24 = vector.shape_cast %get3A_23 : vector<1x16xf32> to vector<16xf32>
      %sub3A = arith.subf %get3A_20, %get3A_24 : vector<16xf32>
      %get3A_25 = arith.index_cast %scan3A_16 : i32 to index
      %get3A_26 = arith.constant 0 : index
      %get3A_27 = tpu.vector_load %arg8[%get3A_25, %get3A_26] {strides = array<i32>} : memref<128x256xf32, #tpu.memory_space<vmem>>, vector<1x16xf32>,
      %get3A_28 = vector.shape_cast %get3A_27 : vector<1x16xf32> to vector<16xf32>
      %sub3A_29 = arith.subf %get3A_28, %sub3A : vector<16xf32>
      %swap3A_30 = arith.index_cast %scan3A_16 : i32 to index
      %swap3A_31 = arith.constant 0 : index
      %swap3A_32 = tpu.vector_load %arg12[%swap3A_30, %swap3A_31] {strides = array<i32>} : memref<128x256xf32, #tpu.memory_space<vmem>>, vector<1x16xf32>,
      %swap3A_33 = vector.shape_cast %swap3A_32 : vector<1x16xf32> to vector<16xf32>
      %swap3A_34 = vector.shape_cast %sub3A_29 : vector<16xf32> to vector<1x16xf32>
      tpu.vector_store %arg12[%swap3A_30, %swap3A_31], %swap3A_34 {strides = array<i32>} : memref<128x256xf32, #tpu.memory_space<vmem>>, vector<1x16xf32>,
      %mul3A_35 = arith.mulf %sub3A, %sub3A : vector<16xf32>
      %add3A_36 = arith.addf %scan3A_17, %mul3A_35 : vector<16xf32>
      %get3A_37 = arith.index_cast %scan3A_16 : i32 to index
      %get3A_38 = arith.constant 16 : index
      %get3A_39 = tpu.vector_load %arg12[%get3A_37, %get3A_38] {strides = array<i32>} : memref<128x256xf32, #tpu.memory_space<vmem>>, vector<1x16xf32>,
      %get3A_40 = vector.shape_cast %get3A_39 : vector<1x16xf32> to vector<16xf32>
      %get3A_41 = arith.index_cast %scan3A_16 : i32 to index
      %get3A_42 = arith.constant 16 : index
      %get3A_43 = tpu.vector_load %arg11[%get3A_41, %get3A_42] {strides = array<i32>} : memref<128x256xf32, #tpu.memory_space<vmem>>, vector<1x16xf32>,
      %get3A_44 = vector.shape_cast %get3A_43 : vector<1x16xf32> to vector<16xf32>
      %sub3A_45 = arith.subf %get3A_40, %get3A_44 : vector<16xf32>
      %get3A_46 = arith.index_cast %scan3A_16 : i32 to index
      %get3A_47 = arith.constant 16 : index
      %get3A_48 = tpu.vector_load %arg8[%get3A_46, %get3A_47] {strides = array<i32>} : memref<128x256xf32, #tpu.memory_space<vmem>>, vector<1x16xf32>,
      %get3A_49 = vector.shape_cast %get3A_48 : vector<1x16xf32> to vector<16xf32>
      %sub3A_50 = arith.subf %get3A_49, %sub3A_45 : vector<16xf32>
      %swap3A_51 = arith.index_cast %scan3A_16 : i32 to index
      %swap3A_52 = arith.constant 16 : index
      %swap3A_53 = tpu.vector_load %arg12[%swap3A_51, %swap3A_52] {strides = array<i32>} : memref<128x256xf32, #tpu.memory_space<vmem>>, vector<1x16xf32>,
      %swap3A_54 = vector.shape_cast %swap3A_53 : vector<1x16xf32> to vector<16xf32>
      %swap3A_55 = vector.shape_cast %sub3A_50 : vector<16xf32> to vector<1x16xf32>
      tpu.vector_store %arg12[%swap3A_51, %swap3A_52], %swap3A_55 {strides = array<i32>} : memref<128x256xf32, #tpu.memory_space<vmem>>, vector<1x16xf32>,
      %mul3A_56 = arith.mulf %sub3A_45, %sub3A_45 : vector<16xf32>
      %add3A_57 = arith.addf %add3A_36, %mul3A_56 : vector<16xf32>
      %get3A_58 = arith.index_cast %scan3A_16 : i32 to index
      %get3A_59 = arith.constant 32 : index
      %get3A_60 = tpu.vector_load %arg12[%get3A_58, %get3A_59] {strides = array<i32>} : memref<128x256xf32, #tpu.memory_space<vmem>>, vector<1x16xf32>,
      %get3A_61 = vector.shape_cast %get3A_60 : vector<1x16xf32> to vector<16xf32>
      %get3A_62 = arith.index_cast %scan3A_16 : i32 to index
      %get3A_63 = arith.constant 32 : index
      %get3A_64 = tpu.vector_load %arg11[%get3A_62, %get3A_63] {strides = array<i32>} : memref<128x256xf32, #tpu.memory_space<vmem>>, vector<1x16xf32>,
      %get3A_65 = vector.shape_cast %get3A_64 : vector<1x16xf32> to vector<16xf32>
      %sub3A_66 = arith.subf %get3A_61, %get3A_65 : vector<16xf32>
      %get3A_67 = arith.index_cast %scan3A_16 : i32 to index
      %get3A_68 = arith.constant 32 : index
      %get3A_69 = tpu.vector_load %arg8[%get3A_67, %get3A_68] {strides = array<i32>} : memref<128x256xf32, #tpu.memory_space<vmem>>, vector<1x16xf32>,
      %get3A_70 = vector.shape_cast %get3A_69 : vector<1x16xf32> to vector<16xf32>
      %sub3A_71 = arith.subf %get3A_70, %sub3A_66 : vector<16xf32>
      %swap3A_72 = arith.index_cast %scan3A_16 : i32 to index
      %swap3A_73 = arith.constant 32 : index
      %swap3A_74 = tpu.vector_load %arg12[%swap3A_72, %swap3A_73] {strides = array<i32>} : memref<128x256xf32, #tpu.memory_space<vmem>>, vector<1x16xf32>,
      %swap3A_75 = vector.shape_cast %swap3A_74 : vector<1x16xf32> to vector<16xf32>
      %swap3A_76 = vector.shape_cast %sub3A_71 : vector<16xf32> to vector<1x16xf32>
      tpu.vector_store %arg12[%swap3A_72, %swap3A_73], %swap3A_76 {strides = array<i32>} : memref<128x256xf32, #tpu.memory_space<vmem>>, vector<1x16xf32>,
      %mul3A_77 = arith.mulf %sub3A_66, %sub3A_66 : vector<16xf32>
      %add3A_78 = arith.addf %add3A_57, %mul3A_77 : vector<16xf32>
      %get3A_79 = arith.index_cast %scan3A_16 : i32 to index
      %get3A_80 = arith.constant 48 : index
      %get3A_81 = tpu.vector_load %arg12[%get3A_79, %get3A_80] {strides = array<i32>} : memref<128x256xf32, #tpu.memory_space<vmem>>, vector<1x16xf32>,
      %get3A_82 = vector.shape_cast %get3A_81 : vector<1x16xf32> to vector<16xf32>
      %get3A_83 = arith.index_cast %scan3A_16 : i32 to index
      %get3A_84 = arith.constant 48 : index
      %get3A_85 = tpu.vector_load %arg11[%get3A_83, %get3A_84] {strides = array<i32>} : memref<128x256xf32, #tpu.memory_space<vmem>>, vector<1x16xf32>,
      %get3A_86 = vector.shape_cast %get3A_85 : vector<1x16xf32> to vector<16xf32>
      %sub3A_87 = arith.subf %get3A_82, %get3A_86 : vector<16xf32>
      %get3A_88 = arith.index_cast %scan3A_16 : i32 to index
      %get3A_89 = arith.constant 48 : index
      %get3A_90 = tpu.vector_load %arg8[%get3A_88, %get3A_89] {strides = array<i32>} : memref<128x256xf32, #tpu.memory_space<vmem>>, vector<1x16xf32>,
      %get3A_91 = vector.shape_cast %get3A_90 : vector<1x16xf32> to vector<16xf32>
      %sub3A_92 = arith.subf %get3A_91, %sub3A_87 : vector<16xf32>
      %swap3A_93 = arith.index_cast %scan3A_16 : i32 to index
      %swap3A_94 = arith.constant 48 : index
      %swap3A_95 = tpu.vector_load %arg12[%swap3A_93, %swap3A_94] {strides = array<i32>} : memref<128x256xf32, #tpu.memory_space<vmem>>, vector<1x16xf32>,
      %swap3A_96 = vector.shape_cast %swap3A_95 : vector<1x16xf32> to vector<16xf32>
      %swap3A_97 = vector.shape_cast %sub3A_92 : vector<16xf32> to vector<1x16xf32>
      tpu.vector_store %arg12[%swap3A_93, %swap3A_94], %swap3A_97 {strides = array<i32>} : memref<128x256xf32, #tpu.memory_space<vmem>>, vector<1x16xf32>,
      %mul3A_98 = arith.mulf %sub3A_87, %sub3A_87 : vector<16xf32>
      %add3A_99 = arith.addf %add3A_78, %mul3A_98 : vector<16xf32>
      %get3A_100 = arith.index_cast %scan3A_16 : i32 to index
      %get3A_101 = arith.constant 64 : index
      %get3A_102 = tpu.vector_load %arg12[%get3A_100, %get3A_101] {strides = array<i32>} : memref<128x256xf32, #tpu.memory_space<vmem>>, vector<1x16xf32>,
      %get3A_103 = vector.shape_cast %get3A_102 : vector<1x16xf32> to vector<16xf32>
      %get3A_104 = arith.index_cast %scan3A_16 : i32 to index
      %get3A_105 = arith.constant 64 : index
      %get3A_106 = tpu.vector_load %arg11[%get3A_104, %get3A_105] {strides = array<i32>} : memref<128x256xf32, #tpu.memory_space<vmem>>, vector<1x16xf32>,
      %get3A_107 = vector.shape_cast %get3A_106 : vector<1x16xf32> to vector<16xf32>
      %sub3A_108 = arith.subf %get3A_103, %get3A_107 : vector<16xf32>
      %get3A_109 = arith.index_cast %scan3A_16 : i32 to index
      %get3A_110 = arith.constant 64 : index
      %get3A_111 = tpu.vector_load %arg8[%get3A_109, %get3A_110] {strides = array<i32>} : memref<128x256xf32, #tpu.memory_space<vmem>>, vector<1x16xf32>,
      %get3A_112 = vector.shape_cast %get3A_111 : vector<1x16xf32> to vector<16xf32>
      %sub3A_113 = arith.subf %get3A_112, %sub3A_108 : vector<16xf32>
      %swap3A_114 = arith.index_cast %scan3A_16 : i32 to index
      %swap3A_115 = arith.constant 64 : index
      %swap3A_116 = tpu.vector_load %arg12[%swap3A_114, %swap3A_115] {strides = array<i32>} : memref<128x256xf32, #tpu.memory_space<vmem>>, vector<1x16xf32>,
      %swap3A_117 = vector.shape_cast %swap3A_116 : vector<1x16xf32> to vector<16xf32>
      %swap3A_118 = vector.shape_cast %sub3A_113 : vector<16xf32> to vector<1x16xf32>
      tpu.vector_store %arg12[%swap3A_114, %swap3A_115], %swap3A_118 {strides = array<i32>} : memref<128x256xf32, #tpu.memory_space<vmem>>, vector<1x16xf32>,
      %mul3A_119 = arith.mulf %sub3A_108, %sub3A_108 : vector<16xf32>
      %add3A_120 = arith.addf %add3A_99, %mul3A_119 : vector<16xf32>
      %get3A_121 = arith.index_cast %scan3A_16 : i32 to index
      %get3A_122 = arith.constant 80 : index
      %get3A_123 = tpu.vector_load %arg12[%get3A_121, %get3A_122] {strides = array<i32>} : memref<128x256xf32, #tpu.memory_space<vmem>>, vector<1x16xf32>,
      %get3A_124 = vector.shape_cast %get3A_123 : vector<1x16xf32> to vector<16xf32>
      %get3A_125 = arith.index_cast %scan3A_16 : i32 to index
      %get3A_126 = arith.constant 80 : index
      %get3A_127 = tpu.vector_load %arg11[%get3A_125, %get3A_126] {strides = array<i32>} : memref<128x256xf32, #tpu.memory_space<vmem>>, vector<1x16xf32>,
      %get3A_128 = vector.shape_cast %get3A_127 : vector<1x16xf32> to vector<16xf32>
      %sub3A_129 = arith.subf %get3A_124, %get3A_128 : vector<16xf32>
      %get3A_130 = arith.index_cast %scan3A_16 : i32 to index
      %get3A_131 = arith.constant 80 : index
      %get3A_132 = tpu.vector_load %arg8[%get3A_130, %get3A_131] {strides = array<i32>} : memref<128x256xf32, #tpu.memory_space<vmem>>, vector<1x16xf32>,
      %get3A_133 = vector.shape_cast %get3A_132 : vector<1x16xf32> to vector<16xf32>
      %sub3A_134 = arith.subf %get3A_133, %sub3A_129 : vector<16xf32>
      %swap3A_135 = arith.index_cast %scan3A_16 : i32 to index
      %swap3A_136 = arith.constant 80 : index
      %swap3A_137 = tpu.vector_load %arg12[%swap3A_135, %swap3A_136] {strides = array<i32>} : memref<128x256xf32, #tpu.memory_space<vmem>>, vector<1x16xf32>,
      %swap3A_138 = vector.shape_cast %swap3A_137 : vector<1x16xf32> to vector<16xf32>
      %swap3A_139 = vector.shape_cast %sub3A_134 : vector<16xf32> to vector<1x16xf32>
      tpu.vector_store %arg12[%swap3A_135, %swap3A_136], %swap3A_139 {strides = array<i32>} : memref<128x256xf32, #tpu.memory_space<vmem>>, vector<1x16xf32>,
      %mul3A_140 = arith.mulf %sub3A_129, %sub3A_129 : vector<16xf32>
      %add3A_141 = arith.addf %add3A_120, %mul3A_140 : vector<16xf32>
      %get3A_142 = arith.index_cast %scan3A_16 : i32 to index
      %get3A_143 = arith.constant 96 : index
      %get3A_144 = tpu.vector_load %arg12[%get3A_142, %get3A_143] {strides = array<i32>} : memref<128x256xf32, #tpu.memory_space<vmem>>, vector<1x16xf32>,
      %get3A_145 = vector.shape_cast %get3A_144 : vector<1x16xf32> to vector<16xf32>
      %get3A_146 = arith.index_cast %scan3A_16 : i32 to index
      %get3A_147 = arith.constant 96 : index
      %get3A_148 = tpu.vector_load %arg11[%get3A_146, %get3A_147] {strides = array<i32>} : memref<128x256xf32, #tpu.memory_space<vmem>>, vector<1x16xf32>,
      %get3A_149 = vector.shape_cast %get3A_148 : vector<1x16xf32> to vector<16xf32>
      %sub3A_150 = arith.subf %get3A_145, %get3A_149 : vector<16xf32>
      %get3A_151 = arith.index_cast %scan3A_16 : i32 to index
      %get3A_152 = arith.constant 96 : index
      %get3A_153 = tpu.vector_load %arg8[%get3A_151, %get3A_152] {strides = array<i32>} : memref<128x256xf32, #tpu.memory_space<vmem>>, vector<1x16xf32>,
      %get3A_154 = vector.shape_cast %get3A_153 : vector<1x16xf32> to vector<16xf32>
      %sub3A_155 = arith.subf %get3A_154, %sub3A_150 : vector<16xf32>
      %swap3A_156 = arith.index_cast %scan3A_16 : i32 to index
      %swap3A_157 = arith.constant 96 : index
      %swap3A_158 = tpu.vector_load %arg12[%swap3A_156, %swap3A_157] {strides = array<i32>} : memref<128x256xf32, #tpu.memory_space<vmem>>, vector<1x16xf32>,
      %swap3A_159 = vector.shape_cast %swap3A_158 : vector<1x16xf32> to vector<16xf32>
      %swap3A_160 = vector.shape_cast %sub3A_155 : vector<16xf32> to vector<1x16xf32>
      tpu.vector_store %arg12[%swap3A_156, %swap3A_157], %swap3A_160 {strides = array<i32>} : memref<128x256xf32, #tpu.memory_space<vmem>>, vector<1x16xf32>,
      %mul3A_161 = arith.mulf %sub3A_150, %sub3A_150 : vector<16xf32>
      %add3A_162 = arith.addf %add3A_141, %mul3A_161 : vector<16xf32>
      %get3A_163 = arith.index_cast %scan3A_16 : i32 to index
      %get3A_164 = arith.constant 112 : index
      %get3A_165 = tpu.vector_load %arg12[%get3A_163, %get3A_164] {strides = array<i32>} : memref<128x256xf32, #tpu.memory_space<vmem>>, vector<1x16xf32>,
      %get3A_166 = vector.shape_cast %get3A_165 : vector<1x16xf32> to vector<16xf32>
      %get3A_167 = arith.index_cast %scan3A_16 : i32 to index
      %get3A_168 = arith.constant 112 : index
      %get3A_169 = tpu.vector_load %arg11[%get3A_167, %get3A_168] {strides = array<i32>} : memref<128x256xf32, #tpu.memory_space<vmem>>, vector<1x16xf32>,
      %get3A_170 = vector.shape_cast %get3A_169 : vector<1x16xf32> to vector<16xf32>
      %sub3A_171 = arith.subf %get3A_166, %get3A_170 : vector<16xf32>
      %get3A_172 = arith.index_cast %scan3A_16 : i32 to index
      %get3A_173 = arith.constant 112 : index
      %get3A_174 = tpu.vector_load %arg8[%get3A_172, %get3A_173] {strides = array<i32>} : memref<128x256xf32, #tpu.memory_space<vmem>>, vector<1x16xf32>,
      %get3A_175 = vector.shape_cast %get3A_174 : vector<1x16xf32> to vector<16xf32>
      %sub3A_176 = arith.subf %get3A_175, %sub3A_171 : vector<16xf32>
      %swap3A_177 = arith.index_cast %scan3A_16 : i32 to index
      %swap3A_178 = arith.constant 112 : index
      %swap3A_179 = tpu.vector_load %arg12[%swap3A_177, %swap3A_178] {strides = array<i32>} : memref<128x256xf32, #tpu.memory_space<vmem>>, vector<1x16xf32>,
      %swap3A_180 = vector.shape_cast %swap3A_179 : vector<1x16xf32> to vector<16xf32>
      %swap3A_181 = vector.shape_cast %sub3A_176 : vector<16xf32> to vector<1x16xf32>
      tpu.vector_store %arg12[%swap3A_177, %swap3A_178], %swap3A_181 {strides = array<i32>} : memref<128x256xf32, #tpu.memory_space<vmem>>, vector<1x16xf32>,
      %mul3A_182 = arith.mulf %sub3A_171, %sub3A_171 : vector<16xf32>
      %add3A_183 = arith.addf %add3A_162, %mul3A_182 : vector<16xf32>
      %get3A_184 = arith.index_cast %scan3A_16 : i32 to index
      %get3A_185 = arith.constant 128 : index
      %get3A_186 = tpu.vector_load %arg12[%get3A_184, %get3A_185] {strides = array<i32>} : memref<128x256xf32, #tpu.memory_space<vmem>>, vector<1x16xf32>,
      %get3A_187 = vector.shape_cast %get3A_186 : vector<1x16xf32> to vector<16xf32>
      %get3A_188 = arith.index_cast %scan3A_16 : i32 to index
      %get3A_189 = arith.constant 128 : index
      %get3A_190 = tpu.vector_load %arg11[%get3A_188, %get3A_189] {strides = array<i32>} : memref<128x256xf32, #tpu.memory_space<vmem>>, vector<1x16xf32>,
      %get3A_191 = vector.shape_cast %get3A_190 : vector<1x16xf32> to vector<16xf32>
      %sub3A_192 = arith.subf %get3A_187, %get3A_191 : vector<16xf32>
      %get3A_193 = arith.index_cast %scan3A_16 : i32 to index
      %get3A_194 = arith.constant 128 : index
      %get3A_195 = tpu.vector_load %arg8[%get3A_193, %get3A_194] {strides = array<i32>} : memref<128x256xf32, #tpu.memory_space<vmem>>, vector<1x16xf32>,
      %get3A_196 = vector.shape_cast %get3A_195 : vector<1x16xf32> to vector<16xf32>
      %sub3A_197 = arith.subf %get3A_196, %sub3A_192 : vector<16xf32>
      %swap3A_198 = arith.index_cast %scan3A_16 : i32 to index
      %swap3A_199 = arith.constant 128 : index
      %swap3A_200 = tpu.vector_load %arg12[%swap3A_198, %swap3A_199] {strides = array<i32>} : memref<128x256xf32, #tpu.memory_space<vmem>>, vector<1x16xf32>,
      %swap3A_201 = vector.shape_cast %swap3A_200 : vector<1x16xf32> to vector<16xf32>
      %swap3A_202 = vector.shape_cast %sub3A_197 : vector<16xf32> to vector<1x16xf32>
      tpu.vector_store %arg12[%swap3A_198, %swap3A_199], %swap3A_202 {strides = array<i32>} : memref<128x256xf32, #tpu.memory_space<vmem>>, vector<1x16xf32>,
      %mul3A_203 = arith.mulf %sub3A_192, %sub3A_192 : vector<16xf32>
      %add3A_204 = arith.addf %add3A_183, %mul3A_203 : vector<16xf32>
      %get3A_205 = arith.index_cast %scan3A_16 : i32 to index
      %get3A_206 = arith.constant 144 : index
      %get3A_207 = tpu.vector_load %arg12[%get3A_205, %get3A_206] {strides = array<i32>} : memref<128x256xf32, #tpu.memory_space<vmem>>, vector<1x16xf32>,
      %get3A_208 = vector.shape_cast %get3A_207 : vector<1x16xf32> to vector<16xf32>
      %get3A_209 = arith.index_cast %scan3A_16 : i32 to index
      %get3A_210 = arith.constant 144 : index
      %get3A_211 = tpu.vector_load %arg11[%get3A_209, %get3A_210] {strides = array<i32>} : memref<128x256xf32, #tpu.memory_space<vmem>>, vector<1x16xf32>,
      %get3A_212 = vector.shape_cast %get3A_211 : vector<1x16xf32> to vector<16xf32>
      %sub3A_213 = arith.subf %get3A_208, %get3A_212 : vector<16xf32>
      %get3A_214 = arith.index_cast %scan3A_16 : i32 to index
      %get3A_215 = arith.constant 144 : index
      %get3A_216 = tpu.vector_load %arg8[%get3A_214, %get3A_215] {strides = array<i32>} : memref<128x256xf32, #tpu.memory_space<vmem>>, vector<1x16xf32>,
      %get3A_217 = vector.shape_cast %get3A_216 : vector<1x16xf32> to vector<16xf32>
      %sub3A_218 = arith.subf %get3A_217, %sub3A_213 : vector<16xf32>
      %swap3A_219 = arith.index_cast %scan3A_16 : i32 to index
      %swap3A_220 = arith.constant 144 : index
      %swap3A_221 = tpu.vector_load %arg12[%swap3A_219, %swap3A_220] {strides = array<i32>} : memref<128x256xf32, #tpu.memory_space<vmem>>, vector<1x16xf32>,
      %swap3A_222 = vector.shape_cast %swap3A_221 : vector<1x16xf32> to vector<16xf32>
      %swap3A_223 = vector.shape_cast %sub3A_218 : vector<16xf32> to vector<1x16xf32>
      tpu.vector_store %arg12[%swap3A_219, %swap3A_220], %swap3A_223 {strides = array<i32>} : memref<128x256xf32, #tpu.memory_space<vmem>>, vector<1x16xf32>,
      %mul3A_224 = arith.mulf %sub3A_213, %sub3A_213 : vector<16xf32>
      %add3A_225 = arith.addf %add3A_204, %mul3A_224 : vector<16xf32>
      %get3A_226 = arith.index_cast %scan3A_16 : i32 to index
      %get3A_227 = arith.constant 160 : index
      %get3A_228 = tpu.vector_load %arg12[%get3A_226, %get3A_227] {strides = array<i32>} : memref<128x256xf32, #tpu.memory_space<vmem>>, vector<1x16xf32>,
      %get3A_229 = vector.shape_cast %get3A_228 : vector<1x16xf32> to vector<16xf32>
      %get3A_230 = arith.index_cast %scan3A_16 : i32 to index
      %get3A_231 = arith.constant 160 : index
      %get3A_232 = tpu.vector_load %arg11[%get3A_230, %get3A_231] {strides = array<i32>} : memref<128x256xf32, #tpu.memory_space<vmem>>, vector<1x16xf32>,
      %get3A_233 = vector.shape_cast %get3A_232 : vector<1x16xf32> to vector<16xf32>
      %sub3A_234 = arith.subf %get3A_229, %get3A_233 : vector<16xf32>
      %get3A_235 = arith.index_cast %scan3A_16 : i32 to index
      %get3A_236 = arith.constant 160 : index
      %get3A_237 = tpu.vector_load %arg8[%get3A_235, %get3A_236] {strides = array<i32>} : memref<128x256xf32, #tpu.memory_space<vmem>>, vector<1x16xf32>,
      %get3A_238 = vector.shape_cast %get3A_237 : vector<1x16xf32> to vector<16xf32>
      %sub3A_239 = arith.subf %get3A_238, %sub3A_234 : vector<16xf32>
      %swap3A_240 = arith.index_cast %scan3A_16 : i32 to index
      %swap3A_241 = arith.constant 160 : index
      %swap3A_242 = tpu.vector_load %arg12[%swap3A_240, %swap3A_241] {strides = array<i32>} : memref<128x256xf32, #tpu.memory_space<vmem>>, vector<1x16xf32>,
      %swap3A_243 = vector.shape_cast %swap3A_242 : vector<1x16xf32> to vector<16xf32>
      %swap3A_244 = vector.shape_cast %sub3A_239 : vector<16xf32> to vector<1x16xf32>
      tpu.vector_store %arg12[%swap3A_240, %swap3A_241], %swap3A_244 {strides = array<i32>} : memref<128x256xf32, #tpu.memory_space<vmem>>, vector<1x16xf32>,
      %mul3A_245 = arith.mulf %sub3A_234, %sub3A_234 : vector<16xf32>
      %add3A_246 = arith.addf %add3A_225, %mul3A_245 : vector<16xf32>
      %get3A_247 = arith.index_cast %scan3A_16 : i32 to index
      %get3A_248 = arith.constant 176 : index
      %get3A_249 = tpu.vector_load %arg12[%get3A_247, %get3A_248] {strides = array<i32>} : memref<128x256xf32, #tpu.memory_space<vmem>>, vector<1x16xf32>,
      %get3A_250 = vector.shape_cast %get3A_249 : vector<1x16xf32> to vector<16xf32>
      %get3A_251 = arith.index_cast %scan3A_16 : i32 to index
      %get3A_252 = arith.constant 176 : index
      %get3A_253 = tpu.vector_load %arg11[%get3A_251, %get3A_252] {strides = array<i32>} : memref<128x256xf32, #tpu.memory_space<vmem>>, vector<1x16xf32>,
      %get3A_254 = vector.shape_cast %get3A_253 : vector<1x16xf32> to vector<16xf32>
      %sub3A_255 = arith.subf %get3A_250, %get3A_254 : vector<16xf32>
      %get3A_256 = arith.index_cast %scan3A_16 : i32 to index
      %get3A_257 = arith.constant 176 : index
      %get3A_258 = tpu.vector_load %arg8[%get3A_256, %get3A_257] {strides = array<i32>} : memref<128x256xf32, #tpu.memory_space<vmem>>, vector<1x16xf32>,
      %get3A_259 = vector.shape_cast %get3A_258 : vector<1x16xf32> to vector<16xf32>
      %sub3A_260 = arith.subf %get3A_259, %sub3A_255 : vector<16xf32>
      %swap3A_261 = arith.index_cast %scan3A_16 : i32 to index
      %swap3A_262 = arith.constant 176 : index
      %swap3A_263 = tpu.vector_load %arg12[%swap3A_261, %swap3A_262] {strides = array<i32>} : memref<128x256xf32, #tpu.memory_space<vmem>>, vector<1x16xf32>,
      %swap3A_264 = vector.shape_cast %swap3A_263 : vector<1x16xf32> to vector<16xf32>
      %swap3A_265 = vector.shape_cast %sub3A_260 : vector<16xf32> to vector<1x16xf32>
      tpu.vector_store %arg12[%swap3A_261, %swap3A_262], %swap3A_265 {strides = array<i32>} : memref<128x256xf32, #tpu.memory_space<vmem>>, vector<1x16xf32>,
      %mul3A_266 = arith.mulf %sub3A_255, %sub3A_255 : vector<16xf32>
      %add3A_267 = arith.addf %add3A_246, %mul3A_266 : vector<16xf32>
      %get3A_268 = arith.index_cast %scan3A_16 : i32 to index
      %get3A_269 = arith.constant 192 : index
      %get3A_270 = tpu.vector_load %arg12[%get3A_268, %get3A_269] {strides = array<i32>} : memref<128x256xf32, #tpu.memory_space<vmem>>, vector<1x16xf32>,
      %get3A_271 = vector.shape_cast %get3A_270 : vector<1x16xf32> to vector<16xf32>
      %get3A_272 = arith.index_cast %scan3A_16 : i32 to index
      %get3A_273 = arith.constant 192 : index
      %get3A_274 = tpu.vector_load %arg11[%get3A_272, %get3A_273] {strides = array<i32>} : memref<128x256xf32, #tpu.memory_space<vmem>>, vector<1x16xf32>,
      %get3A_275 = vector.shape_cast %get3A_274 : vector<1x16xf32> to vector<16xf32>
      %sub3A_276 = arith.subf %get3A_271, %get3A_275 : vector<16xf32>
      %get3A_277 = arith.index_cast %scan3A_16 : i32 to index
      %get3A_278 = arith.constant 192 : index
      %get3A_279 = tpu.vector_load %arg8[%get3A_277, %get3A_278] {strides = array<i32>} : memref<128x256xf32, #tpu.memory_space<vmem>>, vector<1x16xf32>,
      %get3A_280 = vector.shape_cast %get3A_279 : vector<1x16xf32> to vector<16xf32>
      %sub3A_281 = arith.subf %get3A_280, %sub3A_276 : vector<16xf32>
      %swap3A_282 = arith.index_cast %scan3A_16 : i32 to index
      %swap3A_283 = arith.constant 192 : index
      %swap3A_284 = tpu.vector_load %arg12[%swap3A_282, %swap3A_283] {strides = array<i32>} : memref<128x256xf32, #tpu.memory_space<vmem>>, vector<1x16xf32>,
      %swap3A_285 = vector.shape_cast %swap3A_284 : vector<1x16xf32> to vector<16xf32>
      %swap3A_286 = vector.shape_cast %sub3A_281 : vector<16xf32> to vector<1x16xf32>
      tpu.vector_store %arg12[%swap3A_282, %swap3A_283], %swap3A_286 {strides = array<i32>} : memref<128x256xf32, #tpu.memory_space<vmem>>, vector<1x16xf32>,
      %mul3A_287 = arith.mulf %sub3A_276, %sub3A_276 : vector<16xf32>
      %add3A_288 = arith.addf %add3A_267, %mul3A_287 : vector<16xf32>
      %get3A_289 = arith.index_cast %scan3A_16 : i32 to index
      %get3A_290 = arith.constant 208 : index
      %get3A_291 = tpu.vector_load %arg12[%get3A_289, %get3A_290] {strides = array<i32>} : memref<128x256xf32, #tpu.memory_space<vmem>>, vector<1x16xf32>,
      %get3A_292 = vector.shape_cast %get3A_291 : vector<1x16xf32> to vector<16xf32>
      %get3A_293 = arith.index_cast %scan3A_16 : i32 to index
      %get3A_294 = arith.constant 208 : index
      %get3A_295 = tpu.vector_load %arg11[%get3A_293, %get3A_294] {strides = array<i32>} : memref<128x256xf32, #tpu.memory_space<vmem>>, vector<1x16xf32>,
      %get3A_296 = vector.shape_cast %get3A_295 : vector<1x16xf32> to vector<16xf32>
      %sub3A_297 = arith.subf %get3A_292, %get3A_296 : vector<16xf32>
      %get3A_298 = arith.index_cast %scan3A_16 : i32 to index
      %get3A_299 = arith.constant 208 : index
      %get3A_300 = tpu.vector_load %arg8[%get3A_298, %get3A_299] {strides = array<i32>} : memref<128x256xf32, #tpu.memory_space<vmem>>, vector<1x16xf32>,
      %get3A_301 = vector.shape_cast %get3A_300 : vector<1x16xf32> to vector<16xf32>
      %sub3A_302 = arith.subf %get3A_301, %sub3A_297 : vector<16xf32>
      %swap3A_303 = arith.index_cast %scan3A_16 : i32 to index
      %swap3A_304 = arith.constant 208 : index
      %swap3A_305 = tpu.vector_load %arg12[%swap3A_303, %swap3A_304] {strides = array<i32>} : memref<128x256xf32, #tpu.memory_space<vmem>>, vector<1x16xf32>,
      %swap3A_306 = vector.shape_cast %swap3A_305 : vector<1x16xf32> to vector<16xf32>
      %swap3A_307 = vector.shape_cast %sub3A_302 : vector<16xf32> to vector<1x16xf32>
      tpu.vector_store %arg12[%swap3A_303, %swap3A_304], %swap3A_307 {strides = array<i32>} : memref<128x256xf32, #tpu.memory_space<vmem>>, vector<1x16xf32>,
      %mul3A_308 = arith.mulf %sub3A_297, %sub3A_297 : vector<16xf32>
      %add3A_309 = arith.addf %add3A_288, %mul3A_308 : vector<16xf32>
      %get3A_310 = arith.index_cast %scan3A_16 : i32 to index
      %get3A_311 = arith.constant 224 : index
      %get3A_312 = tpu.vector_load %arg12[%get3A_310, %get3A_311] {strides = array<i32>} : memref<128x256xf32, #tpu.memory_space<vmem>>, vector<1x16xf32>,
      %get3A_313 = vector.shape_cast %get3A_312 : vector<1x16xf32> to vector<16xf32>
      %get3A_314 = arith.index_cast %scan3A_16 : i32 to index
      %get3A_315 = arith.constant 224 : index
      %get3A_316 = tpu.vector_load %arg11[%get3A_314, %get3A_315] {strides = array<i32>} : memref<128x256xf32, #tpu.memory_space<vmem>>, vector<1x16xf32>,
      %get3A_317 = vector.shape_cast %get3A_316 : vector<1x16xf32> to vector<16xf32>
      %sub3A_318 = arith.subf %get3A_313, %get3A_317 : vector<16xf32>
      %get3A_319 = arith.index_cast %scan3A_16 : i32 to index
      %get3A_320 = arith.constant 224 : index
      %get3A_321 = tpu.vector_load %arg8[%get3A_319, %get3A_320] {strides = array<i32>} : memref<128x256xf32, #tpu.memory_space<vmem>>, vector<1x16xf32>,
      %get3A_322 = vector.shape_cast %get3A_321 : vector<1x16xf32> to vector<16xf32>
      %sub3A_323 = arith.subf %get3A_322, %sub3A_318 : vector<16xf32>
      %swap3A_324 = arith.index_cast %scan3A_16 : i32 to index
      %swap3A_325 = arith.constant 224 : index
      %swap3A_326 = tpu.vector_load %arg12[%swap3A_324, %swap3A_325] {strides = array<i32>} : memref<128x256xf32, #tpu.memory_space<vmem>>, vector<1x16xf32>,
      %swap3A_327 = vector.shape_cast %swap3A_326 : vector<1x16xf32> to vector<16xf32>
      %swap3A_328 = vector.shape_cast %sub3A_323 : vector<16xf32> to vector<1x16xf32>
      tpu.vector_store %arg12[%swap3A_324, %swap3A_325], %swap3A_328 {strides = array<i32>} : memref<128x256xf32, #tpu.memory_space<vmem>>, vector<1x16xf32>,
      %mul3A_329 = arith.mulf %sub3A_318, %sub3A_318 : vector<16xf32>
      %add3A_330 = arith.addf %add3A_309, %mul3A_329 : vector<16xf32>
      %get3A_331 = arith.index_cast %scan3A_16 : i32 to index
      %get3A_332 = arith.constant 240 : index
      %get3A_333 = tpu.vector_load %arg12[%get3A_331, %get3A_332] {strides = array<i32>} : memref<128x256xf32, #tpu.memory_space<vmem>>, vector<1x16xf32>,
      %get3A_334 = vector.shape_cast %get3A_333 : vector<1x16xf32> to vector<16xf32>
      %get3A_335 = arith.index_cast %scan3A_16 : i32 to index
      %get3A_336 = arith.constant 240 : index
      %get3A_337 = tpu.vector_load %arg11[%get3A_335, %get3A_336] {strides = array<i32>} : memref<128x256xf32, #tpu.memory_space<vmem>>, vector<1x16xf32>,
      %get3A_338 = vector.shape_cast %get3A_337 : vector<1x16xf32> to vector<16xf32>
      %sub3A_339 = arith.subf %get3A_334, %get3A_338 : vector<16xf32>
      %get3A_340 = arith.index_cast %scan3A_16 : i32 to index
      %get3A_341 = arith.constant 240 : index
      %get3A_342 = tpu.vector_load %arg8[%get3A_340, %get3A_341] {strides = array<i32>} : memref<128x256xf32, #tpu.memory_space<vmem>>, vector<1x16xf32>,
      %get3A_343 = vector.shape_cast %get3A_342 : vector<1x16xf32> to vector<16xf32>
      %sub3A_344 = arith.subf %get3A_343, %sub3A_339 : vector<16xf32>
      %swap3A_345 = arith.index_cast %scan3A_16 : i32 to index
      %swap3A_346 = arith.constant 240 : index
      %swap3A_347 = tpu.vector_load %arg12[%swap3A_345, %swap3A_346] {strides = array<i32>} : memref<128x256xf32, #tpu.memory_space<vmem>>, vector<1x16xf32>,
      %swap3A_348 = vector.shape_cast %swap3A_347 : vector<1x16xf32> to vector<16xf32>
      %swap3A_349 = vector.shape_cast %sub3A_344 : vector<16xf32> to vector<1x16xf32>
      tpu.vector_store %arg12[%swap3A_345, %swap3A_346], %swap3A_349 {strides = array<i32>} : memref<128x256xf32, #tpu.memory_space<vmem>>, vector<1x16xf32>,
      %mul3A_350 = arith.mulf %sub3A_339, %sub3A_339 : vector<16xf32>
      %add3A_351 = arith.addf %add3A_330, %mul3A_350 : vector<16xf32>
      scf.yield %add3A_351 : vector<16xf32>
    }
    %scan3A_12 = arith.constant 128 : i32
    %swap3A = arith.constant 0 : index
    %swap3A_13 = tpu.vector_load %arg9[%swap3A] {strides = array<i32>} : memref<16xf32, #tpu.memory_space<vmem>>, vector<16xf32>,
    %swap3A_14 = vector.shape_cast %swap3A_13 : vector<16xf32> to vector<16xf32>
    %swap3A_15 = vector.shape_cast %scan3A_11 : vector<16xf32> to vector<16xf32>
    tpu.vector_store %arg9[%swap3A], %swap3A_15 {strides = array<i32>} : memref<16xf32, #tpu.memory_space<vmem>>, vector<16xf32>,
    "tpu.region"() ({
      %run_scoped3A = tpu.sem_alloc : memref<!tpu.dma_semaphore, #tpu.memory_space<semaphore_mem>>
      %dma_start3A_16 = arith.constant 0 : i32
      %dma_start3A_17 = tpu.memref_slice %arg6[%mul3A_2, %dma_start3A_16] : memref<4096x256xf32, #tpu.memory_space<hbm>> -> memref<128x256xf32, #tpu.memory_space<hbm>>
      %dma_start3A_18 = arith.constant 0 : i32
      %dma_start3A_19 = tpu.memref_slice %arg6[%mul3A_2, %dma_start3A_18] : memref<4096x256xf32, #tpu.memory_space<hbm>> -> memref<128x256xf32, #tpu.memory_space<hbm>>
      tpu.enqueue_dma source(%arg12 : memref<128x256xf32, #tpu.memory_space<vmem>>) target(%dma_start3A_19 : memref<128x256xf32, #tpu.memory_space<hbm>>) target_semaphore(%run_scoped3A : memref<!tpu.dma_semaphore, #tpu.memory_space<semaphore_mem>>)
      %dma_wait3A_20 = arith.constant 0 : i32
      %dma_wait3A_21 = tpu.memref_slice %arg6[%mul3A_2, %dma_wait3A_20] : memref<4096x256xf32, #tpu.memory_space<hbm>> -> memref<128x256xf32, #tpu.memory_space<hbm>>
      %dma_wait3A_22 = arith.constant 0 : i32
      %dma_wait3A_23 = tpu.memref_slice %arg6[%mul3A_2, %dma_wait3A_22] : memref<4096x256xf32, #tpu.memory_space<hbm>> -> memref<128x256xf32, #tpu.memory_space<hbm>>
      tpu.wait_dma2 semaphore(%run_scoped3A : memref<!tpu.dma_semaphore, #tpu.memory_space<semaphore_mem>>) src(%arg12 : memref<128x256xf32, #tpu.memory_space<vmem>>) dst(%dma_wait3A_23 : memref<128x256xf32, #tpu.memory_space<hbm>>)
      tpu.yield
    }) : () -> ()
    "tpu.region"() ({
      %run_scoped3A = tpu.sem_alloc : memref<!tpu.dma_semaphore, #tpu.memory_space<semaphore_mem>>
      %dma_start3A_16 = arith.constant 0 : i32
      %dma_start3A_17 = tpu.memref_slice %arg7[%add3A, %dma_start3A_16] : memref<32x16xf32, #tpu.memory_space<hbm>> -> memref<1x16xf32, #tpu.memory_space<hbm>>
      %dma_start3A_18 = tpu.memref_squeeze %dma_start3A_17 : memref<1x16xf32, #tpu.memory_space<hbm>> -> memref<16xf32, #tpu.memory_space<hbm>>
      %dma_start3A_19 = arith.constant 0 : i32
      %dma_start3A_20 = tpu.memref_slice %arg7[%add3A, %dma_start3A_19] : memref<32x16xf32, #tpu.memory_space<hbm>> -> memref<1x16xf32, #tpu.memory_space<hbm>>
      %dma_start3A_21 = tpu.memref_squeeze %dma_start3A_20 : memref<1x16xf32, #tpu.memory_space<hbm>> -> memref<16xf32, #tpu.memory_space<hbm>>
      tpu.enqueue_dma source(%arg9 : memref<16xf32, #tpu.memory_space<vmem>>) target(%dma_start3A_21 : memref<16xf32, #tpu.memory_space<hbm>>) target_semaphore(%run_scoped3A : memref<!tpu.dma_semaphore, #tpu.memory_space<semaphore_mem>>)
      %dma_wait3A_22 = arith.constant 0 : i32
      %dma_wait3A_23 = tpu.memref_slice %arg7[%add3A, %dma_wait3A_22] : memref<32x16xf32, #tpu.memory_space<hbm>> -> memref<1x16xf32, #tpu.memory_space<hbm>>
      %dma_wait3A_24 = tpu.memref_squeeze %dma_wait3A_23 : memref<1x16xf32, #tpu.memory_space<hbm>> -> memref<16xf32, #tpu.memory_space<hbm>>
      %dma_wait3A_25 = arith.constant 0 : i32
      %dma_wait3A_26 = tpu.memref_slice %arg7[%add3A, %dma_wait3A_25] : memref<32x16xf32, #tpu.memory_space<hbm>> -> memref<1x16xf32, #tpu.memory_space<hbm>>
      %dma_wait3A_27 = tpu.memref_squeeze %dma_wait3A_26 : memref<1x16xf32, #tpu.memory_space<hbm>> -> memref<16xf32, #tpu.memory_space<hbm>>
      tpu.wait_dma2 semaphore(%run_scoped3A : memref<!tpu.dma_semaphore, #tpu.memory_space<semaphore_mem>>) src(%arg9 : memref<16xf32, #tpu.memory_space<vmem>>) dst(%dma_wait3A_27 : memref<16xf32, #tpu.memory_space<hbm>>)
      tpu.yield
    }) : () -> ()
    return
  }
}

module attributes {stable_mosaic.version = 14 : i64} {
  func.func @body(%arg0: i32, %arg1: memref<1024x256xf32, #tpu.memory_space<vmem>>, %arg2: memref<1024x256xf32, #tpu.memory_space<vmem>>, %arg3: memref<8192x256xf32, #tpu.memory_space<vmem>>, %arg4: memref<1024x1xi32, #tpu.memory_space<vmem>>, %arg5: memref<1x1x128xf32, #tpu.memory_space<vmem>>, %arg6: memref<1x8192xf32, #tpu.memory_space<vmem>>) attributes {dimension_semantics = [#tpu.dimension_semantics<arbitrary>], iteration_bounds = array<i64: 4>, scalar_prefetch = 0 : i64, scratch_operands = 1 : i64, tpu.core_type = #tpu.core_type<tc>, window_params = [{transform_indices = @transform_0, window_bounds = array<i64: 1024, 256>}, {transform_indices = @transform_1, window_bounds = array<i64: 1024, 256>}, {pipeline_mode = #tpu.pipeline_mode<synchronous>, transform_indices = @transform_2, window_bounds = array<i64: 8192, 256>}, {transform_indices = @transform_3, window_bounds = array<i64: 1024, 1>}, {transform_indices = @transform_4, window_bounds = array<i64: 1, 1, 128>}]} {
    %get3A = arith.constant 0 : index
    %get3A_0 = arith.constant 0 : index
    %get3A_1 = vector.load %arg1[%get3A, %get3A_0] : memref<1024x256xf32, #tpu.memory_space<vmem>>, vector<1024x256xf32>
    %get3A_2 = arith.constant 0 : index
    %get3A_3 = arith.constant 0 : index
    %get3A_4 = vector.load %arg2[%get3A_2, %get3A_3] : memref<1024x256xf32, #tpu.memory_space<vmem>>, vector<1024x256xf32>
    %sub3A = arith.subf %get3A_1, %get3A_4 : vector<1024x256xf32>
    %add3A = arith.addf %sub3A, %sub3A : vector<1024x256xf32>
    %mul3A = arith.mulf %sub3A, %sub3A : vector<1024x256xf32>
    %reduce_sum3A = arith.constant dense<0.000000e+00> : vector<1024xf32>
    %reduce_sum3A_5 = vector.multi_reduction <add>, %mul3A, %reduce_sum3A [1] : vector<1024x256xf32> to vector<1024xf32>
    %broadcast_in_dim3A = vector.shape_cast %reduce_sum3A_5 : vector<1024xf32> to vector<1024x1xf32>
    %broadcast_in_dim3A_6 = arith.constant 0.000000e+00 : f32
    %broadcast_in_dim3A_7 = vector.broadcast %broadcast_in_dim3A_6 : f32 to vector<1x1x128xf32>
    %reduce_sum3A_8 = vector.shape_cast %broadcast_in_dim3A : vector<1024x1xf32> to vector<1x1024x1xf32>
    %reduce_sum3A_9 = arith.constant dense<0.000000e+00> : vector<1xf32>
    %reduce_sum3A_10 = vector.multi_reduction <add>, %reduce_sum3A_8, %reduce_sum3A_9 [1, 2] : vector<1x1024x1xf32> to vector<1xf32>
    %reduce_sum3A_11 = vector.shape_cast %reduce_sum3A_10 : vector<1xf32> to vector<1x1x1xf32>
    %reduce_sum3A_12 = vector.extract %reduce_sum3A_11[0, 0, 0] : f32 from vector<1x1x1xf32>
    %add3A_13 = vector.broadcast %reduce_sum3A_12 : f32 to vector<1x1x128xf32>
    %add3A_14 = arith.addf %broadcast_in_dim3A_7, %add3A_13 : vector<1x1x128xf32>
    %swap3A = arith.constant 0 : index
    %swap3A_15 = arith.constant 0 : index
    %swap3A_16 = arith.constant 0 : index
    %swap3A_17 = vector.load %arg5[%swap3A, %swap3A_15, %swap3A_16] : memref<1x1x128xf32, #tpu.memory_space<vmem>>, vector<1x1x128xf32>
    tpu.vector_store %arg5[%swap3A, %swap3A_15, %swap3A_16], %add3A_14 {strides = array<i32>} : memref<1x1x128xf32, #tpu.memory_space<vmem>>, vector<1x1x128xf32>,
    %iota3A = tpu.iota {dimensions = array<i32: 1>} : vector<1024x128xi32>
    %eq3A = arith.constant 0 : i32
    %eq3A_18 = arith.cmpi eq, %arg0, %eq3A : i32
    %convert_element_type3A = arith.extui %eq3A_18 : i1 to i32
    %cond3A = arith.constant 0 : i32
    %cond3A_19 = arith.cmpi ne, %convert_element_type3A, %cond3A : i32
    scf.if %cond3A_19 {
      %get3A_803 = arith.constant 0 : index
      %get3A_804 = arith.constant 0 : index
      %get3A_805 = vector.load %arg3[%get3A_803, %get3A_804] : memref<8192x256xf32, #tpu.memory_space<vmem>>, vector<1024x256xf32>
      %mul3A_806 = arith.mulf %get3A_805, %get3A_805 : vector<1024x256xf32>
      %reduce_sum3A_807 = arith.constant dense<0.000000e+00> : vector<1024xf32>
      %reduce_sum3A_808 = vector.multi_reduction <add>, %mul3A_806, %reduce_sum3A_807 [1] : vector<1024x256xf32> to vector<1024xf32>
      %broadcast_in_dim3A_809 = vector.shape_cast %reduce_sum3A_808 : vector<1024xf32> to vector<1x1024xf32>
      %swap3A_810 = arith.constant 0 : index
      %swap3A_811 = arith.constant 0 : index
      %swap3A_812 = vector.load %arg6[%swap3A_810, %swap3A_811] : memref<1x8192xf32, #tpu.memory_space<vmem>>, vector<1x1024xf32>
      tpu.vector_store %arg6[%swap3A_810, %swap3A_811], %broadcast_in_dim3A_809 {strides = array<i32>} : memref<1x8192xf32, #tpu.memory_space<vmem>>, vector<1x1024xf32>,
      %get3A_813 = arith.constant 1024 : index
      %get3A_814 = arith.constant 0 : index
      %get3A_815 = vector.load %arg3[%get3A_813, %get3A_814] : memref<8192x256xf32, #tpu.memory_space<vmem>>, vector<1024x256xf32>
      %mul3A_816 = arith.mulf %get3A_815, %get3A_815 : vector<1024x256xf32>
      %reduce_sum3A_817 = arith.constant dense<0.000000e+00> : vector<1024xf32>
      %reduce_sum3A_818 = vector.multi_reduction <add>, %mul3A_816, %reduce_sum3A_817 [1] : vector<1024x256xf32> to vector<1024xf32>
      %broadcast_in_dim3A_819 = vector.shape_cast %reduce_sum3A_818 : vector<1024xf32> to vector<1x1024xf32>
      %swap3A_820 = arith.constant 0 : index
      %swap3A_821 = arith.constant 1024 : index
      %swap3A_822 = vector.load %arg6[%swap3A_820, %swap3A_821] : memref<1x8192xf32, #tpu.memory_space<vmem>>, vector<1x1024xf32>
      tpu.vector_store %arg6[%swap3A_820, %swap3A_821], %broadcast_in_dim3A_819 {strides = array<i32>} : memref<1x8192xf32, #tpu.memory_space<vmem>>, vector<1x1024xf32>,
      %get3A_823 = arith.constant 2048 : index
      %get3A_824 = arith.constant 0 : index
      %get3A_825 = vector.load %arg3[%get3A_823, %get3A_824] : memref<8192x256xf32, #tpu.memory_space<vmem>>, vector<1024x256xf32>
      %mul3A_826 = arith.mulf %get3A_825, %get3A_825 : vector<1024x256xf32>
      %reduce_sum3A_827 = arith.constant dense<0.000000e+00> : vector<1024xf32>
      %reduce_sum3A_828 = vector.multi_reduction <add>, %mul3A_826, %reduce_sum3A_827 [1] : vector<1024x256xf32> to vector<1024xf32>
      %broadcast_in_dim3A_829 = vector.shape_cast %reduce_sum3A_828 : vector<1024xf32> to vector<1x1024xf32>
      %swap3A_830 = arith.constant 0 : index
      %swap3A_831 = arith.constant 2048 : index
      %swap3A_832 = vector.load %arg6[%swap3A_830, %swap3A_831] : memref<1x8192xf32, #tpu.memory_space<vmem>>, vector<1x1024xf32>
      tpu.vector_store %arg6[%swap3A_830, %swap3A_831], %broadcast_in_dim3A_829 {strides = array<i32>} : memref<1x8192xf32, #tpu.memory_space<vmem>>, vector<1x1024xf32>,
      %get3A_833 = arith.constant 3072 : index
      %get3A_834 = arith.constant 0 : index
      %get3A_835 = vector.load %arg3[%get3A_833, %get3A_834] : memref<8192x256xf32, #tpu.memory_space<vmem>>, vector<1024x256xf32>
      %mul3A_836 = arith.mulf %get3A_835, %get3A_835 : vector<1024x256xf32>
      %reduce_sum3A_837 = arith.constant dense<0.000000e+00> : vector<1024xf32>
      %reduce_sum3A_838 = vector.multi_reduction <add>, %mul3A_836, %reduce_sum3A_837 [1] : vector<1024x256xf32> to vector<1024xf32>
      %broadcast_in_dim3A_839 = vector.shape_cast %reduce_sum3A_838 : vector<1024xf32> to vector<1x1024xf32>
      %swap3A_840 = arith.constant 0 : index
      %swap3A_841 = arith.constant 3072 : index
      %swap3A_842 = vector.load %arg6[%swap3A_840, %swap3A_841] : memref<1x8192xf32, #tpu.memory_space<vmem>>, vector<1x1024xf32>
      tpu.vector_store %arg6[%swap3A_840, %swap3A_841], %broadcast_in_dim3A_839 {strides = array<i32>} : memref<1x8192xf32, #tpu.memory_space<vmem>>, vector<1x1024xf32>,
      %get3A_843 = arith.constant 4096 : index
      %get3A_844 = arith.constant 0 : index
      %get3A_845 = vector.load %arg3[%get3A_843, %get3A_844] : memref<8192x256xf32, #tpu.memory_space<vmem>>, vector<1024x256xf32>
      %mul3A_846 = arith.mulf %get3A_845, %get3A_845 : vector<1024x256xf32>
      %reduce_sum3A_847 = arith.constant dense<0.000000e+00> : vector<1024xf32>
      %reduce_sum3A_848 = vector.multi_reduction <add>, %mul3A_846, %reduce_sum3A_847 [1] : vector<1024x256xf32> to vector<1024xf32>
      %broadcast_in_dim3A_849 = vector.shape_cast %reduce_sum3A_848 : vector<1024xf32> to vector<1x1024xf32>
      %swap3A_850 = arith.constant 0 : index
      %swap3A_851 = arith.constant 4096 : index
      %swap3A_852 = vector.load %arg6[%swap3A_850, %swap3A_851] : memref<1x8192xf32, #tpu.memory_space<vmem>>, vector<1x1024xf32>
      tpu.vector_store %arg6[%swap3A_850, %swap3A_851], %broadcast_in_dim3A_849 {strides = array<i32>} : memref<1x8192xf32, #tpu.memory_space<vmem>>, vector<1x1024xf32>,
      %get3A_853 = arith.constant 5120 : index
      %get3A_854 = arith.constant 0 : index
      %get3A_855 = vector.load %arg3[%get3A_853, %get3A_854] : memref<8192x256xf32, #tpu.memory_space<vmem>>, vector<1024x256xf32>
      %mul3A_856 = arith.mulf %get3A_855, %get3A_855 : vector<1024x256xf32>
      %reduce_sum3A_857 = arith.constant dense<0.000000e+00> : vector<1024xf32>
      %reduce_sum3A_858 = vector.multi_reduction <add>, %mul3A_856, %reduce_sum3A_857 [1] : vector<1024x256xf32> to vector<1024xf32>
      %broadcast_in_dim3A_859 = vector.shape_cast %reduce_sum3A_858 : vector<1024xf32> to vector<1x1024xf32>
      %swap3A_860 = arith.constant 0 : index
      %swap3A_861 = arith.constant 5120 : index
      %swap3A_862 = vector.load %arg6[%swap3A_860, %swap3A_861] : memref<1x8192xf32, #tpu.memory_space<vmem>>, vector<1x1024xf32>
      tpu.vector_store %arg6[%swap3A_860, %swap3A_861], %broadcast_in_dim3A_859 {strides = array<i32>} : memref<1x8192xf32, #tpu.memory_space<vmem>>, vector<1x1024xf32>,
      %get3A_863 = arith.constant 6144 : index
      %get3A_864 = arith.constant 0 : index
      %get3A_865 = vector.load %arg3[%get3A_863, %get3A_864] : memref<8192x256xf32, #tpu.memory_space<vmem>>, vector<1024x256xf32>
      %mul3A_866 = arith.mulf %get3A_865, %get3A_865 : vector<1024x256xf32>
      %reduce_sum3A_867 = arith.constant dense<0.000000e+00> : vector<1024xf32>
      %reduce_sum3A_868 = vector.multi_reduction <add>, %mul3A_866, %reduce_sum3A_867 [1] : vector<1024x256xf32> to vector<1024xf32>
      %broadcast_in_dim3A_869 = vector.shape_cast %reduce_sum3A_868 : vector<1024xf32> to vector<1x1024xf32>
      %swap3A_870 = arith.constant 0 : index
      %swap3A_871 = arith.constant 6144 : index
      %swap3A_872 = vector.load %arg6[%swap3A_870, %swap3A_871] : memref<1x8192xf32, #tpu.memory_space<vmem>>, vector<1x1024xf32>
      tpu.vector_store %arg6[%swap3A_870, %swap3A_871], %broadcast_in_dim3A_869 {strides = array<i32>} : memref<1x8192xf32, #tpu.memory_space<vmem>>, vector<1x1024xf32>,
      %get3A_873 = arith.constant 7168 : index
      %get3A_874 = arith.constant 0 : index
      %get3A_875 = vector.load %arg3[%get3A_873, %get3A_874] : memref<8192x256xf32, #tpu.memory_space<vmem>>, vector<1024x256xf32>
      %mul3A_876 = arith.mulf %get3A_875, %get3A_875 : vector<1024x256xf32>
      %reduce_sum3A_877 = arith.constant dense<0.000000e+00> : vector<1024xf32>
      %reduce_sum3A_878 = vector.multi_reduction <add>, %mul3A_876, %reduce_sum3A_877 [1] : vector<1024x256xf32> to vector<1024xf32>
      %broadcast_in_dim3A_879 = vector.shape_cast %reduce_sum3A_878 : vector<1024xf32> to vector<1x1024xf32>
      %swap3A_880 = arith.constant 0 : index
      %swap3A_881 = arith.constant 7168 : index
      %swap3A_882 = vector.load %arg6[%swap3A_880, %swap3A_881] : memref<1x8192xf32, #tpu.memory_space<vmem>>, vector<1x1024xf32>
      tpu.vector_store %arg6[%swap3A_880, %swap3A_881], %broadcast_in_dim3A_879 {strides = array<i32>} : memref<1x8192xf32, #tpu.memory_space<vmem>>, vector<1x1024xf32>,
    } else {
    }
    %broadcast_in_dim3A_20 = arith.constant 0x7F800000 : f32
    %broadcast_in_dim3A_21 = vector.broadcast %broadcast_in_dim3A_20 : f32 to vector<1024x128xf32>
    %broadcast_in_dim3A_22 = arith.constant 0 : i32
    %broadcast_in_dim3A_23 = vector.broadcast %broadcast_in_dim3A_22 : i32 to vector<1024x128xi32>
    %get3A_24 = arith.constant 0 : index
    %get3A_25 = arith.constant 0 : index
    %get3A_26 = vector.load %arg3[%get3A_24, %get3A_25] : memref<8192x256xf32, #tpu.memory_space<vmem>>, vector<1024x256xf32>
    %dot_general3A = arith.constant dense<0.000000e+00> : vector<1024x1024xf32>
    %dot_general3A_27 = tpu.matmul %add3A, %get3A_26, %dot_general3A {dimension_numbers = #tpu.dot_dimension_numbers<[1], [1], [0], [0], [0, 0, 1, 0], [], []>, transpose_lhs_hint = false} : vector<1024x256xf32>, vector<1024x256xf32>, vector<1024x1024xf32> -> vector<1024x1024xf32>
    %get3A_28 = arith.constant 0 : index
    %get3A_29 = arith.constant 0 : index
    %get3A_30 = vector.load %arg6[%get3A_28, %get3A_29] : memref<1x8192xf32, #tpu.memory_space<vmem>>, vector<1x1024xf32>
    %slice3A = vector.extract_strided_slice %get3A_30 {offsets = [0, 0], sizes = [1, 128], strides = [1, 1]} : vector<1x1024xf32> to vector<1x128xf32>
    %add3A_31 = vector.broadcast %broadcast_in_dim3A : vector<1024x1xf32> to vector<1024x128xf32>
    %add3A_32 = vector.broadcast %slice3A : vector<1x128xf32> to vector<1024x128xf32>
    %add3A_33 = arith.addf %add3A_31, %add3A_32 : vector<1024x128xf32>
    %slice3A_34 = vector.extract_strided_slice %dot_general3A_27 {offsets = [0, 0], sizes = [1024, 128], strides = [1, 1]} : vector<1024x1024xf32> to vector<1024x128xf32>
    %sub3A_35 = arith.subf %add3A_33, %slice3A_34 : vector<1024x128xf32>
    %lt3A = arith.cmpf olt, %sub3A_35, %broadcast_in_dim3A_21 : vector<1024x128xf32>
    %min3A = arith.minimumf %sub3A_35, %broadcast_in_dim3A_21 : vector<1024x128xf32>
    %jit3A = arith.constant 0 : i32
    %broadcast_in_dim3A_36 = vector.broadcast %jit3A : i32 to vector<1024x128xi32>
    %select_n3A = arith.select %lt3A, %broadcast_in_dim3A_36, %broadcast_in_dim3A_23 : vector<1024x128xi1>, vector<1024x128xi32>
    %slice3A_37 = vector.extract_strided_slice %get3A_30 {offsets = [0, 128], sizes = [1, 128], strides = [1, 1]} : vector<1x1024xf32> to vector<1x128xf32>
    %add3A_38 = vector.broadcast %broadcast_in_dim3A : vector<1024x1xf32> to vector<1024x128xf32>
    %add3A_39 = vector.broadcast %slice3A_37 : vector<1x128xf32> to vector<1024x128xf32>
    %add3A_40 = arith.addf %add3A_38, %add3A_39 : vector<1024x128xf32>
    %slice3A_41 = vector.extract_strided_slice %dot_general3A_27 {offsets = [0, 128], sizes = [1024, 128], strides = [1, 1]} : vector<1024x1024xf32> to vector<1024x128xf32>
    %sub3A_42 = arith.subf %add3A_40, %slice3A_41 : vector<1024x128xf32>
    %lt3A_43 = arith.cmpf olt, %sub3A_42, %min3A : vector<1024x128xf32>
    %min3A_44 = arith.minimumf %sub3A_42, %min3A : vector<1024x128xf32>
    %jit3A_45 = arith.constant 1 : i32
    %broadcast_in_dim3A_46 = vector.broadcast %jit3A_45 : i32 to vector<1024x128xi32>
    %select_n3A_47 = arith.select %lt3A_43, %broadcast_in_dim3A_46, %select_n3A : vector<1024x128xi1>, vector<1024x128xi32>
    %slice3A_48 = vector.extract_strided_slice %get3A_30 {offsets = [0, 256], sizes = [1, 128], strides = [1, 1]} : vector<1x1024xf32> to vector<1x128xf32>
    %add3A_49 = vector.broadcast %broadcast_in_dim3A : vector<1024x1xf32> to vector<1024x128xf32>
    %add3A_50 = vector.broadcast %slice3A_48 : vector<1x128xf32> to vector<1024x128xf32>
    %add3A_51 = arith.addf %add3A_49, %add3A_50 : vector<1024x128xf32>
    %slice3A_52 = vector.extract_strided_slice %dot_general3A_27 {offsets = [0, 256], sizes = [1024, 128], strides = [1, 1]} : vector<1024x1024xf32> to vector<1024x128xf32>
    %sub3A_53 = arith.subf %add3A_51, %slice3A_52 : vector<1024x128xf32>
    %lt3A_54 = arith.cmpf olt, %sub3A_53, %min3A_44 : vector<1024x128xf32>
    %min3A_55 = arith.minimumf %sub3A_53, %min3A_44 : vector<1024x128xf32>
    %jit3A_56 = arith.constant 2 : i32
    %broadcast_in_dim3A_57 = vector.broadcast %jit3A_56 : i32 to vector<1024x128xi32>
    %select_n3A_58 = arith.select %lt3A_54, %broadcast_in_dim3A_57, %select_n3A_47 : vector<1024x128xi1>, vector<1024x128xi32>
    %slice3A_59 = vector.extract_strided_slice %get3A_30 {offsets = [0, 384], sizes = [1, 128], strides = [1, 1]} : vector<1x1024xf32> to vector<1x128xf32>
    %add3A_60 = vector.broadcast %broadcast_in_dim3A : vector<1024x1xf32> to vector<1024x128xf32>
    %add3A_61 = vector.broadcast %slice3A_59 : vector<1x128xf32> to vector<1024x128xf32>
    %add3A_62 = arith.addf %add3A_60, %add3A_61 : vector<1024x128xf32>
    %slice3A_63 = vector.extract_strided_slice %dot_general3A_27 {offsets = [0, 384], sizes = [1024, 128], strides = [1, 1]} : vector<1024x1024xf32> to vector<1024x128xf32>
    %sub3A_64 = arith.subf %add3A_62, %slice3A_63 : vector<1024x128xf32>
    %lt3A_65 = arith.cmpf olt, %sub3A_64, %min3A_55 : vector<1024x128xf32>
    %min3A_66 = arith.minimumf %sub3A_64, %min3A_55 : vector<1024x128xf32>
    %jit3A_67 = arith.constant 3 : i32
    %broadcast_in_dim3A_68 = vector.broadcast %jit3A_67 : i32 to vector<1024x128xi32>
    %select_n3A_69 = arith.select %lt3A_65, %broadcast_in_dim3A_68, %select_n3A_58 : vector<1024x128xi1>, vector<1024x128xi32>
    %slice3A_70 = vector.extract_strided_slice %get3A_30 {offsets = [0, 512], sizes = [1, 128], strides = [1, 1]} : vector<1x1024xf32> to vector<1x128xf32>
    %add3A_71 = vector.broadcast %broadcast_in_dim3A : vector<1024x1xf32> to vector<1024x128xf32>
    %add3A_72 = vector.broadcast %slice3A_70 : vector<1x128xf32> to vector<1024x128xf32>
    %add3A_73 = arith.addf %add3A_71, %add3A_72 : vector<1024x128xf32>
    %slice3A_74 = vector.extract_strided_slice %dot_general3A_27 {offsets = [0, 512], sizes = [1024, 128], strides = [1, 1]} : vector<1024x1024xf32> to vector<1024x128xf32>
    %sub3A_75 = arith.subf %add3A_73, %slice3A_74 : vector<1024x128xf32>
    %lt3A_76 = arith.cmpf olt, %sub3A_75, %min3A_66 : vector<1024x128xf32>
    %min3A_77 = arith.minimumf %sub3A_75, %min3A_66 : vector<1024x128xf32>
    %jit3A_78 = arith.constant 4 : i32
    %broadcast_in_dim3A_79 = vector.broadcast %jit3A_78 : i32 to vector<1024x128xi32>
    %select_n3A_80 = arith.select %lt3A_76, %broadcast_in_dim3A_79, %select_n3A_69 : vector<1024x128xi1>, vector<1024x128xi32>
    %slice3A_81 = vector.extract_strided_slice %get3A_30 {offsets = [0, 640], sizes = [1, 128], strides = [1, 1]} : vector<1x1024xf32> to vector<1x128xf32>
    %add3A_82 = vector.broadcast %broadcast_in_dim3A : vector<1024x1xf32> to vector<1024x128xf32>
    %add3A_83 = vector.broadcast %slice3A_81 : vector<1x128xf32> to vector<1024x128xf32>
    %add3A_84 = arith.addf %add3A_82, %add3A_83 : vector<1024x128xf32>
    %slice3A_85 = vector.extract_strided_slice %dot_general3A_27 {offsets = [0, 640], sizes = [1024, 128], strides = [1, 1]} : vector<1024x1024xf32> to vector<1024x128xf32>
    %sub3A_86 = arith.subf %add3A_84, %slice3A_85 : vector<1024x128xf32>
    %lt3A_87 = arith.cmpf olt, %sub3A_86, %min3A_77 : vector<1024x128xf32>
    %min3A_88 = arith.minimumf %sub3A_86, %min3A_77 : vector<1024x128xf32>
    %jit3A_89 = arith.constant 5 : i32
    %broadcast_in_dim3A_90 = vector.broadcast %jit3A_89 : i32 to vector<1024x128xi32>
    %select_n3A_91 = arith.select %lt3A_87, %broadcast_in_dim3A_90, %select_n3A_80 : vector<1024x128xi1>, vector<1024x128xi32>
    %slice3A_92 = vector.extract_strided_slice %get3A_30 {offsets = [0, 768], sizes = [1, 128], strides = [1, 1]} : vector<1x1024xf32> to vector<1x128xf32>
    %add3A_93 = vector.broadcast %broadcast_in_dim3A : vector<1024x1xf32> to vector<1024x128xf32>
    %add3A_94 = vector.broadcast %slice3A_92 : vector<1x128xf32> to vector<1024x128xf32>
    %add3A_95 = arith.addf %add3A_93, %add3A_94 : vector<1024x128xf32>
    %slice3A_96 = vector.extract_strided_slice %dot_general3A_27 {offsets = [0, 768], sizes = [1024, 128], strides = [1, 1]} : vector<1024x1024xf32> to vector<1024x128xf32>
    %sub3A_97 = arith.subf %add3A_95, %slice3A_96 : vector<1024x128xf32>
    %lt3A_98 = arith.cmpf olt, %sub3A_97, %min3A_88 : vector<1024x128xf32>
    %min3A_99 = arith.minimumf %sub3A_97, %min3A_88 : vector<1024x128xf32>
    %jit3A_100 = arith.constant 6 : i32
    %broadcast_in_dim3A_101 = vector.broadcast %jit3A_100 : i32 to vector<1024x128xi32>
    %select_n3A_102 = arith.select %lt3A_98, %broadcast_in_dim3A_101, %select_n3A_91 : vector<1024x128xi1>, vector<1024x128xi32>
    %slice3A_103 = vector.extract_strided_slice %get3A_30 {offsets = [0, 896], sizes = [1, 128], strides = [1, 1]} : vector<1x1024xf32> to vector<1x128xf32>
    %add3A_104 = vector.broadcast %broadcast_in_dim3A : vector<1024x1xf32> to vector<1024x128xf32>
    %add3A_105 = vector.broadcast %slice3A_103 : vector<1x128xf32> to vector<1024x128xf32>
    %add3A_106 = arith.addf %add3A_104, %add3A_105 : vector<1024x128xf32>
    %slice3A_107 = vector.extract_strided_slice %dot_general3A_27 {offsets = [0, 896], sizes = [1024, 128], strides = [1, 1]} : vector<1024x1024xf32> to vector<1024x128xf32>
    %sub3A_108 = arith.subf %add3A_106, %slice3A_107 : vector<1024x128xf32>
    %lt3A_109 = arith.cmpf olt, %sub3A_108, %min3A_99 : vector<1024x128xf32>
    %min3A_110 = arith.minimumf %sub3A_108, %min3A_99 : vector<1024x128xf32>
    %jit3A_111 = arith.constant 7 : i32
    %broadcast_in_dim3A_112 = vector.broadcast %jit3A_111 : i32 to vector<1024x128xi32>
    %select_n3A_113 = arith.select %lt3A_109, %broadcast_in_dim3A_112, %select_n3A_102 : vector<1024x128xi1>, vector<1024x128xi32>
    %get3A_114 = arith.constant 1024 : index
    %get3A_115 = arith.constant 0 : index
    %get3A_116 = vector.load %arg3[%get3A_114, %get3A_115] : memref<8192x256xf32, #tpu.memory_space<vmem>>, vector<1024x256xf32>
    %dot_general3A_117 = arith.constant dense<0.000000e+00> : vector<1024x1024xf32>
    %dot_general3A_118 = tpu.matmul %add3A, %get3A_116, %dot_general3A_117 {dimension_numbers = #tpu.dot_dimension_numbers<[1], [1], [0], [0], [0, 0, 1, 0], [], []>, transpose_lhs_hint = false} : vector<1024x256xf32>, vector<1024x256xf32>, vector<1024x1024xf32> -> vector<1024x1024xf32>
    %get3A_119 = arith.constant 0 : index
    %get3A_120 = arith.constant 1024 : index
    %get3A_121 = vector.load %arg6[%get3A_119, %get3A_120] : memref<1x8192xf32, #tpu.memory_space<vmem>>, vector<1x1024xf32>
    %slice3A_122 = vector.extract_strided_slice %get3A_121 {offsets = [0, 0], sizes = [1, 128], strides = [1, 1]} : vector<1x1024xf32> to vector<1x128xf32>
    %add3A_123 = vector.broadcast %broadcast_in_dim3A : vector<1024x1xf32> to vector<1024x128xf32>
    %add3A_124 = vector.broadcast %slice3A_122 : vector<1x128xf32> to vector<1024x128xf32>
    %add3A_125 = arith.addf %add3A_123, %add3A_124 : vector<1024x128xf32>
    %slice3A_126 = vector.extract_strided_slice %dot_general3A_118 {offsets = [0, 0], sizes = [1024, 128], strides = [1, 1]} : vector<1024x1024xf32> to vector<1024x128xf32>
    %sub3A_127 = arith.subf %add3A_125, %slice3A_126 : vector<1024x128xf32>
    %lt3A_128 = arith.cmpf olt, %sub3A_127, %min3A_110 : vector<1024x128xf32>
    %min3A_129 = arith.minimumf %sub3A_127, %min3A_110 : vector<1024x128xf32>
    %jit3A_130 = arith.constant 8 : i32
    %broadcast_in_dim3A_131 = vector.broadcast %jit3A_130 : i32 to vector<1024x128xi32>
    %select_n3A_132 = arith.select %lt3A_128, %broadcast_in_dim3A_131, %select_n3A_113 : vector<1024x128xi1>, vector<1024x128xi32>
    %slice3A_133 = vector.extract_strided_slice %get3A_121 {offsets = [0, 128], sizes = [1, 128], strides = [1, 1]} : vector<1x1024xf32> to vector<1x128xf32>
    %add3A_134 = vector.broadcast %broadcast_in_dim3A : vector<1024x1xf32> to vector<1024x128xf32>
    %add3A_135 = vector.broadcast %slice3A_133 : vector<1x128xf32> to vector<1024x128xf32>
    %add3A_136 = arith.addf %add3A_134, %add3A_135 : vector<1024x128xf32>
    %slice3A_137 = vector.extract_strided_slice %dot_general3A_118 {offsets = [0, 128], sizes = [1024, 128], strides = [1, 1]} : vector<1024x1024xf32> to vector<1024x128xf32>
    %sub3A_138 = arith.subf %add3A_136, %slice3A_137 : vector<1024x128xf32>
    %lt3A_139 = arith.cmpf olt, %sub3A_138, %min3A_129 : vector<1024x128xf32>
    %min3A_140 = arith.minimumf %sub3A_138, %min3A_129 : vector<1024x128xf32>
    %jit3A_141 = arith.constant 9 : i32
    %broadcast_in_dim3A_142 = vector.broadcast %jit3A_141 : i32 to vector<1024x128xi32>
    %select_n3A_143 = arith.select %lt3A_139, %broadcast_in_dim3A_142, %select_n3A_132 : vector<1024x128xi1>, vector<1024x128xi32>
    %slice3A_144 = vector.extract_strided_slice %get3A_121 {offsets = [0, 256], sizes = [1, 128], strides = [1, 1]} : vector<1x1024xf32> to vector<1x128xf32>
    %add3A_145 = vector.broadcast %broadcast_in_dim3A : vector<1024x1xf32> to vector<1024x128xf32>
    %add3A_146 = vector.broadcast %slice3A_144 : vector<1x128xf32> to vector<1024x128xf32>
    %add3A_147 = arith.addf %add3A_145, %add3A_146 : vector<1024x128xf32>
    %slice3A_148 = vector.extract_strided_slice %dot_general3A_118 {offsets = [0, 256], sizes = [1024, 128], strides = [1, 1]} : vector<1024x1024xf32> to vector<1024x128xf32>
    %sub3A_149 = arith.subf %add3A_147, %slice3A_148 : vector<1024x128xf32>
    %lt3A_150 = arith.cmpf olt, %sub3A_149, %min3A_140 : vector<1024x128xf32>
    %min3A_151 = arith.minimumf %sub3A_149, %min3A_140 : vector<1024x128xf32>
    %jit3A_152 = arith.constant 10 : i32
    %broadcast_in_dim3A_153 = vector.broadcast %jit3A_152 : i32 to vector<1024x128xi32>
    %select_n3A_154 = arith.select %lt3A_150, %broadcast_in_dim3A_153, %select_n3A_143 : vector<1024x128xi1>, vector<1024x128xi32>
    %slice3A_155 = vector.extract_strided_slice %get3A_121 {offsets = [0, 384], sizes = [1, 128], strides = [1, 1]} : vector<1x1024xf32> to vector<1x128xf32>
    %add3A_156 = vector.broadcast %broadcast_in_dim3A : vector<1024x1xf32> to vector<1024x128xf32>
    %add3A_157 = vector.broadcast %slice3A_155 : vector<1x128xf32> to vector<1024x128xf32>
    %add3A_158 = arith.addf %add3A_156, %add3A_157 : vector<1024x128xf32>
    %slice3A_159 = vector.extract_strided_slice %dot_general3A_118 {offsets = [0, 384], sizes = [1024, 128], strides = [1, 1]} : vector<1024x1024xf32> to vector<1024x128xf32>
    %sub3A_160 = arith.subf %add3A_158, %slice3A_159 : vector<1024x128xf32>
    %lt3A_161 = arith.cmpf olt, %sub3A_160, %min3A_151 : vector<1024x128xf32>
    %min3A_162 = arith.minimumf %sub3A_160, %min3A_151 : vector<1024x128xf32>
    %jit3A_163 = arith.constant 11 : i32
    %broadcast_in_dim3A_164 = vector.broadcast %jit3A_163 : i32 to vector<1024x128xi32>
    %select_n3A_165 = arith.select %lt3A_161, %broadcast_in_dim3A_164, %select_n3A_154 : vector<1024x128xi1>, vector<1024x128xi32>
    %slice3A_166 = vector.extract_strided_slice %get3A_121 {offsets = [0, 512], sizes = [1, 128], strides = [1, 1]} : vector<1x1024xf32> to vector<1x128xf32>
    %add3A_167 = vector.broadcast %broadcast_in_dim3A : vector<1024x1xf32> to vector<1024x128xf32>
    %add3A_168 = vector.broadcast %slice3A_166 : vector<1x128xf32> to vector<1024x128xf32>
    %add3A_169 = arith.addf %add3A_167, %add3A_168 : vector<1024x128xf32>
    %slice3A_170 = vector.extract_strided_slice %dot_general3A_118 {offsets = [0, 512], sizes = [1024, 128], strides = [1, 1]} : vector<1024x1024xf32> to vector<1024x128xf32>
    %sub3A_171 = arith.subf %add3A_169, %slice3A_170 : vector<1024x128xf32>
    %lt3A_172 = arith.cmpf olt, %sub3A_171, %min3A_162 : vector<1024x128xf32>
    %min3A_173 = arith.minimumf %sub3A_171, %min3A_162 : vector<1024x128xf32>
    %jit3A_174 = arith.constant 12 : i32
    %broadcast_in_dim3A_175 = vector.broadcast %jit3A_174 : i32 to vector<1024x128xi32>
    %select_n3A_176 = arith.select %lt3A_172, %broadcast_in_dim3A_175, %select_n3A_165 : vector<1024x128xi1>, vector<1024x128xi32>
    %slice3A_177 = vector.extract_strided_slice %get3A_121 {offsets = [0, 640], sizes = [1, 128], strides = [1, 1]} : vector<1x1024xf32> to vector<1x128xf32>
    %add3A_178 = vector.broadcast %broadcast_in_dim3A : vector<1024x1xf32> to vector<1024x128xf32>
    %add3A_179 = vector.broadcast %slice3A_177 : vector<1x128xf32> to vector<1024x128xf32>
    %add3A_180 = arith.addf %add3A_178, %add3A_179 : vector<1024x128xf32>
    %slice3A_181 = vector.extract_strided_slice %dot_general3A_118 {offsets = [0, 640], sizes = [1024, 128], strides = [1, 1]} : vector<1024x1024xf32> to vector<1024x128xf32>
    %sub3A_182 = arith.subf %add3A_180, %slice3A_181 : vector<1024x128xf32>
    %lt3A_183 = arith.cmpf olt, %sub3A_182, %min3A_173 : vector<1024x128xf32>
    %min3A_184 = arith.minimumf %sub3A_182, %min3A_173 : vector<1024x128xf32>
    %jit3A_185 = arith.constant 13 : i32
    %broadcast_in_dim3A_186 = vector.broadcast %jit3A_185 : i32 to vector<1024x128xi32>
    %select_n3A_187 = arith.select %lt3A_183, %broadcast_in_dim3A_186, %select_n3A_176 : vector<1024x128xi1>, vector<1024x128xi32>
    %slice3A_188 = vector.extract_strided_slice %get3A_121 {offsets = [0, 768], sizes = [1, 128], strides = [1, 1]} : vector<1x1024xf32> to vector<1x128xf32>
    %add3A_189 = vector.broadcast %broadcast_in_dim3A : vector<1024x1xf32> to vector<1024x128xf32>
    %add3A_190 = vector.broadcast %slice3A_188 : vector<1x128xf32> to vector<1024x128xf32>
    %add3A_191 = arith.addf %add3A_189, %add3A_190 : vector<1024x128xf32>
    %slice3A_192 = vector.extract_strided_slice %dot_general3A_118 {offsets = [0, 768], sizes = [1024, 128], strides = [1, 1]} : vector<1024x1024xf32> to vector<1024x128xf32>
    %sub3A_193 = arith.subf %add3A_191, %slice3A_192 : vector<1024x128xf32>
    %lt3A_194 = arith.cmpf olt, %sub3A_193, %min3A_184 : vector<1024x128xf32>
    %min3A_195 = arith.minimumf %sub3A_193, %min3A_184 : vector<1024x128xf32>
    %jit3A_196 = arith.constant 14 : i32
    %broadcast_in_dim3A_197 = vector.broadcast %jit3A_196 : i32 to vector<1024x128xi32>
    %select_n3A_198 = arith.select %lt3A_194, %broadcast_in_dim3A_197, %select_n3A_187 : vector<1024x128xi1>, vector<1024x128xi32>
    %slice3A_199 = vector.extract_strided_slice %get3A_121 {offsets = [0, 896], sizes = [1, 128], strides = [1, 1]} : vector<1x1024xf32> to vector<1x128xf32>
    %add3A_200 = vector.broadcast %broadcast_in_dim3A : vector<1024x1xf32> to vector<1024x128xf32>
    %add3A_201 = vector.broadcast %slice3A_199 : vector<1x128xf32> to vector<1024x128xf32>
    %add3A_202 = arith.addf %add3A_200, %add3A_201 : vector<1024x128xf32>
    %slice3A_203 = vector.extract_strided_slice %dot_general3A_118 {offsets = [0, 896], sizes = [1024, 128], strides = [1, 1]} : vector<1024x1024xf32> to vector<1024x128xf32>
    %sub3A_204 = arith.subf %add3A_202, %slice3A_203 : vector<1024x128xf32>
    %lt3A_205 = arith.cmpf olt, %sub3A_204, %min3A_195 : vector<1024x128xf32>
    %min3A_206 = arith.minimumf %sub3A_204, %min3A_195 : vector<1024x128xf32>
    %jit3A_207 = arith.constant 15 : i32
    %broadcast_in_dim3A_208 = vector.broadcast %jit3A_207 : i32 to vector<1024x128xi32>
    %select_n3A_209 = arith.select %lt3A_205, %broadcast_in_dim3A_208, %select_n3A_198 : vector<1024x128xi1>, vector<1024x128xi32>
    %get3A_210 = arith.constant 2048 : index
    %get3A_211 = arith.constant 0 : index
    %get3A_212 = vector.load %arg3[%get3A_210, %get3A_211] : memref<8192x256xf32, #tpu.memory_space<vmem>>, vector<1024x256xf32>
    %dot_general3A_213 = arith.constant dense<0.000000e+00> : vector<1024x1024xf32>
    %dot_general3A_214 = tpu.matmul %add3A, %get3A_212, %dot_general3A_213 {dimension_numbers = #tpu.dot_dimension_numbers<[1], [1], [0], [0], [0, 0, 1, 0], [], []>, transpose_lhs_hint = false} : vector<1024x256xf32>, vector<1024x256xf32>, vector<1024x1024xf32> -> vector<1024x1024xf32>
    %get3A_215 = arith.constant 0 : index
    %get3A_216 = arith.constant 2048 : index
    %get3A_217 = vector.load %arg6[%get3A_215, %get3A_216] : memref<1x8192xf32, #tpu.memory_space<vmem>>, vector<1x1024xf32>
    %slice3A_218 = vector.extract_strided_slice %get3A_217 {offsets = [0, 0], sizes = [1, 128], strides = [1, 1]} : vector<1x1024xf32> to vector<1x128xf32>
    %add3A_219 = vector.broadcast %broadcast_in_dim3A : vector<1024x1xf32> to vector<1024x128xf32>
    %add3A_220 = vector.broadcast %slice3A_218 : vector<1x128xf32> to vector<1024x128xf32>
    %add3A_221 = arith.addf %add3A_219, %add3A_220 : vector<1024x128xf32>
    %slice3A_222 = vector.extract_strided_slice %dot_general3A_214 {offsets = [0, 0], sizes = [1024, 128], strides = [1, 1]} : vector<1024x1024xf32> to vector<1024x128xf32>
    %sub3A_223 = arith.subf %add3A_221, %slice3A_222 : vector<1024x128xf32>
    %lt3A_224 = arith.cmpf olt, %sub3A_223, %min3A_206 : vector<1024x128xf32>
    %min3A_225 = arith.minimumf %sub3A_223, %min3A_206 : vector<1024x128xf32>
    %jit3A_226 = arith.constant 16 : i32
    %broadcast_in_dim3A_227 = vector.broadcast %jit3A_226 : i32 to vector<1024x128xi32>
    %select_n3A_228 = arith.select %lt3A_224, %broadcast_in_dim3A_227, %select_n3A_209 : vector<1024x128xi1>, vector<1024x128xi32>
    %slice3A_229 = vector.extract_strided_slice %get3A_217 {offsets = [0, 128], sizes = [1, 128], strides = [1, 1]} : vector<1x1024xf32> to vector<1x128xf32>
    %add3A_230 = vector.broadcast %broadcast_in_dim3A : vector<1024x1xf32> to vector<1024x128xf32>
    %add3A_231 = vector.broadcast %slice3A_229 : vector<1x128xf32> to vector<1024x128xf32>
    %add3A_232 = arith.addf %add3A_230, %add3A_231 : vector<1024x128xf32>
    %slice3A_233 = vector.extract_strided_slice %dot_general3A_214 {offsets = [0, 128], sizes = [1024, 128], strides = [1, 1]} : vector<1024x1024xf32> to vector<1024x128xf32>
    %sub3A_234 = arith.subf %add3A_232, %slice3A_233 : vector<1024x128xf32>
    %lt3A_235 = arith.cmpf olt, %sub3A_234, %min3A_225 : vector<1024x128xf32>
    %min3A_236 = arith.minimumf %sub3A_234, %min3A_225 : vector<1024x128xf32>
    %jit3A_237 = arith.constant 17 : i32
    %broadcast_in_dim3A_238 = vector.broadcast %jit3A_237 : i32 to vector<1024x128xi32>
    %select_n3A_239 = arith.select %lt3A_235, %broadcast_in_dim3A_238, %select_n3A_228 : vector<1024x128xi1>, vector<1024x128xi32>
    %slice3A_240 = vector.extract_strided_slice %get3A_217 {offsets = [0, 256], sizes = [1, 128], strides = [1, 1]} : vector<1x1024xf32> to vector<1x128xf32>
    %add3A_241 = vector.broadcast %broadcast_in_dim3A : vector<1024x1xf32> to vector<1024x128xf32>
    %add3A_242 = vector.broadcast %slice3A_240 : vector<1x128xf32> to vector<1024x128xf32>
    %add3A_243 = arith.addf %add3A_241, %add3A_242 : vector<1024x128xf32>
    %slice3A_244 = vector.extract_strided_slice %dot_general3A_214 {offsets = [0, 256], sizes = [1024, 128], strides = [1, 1]} : vector<1024x1024xf32> to vector<1024x128xf32>
    %sub3A_245 = arith.subf %add3A_243, %slice3A_244 : vector<1024x128xf32>
    %lt3A_246 = arith.cmpf olt, %sub3A_245, %min3A_236 : vector<1024x128xf32>
    %min3A_247 = arith.minimumf %sub3A_245, %min3A_236 : vector<1024x128xf32>
    %jit3A_248 = arith.constant 18 : i32
    %broadcast_in_dim3A_249 = vector.broadcast %jit3A_248 : i32 to vector<1024x128xi32>
    %select_n3A_250 = arith.select %lt3A_246, %broadcast_in_dim3A_249, %select_n3A_239 : vector<1024x128xi1>, vector<1024x128xi32>
    %slice3A_251 = vector.extract_strided_slice %get3A_217 {offsets = [0, 384], sizes = [1, 128], strides = [1, 1]} : vector<1x1024xf32> to vector<1x128xf32>
    %add3A_252 = vector.broadcast %broadcast_in_dim3A : vector<1024x1xf32> to vector<1024x128xf32>
    %add3A_253 = vector.broadcast %slice3A_251 : vector<1x128xf32> to vector<1024x128xf32>
    %add3A_254 = arith.addf %add3A_252, %add3A_253 : vector<1024x128xf32>
    %slice3A_255 = vector.extract_strided_slice %dot_general3A_214 {offsets = [0, 384], sizes = [1024, 128], strides = [1, 1]} : vector<1024x1024xf32> to vector<1024x128xf32>
    %sub3A_256 = arith.subf %add3A_254, %slice3A_255 : vector<1024x128xf32>
    %lt3A_257 = arith.cmpf olt, %sub3A_256, %min3A_247 : vector<1024x128xf32>
    %min3A_258 = arith.minimumf %sub3A_256, %min3A_247 : vector<1024x128xf32>
    %jit3A_259 = arith.constant 19 : i32
    %broadcast_in_dim3A_260 = vector.broadcast %jit3A_259 : i32 to vector<1024x128xi32>
    %select_n3A_261 = arith.select %lt3A_257, %broadcast_in_dim3A_260, %select_n3A_250 : vector<1024x128xi1>, vector<1024x128xi32>
    %slice3A_262 = vector.extract_strided_slice %get3A_217 {offsets = [0, 512], sizes = [1, 128], strides = [1, 1]} : vector<1x1024xf32> to vector<1x128xf32>
    %add3A_263 = vector.broadcast %broadcast_in_dim3A : vector<1024x1xf32> to vector<1024x128xf32>
    %add3A_264 = vector.broadcast %slice3A_262 : vector<1x128xf32> to vector<1024x128xf32>
    %add3A_265 = arith.addf %add3A_263, %add3A_264 : vector<1024x128xf32>
    %slice3A_266 = vector.extract_strided_slice %dot_general3A_214 {offsets = [0, 512], sizes = [1024, 128], strides = [1, 1]} : vector<1024x1024xf32> to vector<1024x128xf32>
    %sub3A_267 = arith.subf %add3A_265, %slice3A_266 : vector<1024x128xf32>
    %lt3A_268 = arith.cmpf olt, %sub3A_267, %min3A_258 : vector<1024x128xf32>
    %min3A_269 = arith.minimumf %sub3A_267, %min3A_258 : vector<1024x128xf32>
    %jit3A_270 = arith.constant 20 : i32
    %broadcast_in_dim3A_271 = vector.broadcast %jit3A_270 : i32 to vector<1024x128xi32>
    %select_n3A_272 = arith.select %lt3A_268, %broadcast_in_dim3A_271, %select_n3A_261 : vector<1024x128xi1>, vector<1024x128xi32>
    %slice3A_273 = vector.extract_strided_slice %get3A_217 {offsets = [0, 640], sizes = [1, 128], strides = [1, 1]} : vector<1x1024xf32> to vector<1x128xf32>
    %add3A_274 = vector.broadcast %broadcast_in_dim3A : vector<1024x1xf32> to vector<1024x128xf32>
    %add3A_275 = vector.broadcast %slice3A_273 : vector<1x128xf32> to vector<1024x128xf32>
    %add3A_276 = arith.addf %add3A_274, %add3A_275 : vector<1024x128xf32>
    %slice3A_277 = vector.extract_strided_slice %dot_general3A_214 {offsets = [0, 640], sizes = [1024, 128], strides = [1, 1]} : vector<1024x1024xf32> to vector<1024x128xf32>
    %sub3A_278 = arith.subf %add3A_276, %slice3A_277 : vector<1024x128xf32>
    %lt3A_279 = arith.cmpf olt, %sub3A_278, %min3A_269 : vector<1024x128xf32>
    %min3A_280 = arith.minimumf %sub3A_278, %min3A_269 : vector<1024x128xf32>
    %jit3A_281 = arith.constant 21 : i32
    %broadcast_in_dim3A_282 = vector.broadcast %jit3A_281 : i32 to vector<1024x128xi32>
    %select_n3A_283 = arith.select %lt3A_279, %broadcast_in_dim3A_282, %select_n3A_272 : vector<1024x128xi1>, vector<1024x128xi32>
    %slice3A_284 = vector.extract_strided_slice %get3A_217 {offsets = [0, 768], sizes = [1, 128], strides = [1, 1]} : vector<1x1024xf32> to vector<1x128xf32>
    %add3A_285 = vector.broadcast %broadcast_in_dim3A : vector<1024x1xf32> to vector<1024x128xf32>
    %add3A_286 = vector.broadcast %slice3A_284 : vector<1x128xf32> to vector<1024x128xf32>
    %add3A_287 = arith.addf %add3A_285, %add3A_286 : vector<1024x128xf32>
    %slice3A_288 = vector.extract_strided_slice %dot_general3A_214 {offsets = [0, 768], sizes = [1024, 128], strides = [1, 1]} : vector<1024x1024xf32> to vector<1024x128xf32>
    %sub3A_289 = arith.subf %add3A_287, %slice3A_288 : vector<1024x128xf32>
    %lt3A_290 = arith.cmpf olt, %sub3A_289, %min3A_280 : vector<1024x128xf32>
    %min3A_291 = arith.minimumf %sub3A_289, %min3A_280 : vector<1024x128xf32>
    %jit3A_292 = arith.constant 22 : i32
    %broadcast_in_dim3A_293 = vector.broadcast %jit3A_292 : i32 to vector<1024x128xi32>
    %select_n3A_294 = arith.select %lt3A_290, %broadcast_in_dim3A_293, %select_n3A_283 : vector<1024x128xi1>, vector<1024x128xi32>
    %slice3A_295 = vector.extract_strided_slice %get3A_217 {offsets = [0, 896], sizes = [1, 128], strides = [1, 1]} : vector<1x1024xf32> to vector<1x128xf32>
    %add3A_296 = vector.broadcast %broadcast_in_dim3A : vector<1024x1xf32> to vector<1024x128xf32>
    %add3A_297 = vector.broadcast %slice3A_295 : vector<1x128xf32> to vector<1024x128xf32>
    %add3A_298 = arith.addf %add3A_296, %add3A_297 : vector<1024x128xf32>
    %slice3A_299 = vector.extract_strided_slice %dot_general3A_214 {offsets = [0, 896], sizes = [1024, 128], strides = [1, 1]} : vector<1024x1024xf32> to vector<1024x128xf32>
    %sub3A_300 = arith.subf %add3A_298, %slice3A_299 : vector<1024x128xf32>
    %lt3A_301 = arith.cmpf olt, %sub3A_300, %min3A_291 : vector<1024x128xf32>
    %min3A_302 = arith.minimumf %sub3A_300, %min3A_291 : vector<1024x128xf32>
    %jit3A_303 = arith.constant 23 : i32
    %broadcast_in_dim3A_304 = vector.broadcast %jit3A_303 : i32 to vector<1024x128xi32>
    %select_n3A_305 = arith.select %lt3A_301, %broadcast_in_dim3A_304, %select_n3A_294 : vector<1024x128xi1>, vector<1024x128xi32>
    %get3A_306 = arith.constant 3072 : index
    %get3A_307 = arith.constant 0 : index
    %get3A_308 = vector.load %arg3[%get3A_306, %get3A_307] : memref<8192x256xf32, #tpu.memory_space<vmem>>, vector<1024x256xf32>
    %dot_general3A_309 = arith.constant dense<0.000000e+00> : vector<1024x1024xf32>
    %dot_general3A_310 = tpu.matmul %add3A, %get3A_308, %dot_general3A_309 {dimension_numbers = #tpu.dot_dimension_numbers<[1], [1], [0], [0], [0, 0, 1, 0], [], []>, transpose_lhs_hint = false} : vector<1024x256xf32>, vector<1024x256xf32>, vector<1024x1024xf32> -> vector<1024x1024xf32>
    %get3A_311 = arith.constant 0 : index
    %get3A_312 = arith.constant 3072 : index
    %get3A_313 = vector.load %arg6[%get3A_311, %get3A_312] : memref<1x8192xf32, #tpu.memory_space<vmem>>, vector<1x1024xf32>
    %slice3A_314 = vector.extract_strided_slice %get3A_313 {offsets = [0, 0], sizes = [1, 128], strides = [1, 1]} : vector<1x1024xf32> to vector<1x128xf32>
    %add3A_315 = vector.broadcast %broadcast_in_dim3A : vector<1024x1xf32> to vector<1024x128xf32>
    %add3A_316 = vector.broadcast %slice3A_314 : vector<1x128xf32> to vector<1024x128xf32>
    %add3A_317 = arith.addf %add3A_315, %add3A_316 : vector<1024x128xf32>
    %slice3A_318 = vector.extract_strided_slice %dot_general3A_310 {offsets = [0, 0], sizes = [1024, 128], strides = [1, 1]} : vector<1024x1024xf32> to vector<1024x128xf32>
    %sub3A_319 = arith.subf %add3A_317, %slice3A_318 : vector<1024x128xf32>
    %lt3A_320 = arith.cmpf olt, %sub3A_319, %min3A_302 : vector<1024x128xf32>
    %min3A_321 = arith.minimumf %sub3A_319, %min3A_302 : vector<1024x128xf32>
    %jit3A_322 = arith.constant 24 : i32
    %broadcast_in_dim3A_323 = vector.broadcast %jit3A_322 : i32 to vector<1024x128xi32>
    %select_n3A_324 = arith.select %lt3A_320, %broadcast_in_dim3A_323, %select_n3A_305 : vector<1024x128xi1>, vector<1024x128xi32>
    %slice3A_325 = vector.extract_strided_slice %get3A_313 {offsets = [0, 128], sizes = [1, 128], strides = [1, 1]} : vector<1x1024xf32> to vector<1x128xf32>
    %add3A_326 = vector.broadcast %broadcast_in_dim3A : vector<1024x1xf32> to vector<1024x128xf32>
    %add3A_327 = vector.broadcast %slice3A_325 : vector<1x128xf32> to vector<1024x128xf32>
    %add3A_328 = arith.addf %add3A_326, %add3A_327 : vector<1024x128xf32>
    %slice3A_329 = vector.extract_strided_slice %dot_general3A_310 {offsets = [0, 128], sizes = [1024, 128], strides = [1, 1]} : vector<1024x1024xf32> to vector<1024x128xf32>
    %sub3A_330 = arith.subf %add3A_328, %slice3A_329 : vector<1024x128xf32>
    %lt3A_331 = arith.cmpf olt, %sub3A_330, %min3A_321 : vector<1024x128xf32>
    %min3A_332 = arith.minimumf %sub3A_330, %min3A_321 : vector<1024x128xf32>
    %jit3A_333 = arith.constant 25 : i32
    %broadcast_in_dim3A_334 = vector.broadcast %jit3A_333 : i32 to vector<1024x128xi32>
    %select_n3A_335 = arith.select %lt3A_331, %broadcast_in_dim3A_334, %select_n3A_324 : vector<1024x128xi1>, vector<1024x128xi32>
    %slice3A_336 = vector.extract_strided_slice %get3A_313 {offsets = [0, 256], sizes = [1, 128], strides = [1, 1]} : vector<1x1024xf32> to vector<1x128xf32>
    %add3A_337 = vector.broadcast %broadcast_in_dim3A : vector<1024x1xf32> to vector<1024x128xf32>
    %add3A_338 = vector.broadcast %slice3A_336 : vector<1x128xf32> to vector<1024x128xf32>
    %add3A_339 = arith.addf %add3A_337, %add3A_338 : vector<1024x128xf32>
    %slice3A_340 = vector.extract_strided_slice %dot_general3A_310 {offsets = [0, 256], sizes = [1024, 128], strides = [1, 1]} : vector<1024x1024xf32> to vector<1024x128xf32>
    %sub3A_341 = arith.subf %add3A_339, %slice3A_340 : vector<1024x128xf32>
    %lt3A_342 = arith.cmpf olt, %sub3A_341, %min3A_332 : vector<1024x128xf32>
    %min3A_343 = arith.minimumf %sub3A_341, %min3A_332 : vector<1024x128xf32>
    %jit3A_344 = arith.constant 26 : i32
    %broadcast_in_dim3A_345 = vector.broadcast %jit3A_344 : i32 to vector<1024x128xi32>
    %select_n3A_346 = arith.select %lt3A_342, %broadcast_in_dim3A_345, %select_n3A_335 : vector<1024x128xi1>, vector<1024x128xi32>
    %slice3A_347 = vector.extract_strided_slice %get3A_313 {offsets = [0, 384], sizes = [1, 128], strides = [1, 1]} : vector<1x1024xf32> to vector<1x128xf32>
    %add3A_348 = vector.broadcast %broadcast_in_dim3A : vector<1024x1xf32> to vector<1024x128xf32>
    %add3A_349 = vector.broadcast %slice3A_347 : vector<1x128xf32> to vector<1024x128xf32>
    %add3A_350 = arith.addf %add3A_348, %add3A_349 : vector<1024x128xf32>
    %slice3A_351 = vector.extract_strided_slice %dot_general3A_310 {offsets = [0, 384], sizes = [1024, 128], strides = [1, 1]} : vector<1024x1024xf32> to vector<1024x128xf32>
    %sub3A_352 = arith.subf %add3A_350, %slice3A_351 : vector<1024x128xf32>
    %lt3A_353 = arith.cmpf olt, %sub3A_352, %min3A_343 : vector<1024x128xf32>
    %min3A_354 = arith.minimumf %sub3A_352, %min3A_343 : vector<1024x128xf32>
    %jit3A_355 = arith.constant 27 : i32
    %broadcast_in_dim3A_356 = vector.broadcast %jit3A_355 : i32 to vector<1024x128xi32>
    %select_n3A_357 = arith.select %lt3A_353, %broadcast_in_dim3A_356, %select_n3A_346 : vector<1024x128xi1>, vector<1024x128xi32>
    %slice3A_358 = vector.extract_strided_slice %get3A_313 {offsets = [0, 512], sizes = [1, 128], strides = [1, 1]} : vector<1x1024xf32> to vector<1x128xf32>
    %add3A_359 = vector.broadcast %broadcast_in_dim3A : vector<1024x1xf32> to vector<1024x128xf32>
    %add3A_360 = vector.broadcast %slice3A_358 : vector<1x128xf32> to vector<1024x128xf32>
    %add3A_361 = arith.addf %add3A_359, %add3A_360 : vector<1024x128xf32>
    %slice3A_362 = vector.extract_strided_slice %dot_general3A_310 {offsets = [0, 512], sizes = [1024, 128], strides = [1, 1]} : vector<1024x1024xf32> to vector<1024x128xf32>
    %sub3A_363 = arith.subf %add3A_361, %slice3A_362 : vector<1024x128xf32>
    %lt3A_364 = arith.cmpf olt, %sub3A_363, %min3A_354 : vector<1024x128xf32>
    %min3A_365 = arith.minimumf %sub3A_363, %min3A_354 : vector<1024x128xf32>
    %jit3A_366 = arith.constant 28 : i32
    %broadcast_in_dim3A_367 = vector.broadcast %jit3A_366 : i32 to vector<1024x128xi32>
    %select_n3A_368 = arith.select %lt3A_364, %broadcast_in_dim3A_367, %select_n3A_357 : vector<1024x128xi1>, vector<1024x128xi32>
    %slice3A_369 = vector.extract_strided_slice %get3A_313 {offsets = [0, 640], sizes = [1, 128], strides = [1, 1]} : vector<1x1024xf32> to vector<1x128xf32>
    %add3A_370 = vector.broadcast %broadcast_in_dim3A : vector<1024x1xf32> to vector<1024x128xf32>
    %add3A_371 = vector.broadcast %slice3A_369 : vector<1x128xf32> to vector<1024x128xf32>
    %add3A_372 = arith.addf %add3A_370, %add3A_371 : vector<1024x128xf32>
    %slice3A_373 = vector.extract_strided_slice %dot_general3A_310 {offsets = [0, 640], sizes = [1024, 128], strides = [1, 1]} : vector<1024x1024xf32> to vector<1024x128xf32>
    %sub3A_374 = arith.subf %add3A_372, %slice3A_373 : vector<1024x128xf32>
    %lt3A_375 = arith.cmpf olt, %sub3A_374, %min3A_365 : vector<1024x128xf32>
    %min3A_376 = arith.minimumf %sub3A_374, %min3A_365 : vector<1024x128xf32>
    %jit3A_377 = arith.constant 29 : i32
    %broadcast_in_dim3A_378 = vector.broadcast %jit3A_377 : i32 to vector<1024x128xi32>
    %select_n3A_379 = arith.select %lt3A_375, %broadcast_in_dim3A_378, %select_n3A_368 : vector<1024x128xi1>, vector<1024x128xi32>
    %slice3A_380 = vector.extract_strided_slice %get3A_313 {offsets = [0, 768], sizes = [1, 128], strides = [1, 1]} : vector<1x1024xf32> to vector<1x128xf32>
    %add3A_381 = vector.broadcast %broadcast_in_dim3A : vector<1024x1xf32> to vector<1024x128xf32>
    %add3A_382 = vector.broadcast %slice3A_380 : vector<1x128xf32> to vector<1024x128xf32>
    %add3A_383 = arith.addf %add3A_381, %add3A_382 : vector<1024x128xf32>
    %slice3A_384 = vector.extract_strided_slice %dot_general3A_310 {offsets = [0, 768], sizes = [1024, 128], strides = [1, 1]} : vector<1024x1024xf32> to vector<1024x128xf32>
    %sub3A_385 = arith.subf %add3A_383, %slice3A_384 : vector<1024x128xf32>
    %lt3A_386 = arith.cmpf olt, %sub3A_385, %min3A_376 : vector<1024x128xf32>
    %min3A_387 = arith.minimumf %sub3A_385, %min3A_376 : vector<1024x128xf32>
    %jit3A_388 = arith.constant 30 : i32
    %broadcast_in_dim3A_389 = vector.broadcast %jit3A_388 : i32 to vector<1024x128xi32>
    %select_n3A_390 = arith.select %lt3A_386, %broadcast_in_dim3A_389, %select_n3A_379 : vector<1024x128xi1>, vector<1024x128xi32>
    %slice3A_391 = vector.extract_strided_slice %get3A_313 {offsets = [0, 896], sizes = [1, 128], strides = [1, 1]} : vector<1x1024xf32> to vector<1x128xf32>
    %add3A_392 = vector.broadcast %broadcast_in_dim3A : vector<1024x1xf32> to vector<1024x128xf32>
    %add3A_393 = vector.broadcast %slice3A_391 : vector<1x128xf32> to vector<1024x128xf32>
    %add3A_394 = arith.addf %add3A_392, %add3A_393 : vector<1024x128xf32>
    %slice3A_395 = vector.extract_strided_slice %dot_general3A_310 {offsets = [0, 896], sizes = [1024, 128], strides = [1, 1]} : vector<1024x1024xf32> to vector<1024x128xf32>
    %sub3A_396 = arith.subf %add3A_394, %slice3A_395 : vector<1024x128xf32>
    %lt3A_397 = arith.cmpf olt, %sub3A_396, %min3A_387 : vector<1024x128xf32>
    %min3A_398 = arith.minimumf %sub3A_396, %min3A_387 : vector<1024x128xf32>
    %jit3A_399 = arith.constant 31 : i32
    %broadcast_in_dim3A_400 = vector.broadcast %jit3A_399 : i32 to vector<1024x128xi32>
    %select_n3A_401 = arith.select %lt3A_397, %broadcast_in_dim3A_400, %select_n3A_390 : vector<1024x128xi1>, vector<1024x128xi32>
    %get3A_402 = arith.constant 4096 : index
    %get3A_403 = arith.constant 0 : index
    %get3A_404 = vector.load %arg3[%get3A_402, %get3A_403] : memref<8192x256xf32, #tpu.memory_space<vmem>>, vector<1024x256xf32>
    %dot_general3A_405 = arith.constant dense<0.000000e+00> : vector<1024x1024xf32>
    %dot_general3A_406 = tpu.matmul %add3A, %get3A_404, %dot_general3A_405 {dimension_numbers = #tpu.dot_dimension_numbers<[1], [1], [0], [0], [0, 0, 1, 0], [], []>, transpose_lhs_hint = false} : vector<1024x256xf32>, vector<1024x256xf32>, vector<1024x1024xf32> -> vector<1024x1024xf32>
    %get3A_407 = arith.constant 0 : index
    %get3A_408 = arith.constant 4096 : index
    %get3A_409 = vector.load %arg6[%get3A_407, %get3A_408] : memref<1x8192xf32, #tpu.memory_space<vmem>>, vector<1x1024xf32>
    %slice3A_410 = vector.extract_strided_slice %get3A_409 {offsets = [0, 0], sizes = [1, 128], strides = [1, 1]} : vector<1x1024xf32> to vector<1x128xf32>
    %add3A_411 = vector.broadcast %broadcast_in_dim3A : vector<1024x1xf32> to vector<1024x128xf32>
    %add3A_412 = vector.broadcast %slice3A_410 : vector<1x128xf32> to vector<1024x128xf32>
    %add3A_413 = arith.addf %add3A_411, %add3A_412 : vector<1024x128xf32>
    %slice3A_414 = vector.extract_strided_slice %dot_general3A_406 {offsets = [0, 0], sizes = [1024, 128], strides = [1, 1]} : vector<1024x1024xf32> to vector<1024x128xf32>
    %sub3A_415 = arith.subf %add3A_413, %slice3A_414 : vector<1024x128xf32>
    %lt3A_416 = arith.cmpf olt, %sub3A_415, %min3A_398 : vector<1024x128xf32>
    %min3A_417 = arith.minimumf %sub3A_415, %min3A_398 : vector<1024x128xf32>
    %jit3A_418 = arith.constant 32 : i32
    %broadcast_in_dim3A_419 = vector.broadcast %jit3A_418 : i32 to vector<1024x128xi32>
    %select_n3A_420 = arith.select %lt3A_416, %broadcast_in_dim3A_419, %select_n3A_401 : vector<1024x128xi1>, vector<1024x128xi32>
    %slice3A_421 = vector.extract_strided_slice %get3A_409 {offsets = [0, 128], sizes = [1, 128], strides = [1, 1]} : vector<1x1024xf32> to vector<1x128xf32>
    %add3A_422 = vector.broadcast %broadcast_in_dim3A : vector<1024x1xf32> to vector<1024x128xf32>
    %add3A_423 = vector.broadcast %slice3A_421 : vector<1x128xf32> to vector<1024x128xf32>
    %add3A_424 = arith.addf %add3A_422, %add3A_423 : vector<1024x128xf32>
    %slice3A_425 = vector.extract_strided_slice %dot_general3A_406 {offsets = [0, 128], sizes = [1024, 128], strides = [1, 1]} : vector<1024x1024xf32> to vector<1024x128xf32>
    %sub3A_426 = arith.subf %add3A_424, %slice3A_425 : vector<1024x128xf32>
    %lt3A_427 = arith.cmpf olt, %sub3A_426, %min3A_417 : vector<1024x128xf32>
    %min3A_428 = arith.minimumf %sub3A_426, %min3A_417 : vector<1024x128xf32>
    %jit3A_429 = arith.constant 33 : i32
    %broadcast_in_dim3A_430 = vector.broadcast %jit3A_429 : i32 to vector<1024x128xi32>
    %select_n3A_431 = arith.select %lt3A_427, %broadcast_in_dim3A_430, %select_n3A_420 : vector<1024x128xi1>, vector<1024x128xi32>
    %slice3A_432 = vector.extract_strided_slice %get3A_409 {offsets = [0, 256], sizes = [1, 128], strides = [1, 1]} : vector<1x1024xf32> to vector<1x128xf32>
    %add3A_433 = vector.broadcast %broadcast_in_dim3A : vector<1024x1xf32> to vector<1024x128xf32>
    %add3A_434 = vector.broadcast %slice3A_432 : vector<1x128xf32> to vector<1024x128xf32>
    %add3A_435 = arith.addf %add3A_433, %add3A_434 : vector<1024x128xf32>
    %slice3A_436 = vector.extract_strided_slice %dot_general3A_406 {offsets = [0, 256], sizes = [1024, 128], strides = [1, 1]} : vector<1024x1024xf32> to vector<1024x128xf32>
    %sub3A_437 = arith.subf %add3A_435, %slice3A_436 : vector<1024x128xf32>
    %lt3A_438 = arith.cmpf olt, %sub3A_437, %min3A_428 : vector<1024x128xf32>
    %min3A_439 = arith.minimumf %sub3A_437, %min3A_428 : vector<1024x128xf32>
    %jit3A_440 = arith.constant 34 : i32
    %broadcast_in_dim3A_441 = vector.broadcast %jit3A_440 : i32 to vector<1024x128xi32>
    %select_n3A_442 = arith.select %lt3A_438, %broadcast_in_dim3A_441, %select_n3A_431 : vector<1024x128xi1>, vector<1024x128xi32>
    %slice3A_443 = vector.extract_strided_slice %get3A_409 {offsets = [0, 384], sizes = [1, 128], strides = [1, 1]} : vector<1x1024xf32> to vector<1x128xf32>
    %add3A_444 = vector.broadcast %broadcast_in_dim3A : vector<1024x1xf32> to vector<1024x128xf32>
    %add3A_445 = vector.broadcast %slice3A_443 : vector<1x128xf32> to vector<1024x128xf32>
    %add3A_446 = arith.addf %add3A_444, %add3A_445 : vector<1024x128xf32>
    %slice3A_447 = vector.extract_strided_slice %dot_general3A_406 {offsets = [0, 384], sizes = [1024, 128], strides = [1, 1]} : vector<1024x1024xf32> to vector<1024x128xf32>
    %sub3A_448 = arith.subf %add3A_446, %slice3A_447 : vector<1024x128xf32>
    %lt3A_449 = arith.cmpf olt, %sub3A_448, %min3A_439 : vector<1024x128xf32>
    %min3A_450 = arith.minimumf %sub3A_448, %min3A_439 : vector<1024x128xf32>
    %jit3A_451 = arith.constant 35 : i32
    %broadcast_in_dim3A_452 = vector.broadcast %jit3A_451 : i32 to vector<1024x128xi32>
    %select_n3A_453 = arith.select %lt3A_449, %broadcast_in_dim3A_452, %select_n3A_442 : vector<1024x128xi1>, vector<1024x128xi32>
    %slice3A_454 = vector.extract_strided_slice %get3A_409 {offsets = [0, 512], sizes = [1, 128], strides = [1, 1]} : vector<1x1024xf32> to vector<1x128xf32>
    %add3A_455 = vector.broadcast %broadcast_in_dim3A : vector<1024x1xf32> to vector<1024x128xf32>
    %add3A_456 = vector.broadcast %slice3A_454 : vector<1x128xf32> to vector<1024x128xf32>
    %add3A_457 = arith.addf %add3A_455, %add3A_456 : vector<1024x128xf32>
    %slice3A_458 = vector.extract_strided_slice %dot_general3A_406 {offsets = [0, 512], sizes = [1024, 128], strides = [1, 1]} : vector<1024x1024xf32> to vector<1024x128xf32>
    %sub3A_459 = arith.subf %add3A_457, %slice3A_458 : vector<1024x128xf32>
    %lt3A_460 = arith.cmpf olt, %sub3A_459, %min3A_450 : vector<1024x128xf32>
    %min3A_461 = arith.minimumf %sub3A_459, %min3A_450 : vector<1024x128xf32>
    %jit3A_462 = arith.constant 36 : i32
    %broadcast_in_dim3A_463 = vector.broadcast %jit3A_462 : i32 to vector<1024x128xi32>
    %select_n3A_464 = arith.select %lt3A_460, %broadcast_in_dim3A_463, %select_n3A_453 : vector<1024x128xi1>, vector<1024x128xi32>
    %slice3A_465 = vector.extract_strided_slice %get3A_409 {offsets = [0, 640], sizes = [1, 128], strides = [1, 1]} : vector<1x1024xf32> to vector<1x128xf32>
    %add3A_466 = vector.broadcast %broadcast_in_dim3A : vector<1024x1xf32> to vector<1024x128xf32>
    %add3A_467 = vector.broadcast %slice3A_465 : vector<1x128xf32> to vector<1024x128xf32>
    %add3A_468 = arith.addf %add3A_466, %add3A_467 : vector<1024x128xf32>
    %slice3A_469 = vector.extract_strided_slice %dot_general3A_406 {offsets = [0, 640], sizes = [1024, 128], strides = [1, 1]} : vector<1024x1024xf32> to vector<1024x128xf32>
    %sub3A_470 = arith.subf %add3A_468, %slice3A_469 : vector<1024x128xf32>
    %lt3A_471 = arith.cmpf olt, %sub3A_470, %min3A_461 : vector<1024x128xf32>
    %min3A_472 = arith.minimumf %sub3A_470, %min3A_461 : vector<1024x128xf32>
    %jit3A_473 = arith.constant 37 : i32
    %broadcast_in_dim3A_474 = vector.broadcast %jit3A_473 : i32 to vector<1024x128xi32>
    %select_n3A_475 = arith.select %lt3A_471, %broadcast_in_dim3A_474, %select_n3A_464 : vector<1024x128xi1>, vector<1024x128xi32>
    %slice3A_476 = vector.extract_strided_slice %get3A_409 {offsets = [0, 768], sizes = [1, 128], strides = [1, 1]} : vector<1x1024xf32> to vector<1x128xf32>
    %add3A_477 = vector.broadcast %broadcast_in_dim3A : vector<1024x1xf32> to vector<1024x128xf32>
    %add3A_478 = vector.broadcast %slice3A_476 : vector<1x128xf32> to vector<1024x128xf32>
    %add3A_479 = arith.addf %add3A_477, %add3A_478 : vector<1024x128xf32>
    %slice3A_480 = vector.extract_strided_slice %dot_general3A_406 {offsets = [0, 768], sizes = [1024, 128], strides = [1, 1]} : vector<1024x1024xf32> to vector<1024x128xf32>
    %sub3A_481 = arith.subf %add3A_479, %slice3A_480 : vector<1024x128xf32>
    %lt3A_482 = arith.cmpf olt, %sub3A_481, %min3A_472 : vector<1024x128xf32>
    %min3A_483 = arith.minimumf %sub3A_481, %min3A_472 : vector<1024x128xf32>
    %jit3A_484 = arith.constant 38 : i32
    %broadcast_in_dim3A_485 = vector.broadcast %jit3A_484 : i32 to vector<1024x128xi32>
    %select_n3A_486 = arith.select %lt3A_482, %broadcast_in_dim3A_485, %select_n3A_475 : vector<1024x128xi1>, vector<1024x128xi32>
    %slice3A_487 = vector.extract_strided_slice %get3A_409 {offsets = [0, 896], sizes = [1, 128], strides = [1, 1]} : vector<1x1024xf32> to vector<1x128xf32>
    %add3A_488 = vector.broadcast %broadcast_in_dim3A : vector<1024x1xf32> to vector<1024x128xf32>
    %add3A_489 = vector.broadcast %slice3A_487 : vector<1x128xf32> to vector<1024x128xf32>
    %add3A_490 = arith.addf %add3A_488, %add3A_489 : vector<1024x128xf32>
    %slice3A_491 = vector.extract_strided_slice %dot_general3A_406 {offsets = [0, 896], sizes = [1024, 128], strides = [1, 1]} : vector<1024x1024xf32> to vector<1024x128xf32>
    %sub3A_492 = arith.subf %add3A_490, %slice3A_491 : vector<1024x128xf32>
    %lt3A_493 = arith.cmpf olt, %sub3A_492, %min3A_483 : vector<1024x128xf32>
    %min3A_494 = arith.minimumf %sub3A_492, %min3A_483 : vector<1024x128xf32>
    %jit3A_495 = arith.constant 39 : i32
    %broadcast_in_dim3A_496 = vector.broadcast %jit3A_495 : i32 to vector<1024x128xi32>
    %select_n3A_497 = arith.select %lt3A_493, %broadcast_in_dim3A_496, %select_n3A_486 : vector<1024x128xi1>, vector<1024x128xi32>
    %get3A_498 = arith.constant 5120 : index
    %get3A_499 = arith.constant 0 : index
    %get3A_500 = vector.load %arg3[%get3A_498, %get3A_499] : memref<8192x256xf32, #tpu.memory_space<vmem>>, vector<1024x256xf32>
    %dot_general3A_501 = arith.constant dense<0.000000e+00> : vector<1024x1024xf32>
    %dot_general3A_502 = tpu.matmul %add3A, %get3A_500, %dot_general3A_501 {dimension_numbers = #tpu.dot_dimension_numbers<[1], [1], [0], [0], [0, 0, 1, 0], [], []>, transpose_lhs_hint = false} : vector<1024x256xf32>, vector<1024x256xf32>, vector<1024x1024xf32> -> vector<1024x1024xf32>
    %get3A_503 = arith.constant 0 : index
    %get3A_504 = arith.constant 5120 : index
    %get3A_505 = vector.load %arg6[%get3A_503, %get3A_504] : memref<1x8192xf32, #tpu.memory_space<vmem>>, vector<1x1024xf32>
    %slice3A_506 = vector.extract_strided_slice %get3A_505 {offsets = [0, 0], sizes = [1, 128], strides = [1, 1]} : vector<1x1024xf32> to vector<1x128xf32>
    %add3A_507 = vector.broadcast %broadcast_in_dim3A : vector<1024x1xf32> to vector<1024x128xf32>
    %add3A_508 = vector.broadcast %slice3A_506 : vector<1x128xf32> to vector<1024x128xf32>
    %add3A_509 = arith.addf %add3A_507, %add3A_508 : vector<1024x128xf32>
    %slice3A_510 = vector.extract_strided_slice %dot_general3A_502 {offsets = [0, 0], sizes = [1024, 128], strides = [1, 1]} : vector<1024x1024xf32> to vector<1024x128xf32>
    %sub3A_511 = arith.subf %add3A_509, %slice3A_510 : vector<1024x128xf32>
    %lt3A_512 = arith.cmpf olt, %sub3A_511, %min3A_494 : vector<1024x128xf32>
    %min3A_513 = arith.minimumf %sub3A_511, %min3A_494 : vector<1024x128xf32>
    %jit3A_514 = arith.constant 40 : i32
    %broadcast_in_dim3A_515 = vector.broadcast %jit3A_514 : i32 to vector<1024x128xi32>
    %select_n3A_516 = arith.select %lt3A_512, %broadcast_in_dim3A_515, %select_n3A_497 : vector<1024x128xi1>, vector<1024x128xi32>
    %slice3A_517 = vector.extract_strided_slice %get3A_505 {offsets = [0, 128], sizes = [1, 128], strides = [1, 1]} : vector<1x1024xf32> to vector<1x128xf32>
    %add3A_518 = vector.broadcast %broadcast_in_dim3A : vector<1024x1xf32> to vector<1024x128xf32>
    %add3A_519 = vector.broadcast %slice3A_517 : vector<1x128xf32> to vector<1024x128xf32>
    %add3A_520 = arith.addf %add3A_518, %add3A_519 : vector<1024x128xf32>
    %slice3A_521 = vector.extract_strided_slice %dot_general3A_502 {offsets = [0, 128], sizes = [1024, 128], strides = [1, 1]} : vector<1024x1024xf32> to vector<1024x128xf32>
    %sub3A_522 = arith.subf %add3A_520, %slice3A_521 : vector<1024x128xf32>
    %lt3A_523 = arith.cmpf olt, %sub3A_522, %min3A_513 : vector<1024x128xf32>
    %min3A_524 = arith.minimumf %sub3A_522, %min3A_513 : vector<1024x128xf32>
    %jit3A_525 = arith.constant 41 : i32
    %broadcast_in_dim3A_526 = vector.broadcast %jit3A_525 : i32 to vector<1024x128xi32>
    %select_n3A_527 = arith.select %lt3A_523, %broadcast_in_dim3A_526, %select_n3A_516 : vector<1024x128xi1>, vector<1024x128xi32>
    %slice3A_528 = vector.extract_strided_slice %get3A_505 {offsets = [0, 256], sizes = [1, 128], strides = [1, 1]} : vector<1x1024xf32> to vector<1x128xf32>
    %add3A_529 = vector.broadcast %broadcast_in_dim3A : vector<1024x1xf32> to vector<1024x128xf32>
    %add3A_530 = vector.broadcast %slice3A_528 : vector<1x128xf32> to vector<1024x128xf32>
    %add3A_531 = arith.addf %add3A_529, %add3A_530 : vector<1024x128xf32>
    %slice3A_532 = vector.extract_strided_slice %dot_general3A_502 {offsets = [0, 256], sizes = [1024, 128], strides = [1, 1]} : vector<1024x1024xf32> to vector<1024x128xf32>
    %sub3A_533 = arith.subf %add3A_531, %slice3A_532 : vector<1024x128xf32>
    %lt3A_534 = arith.cmpf olt, %sub3A_533, %min3A_524 : vector<1024x128xf32>
    %min3A_535 = arith.minimumf %sub3A_533, %min3A_524 : vector<1024x128xf32>
    %jit3A_536 = arith.constant 42 : i32
    %broadcast_in_dim3A_537 = vector.broadcast %jit3A_536 : i32 to vector<1024x128xi32>
    %select_n3A_538 = arith.select %lt3A_534, %broadcast_in_dim3A_537, %select_n3A_527 : vector<1024x128xi1>, vector<1024x128xi32>
    %slice3A_539 = vector.extract_strided_slice %get3A_505 {offsets = [0, 384], sizes = [1, 128], strides = [1, 1]} : vector<1x1024xf32> to vector<1x128xf32>
    %add3A_540 = vector.broadcast %broadcast_in_dim3A : vector<1024x1xf32> to vector<1024x128xf32>
    %add3A_541 = vector.broadcast %slice3A_539 : vector<1x128xf32> to vector<1024x128xf32>
    %add3A_542 = arith.addf %add3A_540, %add3A_541 : vector<1024x128xf32>
    %slice3A_543 = vector.extract_strided_slice %dot_general3A_502 {offsets = [0, 384], sizes = [1024, 128], strides = [1, 1]} : vector<1024x1024xf32> to vector<1024x128xf32>
    %sub3A_544 = arith.subf %add3A_542, %slice3A_543 : vector<1024x128xf32>
    %lt3A_545 = arith.cmpf olt, %sub3A_544, %min3A_535 : vector<1024x128xf32>
    %min3A_546 = arith.minimumf %sub3A_544, %min3A_535 : vector<1024x128xf32>
    %jit3A_547 = arith.constant 43 : i32
    %broadcast_in_dim3A_548 = vector.broadcast %jit3A_547 : i32 to vector<1024x128xi32>
    %select_n3A_549 = arith.select %lt3A_545, %broadcast_in_dim3A_548, %select_n3A_538 : vector<1024x128xi1>, vector<1024x128xi32>
    %slice3A_550 = vector.extract_strided_slice %get3A_505 {offsets = [0, 512], sizes = [1, 128], strides = [1, 1]} : vector<1x1024xf32> to vector<1x128xf32>
    %add3A_551 = vector.broadcast %broadcast_in_dim3A : vector<1024x1xf32> to vector<1024x128xf32>
    %add3A_552 = vector.broadcast %slice3A_550 : vector<1x128xf32> to vector<1024x128xf32>
    %add3A_553 = arith.addf %add3A_551, %add3A_552 : vector<1024x128xf32>
    %slice3A_554 = vector.extract_strided_slice %dot_general3A_502 {offsets = [0, 512], sizes = [1024, 128], strides = [1, 1]} : vector<1024x1024xf32> to vector<1024x128xf32>
    %sub3A_555 = arith.subf %add3A_553, %slice3A_554 : vector<1024x128xf32>
    %lt3A_556 = arith.cmpf olt, %sub3A_555, %min3A_546 : vector<1024x128xf32>
    %min3A_557 = arith.minimumf %sub3A_555, %min3A_546 : vector<1024x128xf32>
    %jit3A_558 = arith.constant 44 : i32
    %broadcast_in_dim3A_559 = vector.broadcast %jit3A_558 : i32 to vector<1024x128xi32>
    %select_n3A_560 = arith.select %lt3A_556, %broadcast_in_dim3A_559, %select_n3A_549 : vector<1024x128xi1>, vector<1024x128xi32>
    %slice3A_561 = vector.extract_strided_slice %get3A_505 {offsets = [0, 640], sizes = [1, 128], strides = [1, 1]} : vector<1x1024xf32> to vector<1x128xf32>
    %add3A_562 = vector.broadcast %broadcast_in_dim3A : vector<1024x1xf32> to vector<1024x128xf32>
    %add3A_563 = vector.broadcast %slice3A_561 : vector<1x128xf32> to vector<1024x128xf32>
    %add3A_564 = arith.addf %add3A_562, %add3A_563 : vector<1024x128xf32>
    %slice3A_565 = vector.extract_strided_slice %dot_general3A_502 {offsets = [0, 640], sizes = [1024, 128], strides = [1, 1]} : vector<1024x1024xf32> to vector<1024x128xf32>
    %sub3A_566 = arith.subf %add3A_564, %slice3A_565 : vector<1024x128xf32>
    %lt3A_567 = arith.cmpf olt, %sub3A_566, %min3A_557 : vector<1024x128xf32>
    %min3A_568 = arith.minimumf %sub3A_566, %min3A_557 : vector<1024x128xf32>
    %jit3A_569 = arith.constant 45 : i32
    %broadcast_in_dim3A_570 = vector.broadcast %jit3A_569 : i32 to vector<1024x128xi32>
    %select_n3A_571 = arith.select %lt3A_567, %broadcast_in_dim3A_570, %select_n3A_560 : vector<1024x128xi1>, vector<1024x128xi32>
    %slice3A_572 = vector.extract_strided_slice %get3A_505 {offsets = [0, 768], sizes = [1, 128], strides = [1, 1]} : vector<1x1024xf32> to vector<1x128xf32>
    %add3A_573 = vector.broadcast %broadcast_in_dim3A : vector<1024x1xf32> to vector<1024x128xf32>
    %add3A_574 = vector.broadcast %slice3A_572 : vector<1x128xf32> to vector<1024x128xf32>
    %add3A_575 = arith.addf %add3A_573, %add3A_574 : vector<1024x128xf32>
    %slice3A_576 = vector.extract_strided_slice %dot_general3A_502 {offsets = [0, 768], sizes = [1024, 128], strides = [1, 1]} : vector<1024x1024xf32> to vector<1024x128xf32>
    %sub3A_577 = arith.subf %add3A_575, %slice3A_576 : vector<1024x128xf32>
    %lt3A_578 = arith.cmpf olt, %sub3A_577, %min3A_568 : vector<1024x128xf32>
    %min3A_579 = arith.minimumf %sub3A_577, %min3A_568 : vector<1024x128xf32>
    %jit3A_580 = arith.constant 46 : i32
    %broadcast_in_dim3A_581 = vector.broadcast %jit3A_580 : i32 to vector<1024x128xi32>
    %select_n3A_582 = arith.select %lt3A_578, %broadcast_in_dim3A_581, %select_n3A_571 : vector<1024x128xi1>, vector<1024x128xi32>
    %slice3A_583 = vector.extract_strided_slice %get3A_505 {offsets = [0, 896], sizes = [1, 128], strides = [1, 1]} : vector<1x1024xf32> to vector<1x128xf32>
    %add3A_584 = vector.broadcast %broadcast_in_dim3A : vector<1024x1xf32> to vector<1024x128xf32>
    %add3A_585 = vector.broadcast %slice3A_583 : vector<1x128xf32> to vector<1024x128xf32>
    %add3A_586 = arith.addf %add3A_584, %add3A_585 : vector<1024x128xf32>
    %slice3A_587 = vector.extract_strided_slice %dot_general3A_502 {offsets = [0, 896], sizes = [1024, 128], strides = [1, 1]} : vector<1024x1024xf32> to vector<1024x128xf32>
    %sub3A_588 = arith.subf %add3A_586, %slice3A_587 : vector<1024x128xf32>
    %lt3A_589 = arith.cmpf olt, %sub3A_588, %min3A_579 : vector<1024x128xf32>
    %min3A_590 = arith.minimumf %sub3A_588, %min3A_579 : vector<1024x128xf32>
    %jit3A_591 = arith.constant 47 : i32
    %broadcast_in_dim3A_592 = vector.broadcast %jit3A_591 : i32 to vector<1024x128xi32>
    %select_n3A_593 = arith.select %lt3A_589, %broadcast_in_dim3A_592, %select_n3A_582 : vector<1024x128xi1>, vector<1024x128xi32>
    %get3A_594 = arith.constant 6144 : index
    %get3A_595 = arith.constant 0 : index
    %get3A_596 = vector.load %arg3[%get3A_594, %get3A_595] : memref<8192x256xf32, #tpu.memory_space<vmem>>, vector<1024x256xf32>
    %dot_general3A_597 = arith.constant dense<0.000000e+00> : vector<1024x1024xf32>
    %dot_general3A_598 = tpu.matmul %add3A, %get3A_596, %dot_general3A_597 {dimension_numbers = #tpu.dot_dimension_numbers<[1], [1], [0], [0], [0, 0, 1, 0], [], []>, transpose_lhs_hint = false} : vector<1024x256xf32>, vector<1024x256xf32>, vector<1024x1024xf32> -> vector<1024x1024xf32>
    %get3A_599 = arith.constant 0 : index
    %get3A_600 = arith.constant 6144 : index
    %get3A_601 = vector.load %arg6[%get3A_599, %get3A_600] : memref<1x8192xf32, #tpu.memory_space<vmem>>, vector<1x1024xf32>
    %slice3A_602 = vector.extract_strided_slice %get3A_601 {offsets = [0, 0], sizes = [1, 128], strides = [1, 1]} : vector<1x1024xf32> to vector<1x128xf32>
    %add3A_603 = vector.broadcast %broadcast_in_dim3A : vector<1024x1xf32> to vector<1024x128xf32>
    %add3A_604 = vector.broadcast %slice3A_602 : vector<1x128xf32> to vector<1024x128xf32>
    %add3A_605 = arith.addf %add3A_603, %add3A_604 : vector<1024x128xf32>
    %slice3A_606 = vector.extract_strided_slice %dot_general3A_598 {offsets = [0, 0], sizes = [1024, 128], strides = [1, 1]} : vector<1024x1024xf32> to vector<1024x128xf32>
    %sub3A_607 = arith.subf %add3A_605, %slice3A_606 : vector<1024x128xf32>
    %lt3A_608 = arith.cmpf olt, %sub3A_607, %min3A_590 : vector<1024x128xf32>
    %min3A_609 = arith.minimumf %sub3A_607, %min3A_590 : vector<1024x128xf32>
    %jit3A_610 = arith.constant 48 : i32
    %broadcast_in_dim3A_611 = vector.broadcast %jit3A_610 : i32 to vector<1024x128xi32>
    %select_n3A_612 = arith.select %lt3A_608, %broadcast_in_dim3A_611, %select_n3A_593 : vector<1024x128xi1>, vector<1024x128xi32>
    %slice3A_613 = vector.extract_strided_slice %get3A_601 {offsets = [0, 128], sizes = [1, 128], strides = [1, 1]} : vector<1x1024xf32> to vector<1x128xf32>
    %add3A_614 = vector.broadcast %broadcast_in_dim3A : vector<1024x1xf32> to vector<1024x128xf32>
    %add3A_615 = vector.broadcast %slice3A_613 : vector<1x128xf32> to vector<1024x128xf32>
    %add3A_616 = arith.addf %add3A_614, %add3A_615 : vector<1024x128xf32>
    %slice3A_617 = vector.extract_strided_slice %dot_general3A_598 {offsets = [0, 128], sizes = [1024, 128], strides = [1, 1]} : vector<1024x1024xf32> to vector<1024x128xf32>
    %sub3A_618 = arith.subf %add3A_616, %slice3A_617 : vector<1024x128xf32>
    %lt3A_619 = arith.cmpf olt, %sub3A_618, %min3A_609 : vector<1024x128xf32>
    %min3A_620 = arith.minimumf %sub3A_618, %min3A_609 : vector<1024x128xf32>
    %jit3A_621 = arith.constant 49 : i32
    %broadcast_in_dim3A_622 = vector.broadcast %jit3A_621 : i32 to vector<1024x128xi32>
    %select_n3A_623 = arith.select %lt3A_619, %broadcast_in_dim3A_622, %select_n3A_612 : vector<1024x128xi1>, vector<1024x128xi32>
    %slice3A_624 = vector.extract_strided_slice %get3A_601 {offsets = [0, 256], sizes = [1, 128], strides = [1, 1]} : vector<1x1024xf32> to vector<1x128xf32>
    %add3A_625 = vector.broadcast %broadcast_in_dim3A : vector<1024x1xf32> to vector<1024x128xf32>
    %add3A_626 = vector.broadcast %slice3A_624 : vector<1x128xf32> to vector<1024x128xf32>
    %add3A_627 = arith.addf %add3A_625, %add3A_626 : vector<1024x128xf32>
    %slice3A_628 = vector.extract_strided_slice %dot_general3A_598 {offsets = [0, 256], sizes = [1024, 128], strides = [1, 1]} : vector<1024x1024xf32> to vector<1024x128xf32>
    %sub3A_629 = arith.subf %add3A_627, %slice3A_628 : vector<1024x128xf32>
    %lt3A_630 = arith.cmpf olt, %sub3A_629, %min3A_620 : vector<1024x128xf32>
    %min3A_631 = arith.minimumf %sub3A_629, %min3A_620 : vector<1024x128xf32>
    %jit3A_632 = arith.constant 50 : i32
    %broadcast_in_dim3A_633 = vector.broadcast %jit3A_632 : i32 to vector<1024x128xi32>
    %select_n3A_634 = arith.select %lt3A_630, %broadcast_in_dim3A_633, %select_n3A_623 : vector<1024x128xi1>, vector<1024x128xi32>
    %slice3A_635 = vector.extract_strided_slice %get3A_601 {offsets = [0, 384], sizes = [1, 128], strides = [1, 1]} : vector<1x1024xf32> to vector<1x128xf32>
    %add3A_636 = vector.broadcast %broadcast_in_dim3A : vector<1024x1xf32> to vector<1024x128xf32>
    %add3A_637 = vector.broadcast %slice3A_635 : vector<1x128xf32> to vector<1024x128xf32>
    %add3A_638 = arith.addf %add3A_636, %add3A_637 : vector<1024x128xf32>
    %slice3A_639 = vector.extract_strided_slice %dot_general3A_598 {offsets = [0, 384], sizes = [1024, 128], strides = [1, 1]} : vector<1024x1024xf32> to vector<1024x128xf32>
    %sub3A_640 = arith.subf %add3A_638, %slice3A_639 : vector<1024x128xf32>
    %lt3A_641 = arith.cmpf olt, %sub3A_640, %min3A_631 : vector<1024x128xf32>
    %min3A_642 = arith.minimumf %sub3A_640, %min3A_631 : vector<1024x128xf32>
    %jit3A_643 = arith.constant 51 : i32
    %broadcast_in_dim3A_644 = vector.broadcast %jit3A_643 : i32 to vector<1024x128xi32>
    %select_n3A_645 = arith.select %lt3A_641, %broadcast_in_dim3A_644, %select_n3A_634 : vector<1024x128xi1>, vector<1024x128xi32>
    %slice3A_646 = vector.extract_strided_slice %get3A_601 {offsets = [0, 512], sizes = [1, 128], strides = [1, 1]} : vector<1x1024xf32> to vector<1x128xf32>
    %add3A_647 = vector.broadcast %broadcast_in_dim3A : vector<1024x1xf32> to vector<1024x128xf32>
    %add3A_648 = vector.broadcast %slice3A_646 : vector<1x128xf32> to vector<1024x128xf32>
    %add3A_649 = arith.addf %add3A_647, %add3A_648 : vector<1024x128xf32>
    %slice3A_650 = vector.extract_strided_slice %dot_general3A_598 {offsets = [0, 512], sizes = [1024, 128], strides = [1, 1]} : vector<1024x1024xf32> to vector<1024x128xf32>
    %sub3A_651 = arith.subf %add3A_649, %slice3A_650 : vector<1024x128xf32>
    %lt3A_652 = arith.cmpf olt, %sub3A_651, %min3A_642 : vector<1024x128xf32>
    %min3A_653 = arith.minimumf %sub3A_651, %min3A_642 : vector<1024x128xf32>
    %jit3A_654 = arith.constant 52 : i32
    %broadcast_in_dim3A_655 = vector.broadcast %jit3A_654 : i32 to vector<1024x128xi32>
    %select_n3A_656 = arith.select %lt3A_652, %broadcast_in_dim3A_655, %select_n3A_645 : vector<1024x128xi1>, vector<1024x128xi32>
    %slice3A_657 = vector.extract_strided_slice %get3A_601 {offsets = [0, 640], sizes = [1, 128], strides = [1, 1]} : vector<1x1024xf32> to vector<1x128xf32>
    %add3A_658 = vector.broadcast %broadcast_in_dim3A : vector<1024x1xf32> to vector<1024x128xf32>
    %add3A_659 = vector.broadcast %slice3A_657 : vector<1x128xf32> to vector<1024x128xf32>
    %add3A_660 = arith.addf %add3A_658, %add3A_659 : vector<1024x128xf32>
    %slice3A_661 = vector.extract_strided_slice %dot_general3A_598 {offsets = [0, 640], sizes = [1024, 128], strides = [1, 1]} : vector<1024x1024xf32> to vector<1024x128xf32>
    %sub3A_662 = arith.subf %add3A_660, %slice3A_661 : vector<1024x128xf32>
    %lt3A_663 = arith.cmpf olt, %sub3A_662, %min3A_653 : vector<1024x128xf32>
    %min3A_664 = arith.minimumf %sub3A_662, %min3A_653 : vector<1024x128xf32>
    %jit3A_665 = arith.constant 53 : i32
    %broadcast_in_dim3A_666 = vector.broadcast %jit3A_665 : i32 to vector<1024x128xi32>
    %select_n3A_667 = arith.select %lt3A_663, %broadcast_in_dim3A_666, %select_n3A_656 : vector<1024x128xi1>, vector<1024x128xi32>
    %slice3A_668 = vector.extract_strided_slice %get3A_601 {offsets = [0, 768], sizes = [1, 128], strides = [1, 1]} : vector<1x1024xf32> to vector<1x128xf32>
    %add3A_669 = vector.broadcast %broadcast_in_dim3A : vector<1024x1xf32> to vector<1024x128xf32>
    %add3A_670 = vector.broadcast %slice3A_668 : vector<1x128xf32> to vector<1024x128xf32>
    %add3A_671 = arith.addf %add3A_669, %add3A_670 : vector<1024x128xf32>
    %slice3A_672 = vector.extract_strided_slice %dot_general3A_598 {offsets = [0, 768], sizes = [1024, 128], strides = [1, 1]} : vector<1024x1024xf32> to vector<1024x128xf32>
    %sub3A_673 = arith.subf %add3A_671, %slice3A_672 : vector<1024x128xf32>
    %lt3A_674 = arith.cmpf olt, %sub3A_673, %min3A_664 : vector<1024x128xf32>
    %min3A_675 = arith.minimumf %sub3A_673, %min3A_664 : vector<1024x128xf32>
    %jit3A_676 = arith.constant 54 : i32
    %broadcast_in_dim3A_677 = vector.broadcast %jit3A_676 : i32 to vector<1024x128xi32>
    %select_n3A_678 = arith.select %lt3A_674, %broadcast_in_dim3A_677, %select_n3A_667 : vector<1024x128xi1>, vector<1024x128xi32>
    %slice3A_679 = vector.extract_strided_slice %get3A_601 {offsets = [0, 896], sizes = [1, 128], strides = [1, 1]} : vector<1x1024xf32> to vector<1x128xf32>
    %add3A_680 = vector.broadcast %broadcast_in_dim3A : vector<1024x1xf32> to vector<1024x128xf32>
    %add3A_681 = vector.broadcast %slice3A_679 : vector<1x128xf32> to vector<1024x128xf32>
    %add3A_682 = arith.addf %add3A_680, %add3A_681 : vector<1024x128xf32>
    %slice3A_683 = vector.extract_strided_slice %dot_general3A_598 {offsets = [0, 896], sizes = [1024, 128], strides = [1, 1]} : vector<1024x1024xf32> to vector<1024x128xf32>
    %sub3A_684 = arith.subf %add3A_682, %slice3A_683 : vector<1024x128xf32>
    %lt3A_685 = arith.cmpf olt, %sub3A_684, %min3A_675 : vector<1024x128xf32>
    %min3A_686 = arith.minimumf %sub3A_684, %min3A_675 : vector<1024x128xf32>
    %jit3A_687 = arith.constant 55 : i32
    %broadcast_in_dim3A_688 = vector.broadcast %jit3A_687 : i32 to vector<1024x128xi32>
    %select_n3A_689 = arith.select %lt3A_685, %broadcast_in_dim3A_688, %select_n3A_678 : vector<1024x128xi1>, vector<1024x128xi32>
    %get3A_690 = arith.constant 7168 : index
    %get3A_691 = arith.constant 0 : index
    %get3A_692 = vector.load %arg3[%get3A_690, %get3A_691] : memref<8192x256xf32, #tpu.memory_space<vmem>>, vector<1024x256xf32>
    %dot_general3A_693 = arith.constant dense<0.000000e+00> : vector<1024x1024xf32>
    %dot_general3A_694 = tpu.matmul %add3A, %get3A_692, %dot_general3A_693 {dimension_numbers = #tpu.dot_dimension_numbers<[1], [1], [0], [0], [0, 0, 1, 0], [], []>, transpose_lhs_hint = false} : vector<1024x256xf32>, vector<1024x256xf32>, vector<1024x1024xf32> -> vector<1024x1024xf32>
    %get3A_695 = arith.constant 0 : index
    %get3A_696 = arith.constant 7168 : index
    %get3A_697 = vector.load %arg6[%get3A_695, %get3A_696] : memref<1x8192xf32, #tpu.memory_space<vmem>>, vector<1x1024xf32>
    %slice3A_698 = vector.extract_strided_slice %get3A_697 {offsets = [0, 0], sizes = [1, 128], strides = [1, 1]} : vector<1x1024xf32> to vector<1x128xf32>
    %add3A_699 = vector.broadcast %broadcast_in_dim3A : vector<1024x1xf32> to vector<1024x128xf32>
    %add3A_700 = vector.broadcast %slice3A_698 : vector<1x128xf32> to vector<1024x128xf32>
    %add3A_701 = arith.addf %add3A_699, %add3A_700 : vector<1024x128xf32>
    %slice3A_702 = vector.extract_strided_slice %dot_general3A_694 {offsets = [0, 0], sizes = [1024, 128], strides = [1, 1]} : vector<1024x1024xf32> to vector<1024x128xf32>
    %sub3A_703 = arith.subf %add3A_701, %slice3A_702 : vector<1024x128xf32>
    %lt3A_704 = arith.cmpf olt, %sub3A_703, %min3A_686 : vector<1024x128xf32>
    %min3A_705 = arith.minimumf %sub3A_703, %min3A_686 : vector<1024x128xf32>
    %jit3A_706 = arith.constant 56 : i32
    %broadcast_in_dim3A_707 = vector.broadcast %jit3A_706 : i32 to vector<1024x128xi32>
    %select_n3A_708 = arith.select %lt3A_704, %broadcast_in_dim3A_707, %select_n3A_689 : vector<1024x128xi1>, vector<1024x128xi32>
    %slice3A_709 = vector.extract_strided_slice %get3A_697 {offsets = [0, 128], sizes = [1, 128], strides = [1, 1]} : vector<1x1024xf32> to vector<1x128xf32>
    %add3A_710 = vector.broadcast %broadcast_in_dim3A : vector<1024x1xf32> to vector<1024x128xf32>
    %add3A_711 = vector.broadcast %slice3A_709 : vector<1x128xf32> to vector<1024x128xf32>
    %add3A_712 = arith.addf %add3A_710, %add3A_711 : vector<1024x128xf32>
    %slice3A_713 = vector.extract_strided_slice %dot_general3A_694 {offsets = [0, 128], sizes = [1024, 128], strides = [1, 1]} : vector<1024x1024xf32> to vector<1024x128xf32>
    %sub3A_714 = arith.subf %add3A_712, %slice3A_713 : vector<1024x128xf32>
    %lt3A_715 = arith.cmpf olt, %sub3A_714, %min3A_705 : vector<1024x128xf32>
    %min3A_716 = arith.minimumf %sub3A_714, %min3A_705 : vector<1024x128xf32>
    %jit3A_717 = arith.constant 57 : i32
    %broadcast_in_dim3A_718 = vector.broadcast %jit3A_717 : i32 to vector<1024x128xi32>
    %select_n3A_719 = arith.select %lt3A_715, %broadcast_in_dim3A_718, %select_n3A_708 : vector<1024x128xi1>, vector<1024x128xi32>
    %slice3A_720 = vector.extract_strided_slice %get3A_697 {offsets = [0, 256], sizes = [1, 128], strides = [1, 1]} : vector<1x1024xf32> to vector<1x128xf32>
    %add3A_721 = vector.broadcast %broadcast_in_dim3A : vector<1024x1xf32> to vector<1024x128xf32>
    %add3A_722 = vector.broadcast %slice3A_720 : vector<1x128xf32> to vector<1024x128xf32>
    %add3A_723 = arith.addf %add3A_721, %add3A_722 : vector<1024x128xf32>
    %slice3A_724 = vector.extract_strided_slice %dot_general3A_694 {offsets = [0, 256], sizes = [1024, 128], strides = [1, 1]} : vector<1024x1024xf32> to vector<1024x128xf32>
    %sub3A_725 = arith.subf %add3A_723, %slice3A_724 : vector<1024x128xf32>
    %lt3A_726 = arith.cmpf olt, %sub3A_725, %min3A_716 : vector<1024x128xf32>
    %min3A_727 = arith.minimumf %sub3A_725, %min3A_716 : vector<1024x128xf32>
    %jit3A_728 = arith.constant 58 : i32
    %broadcast_in_dim3A_729 = vector.broadcast %jit3A_728 : i32 to vector<1024x128xi32>
    %select_n3A_730 = arith.select %lt3A_726, %broadcast_in_dim3A_729, %select_n3A_719 : vector<1024x128xi1>, vector<1024x128xi32>
    %slice3A_731 = vector.extract_strided_slice %get3A_697 {offsets = [0, 384], sizes = [1, 128], strides = [1, 1]} : vector<1x1024xf32> to vector<1x128xf32>
    %add3A_732 = vector.broadcast %broadcast_in_dim3A : vector<1024x1xf32> to vector<1024x128xf32>
    %add3A_733 = vector.broadcast %slice3A_731 : vector<1x128xf32> to vector<1024x128xf32>
    %add3A_734 = arith.addf %add3A_732, %add3A_733 : vector<1024x128xf32>
    %slice3A_735 = vector.extract_strided_slice %dot_general3A_694 {offsets = [0, 384], sizes = [1024, 128], strides = [1, 1]} : vector<1024x1024xf32> to vector<1024x128xf32>
    %sub3A_736 = arith.subf %add3A_734, %slice3A_735 : vector<1024x128xf32>
    %lt3A_737 = arith.cmpf olt, %sub3A_736, %min3A_727 : vector<1024x128xf32>
    %min3A_738 = arith.minimumf %sub3A_736, %min3A_727 : vector<1024x128xf32>
    %jit3A_739 = arith.constant 59 : i32
    %broadcast_in_dim3A_740 = vector.broadcast %jit3A_739 : i32 to vector<1024x128xi32>
    %select_n3A_741 = arith.select %lt3A_737, %broadcast_in_dim3A_740, %select_n3A_730 : vector<1024x128xi1>, vector<1024x128xi32>
    %slice3A_742 = vector.extract_strided_slice %get3A_697 {offsets = [0, 512], sizes = [1, 128], strides = [1, 1]} : vector<1x1024xf32> to vector<1x128xf32>
    %add3A_743 = vector.broadcast %broadcast_in_dim3A : vector<1024x1xf32> to vector<1024x128xf32>
    %add3A_744 = vector.broadcast %slice3A_742 : vector<1x128xf32> to vector<1024x128xf32>
    %add3A_745 = arith.addf %add3A_743, %add3A_744 : vector<1024x128xf32>
    %slice3A_746 = vector.extract_strided_slice %dot_general3A_694 {offsets = [0, 512], sizes = [1024, 128], strides = [1, 1]} : vector<1024x1024xf32> to vector<1024x128xf32>
    %sub3A_747 = arith.subf %add3A_745, %slice3A_746 : vector<1024x128xf32>
    %lt3A_748 = arith.cmpf olt, %sub3A_747, %min3A_738 : vector<1024x128xf32>
    %min3A_749 = arith.minimumf %sub3A_747, %min3A_738 : vector<1024x128xf32>
    %jit3A_750 = arith.constant 60 : i32
    %broadcast_in_dim3A_751 = vector.broadcast %jit3A_750 : i32 to vector<1024x128xi32>
    %select_n3A_752 = arith.select %lt3A_748, %broadcast_in_dim3A_751, %select_n3A_741 : vector<1024x128xi1>, vector<1024x128xi32>
    %slice3A_753 = vector.extract_strided_slice %get3A_697 {offsets = [0, 640], sizes = [1, 128], strides = [1, 1]} : vector<1x1024xf32> to vector<1x128xf32>
    %add3A_754 = vector.broadcast %broadcast_in_dim3A : vector<1024x1xf32> to vector<1024x128xf32>
    %add3A_755 = vector.broadcast %slice3A_753 : vector<1x128xf32> to vector<1024x128xf32>
    %add3A_756 = arith.addf %add3A_754, %add3A_755 : vector<1024x128xf32>
    %slice3A_757 = vector.extract_strided_slice %dot_general3A_694 {offsets = [0, 640], sizes = [1024, 128], strides = [1, 1]} : vector<1024x1024xf32> to vector<1024x128xf32>
    %sub3A_758 = arith.subf %add3A_756, %slice3A_757 : vector<1024x128xf32>
    %lt3A_759 = arith.cmpf olt, %sub3A_758, %min3A_749 : vector<1024x128xf32>
    %min3A_760 = arith.minimumf %sub3A_758, %min3A_749 : vector<1024x128xf32>
    %jit3A_761 = arith.constant 61 : i32
    %broadcast_in_dim3A_762 = vector.broadcast %jit3A_761 : i32 to vector<1024x128xi32>
    %select_n3A_763 = arith.select %lt3A_759, %broadcast_in_dim3A_762, %select_n3A_752 : vector<1024x128xi1>, vector<1024x128xi32>
    %slice3A_764 = vector.extract_strided_slice %get3A_697 {offsets = [0, 768], sizes = [1, 128], strides = [1, 1]} : vector<1x1024xf32> to vector<1x128xf32>
    %add3A_765 = vector.broadcast %broadcast_in_dim3A : vector<1024x1xf32> to vector<1024x128xf32>
    %add3A_766 = vector.broadcast %slice3A_764 : vector<1x128xf32> to vector<1024x128xf32>
    %add3A_767 = arith.addf %add3A_765, %add3A_766 : vector<1024x128xf32>
    %slice3A_768 = vector.extract_strided_slice %dot_general3A_694 {offsets = [0, 768], sizes = [1024, 128], strides = [1, 1]} : vector<1024x1024xf32> to vector<1024x128xf32>
    %sub3A_769 = arith.subf %add3A_767, %slice3A_768 : vector<1024x128xf32>
    %lt3A_770 = arith.cmpf olt, %sub3A_769, %min3A_760 : vector<1024x128xf32>
    %min3A_771 = arith.minimumf %sub3A_769, %min3A_760 : vector<1024x128xf32>
    %jit3A_772 = arith.constant 62 : i32
    %broadcast_in_dim3A_773 = vector.broadcast %jit3A_772 : i32 to vector<1024x128xi32>
    %select_n3A_774 = arith.select %lt3A_770, %broadcast_in_dim3A_773, %select_n3A_763 : vector<1024x128xi1>, vector<1024x128xi32>
    %slice3A_775 = vector.extract_strided_slice %get3A_697 {offsets = [0, 896], sizes = [1, 128], strides = [1, 1]} : vector<1x1024xf32> to vector<1x128xf32>
    %add3A_776 = vector.broadcast %broadcast_in_dim3A : vector<1024x1xf32> to vector<1024x128xf32>
    %add3A_777 = vector.broadcast %slice3A_775 : vector<1x128xf32> to vector<1024x128xf32>
    %add3A_778 = arith.addf %add3A_776, %add3A_777 : vector<1024x128xf32>
    %slice3A_779 = vector.extract_strided_slice %dot_general3A_694 {offsets = [0, 896], sizes = [1024, 128], strides = [1, 1]} : vector<1024x1024xf32> to vector<1024x128xf32>
    %sub3A_780 = arith.subf %add3A_778, %slice3A_779 : vector<1024x128xf32>
    %lt3A_781 = arith.cmpf olt, %sub3A_780, %min3A_771 : vector<1024x128xf32>
    %min3A_782 = arith.minimumf %sub3A_780, %min3A_771 : vector<1024x128xf32>
    %jit3A_783 = arith.constant 63 : i32
    %broadcast_in_dim3A_784 = vector.broadcast %jit3A_783 : i32 to vector<1024x128xi32>
    %select_n3A_785 = arith.select %lt3A_781, %broadcast_in_dim3A_784, %select_n3A_774 : vector<1024x128xi1>, vector<1024x128xi32>
    %reduce_min3A = arith.constant dense<0x7F800000> : vector<1024xf32>
    %reduce_min3A_786 = vector.multi_reduction <minimumf>, %min3A_782, %reduce_min3A [1] : vector<1024x128xf32> to vector<1024xf32>
    %broadcast_in_dim3A_787 = vector.shape_cast %reduce_min3A_786 : vector<1024xf32> to vector<1024x1xf32>
    %eq3A_788 = vector.broadcast %broadcast_in_dim3A_787 : vector<1024x1xf32> to vector<1024x128xf32>
    %eq3A_789 = arith.cmpf oeq, %min3A_782, %eq3A_788 : vector<1024x128xf32>
    %mul3A_790 = arith.constant 128 : i32
    %mul3A_791 = vector.broadcast %mul3A_790 : i32 to vector<1024x128xi32>
    %mul3A_792 = arith.muli %select_n3A_785, %mul3A_791 : vector<1024x128xi32>
    %add3A_793 = arith.addi %mul3A_792, %iota3A : vector<1024x128xi32>
    %jit3A_794 = arith.constant 8192 : i32
    %broadcast_in_dim3A_795 = vector.broadcast %jit3A_794 : i32 to vector<1024x128xi32>
    %select_n3A_796 = arith.select %eq3A_789, %add3A_793, %broadcast_in_dim3A_795 : vector<1024x128xi1>, vector<1024x128xi32>
    %reduce_min3A_797 = arith.constant dense<2147483647> : vector<1024xi32>
    %reduce_min3A_798 = vector.multi_reduction <minsi>, %select_n3A_796, %reduce_min3A_797 [1] : vector<1024x128xi32> to vector<1024xi32>
    %broadcast_in_dim3A_799 = vector.shape_cast %reduce_min3A_798 : vector<1024xi32> to vector<1024x1xi32>
    %swap3A_800 = arith.constant 0 : index
    %swap3A_801 = arith.constant 0 : index
    %swap3A_802 = vector.load %arg4[%swap3A_800, %swap3A_801] : memref<1024x1xi32, #tpu.memory_space<vmem>>, vector<1024x1xi32>
    tpu.vector_store %arg4[%swap3A_800, %swap3A_801], %broadcast_in_dim3A_799 {strides = array<i32>} : memref<1024x1xi32, #tpu.memory_space<vmem>>, vector<1024x1xi32>,
    return
  }
  func.func @transform_0(%arg0: i32) -> (i32, i32) {
    %c0_i32 = arith.constant 0 : i32
    %c0_i32_0 = arith.constant 0 : i32
    return %arg0, %c0_i32 : i32, i32
  }
  func.func @transform_1(%arg0: i32) -> (i32, i32) {
    %c0_i32 = arith.constant 0 : i32
    %c0_i32_0 = arith.constant 0 : i32
    return %arg0, %c0_i32 : i32, i32
  }
  func.func @transform_2(%arg0: i32) -> (i32, i32) {
    %c0_i32 = arith.constant 0 : i32
    %c0_i32_0 = arith.constant 0 : i32
    %c0_i32_1 = arith.constant 0 : i32
    return %c0_i32, %c0_i32_0 : i32, i32
  }
  func.func @transform_3(%arg0: i32) -> (i32, i32) {
    %c0_i32 = arith.constant 0 : i32
    %c0_i32_0 = arith.constant 0 : i32
    return %arg0, %c0_i32 : i32, i32
  }
  func.func @transform_4(%arg0: i32) -> (i32, i32, i32) {
    %c0_i32 = arith.constant 0 : i32
    %c0_i32_0 = arith.constant 0 : i32
    %c0_i32_1 = arith.constant 0 : i32
    return %arg0, %c0_i32, %c0_i32_0 : i32, i32, i32
  }
}

module attributes {stable_mosaic.version = 14 : i64} {
  func.func @body(%arg0: i32, %arg1: memref<1024x256xf32, #tpu.memory_space<vmem>>, %arg2: memref<8192x256xf32, #tpu.memory_space<vmem>>, %arg3: memref<1024x1xi32, #tpu.memory_space<vmem>>, %arg4: memref<1x1x128xf32, #tpu.memory_space<vmem>>, %arg5: memref<1x8192xf32, #tpu.memory_space<vmem>>) attributes {dimension_semantics = [#tpu.dimension_semantics<arbitrary>], iteration_bounds = array<i64: 4>, scalar_prefetch = 0 : i64, scratch_operands = 1 : i64, tpu.core_type = #tpu.core_type<tc>, window_params = [{transform_indices = @transform_0, window_bounds = array<i64: 1024, 256>}, {pipeline_mode = #tpu.pipeline_mode<synchronous>, transform_indices = @transform_1, window_bounds = array<i64: 8192, 256>}, {transform_indices = @transform_2, window_bounds = array<i64: 1024, 1>}, {transform_indices = @transform_3, window_bounds = array<i64: 1, 1, 128>}]} {
    %get3A = arith.constant 0 : index
    %get3A_0 = arith.constant 0 : index
    %get3A_1 = vector.load %arg1[%get3A, %get3A_0] : memref<1024x256xf32, #tpu.memory_space<vmem>>, vector<1024x256xf32>
    %add3A = arith.addf %get3A_1, %get3A_1 : vector<1024x256xf32>
    %mul3A = arith.mulf %get3A_1, %get3A_1 : vector<1024x256xf32>
    %reduce_sum3A = arith.constant dense<0.000000e+00> : vector<1024xf32>
    %reduce_sum3A_2 = vector.multi_reduction <add>, %mul3A, %reduce_sum3A [1] : vector<1024x256xf32> to vector<1024xf32>
    %broadcast_in_dim3A = vector.shape_cast %reduce_sum3A_2 : vector<1024xf32> to vector<1024x1xf32>
    %broadcast_in_dim3A_3 = arith.constant 0.000000e+00 : f32
    %broadcast_in_dim3A_4 = vector.broadcast %broadcast_in_dim3A_3 : f32 to vector<1x1x128xf32>
    %reduce_sum3A_5 = vector.shape_cast %broadcast_in_dim3A : vector<1024x1xf32> to vector<1x1024x1xf32>
    %reduce_sum3A_6 = arith.constant dense<0.000000e+00> : vector<1xf32>
    %reduce_sum3A_7 = vector.multi_reduction <add>, %reduce_sum3A_5, %reduce_sum3A_6 [1, 2] : vector<1x1024x1xf32> to vector<1xf32>
    %reduce_sum3A_8 = vector.shape_cast %reduce_sum3A_7 : vector<1xf32> to vector<1x1x1xf32>
    %reduce_sum3A_9 = vector.extract %reduce_sum3A_8[0, 0, 0] : f32 from vector<1x1x1xf32>
    %add3A_10 = vector.broadcast %reduce_sum3A_9 : f32 to vector<1x1x128xf32>
    %add3A_11 = arith.addf %broadcast_in_dim3A_4, %add3A_10 : vector<1x1x128xf32>
    %swap3A = arith.constant 0 : index
    %swap3A_12 = arith.constant 0 : index
    %swap3A_13 = arith.constant 0 : index
    %swap3A_14 = vector.load %arg4[%swap3A, %swap3A_12, %swap3A_13] : memref<1x1x128xf32, #tpu.memory_space<vmem>>, vector<1x1x128xf32>
    tpu.vector_store %arg4[%swap3A, %swap3A_12, %swap3A_13], %add3A_11 {strides = array<i32>} : memref<1x1x128xf32, #tpu.memory_space<vmem>>, vector<1x1x128xf32>,
    %iota3A = tpu.iota {dimensions = array<i32: 1>} : vector<1024x128xi32>
    %eq3A = arith.constant 0 : i32
    %eq3A_15 = arith.cmpi eq, %arg0, %eq3A : i32
    %convert_element_type3A = arith.extui %eq3A_15 : i1 to i32
    %cond3A = arith.constant 0 : i32
    %cond3A_16 = arith.cmpi ne, %convert_element_type3A, %cond3A : i32
    scf.if %cond3A_16 {
      %get3A_799 = arith.constant 0 : index
      %get3A_800 = arith.constant 0 : index
      %get3A_801 = vector.load %arg2[%get3A_799, %get3A_800] : memref<8192x256xf32, #tpu.memory_space<vmem>>, vector<1024x256xf32>
      %mul3A_802 = arith.mulf %get3A_801, %get3A_801 : vector<1024x256xf32>
      %reduce_sum3A_803 = arith.constant dense<0.000000e+00> : vector<1024xf32>
      %reduce_sum3A_804 = vector.multi_reduction <add>, %mul3A_802, %reduce_sum3A_803 [1] : vector<1024x256xf32> to vector<1024xf32>
      %broadcast_in_dim3A_805 = vector.shape_cast %reduce_sum3A_804 : vector<1024xf32> to vector<1x1024xf32>
      %swap3A_806 = arith.constant 0 : index
      %swap3A_807 = arith.constant 0 : index
      %swap3A_808 = vector.load %arg5[%swap3A_806, %swap3A_807] : memref<1x8192xf32, #tpu.memory_space<vmem>>, vector<1x1024xf32>
      tpu.vector_store %arg5[%swap3A_806, %swap3A_807], %broadcast_in_dim3A_805 {strides = array<i32>} : memref<1x8192xf32, #tpu.memory_space<vmem>>, vector<1x1024xf32>,
      %get3A_809 = arith.constant 1024 : index
      %get3A_810 = arith.constant 0 : index
      %get3A_811 = vector.load %arg2[%get3A_809, %get3A_810] : memref<8192x256xf32, #tpu.memory_space<vmem>>, vector<1024x256xf32>
      %mul3A_812 = arith.mulf %get3A_811, %get3A_811 : vector<1024x256xf32>
      %reduce_sum3A_813 = arith.constant dense<0.000000e+00> : vector<1024xf32>
      %reduce_sum3A_814 = vector.multi_reduction <add>, %mul3A_812, %reduce_sum3A_813 [1] : vector<1024x256xf32> to vector<1024xf32>
      %broadcast_in_dim3A_815 = vector.shape_cast %reduce_sum3A_814 : vector<1024xf32> to vector<1x1024xf32>
      %swap3A_816 = arith.constant 0 : index
      %swap3A_817 = arith.constant 1024 : index
      %swap3A_818 = vector.load %arg5[%swap3A_816, %swap3A_817] : memref<1x8192xf32, #tpu.memory_space<vmem>>, vector<1x1024xf32>
      tpu.vector_store %arg5[%swap3A_816, %swap3A_817], %broadcast_in_dim3A_815 {strides = array<i32>} : memref<1x8192xf32, #tpu.memory_space<vmem>>, vector<1x1024xf32>,
      %get3A_819 = arith.constant 2048 : index
      %get3A_820 = arith.constant 0 : index
      %get3A_821 = vector.load %arg2[%get3A_819, %get3A_820] : memref<8192x256xf32, #tpu.memory_space<vmem>>, vector<1024x256xf32>
      %mul3A_822 = arith.mulf %get3A_821, %get3A_821 : vector<1024x256xf32>
      %reduce_sum3A_823 = arith.constant dense<0.000000e+00> : vector<1024xf32>
      %reduce_sum3A_824 = vector.multi_reduction <add>, %mul3A_822, %reduce_sum3A_823 [1] : vector<1024x256xf32> to vector<1024xf32>
      %broadcast_in_dim3A_825 = vector.shape_cast %reduce_sum3A_824 : vector<1024xf32> to vector<1x1024xf32>
      %swap3A_826 = arith.constant 0 : index
      %swap3A_827 = arith.constant 2048 : index
      %swap3A_828 = vector.load %arg5[%swap3A_826, %swap3A_827] : memref<1x8192xf32, #tpu.memory_space<vmem>>, vector<1x1024xf32>
      tpu.vector_store %arg5[%swap3A_826, %swap3A_827], %broadcast_in_dim3A_825 {strides = array<i32>} : memref<1x8192xf32, #tpu.memory_space<vmem>>, vector<1x1024xf32>,
      %get3A_829 = arith.constant 3072 : index
      %get3A_830 = arith.constant 0 : index
      %get3A_831 = vector.load %arg2[%get3A_829, %get3A_830] : memref<8192x256xf32, #tpu.memory_space<vmem>>, vector<1024x256xf32>
      %mul3A_832 = arith.mulf %get3A_831, %get3A_831 : vector<1024x256xf32>
      %reduce_sum3A_833 = arith.constant dense<0.000000e+00> : vector<1024xf32>
      %reduce_sum3A_834 = vector.multi_reduction <add>, %mul3A_832, %reduce_sum3A_833 [1] : vector<1024x256xf32> to vector<1024xf32>
      %broadcast_in_dim3A_835 = vector.shape_cast %reduce_sum3A_834 : vector<1024xf32> to vector<1x1024xf32>
      %swap3A_836 = arith.constant 0 : index
      %swap3A_837 = arith.constant 3072 : index
      %swap3A_838 = vector.load %arg5[%swap3A_836, %swap3A_837] : memref<1x8192xf32, #tpu.memory_space<vmem>>, vector<1x1024xf32>
      tpu.vector_store %arg5[%swap3A_836, %swap3A_837], %broadcast_in_dim3A_835 {strides = array<i32>} : memref<1x8192xf32, #tpu.memory_space<vmem>>, vector<1x1024xf32>,
      %get3A_839 = arith.constant 4096 : index
      %get3A_840 = arith.constant 0 : index
      %get3A_841 = vector.load %arg2[%get3A_839, %get3A_840] : memref<8192x256xf32, #tpu.memory_space<vmem>>, vector<1024x256xf32>
      %mul3A_842 = arith.mulf %get3A_841, %get3A_841 : vector<1024x256xf32>
      %reduce_sum3A_843 = arith.constant dense<0.000000e+00> : vector<1024xf32>
      %reduce_sum3A_844 = vector.multi_reduction <add>, %mul3A_842, %reduce_sum3A_843 [1] : vector<1024x256xf32> to vector<1024xf32>
      %broadcast_in_dim3A_845 = vector.shape_cast %reduce_sum3A_844 : vector<1024xf32> to vector<1x1024xf32>
      %swap3A_846 = arith.constant 0 : index
      %swap3A_847 = arith.constant 4096 : index
      %swap3A_848 = vector.load %arg5[%swap3A_846, %swap3A_847] : memref<1x8192xf32, #tpu.memory_space<vmem>>, vector<1x1024xf32>
      tpu.vector_store %arg5[%swap3A_846, %swap3A_847], %broadcast_in_dim3A_845 {strides = array<i32>} : memref<1x8192xf32, #tpu.memory_space<vmem>>, vector<1x1024xf32>,
      %get3A_849 = arith.constant 5120 : index
      %get3A_850 = arith.constant 0 : index
      %get3A_851 = vector.load %arg2[%get3A_849, %get3A_850] : memref<8192x256xf32, #tpu.memory_space<vmem>>, vector<1024x256xf32>
      %mul3A_852 = arith.mulf %get3A_851, %get3A_851 : vector<1024x256xf32>
      %reduce_sum3A_853 = arith.constant dense<0.000000e+00> : vector<1024xf32>
      %reduce_sum3A_854 = vector.multi_reduction <add>, %mul3A_852, %reduce_sum3A_853 [1] : vector<1024x256xf32> to vector<1024xf32>
      %broadcast_in_dim3A_855 = vector.shape_cast %reduce_sum3A_854 : vector<1024xf32> to vector<1x1024xf32>
      %swap3A_856 = arith.constant 0 : index
      %swap3A_857 = arith.constant 5120 : index
      %swap3A_858 = vector.load %arg5[%swap3A_856, %swap3A_857] : memref<1x8192xf32, #tpu.memory_space<vmem>>, vector<1x1024xf32>
      tpu.vector_store %arg5[%swap3A_856, %swap3A_857], %broadcast_in_dim3A_855 {strides = array<i32>} : memref<1x8192xf32, #tpu.memory_space<vmem>>, vector<1x1024xf32>,
      %get3A_859 = arith.constant 6144 : index
      %get3A_860 = arith.constant 0 : index
      %get3A_861 = vector.load %arg2[%get3A_859, %get3A_860] : memref<8192x256xf32, #tpu.memory_space<vmem>>, vector<1024x256xf32>
      %mul3A_862 = arith.mulf %get3A_861, %get3A_861 : vector<1024x256xf32>
      %reduce_sum3A_863 = arith.constant dense<0.000000e+00> : vector<1024xf32>
      %reduce_sum3A_864 = vector.multi_reduction <add>, %mul3A_862, %reduce_sum3A_863 [1] : vector<1024x256xf32> to vector<1024xf32>
      %broadcast_in_dim3A_865 = vector.shape_cast %reduce_sum3A_864 : vector<1024xf32> to vector<1x1024xf32>
      %swap3A_866 = arith.constant 0 : index
      %swap3A_867 = arith.constant 6144 : index
      %swap3A_868 = vector.load %arg5[%swap3A_866, %swap3A_867] : memref<1x8192xf32, #tpu.memory_space<vmem>>, vector<1x1024xf32>
      tpu.vector_store %arg5[%swap3A_866, %swap3A_867], %broadcast_in_dim3A_865 {strides = array<i32>} : memref<1x8192xf32, #tpu.memory_space<vmem>>, vector<1x1024xf32>,
      %get3A_869 = arith.constant 7168 : index
      %get3A_870 = arith.constant 0 : index
      %get3A_871 = vector.load %arg2[%get3A_869, %get3A_870] : memref<8192x256xf32, #tpu.memory_space<vmem>>, vector<1024x256xf32>
      %mul3A_872 = arith.mulf %get3A_871, %get3A_871 : vector<1024x256xf32>
      %reduce_sum3A_873 = arith.constant dense<0.000000e+00> : vector<1024xf32>
      %reduce_sum3A_874 = vector.multi_reduction <add>, %mul3A_872, %reduce_sum3A_873 [1] : vector<1024x256xf32> to vector<1024xf32>
      %broadcast_in_dim3A_875 = vector.shape_cast %reduce_sum3A_874 : vector<1024xf32> to vector<1x1024xf32>
      %swap3A_876 = arith.constant 0 : index
      %swap3A_877 = arith.constant 7168 : index
      %swap3A_878 = vector.load %arg5[%swap3A_876, %swap3A_877] : memref<1x8192xf32, #tpu.memory_space<vmem>>, vector<1x1024xf32>
      tpu.vector_store %arg5[%swap3A_876, %swap3A_877], %broadcast_in_dim3A_875 {strides = array<i32>} : memref<1x8192xf32, #tpu.memory_space<vmem>>, vector<1x1024xf32>,
    } else {
    }
    %broadcast_in_dim3A_17 = arith.constant 0x7F800000 : f32
    %broadcast_in_dim3A_18 = vector.broadcast %broadcast_in_dim3A_17 : f32 to vector<1024x128xf32>
    %broadcast_in_dim3A_19 = arith.constant 0 : i32
    %broadcast_in_dim3A_20 = vector.broadcast %broadcast_in_dim3A_19 : i32 to vector<1024x128xi32>
    %get3A_21 = arith.constant 0 : index
    %get3A_22 = arith.constant 0 : index
    %get3A_23 = vector.load %arg2[%get3A_21, %get3A_22] : memref<8192x256xf32, #tpu.memory_space<vmem>>, vector<1024x256xf32>
    %dot_general3A = arith.constant dense<0.000000e+00> : vector<1024x1024xf32>
    %dot_general3A_24 = tpu.matmul %add3A, %get3A_23, %dot_general3A {dimension_numbers = #tpu.dot_dimension_numbers<[1], [1], [0], [0], [0, 0, 1, 0], [], []>, transpose_lhs_hint = false} : vector<1024x256xf32>, vector<1024x256xf32>, vector<1024x1024xf32> -> vector<1024x1024xf32>
    %get3A_25 = arith.constant 0 : index
    %get3A_26 = arith.constant 0 : index
    %get3A_27 = vector.load %arg5[%get3A_25, %get3A_26] : memref<1x8192xf32, #tpu.memory_space<vmem>>, vector<1x1024xf32>
    %slice3A = vector.extract_strided_slice %get3A_27 {offsets = [0, 0], sizes = [1, 128], strides = [1, 1]} : vector<1x1024xf32> to vector<1x128xf32>
    %add3A_28 = vector.broadcast %broadcast_in_dim3A : vector<1024x1xf32> to vector<1024x128xf32>
    %add3A_29 = vector.broadcast %slice3A : vector<1x128xf32> to vector<1024x128xf32>
    %add3A_30 = arith.addf %add3A_28, %add3A_29 : vector<1024x128xf32>
    %slice3A_31 = vector.extract_strided_slice %dot_general3A_24 {offsets = [0, 0], sizes = [1024, 128], strides = [1, 1]} : vector<1024x1024xf32> to vector<1024x128xf32>
    %sub3A = arith.subf %add3A_30, %slice3A_31 : vector<1024x128xf32>
    %lt3A = arith.cmpf olt, %sub3A, %broadcast_in_dim3A_18 : vector<1024x128xf32>
    %min3A = arith.minimumf %sub3A, %broadcast_in_dim3A_18 : vector<1024x128xf32>
    %jit3A = arith.constant 0 : i32
    %broadcast_in_dim3A_32 = vector.broadcast %jit3A : i32 to vector<1024x128xi32>
    %select_n3A = arith.select %lt3A, %broadcast_in_dim3A_32, %broadcast_in_dim3A_20 : vector<1024x128xi1>, vector<1024x128xi32>
    %slice3A_33 = vector.extract_strided_slice %get3A_27 {offsets = [0, 128], sizes = [1, 128], strides = [1, 1]} : vector<1x1024xf32> to vector<1x128xf32>
    %add3A_34 = vector.broadcast %broadcast_in_dim3A : vector<1024x1xf32> to vector<1024x128xf32>
    %add3A_35 = vector.broadcast %slice3A_33 : vector<1x128xf32> to vector<1024x128xf32>
    %add3A_36 = arith.addf %add3A_34, %add3A_35 : vector<1024x128xf32>
    %slice3A_37 = vector.extract_strided_slice %dot_general3A_24 {offsets = [0, 128], sizes = [1024, 128], strides = [1, 1]} : vector<1024x1024xf32> to vector<1024x128xf32>
    %sub3A_38 = arith.subf %add3A_36, %slice3A_37 : vector<1024x128xf32>
    %lt3A_39 = arith.cmpf olt, %sub3A_38, %min3A : vector<1024x128xf32>
    %min3A_40 = arith.minimumf %sub3A_38, %min3A : vector<1024x128xf32>
    %jit3A_41 = arith.constant 1 : i32
    %broadcast_in_dim3A_42 = vector.broadcast %jit3A_41 : i32 to vector<1024x128xi32>
    %select_n3A_43 = arith.select %lt3A_39, %broadcast_in_dim3A_42, %select_n3A : vector<1024x128xi1>, vector<1024x128xi32>
    %slice3A_44 = vector.extract_strided_slice %get3A_27 {offsets = [0, 256], sizes = [1, 128], strides = [1, 1]} : vector<1x1024xf32> to vector<1x128xf32>
    %add3A_45 = vector.broadcast %broadcast_in_dim3A : vector<1024x1xf32> to vector<1024x128xf32>
    %add3A_46 = vector.broadcast %slice3A_44 : vector<1x128xf32> to vector<1024x128xf32>
    %add3A_47 = arith.addf %add3A_45, %add3A_46 : vector<1024x128xf32>
    %slice3A_48 = vector.extract_strided_slice %dot_general3A_24 {offsets = [0, 256], sizes = [1024, 128], strides = [1, 1]} : vector<1024x1024xf32> to vector<1024x128xf32>
    %sub3A_49 = arith.subf %add3A_47, %slice3A_48 : vector<1024x128xf32>
    %lt3A_50 = arith.cmpf olt, %sub3A_49, %min3A_40 : vector<1024x128xf32>
    %min3A_51 = arith.minimumf %sub3A_49, %min3A_40 : vector<1024x128xf32>
    %jit3A_52 = arith.constant 2 : i32
    %broadcast_in_dim3A_53 = vector.broadcast %jit3A_52 : i32 to vector<1024x128xi32>
    %select_n3A_54 = arith.select %lt3A_50, %broadcast_in_dim3A_53, %select_n3A_43 : vector<1024x128xi1>, vector<1024x128xi32>
    %slice3A_55 = vector.extract_strided_slice %get3A_27 {offsets = [0, 384], sizes = [1, 128], strides = [1, 1]} : vector<1x1024xf32> to vector<1x128xf32>
    %add3A_56 = vector.broadcast %broadcast_in_dim3A : vector<1024x1xf32> to vector<1024x128xf32>
    %add3A_57 = vector.broadcast %slice3A_55 : vector<1x128xf32> to vector<1024x128xf32>
    %add3A_58 = arith.addf %add3A_56, %add3A_57 : vector<1024x128xf32>
    %slice3A_59 = vector.extract_strided_slice %dot_general3A_24 {offsets = [0, 384], sizes = [1024, 128], strides = [1, 1]} : vector<1024x1024xf32> to vector<1024x128xf32>
    %sub3A_60 = arith.subf %add3A_58, %slice3A_59 : vector<1024x128xf32>
    %lt3A_61 = arith.cmpf olt, %sub3A_60, %min3A_51 : vector<1024x128xf32>
    %min3A_62 = arith.minimumf %sub3A_60, %min3A_51 : vector<1024x128xf32>
    %jit3A_63 = arith.constant 3 : i32
    %broadcast_in_dim3A_64 = vector.broadcast %jit3A_63 : i32 to vector<1024x128xi32>
    %select_n3A_65 = arith.select %lt3A_61, %broadcast_in_dim3A_64, %select_n3A_54 : vector<1024x128xi1>, vector<1024x128xi32>
    %slice3A_66 = vector.extract_strided_slice %get3A_27 {offsets = [0, 512], sizes = [1, 128], strides = [1, 1]} : vector<1x1024xf32> to vector<1x128xf32>
    %add3A_67 = vector.broadcast %broadcast_in_dim3A : vector<1024x1xf32> to vector<1024x128xf32>
    %add3A_68 = vector.broadcast %slice3A_66 : vector<1x128xf32> to vector<1024x128xf32>
    %add3A_69 = arith.addf %add3A_67, %add3A_68 : vector<1024x128xf32>
    %slice3A_70 = vector.extract_strided_slice %dot_general3A_24 {offsets = [0, 512], sizes = [1024, 128], strides = [1, 1]} : vector<1024x1024xf32> to vector<1024x128xf32>
    %sub3A_71 = arith.subf %add3A_69, %slice3A_70 : vector<1024x128xf32>
    %lt3A_72 = arith.cmpf olt, %sub3A_71, %min3A_62 : vector<1024x128xf32>
    %min3A_73 = arith.minimumf %sub3A_71, %min3A_62 : vector<1024x128xf32>
    %jit3A_74 = arith.constant 4 : i32
    %broadcast_in_dim3A_75 = vector.broadcast %jit3A_74 : i32 to vector<1024x128xi32>
    %select_n3A_76 = arith.select %lt3A_72, %broadcast_in_dim3A_75, %select_n3A_65 : vector<1024x128xi1>, vector<1024x128xi32>
    %slice3A_77 = vector.extract_strided_slice %get3A_27 {offsets = [0, 640], sizes = [1, 128], strides = [1, 1]} : vector<1x1024xf32> to vector<1x128xf32>
    %add3A_78 = vector.broadcast %broadcast_in_dim3A : vector<1024x1xf32> to vector<1024x128xf32>
    %add3A_79 = vector.broadcast %slice3A_77 : vector<1x128xf32> to vector<1024x128xf32>
    %add3A_80 = arith.addf %add3A_78, %add3A_79 : vector<1024x128xf32>
    %slice3A_81 = vector.extract_strided_slice %dot_general3A_24 {offsets = [0, 640], sizes = [1024, 128], strides = [1, 1]} : vector<1024x1024xf32> to vector<1024x128xf32>
    %sub3A_82 = arith.subf %add3A_80, %slice3A_81 : vector<1024x128xf32>
    %lt3A_83 = arith.cmpf olt, %sub3A_82, %min3A_73 : vector<1024x128xf32>
    %min3A_84 = arith.minimumf %sub3A_82, %min3A_73 : vector<1024x128xf32>
    %jit3A_85 = arith.constant 5 : i32
    %broadcast_in_dim3A_86 = vector.broadcast %jit3A_85 : i32 to vector<1024x128xi32>
    %select_n3A_87 = arith.select %lt3A_83, %broadcast_in_dim3A_86, %select_n3A_76 : vector<1024x128xi1>, vector<1024x128xi32>
    %slice3A_88 = vector.extract_strided_slice %get3A_27 {offsets = [0, 768], sizes = [1, 128], strides = [1, 1]} : vector<1x1024xf32> to vector<1x128xf32>
    %add3A_89 = vector.broadcast %broadcast_in_dim3A : vector<1024x1xf32> to vector<1024x128xf32>
    %add3A_90 = vector.broadcast %slice3A_88 : vector<1x128xf32> to vector<1024x128xf32>
    %add3A_91 = arith.addf %add3A_89, %add3A_90 : vector<1024x128xf32>
    %slice3A_92 = vector.extract_strided_slice %dot_general3A_24 {offsets = [0, 768], sizes = [1024, 128], strides = [1, 1]} : vector<1024x1024xf32> to vector<1024x128xf32>
    %sub3A_93 = arith.subf %add3A_91, %slice3A_92 : vector<1024x128xf32>
    %lt3A_94 = arith.cmpf olt, %sub3A_93, %min3A_84 : vector<1024x128xf32>
    %min3A_95 = arith.minimumf %sub3A_93, %min3A_84 : vector<1024x128xf32>
    %jit3A_96 = arith.constant 6 : i32
    %broadcast_in_dim3A_97 = vector.broadcast %jit3A_96 : i32 to vector<1024x128xi32>
    %select_n3A_98 = arith.select %lt3A_94, %broadcast_in_dim3A_97, %select_n3A_87 : vector<1024x128xi1>, vector<1024x128xi32>
    %slice3A_99 = vector.extract_strided_slice %get3A_27 {offsets = [0, 896], sizes = [1, 128], strides = [1, 1]} : vector<1x1024xf32> to vector<1x128xf32>
    %add3A_100 = vector.broadcast %broadcast_in_dim3A : vector<1024x1xf32> to vector<1024x128xf32>
    %add3A_101 = vector.broadcast %slice3A_99 : vector<1x128xf32> to vector<1024x128xf32>
    %add3A_102 = arith.addf %add3A_100, %add3A_101 : vector<1024x128xf32>
    %slice3A_103 = vector.extract_strided_slice %dot_general3A_24 {offsets = [0, 896], sizes = [1024, 128], strides = [1, 1]} : vector<1024x1024xf32> to vector<1024x128xf32>
    %sub3A_104 = arith.subf %add3A_102, %slice3A_103 : vector<1024x128xf32>
    %lt3A_105 = arith.cmpf olt, %sub3A_104, %min3A_95 : vector<1024x128xf32>
    %min3A_106 = arith.minimumf %sub3A_104, %min3A_95 : vector<1024x128xf32>
    %jit3A_107 = arith.constant 7 : i32
    %broadcast_in_dim3A_108 = vector.broadcast %jit3A_107 : i32 to vector<1024x128xi32>
    %select_n3A_109 = arith.select %lt3A_105, %broadcast_in_dim3A_108, %select_n3A_98 : vector<1024x128xi1>, vector<1024x128xi32>
    %get3A_110 = arith.constant 1024 : index
    %get3A_111 = arith.constant 0 : index
    %get3A_112 = vector.load %arg2[%get3A_110, %get3A_111] : memref<8192x256xf32, #tpu.memory_space<vmem>>, vector<1024x256xf32>
    %dot_general3A_113 = arith.constant dense<0.000000e+00> : vector<1024x1024xf32>
    %dot_general3A_114 = tpu.matmul %add3A, %get3A_112, %dot_general3A_113 {dimension_numbers = #tpu.dot_dimension_numbers<[1], [1], [0], [0], [0, 0, 1, 0], [], []>, transpose_lhs_hint = false} : vector<1024x256xf32>, vector<1024x256xf32>, vector<1024x1024xf32> -> vector<1024x1024xf32>
    %get3A_115 = arith.constant 0 : index
    %get3A_116 = arith.constant 1024 : index
    %get3A_117 = vector.load %arg5[%get3A_115, %get3A_116] : memref<1x8192xf32, #tpu.memory_space<vmem>>, vector<1x1024xf32>
    %slice3A_118 = vector.extract_strided_slice %get3A_117 {offsets = [0, 0], sizes = [1, 128], strides = [1, 1]} : vector<1x1024xf32> to vector<1x128xf32>
    %add3A_119 = vector.broadcast %broadcast_in_dim3A : vector<1024x1xf32> to vector<1024x128xf32>
    %add3A_120 = vector.broadcast %slice3A_118 : vector<1x128xf32> to vector<1024x128xf32>
    %add3A_121 = arith.addf %add3A_119, %add3A_120 : vector<1024x128xf32>
    %slice3A_122 = vector.extract_strided_slice %dot_general3A_114 {offsets = [0, 0], sizes = [1024, 128], strides = [1, 1]} : vector<1024x1024xf32> to vector<1024x128xf32>
    %sub3A_123 = arith.subf %add3A_121, %slice3A_122 : vector<1024x128xf32>
    %lt3A_124 = arith.cmpf olt, %sub3A_123, %min3A_106 : vector<1024x128xf32>
    %min3A_125 = arith.minimumf %sub3A_123, %min3A_106 : vector<1024x128xf32>
    %jit3A_126 = arith.constant 8 : i32
    %broadcast_in_dim3A_127 = vector.broadcast %jit3A_126 : i32 to vector<1024x128xi32>
    %select_n3A_128 = arith.select %lt3A_124, %broadcast_in_dim3A_127, %select_n3A_109 : vector<1024x128xi1>, vector<1024x128xi32>
    %slice3A_129 = vector.extract_strided_slice %get3A_117 {offsets = [0, 128], sizes = [1, 128], strides = [1, 1]} : vector<1x1024xf32> to vector<1x128xf32>
    %add3A_130 = vector.broadcast %broadcast_in_dim3A : vector<1024x1xf32> to vector<1024x128xf32>
    %add3A_131 = vector.broadcast %slice3A_129 : vector<1x128xf32> to vector<1024x128xf32>
    %add3A_132 = arith.addf %add3A_130, %add3A_131 : vector<1024x128xf32>
    %slice3A_133 = vector.extract_strided_slice %dot_general3A_114 {offsets = [0, 128], sizes = [1024, 128], strides = [1, 1]} : vector<1024x1024xf32> to vector<1024x128xf32>
    %sub3A_134 = arith.subf %add3A_132, %slice3A_133 : vector<1024x128xf32>
    %lt3A_135 = arith.cmpf olt, %sub3A_134, %min3A_125 : vector<1024x128xf32>
    %min3A_136 = arith.minimumf %sub3A_134, %min3A_125 : vector<1024x128xf32>
    %jit3A_137 = arith.constant 9 : i32
    %broadcast_in_dim3A_138 = vector.broadcast %jit3A_137 : i32 to vector<1024x128xi32>
    %select_n3A_139 = arith.select %lt3A_135, %broadcast_in_dim3A_138, %select_n3A_128 : vector<1024x128xi1>, vector<1024x128xi32>
    %slice3A_140 = vector.extract_strided_slice %get3A_117 {offsets = [0, 256], sizes = [1, 128], strides = [1, 1]} : vector<1x1024xf32> to vector<1x128xf32>
    %add3A_141 = vector.broadcast %broadcast_in_dim3A : vector<1024x1xf32> to vector<1024x128xf32>
    %add3A_142 = vector.broadcast %slice3A_140 : vector<1x128xf32> to vector<1024x128xf32>
    %add3A_143 = arith.addf %add3A_141, %add3A_142 : vector<1024x128xf32>
    %slice3A_144 = vector.extract_strided_slice %dot_general3A_114 {offsets = [0, 256], sizes = [1024, 128], strides = [1, 1]} : vector<1024x1024xf32> to vector<1024x128xf32>
    %sub3A_145 = arith.subf %add3A_143, %slice3A_144 : vector<1024x128xf32>
    %lt3A_146 = arith.cmpf olt, %sub3A_145, %min3A_136 : vector<1024x128xf32>
    %min3A_147 = arith.minimumf %sub3A_145, %min3A_136 : vector<1024x128xf32>
    %jit3A_148 = arith.constant 10 : i32
    %broadcast_in_dim3A_149 = vector.broadcast %jit3A_148 : i32 to vector<1024x128xi32>
    %select_n3A_150 = arith.select %lt3A_146, %broadcast_in_dim3A_149, %select_n3A_139 : vector<1024x128xi1>, vector<1024x128xi32>
    %slice3A_151 = vector.extract_strided_slice %get3A_117 {offsets = [0, 384], sizes = [1, 128], strides = [1, 1]} : vector<1x1024xf32> to vector<1x128xf32>
    %add3A_152 = vector.broadcast %broadcast_in_dim3A : vector<1024x1xf32> to vector<1024x128xf32>
    %add3A_153 = vector.broadcast %slice3A_151 : vector<1x128xf32> to vector<1024x128xf32>
    %add3A_154 = arith.addf %add3A_152, %add3A_153 : vector<1024x128xf32>
    %slice3A_155 = vector.extract_strided_slice %dot_general3A_114 {offsets = [0, 384], sizes = [1024, 128], strides = [1, 1]} : vector<1024x1024xf32> to vector<1024x128xf32>
    %sub3A_156 = arith.subf %add3A_154, %slice3A_155 : vector<1024x128xf32>
    %lt3A_157 = arith.cmpf olt, %sub3A_156, %min3A_147 : vector<1024x128xf32>
    %min3A_158 = arith.minimumf %sub3A_156, %min3A_147 : vector<1024x128xf32>
    %jit3A_159 = arith.constant 11 : i32
    %broadcast_in_dim3A_160 = vector.broadcast %jit3A_159 : i32 to vector<1024x128xi32>
    %select_n3A_161 = arith.select %lt3A_157, %broadcast_in_dim3A_160, %select_n3A_150 : vector<1024x128xi1>, vector<1024x128xi32>
    %slice3A_162 = vector.extract_strided_slice %get3A_117 {offsets = [0, 512], sizes = [1, 128], strides = [1, 1]} : vector<1x1024xf32> to vector<1x128xf32>
    %add3A_163 = vector.broadcast %broadcast_in_dim3A : vector<1024x1xf32> to vector<1024x128xf32>
    %add3A_164 = vector.broadcast %slice3A_162 : vector<1x128xf32> to vector<1024x128xf32>
    %add3A_165 = arith.addf %add3A_163, %add3A_164 : vector<1024x128xf32>
    %slice3A_166 = vector.extract_strided_slice %dot_general3A_114 {offsets = [0, 512], sizes = [1024, 128], strides = [1, 1]} : vector<1024x1024xf32> to vector<1024x128xf32>
    %sub3A_167 = arith.subf %add3A_165, %slice3A_166 : vector<1024x128xf32>
    %lt3A_168 = arith.cmpf olt, %sub3A_167, %min3A_158 : vector<1024x128xf32>
    %min3A_169 = arith.minimumf %sub3A_167, %min3A_158 : vector<1024x128xf32>
    %jit3A_170 = arith.constant 12 : i32
    %broadcast_in_dim3A_171 = vector.broadcast %jit3A_170 : i32 to vector<1024x128xi32>
    %select_n3A_172 = arith.select %lt3A_168, %broadcast_in_dim3A_171, %select_n3A_161 : vector<1024x128xi1>, vector<1024x128xi32>
    %slice3A_173 = vector.extract_strided_slice %get3A_117 {offsets = [0, 640], sizes = [1, 128], strides = [1, 1]} : vector<1x1024xf32> to vector<1x128xf32>
    %add3A_174 = vector.broadcast %broadcast_in_dim3A : vector<1024x1xf32> to vector<1024x128xf32>
    %add3A_175 = vector.broadcast %slice3A_173 : vector<1x128xf32> to vector<1024x128xf32>
    %add3A_176 = arith.addf %add3A_174, %add3A_175 : vector<1024x128xf32>
    %slice3A_177 = vector.extract_strided_slice %dot_general3A_114 {offsets = [0, 640], sizes = [1024, 128], strides = [1, 1]} : vector<1024x1024xf32> to vector<1024x128xf32>
    %sub3A_178 = arith.subf %add3A_176, %slice3A_177 : vector<1024x128xf32>
    %lt3A_179 = arith.cmpf olt, %sub3A_178, %min3A_169 : vector<1024x128xf32>
    %min3A_180 = arith.minimumf %sub3A_178, %min3A_169 : vector<1024x128xf32>
    %jit3A_181 = arith.constant 13 : i32
    %broadcast_in_dim3A_182 = vector.broadcast %jit3A_181 : i32 to vector<1024x128xi32>
    %select_n3A_183 = arith.select %lt3A_179, %broadcast_in_dim3A_182, %select_n3A_172 : vector<1024x128xi1>, vector<1024x128xi32>
    %slice3A_184 = vector.extract_strided_slice %get3A_117 {offsets = [0, 768], sizes = [1, 128], strides = [1, 1]} : vector<1x1024xf32> to vector<1x128xf32>
    %add3A_185 = vector.broadcast %broadcast_in_dim3A : vector<1024x1xf32> to vector<1024x128xf32>
    %add3A_186 = vector.broadcast %slice3A_184 : vector<1x128xf32> to vector<1024x128xf32>
    %add3A_187 = arith.addf %add3A_185, %add3A_186 : vector<1024x128xf32>
    %slice3A_188 = vector.extract_strided_slice %dot_general3A_114 {offsets = [0, 768], sizes = [1024, 128], strides = [1, 1]} : vector<1024x1024xf32> to vector<1024x128xf32>
    %sub3A_189 = arith.subf %add3A_187, %slice3A_188 : vector<1024x128xf32>
    %lt3A_190 = arith.cmpf olt, %sub3A_189, %min3A_180 : vector<1024x128xf32>
    %min3A_191 = arith.minimumf %sub3A_189, %min3A_180 : vector<1024x128xf32>
    %jit3A_192 = arith.constant 14 : i32
    %broadcast_in_dim3A_193 = vector.broadcast %jit3A_192 : i32 to vector<1024x128xi32>
    %select_n3A_194 = arith.select %lt3A_190, %broadcast_in_dim3A_193, %select_n3A_183 : vector<1024x128xi1>, vector<1024x128xi32>
    %slice3A_195 = vector.extract_strided_slice %get3A_117 {offsets = [0, 896], sizes = [1, 128], strides = [1, 1]} : vector<1x1024xf32> to vector<1x128xf32>
    %add3A_196 = vector.broadcast %broadcast_in_dim3A : vector<1024x1xf32> to vector<1024x128xf32>
    %add3A_197 = vector.broadcast %slice3A_195 : vector<1x128xf32> to vector<1024x128xf32>
    %add3A_198 = arith.addf %add3A_196, %add3A_197 : vector<1024x128xf32>
    %slice3A_199 = vector.extract_strided_slice %dot_general3A_114 {offsets = [0, 896], sizes = [1024, 128], strides = [1, 1]} : vector<1024x1024xf32> to vector<1024x128xf32>
    %sub3A_200 = arith.subf %add3A_198, %slice3A_199 : vector<1024x128xf32>
    %lt3A_201 = arith.cmpf olt, %sub3A_200, %min3A_191 : vector<1024x128xf32>
    %min3A_202 = arith.minimumf %sub3A_200, %min3A_191 : vector<1024x128xf32>
    %jit3A_203 = arith.constant 15 : i32
    %broadcast_in_dim3A_204 = vector.broadcast %jit3A_203 : i32 to vector<1024x128xi32>
    %select_n3A_205 = arith.select %lt3A_201, %broadcast_in_dim3A_204, %select_n3A_194 : vector<1024x128xi1>, vector<1024x128xi32>
    %get3A_206 = arith.constant 2048 : index
    %get3A_207 = arith.constant 0 : index
    %get3A_208 = vector.load %arg2[%get3A_206, %get3A_207] : memref<8192x256xf32, #tpu.memory_space<vmem>>, vector<1024x256xf32>
    %dot_general3A_209 = arith.constant dense<0.000000e+00> : vector<1024x1024xf32>
    %dot_general3A_210 = tpu.matmul %add3A, %get3A_208, %dot_general3A_209 {dimension_numbers = #tpu.dot_dimension_numbers<[1], [1], [0], [0], [0, 0, 1, 0], [], []>, transpose_lhs_hint = false} : vector<1024x256xf32>, vector<1024x256xf32>, vector<1024x1024xf32> -> vector<1024x1024xf32>
    %get3A_211 = arith.constant 0 : index
    %get3A_212 = arith.constant 2048 : index
    %get3A_213 = vector.load %arg5[%get3A_211, %get3A_212] : memref<1x8192xf32, #tpu.memory_space<vmem>>, vector<1x1024xf32>
    %slice3A_214 = vector.extract_strided_slice %get3A_213 {offsets = [0, 0], sizes = [1, 128], strides = [1, 1]} : vector<1x1024xf32> to vector<1x128xf32>
    %add3A_215 = vector.broadcast %broadcast_in_dim3A : vector<1024x1xf32> to vector<1024x128xf32>
    %add3A_216 = vector.broadcast %slice3A_214 : vector<1x128xf32> to vector<1024x128xf32>
    %add3A_217 = arith.addf %add3A_215, %add3A_216 : vector<1024x128xf32>
    %slice3A_218 = vector.extract_strided_slice %dot_general3A_210 {offsets = [0, 0], sizes = [1024, 128], strides = [1, 1]} : vector<1024x1024xf32> to vector<1024x128xf32>
    %sub3A_219 = arith.subf %add3A_217, %slice3A_218 : vector<1024x128xf32>
    %lt3A_220 = arith.cmpf olt, %sub3A_219, %min3A_202 : vector<1024x128xf32>
    %min3A_221 = arith.minimumf %sub3A_219, %min3A_202 : vector<1024x128xf32>
    %jit3A_222 = arith.constant 16 : i32
    %broadcast_in_dim3A_223 = vector.broadcast %jit3A_222 : i32 to vector<1024x128xi32>
    %select_n3A_224 = arith.select %lt3A_220, %broadcast_in_dim3A_223, %select_n3A_205 : vector<1024x128xi1>, vector<1024x128xi32>
    %slice3A_225 = vector.extract_strided_slice %get3A_213 {offsets = [0, 128], sizes = [1, 128], strides = [1, 1]} : vector<1x1024xf32> to vector<1x128xf32>
    %add3A_226 = vector.broadcast %broadcast_in_dim3A : vector<1024x1xf32> to vector<1024x128xf32>
    %add3A_227 = vector.broadcast %slice3A_225 : vector<1x128xf32> to vector<1024x128xf32>
    %add3A_228 = arith.addf %add3A_226, %add3A_227 : vector<1024x128xf32>
    %slice3A_229 = vector.extract_strided_slice %dot_general3A_210 {offsets = [0, 128], sizes = [1024, 128], strides = [1, 1]} : vector<1024x1024xf32> to vector<1024x128xf32>
    %sub3A_230 = arith.subf %add3A_228, %slice3A_229 : vector<1024x128xf32>
    %lt3A_231 = arith.cmpf olt, %sub3A_230, %min3A_221 : vector<1024x128xf32>
    %min3A_232 = arith.minimumf %sub3A_230, %min3A_221 : vector<1024x128xf32>
    %jit3A_233 = arith.constant 17 : i32
    %broadcast_in_dim3A_234 = vector.broadcast %jit3A_233 : i32 to vector<1024x128xi32>
    %select_n3A_235 = arith.select %lt3A_231, %broadcast_in_dim3A_234, %select_n3A_224 : vector<1024x128xi1>, vector<1024x128xi32>
    %slice3A_236 = vector.extract_strided_slice %get3A_213 {offsets = [0, 256], sizes = [1, 128], strides = [1, 1]} : vector<1x1024xf32> to vector<1x128xf32>
    %add3A_237 = vector.broadcast %broadcast_in_dim3A : vector<1024x1xf32> to vector<1024x128xf32>
    %add3A_238 = vector.broadcast %slice3A_236 : vector<1x128xf32> to vector<1024x128xf32>
    %add3A_239 = arith.addf %add3A_237, %add3A_238 : vector<1024x128xf32>
    %slice3A_240 = vector.extract_strided_slice %dot_general3A_210 {offsets = [0, 256], sizes = [1024, 128], strides = [1, 1]} : vector<1024x1024xf32> to vector<1024x128xf32>
    %sub3A_241 = arith.subf %add3A_239, %slice3A_240 : vector<1024x128xf32>
    %lt3A_242 = arith.cmpf olt, %sub3A_241, %min3A_232 : vector<1024x128xf32>
    %min3A_243 = arith.minimumf %sub3A_241, %min3A_232 : vector<1024x128xf32>
    %jit3A_244 = arith.constant 18 : i32
    %broadcast_in_dim3A_245 = vector.broadcast %jit3A_244 : i32 to vector<1024x128xi32>
    %select_n3A_246 = arith.select %lt3A_242, %broadcast_in_dim3A_245, %select_n3A_235 : vector<1024x128xi1>, vector<1024x128xi32>
    %slice3A_247 = vector.extract_strided_slice %get3A_213 {offsets = [0, 384], sizes = [1, 128], strides = [1, 1]} : vector<1x1024xf32> to vector<1x128xf32>
    %add3A_248 = vector.broadcast %broadcast_in_dim3A : vector<1024x1xf32> to vector<1024x128xf32>
    %add3A_249 = vector.broadcast %slice3A_247 : vector<1x128xf32> to vector<1024x128xf32>
    %add3A_250 = arith.addf %add3A_248, %add3A_249 : vector<1024x128xf32>
    %slice3A_251 = vector.extract_strided_slice %dot_general3A_210 {offsets = [0, 384], sizes = [1024, 128], strides = [1, 1]} : vector<1024x1024xf32> to vector<1024x128xf32>
    %sub3A_252 = arith.subf %add3A_250, %slice3A_251 : vector<1024x128xf32>
    %lt3A_253 = arith.cmpf olt, %sub3A_252, %min3A_243 : vector<1024x128xf32>
    %min3A_254 = arith.minimumf %sub3A_252, %min3A_243 : vector<1024x128xf32>
    %jit3A_255 = arith.constant 19 : i32
    %broadcast_in_dim3A_256 = vector.broadcast %jit3A_255 : i32 to vector<1024x128xi32>
    %select_n3A_257 = arith.select %lt3A_253, %broadcast_in_dim3A_256, %select_n3A_246 : vector<1024x128xi1>, vector<1024x128xi32>
    %slice3A_258 = vector.extract_strided_slice %get3A_213 {offsets = [0, 512], sizes = [1, 128], strides = [1, 1]} : vector<1x1024xf32> to vector<1x128xf32>
    %add3A_259 = vector.broadcast %broadcast_in_dim3A : vector<1024x1xf32> to vector<1024x128xf32>
    %add3A_260 = vector.broadcast %slice3A_258 : vector<1x128xf32> to vector<1024x128xf32>
    %add3A_261 = arith.addf %add3A_259, %add3A_260 : vector<1024x128xf32>
    %slice3A_262 = vector.extract_strided_slice %dot_general3A_210 {offsets = [0, 512], sizes = [1024, 128], strides = [1, 1]} : vector<1024x1024xf32> to vector<1024x128xf32>
    %sub3A_263 = arith.subf %add3A_261, %slice3A_262 : vector<1024x128xf32>
    %lt3A_264 = arith.cmpf olt, %sub3A_263, %min3A_254 : vector<1024x128xf32>
    %min3A_265 = arith.minimumf %sub3A_263, %min3A_254 : vector<1024x128xf32>
    %jit3A_266 = arith.constant 20 : i32
    %broadcast_in_dim3A_267 = vector.broadcast %jit3A_266 : i32 to vector<1024x128xi32>
    %select_n3A_268 = arith.select %lt3A_264, %broadcast_in_dim3A_267, %select_n3A_257 : vector<1024x128xi1>, vector<1024x128xi32>
    %slice3A_269 = vector.extract_strided_slice %get3A_213 {offsets = [0, 640], sizes = [1, 128], strides = [1, 1]} : vector<1x1024xf32> to vector<1x128xf32>
    %add3A_270 = vector.broadcast %broadcast_in_dim3A : vector<1024x1xf32> to vector<1024x128xf32>
    %add3A_271 = vector.broadcast %slice3A_269 : vector<1x128xf32> to vector<1024x128xf32>
    %add3A_272 = arith.addf %add3A_270, %add3A_271 : vector<1024x128xf32>
    %slice3A_273 = vector.extract_strided_slice %dot_general3A_210 {offsets = [0, 640], sizes = [1024, 128], strides = [1, 1]} : vector<1024x1024xf32> to vector<1024x128xf32>
    %sub3A_274 = arith.subf %add3A_272, %slice3A_273 : vector<1024x128xf32>
    %lt3A_275 = arith.cmpf olt, %sub3A_274, %min3A_265 : vector<1024x128xf32>
    %min3A_276 = arith.minimumf %sub3A_274, %min3A_265 : vector<1024x128xf32>
    %jit3A_277 = arith.constant 21 : i32
    %broadcast_in_dim3A_278 = vector.broadcast %jit3A_277 : i32 to vector<1024x128xi32>
    %select_n3A_279 = arith.select %lt3A_275, %broadcast_in_dim3A_278, %select_n3A_268 : vector<1024x128xi1>, vector<1024x128xi32>
    %slice3A_280 = vector.extract_strided_slice %get3A_213 {offsets = [0, 768], sizes = [1, 128], strides = [1, 1]} : vector<1x1024xf32> to vector<1x128xf32>
    %add3A_281 = vector.broadcast %broadcast_in_dim3A : vector<1024x1xf32> to vector<1024x128xf32>
    %add3A_282 = vector.broadcast %slice3A_280 : vector<1x128xf32> to vector<1024x128xf32>
    %add3A_283 = arith.addf %add3A_281, %add3A_282 : vector<1024x128xf32>
    %slice3A_284 = vector.extract_strided_slice %dot_general3A_210 {offsets = [0, 768], sizes = [1024, 128], strides = [1, 1]} : vector<1024x1024xf32> to vector<1024x128xf32>
    %sub3A_285 = arith.subf %add3A_283, %slice3A_284 : vector<1024x128xf32>
    %lt3A_286 = arith.cmpf olt, %sub3A_285, %min3A_276 : vector<1024x128xf32>
    %min3A_287 = arith.minimumf %sub3A_285, %min3A_276 : vector<1024x128xf32>
    %jit3A_288 = arith.constant 22 : i32
    %broadcast_in_dim3A_289 = vector.broadcast %jit3A_288 : i32 to vector<1024x128xi32>
    %select_n3A_290 = arith.select %lt3A_286, %broadcast_in_dim3A_289, %select_n3A_279 : vector<1024x128xi1>, vector<1024x128xi32>
    %slice3A_291 = vector.extract_strided_slice %get3A_213 {offsets = [0, 896], sizes = [1, 128], strides = [1, 1]} : vector<1x1024xf32> to vector<1x128xf32>
    %add3A_292 = vector.broadcast %broadcast_in_dim3A : vector<1024x1xf32> to vector<1024x128xf32>
    %add3A_293 = vector.broadcast %slice3A_291 : vector<1x128xf32> to vector<1024x128xf32>
    %add3A_294 = arith.addf %add3A_292, %add3A_293 : vector<1024x128xf32>
    %slice3A_295 = vector.extract_strided_slice %dot_general3A_210 {offsets = [0, 896], sizes = [1024, 128], strides = [1, 1]} : vector<1024x1024xf32> to vector<1024x128xf32>
    %sub3A_296 = arith.subf %add3A_294, %slice3A_295 : vector<1024x128xf32>
    %lt3A_297 = arith.cmpf olt, %sub3A_296, %min3A_287 : vector<1024x128xf32>
    %min3A_298 = arith.minimumf %sub3A_296, %min3A_287 : vector<1024x128xf32>
    %jit3A_299 = arith.constant 23 : i32
    %broadcast_in_dim3A_300 = vector.broadcast %jit3A_299 : i32 to vector<1024x128xi32>
    %select_n3A_301 = arith.select %lt3A_297, %broadcast_in_dim3A_300, %select_n3A_290 : vector<1024x128xi1>, vector<1024x128xi32>
    %get3A_302 = arith.constant 3072 : index
    %get3A_303 = arith.constant 0 : index
    %get3A_304 = vector.load %arg2[%get3A_302, %get3A_303] : memref<8192x256xf32, #tpu.memory_space<vmem>>, vector<1024x256xf32>
    %dot_general3A_305 = arith.constant dense<0.000000e+00> : vector<1024x1024xf32>
    %dot_general3A_306 = tpu.matmul %add3A, %get3A_304, %dot_general3A_305 {dimension_numbers = #tpu.dot_dimension_numbers<[1], [1], [0], [0], [0, 0, 1, 0], [], []>, transpose_lhs_hint = false} : vector<1024x256xf32>, vector<1024x256xf32>, vector<1024x1024xf32> -> vector<1024x1024xf32>
    %get3A_307 = arith.constant 0 : index
    %get3A_308 = arith.constant 3072 : index
    %get3A_309 = vector.load %arg5[%get3A_307, %get3A_308] : memref<1x8192xf32, #tpu.memory_space<vmem>>, vector<1x1024xf32>
    %slice3A_310 = vector.extract_strided_slice %get3A_309 {offsets = [0, 0], sizes = [1, 128], strides = [1, 1]} : vector<1x1024xf32> to vector<1x128xf32>
    %add3A_311 = vector.broadcast %broadcast_in_dim3A : vector<1024x1xf32> to vector<1024x128xf32>
    %add3A_312 = vector.broadcast %slice3A_310 : vector<1x128xf32> to vector<1024x128xf32>
    %add3A_313 = arith.addf %add3A_311, %add3A_312 : vector<1024x128xf32>
    %slice3A_314 = vector.extract_strided_slice %dot_general3A_306 {offsets = [0, 0], sizes = [1024, 128], strides = [1, 1]} : vector<1024x1024xf32> to vector<1024x128xf32>
    %sub3A_315 = arith.subf %add3A_313, %slice3A_314 : vector<1024x128xf32>
    %lt3A_316 = arith.cmpf olt, %sub3A_315, %min3A_298 : vector<1024x128xf32>
    %min3A_317 = arith.minimumf %sub3A_315, %min3A_298 : vector<1024x128xf32>
    %jit3A_318 = arith.constant 24 : i32
    %broadcast_in_dim3A_319 = vector.broadcast %jit3A_318 : i32 to vector<1024x128xi32>
    %select_n3A_320 = arith.select %lt3A_316, %broadcast_in_dim3A_319, %select_n3A_301 : vector<1024x128xi1>, vector<1024x128xi32>
    %slice3A_321 = vector.extract_strided_slice %get3A_309 {offsets = [0, 128], sizes = [1, 128], strides = [1, 1]} : vector<1x1024xf32> to vector<1x128xf32>
    %add3A_322 = vector.broadcast %broadcast_in_dim3A : vector<1024x1xf32> to vector<1024x128xf32>
    %add3A_323 = vector.broadcast %slice3A_321 : vector<1x128xf32> to vector<1024x128xf32>
    %add3A_324 = arith.addf %add3A_322, %add3A_323 : vector<1024x128xf32>
    %slice3A_325 = vector.extract_strided_slice %dot_general3A_306 {offsets = [0, 128], sizes = [1024, 128], strides = [1, 1]} : vector<1024x1024xf32> to vector<1024x128xf32>
    %sub3A_326 = arith.subf %add3A_324, %slice3A_325 : vector<1024x128xf32>
    %lt3A_327 = arith.cmpf olt, %sub3A_326, %min3A_317 : vector<1024x128xf32>
    %min3A_328 = arith.minimumf %sub3A_326, %min3A_317 : vector<1024x128xf32>
    %jit3A_329 = arith.constant 25 : i32
    %broadcast_in_dim3A_330 = vector.broadcast %jit3A_329 : i32 to vector<1024x128xi32>
    %select_n3A_331 = arith.select %lt3A_327, %broadcast_in_dim3A_330, %select_n3A_320 : vector<1024x128xi1>, vector<1024x128xi32>
    %slice3A_332 = vector.extract_strided_slice %get3A_309 {offsets = [0, 256], sizes = [1, 128], strides = [1, 1]} : vector<1x1024xf32> to vector<1x128xf32>
    %add3A_333 = vector.broadcast %broadcast_in_dim3A : vector<1024x1xf32> to vector<1024x128xf32>
    %add3A_334 = vector.broadcast %slice3A_332 : vector<1x128xf32> to vector<1024x128xf32>
    %add3A_335 = arith.addf %add3A_333, %add3A_334 : vector<1024x128xf32>
    %slice3A_336 = vector.extract_strided_slice %dot_general3A_306 {offsets = [0, 256], sizes = [1024, 128], strides = [1, 1]} : vector<1024x1024xf32> to vector<1024x128xf32>
    %sub3A_337 = arith.subf %add3A_335, %slice3A_336 : vector<1024x128xf32>
    %lt3A_338 = arith.cmpf olt, %sub3A_337, %min3A_328 : vector<1024x128xf32>
    %min3A_339 = arith.minimumf %sub3A_337, %min3A_328 : vector<1024x128xf32>
    %jit3A_340 = arith.constant 26 : i32
    %broadcast_in_dim3A_341 = vector.broadcast %jit3A_340 : i32 to vector<1024x128xi32>
    %select_n3A_342 = arith.select %lt3A_338, %broadcast_in_dim3A_341, %select_n3A_331 : vector<1024x128xi1>, vector<1024x128xi32>
    %slice3A_343 = vector.extract_strided_slice %get3A_309 {offsets = [0, 384], sizes = [1, 128], strides = [1, 1]} : vector<1x1024xf32> to vector<1x128xf32>
    %add3A_344 = vector.broadcast %broadcast_in_dim3A : vector<1024x1xf32> to vector<1024x128xf32>
    %add3A_345 = vector.broadcast %slice3A_343 : vector<1x128xf32> to vector<1024x128xf32>
    %add3A_346 = arith.addf %add3A_344, %add3A_345 : vector<1024x128xf32>
    %slice3A_347 = vector.extract_strided_slice %dot_general3A_306 {offsets = [0, 384], sizes = [1024, 128], strides = [1, 1]} : vector<1024x1024xf32> to vector<1024x128xf32>
    %sub3A_348 = arith.subf %add3A_346, %slice3A_347 : vector<1024x128xf32>
    %lt3A_349 = arith.cmpf olt, %sub3A_348, %min3A_339 : vector<1024x128xf32>
    %min3A_350 = arith.minimumf %sub3A_348, %min3A_339 : vector<1024x128xf32>
    %jit3A_351 = arith.constant 27 : i32
    %broadcast_in_dim3A_352 = vector.broadcast %jit3A_351 : i32 to vector<1024x128xi32>
    %select_n3A_353 = arith.select %lt3A_349, %broadcast_in_dim3A_352, %select_n3A_342 : vector<1024x128xi1>, vector<1024x128xi32>
    %slice3A_354 = vector.extract_strided_slice %get3A_309 {offsets = [0, 512], sizes = [1, 128], strides = [1, 1]} : vector<1x1024xf32> to vector<1x128xf32>
    %add3A_355 = vector.broadcast %broadcast_in_dim3A : vector<1024x1xf32> to vector<1024x128xf32>
    %add3A_356 = vector.broadcast %slice3A_354 : vector<1x128xf32> to vector<1024x128xf32>
    %add3A_357 = arith.addf %add3A_355, %add3A_356 : vector<1024x128xf32>
    %slice3A_358 = vector.extract_strided_slice %dot_general3A_306 {offsets = [0, 512], sizes = [1024, 128], strides = [1, 1]} : vector<1024x1024xf32> to vector<1024x128xf32>
    %sub3A_359 = arith.subf %add3A_357, %slice3A_358 : vector<1024x128xf32>
    %lt3A_360 = arith.cmpf olt, %sub3A_359, %min3A_350 : vector<1024x128xf32>
    %min3A_361 = arith.minimumf %sub3A_359, %min3A_350 : vector<1024x128xf32>
    %jit3A_362 = arith.constant 28 : i32
    %broadcast_in_dim3A_363 = vector.broadcast %jit3A_362 : i32 to vector<1024x128xi32>
    %select_n3A_364 = arith.select %lt3A_360, %broadcast_in_dim3A_363, %select_n3A_353 : vector<1024x128xi1>, vector<1024x128xi32>
    %slice3A_365 = vector.extract_strided_slice %get3A_309 {offsets = [0, 640], sizes = [1, 128], strides = [1, 1]} : vector<1x1024xf32> to vector<1x128xf32>
    %add3A_366 = vector.broadcast %broadcast_in_dim3A : vector<1024x1xf32> to vector<1024x128xf32>
    %add3A_367 = vector.broadcast %slice3A_365 : vector<1x128xf32> to vector<1024x128xf32>
    %add3A_368 = arith.addf %add3A_366, %add3A_367 : vector<1024x128xf32>
    %slice3A_369 = vector.extract_strided_slice %dot_general3A_306 {offsets = [0, 640], sizes = [1024, 128], strides = [1, 1]} : vector<1024x1024xf32> to vector<1024x128xf32>
    %sub3A_370 = arith.subf %add3A_368, %slice3A_369 : vector<1024x128xf32>
    %lt3A_371 = arith.cmpf olt, %sub3A_370, %min3A_361 : vector<1024x128xf32>
    %min3A_372 = arith.minimumf %sub3A_370, %min3A_361 : vector<1024x128xf32>
    %jit3A_373 = arith.constant 29 : i32
    %broadcast_in_dim3A_374 = vector.broadcast %jit3A_373 : i32 to vector<1024x128xi32>
    %select_n3A_375 = arith.select %lt3A_371, %broadcast_in_dim3A_374, %select_n3A_364 : vector<1024x128xi1>, vector<1024x128xi32>
    %slice3A_376 = vector.extract_strided_slice %get3A_309 {offsets = [0, 768], sizes = [1, 128], strides = [1, 1]} : vector<1x1024xf32> to vector<1x128xf32>
    %add3A_377 = vector.broadcast %broadcast_in_dim3A : vector<1024x1xf32> to vector<1024x128xf32>
    %add3A_378 = vector.broadcast %slice3A_376 : vector<1x128xf32> to vector<1024x128xf32>
    %add3A_379 = arith.addf %add3A_377, %add3A_378 : vector<1024x128xf32>
    %slice3A_380 = vector.extract_strided_slice %dot_general3A_306 {offsets = [0, 768], sizes = [1024, 128], strides = [1, 1]} : vector<1024x1024xf32> to vector<1024x128xf32>
    %sub3A_381 = arith.subf %add3A_379, %slice3A_380 : vector<1024x128xf32>
    %lt3A_382 = arith.cmpf olt, %sub3A_381, %min3A_372 : vector<1024x128xf32>
    %min3A_383 = arith.minimumf %sub3A_381, %min3A_372 : vector<1024x128xf32>
    %jit3A_384 = arith.constant 30 : i32
    %broadcast_in_dim3A_385 = vector.broadcast %jit3A_384 : i32 to vector<1024x128xi32>
    %select_n3A_386 = arith.select %lt3A_382, %broadcast_in_dim3A_385, %select_n3A_375 : vector<1024x128xi1>, vector<1024x128xi32>
    %slice3A_387 = vector.extract_strided_slice %get3A_309 {offsets = [0, 896], sizes = [1, 128], strides = [1, 1]} : vector<1x1024xf32> to vector<1x128xf32>
    %add3A_388 = vector.broadcast %broadcast_in_dim3A : vector<1024x1xf32> to vector<1024x128xf32>
    %add3A_389 = vector.broadcast %slice3A_387 : vector<1x128xf32> to vector<1024x128xf32>
    %add3A_390 = arith.addf %add3A_388, %add3A_389 : vector<1024x128xf32>
    %slice3A_391 = vector.extract_strided_slice %dot_general3A_306 {offsets = [0, 896], sizes = [1024, 128], strides = [1, 1]} : vector<1024x1024xf32> to vector<1024x128xf32>
    %sub3A_392 = arith.subf %add3A_390, %slice3A_391 : vector<1024x128xf32>
    %lt3A_393 = arith.cmpf olt, %sub3A_392, %min3A_383 : vector<1024x128xf32>
    %min3A_394 = arith.minimumf %sub3A_392, %min3A_383 : vector<1024x128xf32>
    %jit3A_395 = arith.constant 31 : i32
    %broadcast_in_dim3A_396 = vector.broadcast %jit3A_395 : i32 to vector<1024x128xi32>
    %select_n3A_397 = arith.select %lt3A_393, %broadcast_in_dim3A_396, %select_n3A_386 : vector<1024x128xi1>, vector<1024x128xi32>
    %get3A_398 = arith.constant 4096 : index
    %get3A_399 = arith.constant 0 : index
    %get3A_400 = vector.load %arg2[%get3A_398, %get3A_399] : memref<8192x256xf32, #tpu.memory_space<vmem>>, vector<1024x256xf32>
    %dot_general3A_401 = arith.constant dense<0.000000e+00> : vector<1024x1024xf32>
    %dot_general3A_402 = tpu.matmul %add3A, %get3A_400, %dot_general3A_401 {dimension_numbers = #tpu.dot_dimension_numbers<[1], [1], [0], [0], [0, 0, 1, 0], [], []>, transpose_lhs_hint = false} : vector<1024x256xf32>, vector<1024x256xf32>, vector<1024x1024xf32> -> vector<1024x1024xf32>
    %get3A_403 = arith.constant 0 : index
    %get3A_404 = arith.constant 4096 : index
    %get3A_405 = vector.load %arg5[%get3A_403, %get3A_404] : memref<1x8192xf32, #tpu.memory_space<vmem>>, vector<1x1024xf32>
    %slice3A_406 = vector.extract_strided_slice %get3A_405 {offsets = [0, 0], sizes = [1, 128], strides = [1, 1]} : vector<1x1024xf32> to vector<1x128xf32>
    %add3A_407 = vector.broadcast %broadcast_in_dim3A : vector<1024x1xf32> to vector<1024x128xf32>
    %add3A_408 = vector.broadcast %slice3A_406 : vector<1x128xf32> to vector<1024x128xf32>
    %add3A_409 = arith.addf %add3A_407, %add3A_408 : vector<1024x128xf32>
    %slice3A_410 = vector.extract_strided_slice %dot_general3A_402 {offsets = [0, 0], sizes = [1024, 128], strides = [1, 1]} : vector<1024x1024xf32> to vector<1024x128xf32>
    %sub3A_411 = arith.subf %add3A_409, %slice3A_410 : vector<1024x128xf32>
    %lt3A_412 = arith.cmpf olt, %sub3A_411, %min3A_394 : vector<1024x128xf32>
    %min3A_413 = arith.minimumf %sub3A_411, %min3A_394 : vector<1024x128xf32>
    %jit3A_414 = arith.constant 32 : i32
    %broadcast_in_dim3A_415 = vector.broadcast %jit3A_414 : i32 to vector<1024x128xi32>
    %select_n3A_416 = arith.select %lt3A_412, %broadcast_in_dim3A_415, %select_n3A_397 : vector<1024x128xi1>, vector<1024x128xi32>
    %slice3A_417 = vector.extract_strided_slice %get3A_405 {offsets = [0, 128], sizes = [1, 128], strides = [1, 1]} : vector<1x1024xf32> to vector<1x128xf32>
    %add3A_418 = vector.broadcast %broadcast_in_dim3A : vector<1024x1xf32> to vector<1024x128xf32>
    %add3A_419 = vector.broadcast %slice3A_417 : vector<1x128xf32> to vector<1024x128xf32>
    %add3A_420 = arith.addf %add3A_418, %add3A_419 : vector<1024x128xf32>
    %slice3A_421 = vector.extract_strided_slice %dot_general3A_402 {offsets = [0, 128], sizes = [1024, 128], strides = [1, 1]} : vector<1024x1024xf32> to vector<1024x128xf32>
    %sub3A_422 = arith.subf %add3A_420, %slice3A_421 : vector<1024x128xf32>
    %lt3A_423 = arith.cmpf olt, %sub3A_422, %min3A_413 : vector<1024x128xf32>
    %min3A_424 = arith.minimumf %sub3A_422, %min3A_413 : vector<1024x128xf32>
    %jit3A_425 = arith.constant 33 : i32
    %broadcast_in_dim3A_426 = vector.broadcast %jit3A_425 : i32 to vector<1024x128xi32>
    %select_n3A_427 = arith.select %lt3A_423, %broadcast_in_dim3A_426, %select_n3A_416 : vector<1024x128xi1>, vector<1024x128xi32>
    %slice3A_428 = vector.extract_strided_slice %get3A_405 {offsets = [0, 256], sizes = [1, 128], strides = [1, 1]} : vector<1x1024xf32> to vector<1x128xf32>
    %add3A_429 = vector.broadcast %broadcast_in_dim3A : vector<1024x1xf32> to vector<1024x128xf32>
    %add3A_430 = vector.broadcast %slice3A_428 : vector<1x128xf32> to vector<1024x128xf32>
    %add3A_431 = arith.addf %add3A_429, %add3A_430 : vector<1024x128xf32>
    %slice3A_432 = vector.extract_strided_slice %dot_general3A_402 {offsets = [0, 256], sizes = [1024, 128], strides = [1, 1]} : vector<1024x1024xf32> to vector<1024x128xf32>
    %sub3A_433 = arith.subf %add3A_431, %slice3A_432 : vector<1024x128xf32>
    %lt3A_434 = arith.cmpf olt, %sub3A_433, %min3A_424 : vector<1024x128xf32>
    %min3A_435 = arith.minimumf %sub3A_433, %min3A_424 : vector<1024x128xf32>
    %jit3A_436 = arith.constant 34 : i32
    %broadcast_in_dim3A_437 = vector.broadcast %jit3A_436 : i32 to vector<1024x128xi32>
    %select_n3A_438 = arith.select %lt3A_434, %broadcast_in_dim3A_437, %select_n3A_427 : vector<1024x128xi1>, vector<1024x128xi32>
    %slice3A_439 = vector.extract_strided_slice %get3A_405 {offsets = [0, 384], sizes = [1, 128], strides = [1, 1]} : vector<1x1024xf32> to vector<1x128xf32>
    %add3A_440 = vector.broadcast %broadcast_in_dim3A : vector<1024x1xf32> to vector<1024x128xf32>
    %add3A_441 = vector.broadcast %slice3A_439 : vector<1x128xf32> to vector<1024x128xf32>
    %add3A_442 = arith.addf %add3A_440, %add3A_441 : vector<1024x128xf32>
    %slice3A_443 = vector.extract_strided_slice %dot_general3A_402 {offsets = [0, 384], sizes = [1024, 128], strides = [1, 1]} : vector<1024x1024xf32> to vector<1024x128xf32>
    %sub3A_444 = arith.subf %add3A_442, %slice3A_443 : vector<1024x128xf32>
    %lt3A_445 = arith.cmpf olt, %sub3A_444, %min3A_435 : vector<1024x128xf32>
    %min3A_446 = arith.minimumf %sub3A_444, %min3A_435 : vector<1024x128xf32>
    %jit3A_447 = arith.constant 35 : i32
    %broadcast_in_dim3A_448 = vector.broadcast %jit3A_447 : i32 to vector<1024x128xi32>
    %select_n3A_449 = arith.select %lt3A_445, %broadcast_in_dim3A_448, %select_n3A_438 : vector<1024x128xi1>, vector<1024x128xi32>
    %slice3A_450 = vector.extract_strided_slice %get3A_405 {offsets = [0, 512], sizes = [1, 128], strides = [1, 1]} : vector<1x1024xf32> to vector<1x128xf32>
    %add3A_451 = vector.broadcast %broadcast_in_dim3A : vector<1024x1xf32> to vector<1024x128xf32>
    %add3A_452 = vector.broadcast %slice3A_450 : vector<1x128xf32> to vector<1024x128xf32>
    %add3A_453 = arith.addf %add3A_451, %add3A_452 : vector<1024x128xf32>
    %slice3A_454 = vector.extract_strided_slice %dot_general3A_402 {offsets = [0, 512], sizes = [1024, 128], strides = [1, 1]} : vector<1024x1024xf32> to vector<1024x128xf32>
    %sub3A_455 = arith.subf %add3A_453, %slice3A_454 : vector<1024x128xf32>
    %lt3A_456 = arith.cmpf olt, %sub3A_455, %min3A_446 : vector<1024x128xf32>
    %min3A_457 = arith.minimumf %sub3A_455, %min3A_446 : vector<1024x128xf32>
    %jit3A_458 = arith.constant 36 : i32
    %broadcast_in_dim3A_459 = vector.broadcast %jit3A_458 : i32 to vector<1024x128xi32>
    %select_n3A_460 = arith.select %lt3A_456, %broadcast_in_dim3A_459, %select_n3A_449 : vector<1024x128xi1>, vector<1024x128xi32>
    %slice3A_461 = vector.extract_strided_slice %get3A_405 {offsets = [0, 640], sizes = [1, 128], strides = [1, 1]} : vector<1x1024xf32> to vector<1x128xf32>
    %add3A_462 = vector.broadcast %broadcast_in_dim3A : vector<1024x1xf32> to vector<1024x128xf32>
    %add3A_463 = vector.broadcast %slice3A_461 : vector<1x128xf32> to vector<1024x128xf32>
    %add3A_464 = arith.addf %add3A_462, %add3A_463 : vector<1024x128xf32>
    %slice3A_465 = vector.extract_strided_slice %dot_general3A_402 {offsets = [0, 640], sizes = [1024, 128], strides = [1, 1]} : vector<1024x1024xf32> to vector<1024x128xf32>
    %sub3A_466 = arith.subf %add3A_464, %slice3A_465 : vector<1024x128xf32>
    %lt3A_467 = arith.cmpf olt, %sub3A_466, %min3A_457 : vector<1024x128xf32>
    %min3A_468 = arith.minimumf %sub3A_466, %min3A_457 : vector<1024x128xf32>
    %jit3A_469 = arith.constant 37 : i32
    %broadcast_in_dim3A_470 = vector.broadcast %jit3A_469 : i32 to vector<1024x128xi32>
    %select_n3A_471 = arith.select %lt3A_467, %broadcast_in_dim3A_470, %select_n3A_460 : vector<1024x128xi1>, vector<1024x128xi32>
    %slice3A_472 = vector.extract_strided_slice %get3A_405 {offsets = [0, 768], sizes = [1, 128], strides = [1, 1]} : vector<1x1024xf32> to vector<1x128xf32>
    %add3A_473 = vector.broadcast %broadcast_in_dim3A : vector<1024x1xf32> to vector<1024x128xf32>
    %add3A_474 = vector.broadcast %slice3A_472 : vector<1x128xf32> to vector<1024x128xf32>
    %add3A_475 = arith.addf %add3A_473, %add3A_474 : vector<1024x128xf32>
    %slice3A_476 = vector.extract_strided_slice %dot_general3A_402 {offsets = [0, 768], sizes = [1024, 128], strides = [1, 1]} : vector<1024x1024xf32> to vector<1024x128xf32>
    %sub3A_477 = arith.subf %add3A_475, %slice3A_476 : vector<1024x128xf32>
    %lt3A_478 = arith.cmpf olt, %sub3A_477, %min3A_468 : vector<1024x128xf32>
    %min3A_479 = arith.minimumf %sub3A_477, %min3A_468 : vector<1024x128xf32>
    %jit3A_480 = arith.constant 38 : i32
    %broadcast_in_dim3A_481 = vector.broadcast %jit3A_480 : i32 to vector<1024x128xi32>
    %select_n3A_482 = arith.select %lt3A_478, %broadcast_in_dim3A_481, %select_n3A_471 : vector<1024x128xi1>, vector<1024x128xi32>
    %slice3A_483 = vector.extract_strided_slice %get3A_405 {offsets = [0, 896], sizes = [1, 128], strides = [1, 1]} : vector<1x1024xf32> to vector<1x128xf32>
    %add3A_484 = vector.broadcast %broadcast_in_dim3A : vector<1024x1xf32> to vector<1024x128xf32>
    %add3A_485 = vector.broadcast %slice3A_483 : vector<1x128xf32> to vector<1024x128xf32>
    %add3A_486 = arith.addf %add3A_484, %add3A_485 : vector<1024x128xf32>
    %slice3A_487 = vector.extract_strided_slice %dot_general3A_402 {offsets = [0, 896], sizes = [1024, 128], strides = [1, 1]} : vector<1024x1024xf32> to vector<1024x128xf32>
    %sub3A_488 = arith.subf %add3A_486, %slice3A_487 : vector<1024x128xf32>
    %lt3A_489 = arith.cmpf olt, %sub3A_488, %min3A_479 : vector<1024x128xf32>
    %min3A_490 = arith.minimumf %sub3A_488, %min3A_479 : vector<1024x128xf32>
    %jit3A_491 = arith.constant 39 : i32
    %broadcast_in_dim3A_492 = vector.broadcast %jit3A_491 : i32 to vector<1024x128xi32>
    %select_n3A_493 = arith.select %lt3A_489, %broadcast_in_dim3A_492, %select_n3A_482 : vector<1024x128xi1>, vector<1024x128xi32>
    %get3A_494 = arith.constant 5120 : index
    %get3A_495 = arith.constant 0 : index
    %get3A_496 = vector.load %arg2[%get3A_494, %get3A_495] : memref<8192x256xf32, #tpu.memory_space<vmem>>, vector<1024x256xf32>
    %dot_general3A_497 = arith.constant dense<0.000000e+00> : vector<1024x1024xf32>
    %dot_general3A_498 = tpu.matmul %add3A, %get3A_496, %dot_general3A_497 {dimension_numbers = #tpu.dot_dimension_numbers<[1], [1], [0], [0], [0, 0, 1, 0], [], []>, transpose_lhs_hint = false} : vector<1024x256xf32>, vector<1024x256xf32>, vector<1024x1024xf32> -> vector<1024x1024xf32>
    %get3A_499 = arith.constant 0 : index
    %get3A_500 = arith.constant 5120 : index
    %get3A_501 = vector.load %arg5[%get3A_499, %get3A_500] : memref<1x8192xf32, #tpu.memory_space<vmem>>, vector<1x1024xf32>
    %slice3A_502 = vector.extract_strided_slice %get3A_501 {offsets = [0, 0], sizes = [1, 128], strides = [1, 1]} : vector<1x1024xf32> to vector<1x128xf32>
    %add3A_503 = vector.broadcast %broadcast_in_dim3A : vector<1024x1xf32> to vector<1024x128xf32>
    %add3A_504 = vector.broadcast %slice3A_502 : vector<1x128xf32> to vector<1024x128xf32>
    %add3A_505 = arith.addf %add3A_503, %add3A_504 : vector<1024x128xf32>
    %slice3A_506 = vector.extract_strided_slice %dot_general3A_498 {offsets = [0, 0], sizes = [1024, 128], strides = [1, 1]} : vector<1024x1024xf32> to vector<1024x128xf32>
    %sub3A_507 = arith.subf %add3A_505, %slice3A_506 : vector<1024x128xf32>
    %lt3A_508 = arith.cmpf olt, %sub3A_507, %min3A_490 : vector<1024x128xf32>
    %min3A_509 = arith.minimumf %sub3A_507, %min3A_490 : vector<1024x128xf32>
    %jit3A_510 = arith.constant 40 : i32
    %broadcast_in_dim3A_511 = vector.broadcast %jit3A_510 : i32 to vector<1024x128xi32>
    %select_n3A_512 = arith.select %lt3A_508, %broadcast_in_dim3A_511, %select_n3A_493 : vector<1024x128xi1>, vector<1024x128xi32>
    %slice3A_513 = vector.extract_strided_slice %get3A_501 {offsets = [0, 128], sizes = [1, 128], strides = [1, 1]} : vector<1x1024xf32> to vector<1x128xf32>
    %add3A_514 = vector.broadcast %broadcast_in_dim3A : vector<1024x1xf32> to vector<1024x128xf32>
    %add3A_515 = vector.broadcast %slice3A_513 : vector<1x128xf32> to vector<1024x128xf32>
    %add3A_516 = arith.addf %add3A_514, %add3A_515 : vector<1024x128xf32>
    %slice3A_517 = vector.extract_strided_slice %dot_general3A_498 {offsets = [0, 128], sizes = [1024, 128], strides = [1, 1]} : vector<1024x1024xf32> to vector<1024x128xf32>
    %sub3A_518 = arith.subf %add3A_516, %slice3A_517 : vector<1024x128xf32>
    %lt3A_519 = arith.cmpf olt, %sub3A_518, %min3A_509 : vector<1024x128xf32>
    %min3A_520 = arith.minimumf %sub3A_518, %min3A_509 : vector<1024x128xf32>
    %jit3A_521 = arith.constant 41 : i32
    %broadcast_in_dim3A_522 = vector.broadcast %jit3A_521 : i32 to vector<1024x128xi32>
    %select_n3A_523 = arith.select %lt3A_519, %broadcast_in_dim3A_522, %select_n3A_512 : vector<1024x128xi1>, vector<1024x128xi32>
    %slice3A_524 = vector.extract_strided_slice %get3A_501 {offsets = [0, 256], sizes = [1, 128], strides = [1, 1]} : vector<1x1024xf32> to vector<1x128xf32>
    %add3A_525 = vector.broadcast %broadcast_in_dim3A : vector<1024x1xf32> to vector<1024x128xf32>
    %add3A_526 = vector.broadcast %slice3A_524 : vector<1x128xf32> to vector<1024x128xf32>
    %add3A_527 = arith.addf %add3A_525, %add3A_526 : vector<1024x128xf32>
    %slice3A_528 = vector.extract_strided_slice %dot_general3A_498 {offsets = [0, 256], sizes = [1024, 128], strides = [1, 1]} : vector<1024x1024xf32> to vector<1024x128xf32>
    %sub3A_529 = arith.subf %add3A_527, %slice3A_528 : vector<1024x128xf32>
    %lt3A_530 = arith.cmpf olt, %sub3A_529, %min3A_520 : vector<1024x128xf32>
    %min3A_531 = arith.minimumf %sub3A_529, %min3A_520 : vector<1024x128xf32>
    %jit3A_532 = arith.constant 42 : i32
    %broadcast_in_dim3A_533 = vector.broadcast %jit3A_532 : i32 to vector<1024x128xi32>
    %select_n3A_534 = arith.select %lt3A_530, %broadcast_in_dim3A_533, %select_n3A_523 : vector<1024x128xi1>, vector<1024x128xi32>
    %slice3A_535 = vector.extract_strided_slice %get3A_501 {offsets = [0, 384], sizes = [1, 128], strides = [1, 1]} : vector<1x1024xf32> to vector<1x128xf32>
    %add3A_536 = vector.broadcast %broadcast_in_dim3A : vector<1024x1xf32> to vector<1024x128xf32>
    %add3A_537 = vector.broadcast %slice3A_535 : vector<1x128xf32> to vector<1024x128xf32>
    %add3A_538 = arith.addf %add3A_536, %add3A_537 : vector<1024x128xf32>
    %slice3A_539 = vector.extract_strided_slice %dot_general3A_498 {offsets = [0, 384], sizes = [1024, 128], strides = [1, 1]} : vector<1024x1024xf32> to vector<1024x128xf32>
    %sub3A_540 = arith.subf %add3A_538, %slice3A_539 : vector<1024x128xf32>
    %lt3A_541 = arith.cmpf olt, %sub3A_540, %min3A_531 : vector<1024x128xf32>
    %min3A_542 = arith.minimumf %sub3A_540, %min3A_531 : vector<1024x128xf32>
    %jit3A_543 = arith.constant 43 : i32
    %broadcast_in_dim3A_544 = vector.broadcast %jit3A_543 : i32 to vector<1024x128xi32>
    %select_n3A_545 = arith.select %lt3A_541, %broadcast_in_dim3A_544, %select_n3A_534 : vector<1024x128xi1>, vector<1024x128xi32>
    %slice3A_546 = vector.extract_strided_slice %get3A_501 {offsets = [0, 512], sizes = [1, 128], strides = [1, 1]} : vector<1x1024xf32> to vector<1x128xf32>
    %add3A_547 = vector.broadcast %broadcast_in_dim3A : vector<1024x1xf32> to vector<1024x128xf32>
    %add3A_548 = vector.broadcast %slice3A_546 : vector<1x128xf32> to vector<1024x128xf32>
    %add3A_549 = arith.addf %add3A_547, %add3A_548 : vector<1024x128xf32>
    %slice3A_550 = vector.extract_strided_slice %dot_general3A_498 {offsets = [0, 512], sizes = [1024, 128], strides = [1, 1]} : vector<1024x1024xf32> to vector<1024x128xf32>
    %sub3A_551 = arith.subf %add3A_549, %slice3A_550 : vector<1024x128xf32>
    %lt3A_552 = arith.cmpf olt, %sub3A_551, %min3A_542 : vector<1024x128xf32>
    %min3A_553 = arith.minimumf %sub3A_551, %min3A_542 : vector<1024x128xf32>
    %jit3A_554 = arith.constant 44 : i32
    %broadcast_in_dim3A_555 = vector.broadcast %jit3A_554 : i32 to vector<1024x128xi32>
    %select_n3A_556 = arith.select %lt3A_552, %broadcast_in_dim3A_555, %select_n3A_545 : vector<1024x128xi1>, vector<1024x128xi32>
    %slice3A_557 = vector.extract_strided_slice %get3A_501 {offsets = [0, 640], sizes = [1, 128], strides = [1, 1]} : vector<1x1024xf32> to vector<1x128xf32>
    %add3A_558 = vector.broadcast %broadcast_in_dim3A : vector<1024x1xf32> to vector<1024x128xf32>
    %add3A_559 = vector.broadcast %slice3A_557 : vector<1x128xf32> to vector<1024x128xf32>
    %add3A_560 = arith.addf %add3A_558, %add3A_559 : vector<1024x128xf32>
    %slice3A_561 = vector.extract_strided_slice %dot_general3A_498 {offsets = [0, 640], sizes = [1024, 128], strides = [1, 1]} : vector<1024x1024xf32> to vector<1024x128xf32>
    %sub3A_562 = arith.subf %add3A_560, %slice3A_561 : vector<1024x128xf32>
    %lt3A_563 = arith.cmpf olt, %sub3A_562, %min3A_553 : vector<1024x128xf32>
    %min3A_564 = arith.minimumf %sub3A_562, %min3A_553 : vector<1024x128xf32>
    %jit3A_565 = arith.constant 45 : i32
    %broadcast_in_dim3A_566 = vector.broadcast %jit3A_565 : i32 to vector<1024x128xi32>
    %select_n3A_567 = arith.select %lt3A_563, %broadcast_in_dim3A_566, %select_n3A_556 : vector<1024x128xi1>, vector<1024x128xi32>
    %slice3A_568 = vector.extract_strided_slice %get3A_501 {offsets = [0, 768], sizes = [1, 128], strides = [1, 1]} : vector<1x1024xf32> to vector<1x128xf32>
    %add3A_569 = vector.broadcast %broadcast_in_dim3A : vector<1024x1xf32> to vector<1024x128xf32>
    %add3A_570 = vector.broadcast %slice3A_568 : vector<1x128xf32> to vector<1024x128xf32>
    %add3A_571 = arith.addf %add3A_569, %add3A_570 : vector<1024x128xf32>
    %slice3A_572 = vector.extract_strided_slice %dot_general3A_498 {offsets = [0, 768], sizes = [1024, 128], strides = [1, 1]} : vector<1024x1024xf32> to vector<1024x128xf32>
    %sub3A_573 = arith.subf %add3A_571, %slice3A_572 : vector<1024x128xf32>
    %lt3A_574 = arith.cmpf olt, %sub3A_573, %min3A_564 : vector<1024x128xf32>
    %min3A_575 = arith.minimumf %sub3A_573, %min3A_564 : vector<1024x128xf32>
    %jit3A_576 = arith.constant 46 : i32
    %broadcast_in_dim3A_577 = vector.broadcast %jit3A_576 : i32 to vector<1024x128xi32>
    %select_n3A_578 = arith.select %lt3A_574, %broadcast_in_dim3A_577, %select_n3A_567 : vector<1024x128xi1>, vector<1024x128xi32>
    %slice3A_579 = vector.extract_strided_slice %get3A_501 {offsets = [0, 896], sizes = [1, 128], strides = [1, 1]} : vector<1x1024xf32> to vector<1x128xf32>
    %add3A_580 = vector.broadcast %broadcast_in_dim3A : vector<1024x1xf32> to vector<1024x128xf32>
    %add3A_581 = vector.broadcast %slice3A_579 : vector<1x128xf32> to vector<1024x128xf32>
    %add3A_582 = arith.addf %add3A_580, %add3A_581 : vector<1024x128xf32>
    %slice3A_583 = vector.extract_strided_slice %dot_general3A_498 {offsets = [0, 896], sizes = [1024, 128], strides = [1, 1]} : vector<1024x1024xf32> to vector<1024x128xf32>
    %sub3A_584 = arith.subf %add3A_582, %slice3A_583 : vector<1024x128xf32>
    %lt3A_585 = arith.cmpf olt, %sub3A_584, %min3A_575 : vector<1024x128xf32>
    %min3A_586 = arith.minimumf %sub3A_584, %min3A_575 : vector<1024x128xf32>
    %jit3A_587 = arith.constant 47 : i32
    %broadcast_in_dim3A_588 = vector.broadcast %jit3A_587 : i32 to vector<1024x128xi32>
    %select_n3A_589 = arith.select %lt3A_585, %broadcast_in_dim3A_588, %select_n3A_578 : vector<1024x128xi1>, vector<1024x128xi32>
    %get3A_590 = arith.constant 6144 : index
    %get3A_591 = arith.constant 0 : index
    %get3A_592 = vector.load %arg2[%get3A_590, %get3A_591] : memref<8192x256xf32, #tpu.memory_space<vmem>>, vector<1024x256xf32>
    %dot_general3A_593 = arith.constant dense<0.000000e+00> : vector<1024x1024xf32>
    %dot_general3A_594 = tpu.matmul %add3A, %get3A_592, %dot_general3A_593 {dimension_numbers = #tpu.dot_dimension_numbers<[1], [1], [0], [0], [0, 0, 1, 0], [], []>, transpose_lhs_hint = false} : vector<1024x256xf32>, vector<1024x256xf32>, vector<1024x1024xf32> -> vector<1024x1024xf32>
    %get3A_595 = arith.constant 0 : index
    %get3A_596 = arith.constant 6144 : index
    %get3A_597 = vector.load %arg5[%get3A_595, %get3A_596] : memref<1x8192xf32, #tpu.memory_space<vmem>>, vector<1x1024xf32>
    %slice3A_598 = vector.extract_strided_slice %get3A_597 {offsets = [0, 0], sizes = [1, 128], strides = [1, 1]} : vector<1x1024xf32> to vector<1x128xf32>
    %add3A_599 = vector.broadcast %broadcast_in_dim3A : vector<1024x1xf32> to vector<1024x128xf32>
    %add3A_600 = vector.broadcast %slice3A_598 : vector<1x128xf32> to vector<1024x128xf32>
    %add3A_601 = arith.addf %add3A_599, %add3A_600 : vector<1024x128xf32>
    %slice3A_602 = vector.extract_strided_slice %dot_general3A_594 {offsets = [0, 0], sizes = [1024, 128], strides = [1, 1]} : vector<1024x1024xf32> to vector<1024x128xf32>
    %sub3A_603 = arith.subf %add3A_601, %slice3A_602 : vector<1024x128xf32>
    %lt3A_604 = arith.cmpf olt, %sub3A_603, %min3A_586 : vector<1024x128xf32>
    %min3A_605 = arith.minimumf %sub3A_603, %min3A_586 : vector<1024x128xf32>
    %jit3A_606 = arith.constant 48 : i32
    %broadcast_in_dim3A_607 = vector.broadcast %jit3A_606 : i32 to vector<1024x128xi32>
    %select_n3A_608 = arith.select %lt3A_604, %broadcast_in_dim3A_607, %select_n3A_589 : vector<1024x128xi1>, vector<1024x128xi32>
    %slice3A_609 = vector.extract_strided_slice %get3A_597 {offsets = [0, 128], sizes = [1, 128], strides = [1, 1]} : vector<1x1024xf32> to vector<1x128xf32>
    %add3A_610 = vector.broadcast %broadcast_in_dim3A : vector<1024x1xf32> to vector<1024x128xf32>
    %add3A_611 = vector.broadcast %slice3A_609 : vector<1x128xf32> to vector<1024x128xf32>
    %add3A_612 = arith.addf %add3A_610, %add3A_611 : vector<1024x128xf32>
    %slice3A_613 = vector.extract_strided_slice %dot_general3A_594 {offsets = [0, 128], sizes = [1024, 128], strides = [1, 1]} : vector<1024x1024xf32> to vector<1024x128xf32>
    %sub3A_614 = arith.subf %add3A_612, %slice3A_613 : vector<1024x128xf32>
    %lt3A_615 = arith.cmpf olt, %sub3A_614, %min3A_605 : vector<1024x128xf32>
    %min3A_616 = arith.minimumf %sub3A_614, %min3A_605 : vector<1024x128xf32>
    %jit3A_617 = arith.constant 49 : i32
    %broadcast_in_dim3A_618 = vector.broadcast %jit3A_617 : i32 to vector<1024x128xi32>
    %select_n3A_619 = arith.select %lt3A_615, %broadcast_in_dim3A_618, %select_n3A_608 : vector<1024x128xi1>, vector<1024x128xi32>
    %slice3A_620 = vector.extract_strided_slice %get3A_597 {offsets = [0, 256], sizes = [1, 128], strides = [1, 1]} : vector<1x1024xf32> to vector<1x128xf32>
    %add3A_621 = vector.broadcast %broadcast_in_dim3A : vector<1024x1xf32> to vector<1024x128xf32>
    %add3A_622 = vector.broadcast %slice3A_620 : vector<1x128xf32> to vector<1024x128xf32>
    %add3A_623 = arith.addf %add3A_621, %add3A_622 : vector<1024x128xf32>
    %slice3A_624 = vector.extract_strided_slice %dot_general3A_594 {offsets = [0, 256], sizes = [1024, 128], strides = [1, 1]} : vector<1024x1024xf32> to vector<1024x128xf32>
    %sub3A_625 = arith.subf %add3A_623, %slice3A_624 : vector<1024x128xf32>
    %lt3A_626 = arith.cmpf olt, %sub3A_625, %min3A_616 : vector<1024x128xf32>
    %min3A_627 = arith.minimumf %sub3A_625, %min3A_616 : vector<1024x128xf32>
    %jit3A_628 = arith.constant 50 : i32
    %broadcast_in_dim3A_629 = vector.broadcast %jit3A_628 : i32 to vector<1024x128xi32>
    %select_n3A_630 = arith.select %lt3A_626, %broadcast_in_dim3A_629, %select_n3A_619 : vector<1024x128xi1>, vector<1024x128xi32>
    %slice3A_631 = vector.extract_strided_slice %get3A_597 {offsets = [0, 384], sizes = [1, 128], strides = [1, 1]} : vector<1x1024xf32> to vector<1x128xf32>
    %add3A_632 = vector.broadcast %broadcast_in_dim3A : vector<1024x1xf32> to vector<1024x128xf32>
    %add3A_633 = vector.broadcast %slice3A_631 : vector<1x128xf32> to vector<1024x128xf32>
    %add3A_634 = arith.addf %add3A_632, %add3A_633 : vector<1024x128xf32>
    %slice3A_635 = vector.extract_strided_slice %dot_general3A_594 {offsets = [0, 384], sizes = [1024, 128], strides = [1, 1]} : vector<1024x1024xf32> to vector<1024x128xf32>
    %sub3A_636 = arith.subf %add3A_634, %slice3A_635 : vector<1024x128xf32>
    %lt3A_637 = arith.cmpf olt, %sub3A_636, %min3A_627 : vector<1024x128xf32>
    %min3A_638 = arith.minimumf %sub3A_636, %min3A_627 : vector<1024x128xf32>
    %jit3A_639 = arith.constant 51 : i32
    %broadcast_in_dim3A_640 = vector.broadcast %jit3A_639 : i32 to vector<1024x128xi32>
    %select_n3A_641 = arith.select %lt3A_637, %broadcast_in_dim3A_640, %select_n3A_630 : vector<1024x128xi1>, vector<1024x128xi32>
    %slice3A_642 = vector.extract_strided_slice %get3A_597 {offsets = [0, 512], sizes = [1, 128], strides = [1, 1]} : vector<1x1024xf32> to vector<1x128xf32>
    %add3A_643 = vector.broadcast %broadcast_in_dim3A : vector<1024x1xf32> to vector<1024x128xf32>
    %add3A_644 = vector.broadcast %slice3A_642 : vector<1x128xf32> to vector<1024x128xf32>
    %add3A_645 = arith.addf %add3A_643, %add3A_644 : vector<1024x128xf32>
    %slice3A_646 = vector.extract_strided_slice %dot_general3A_594 {offsets = [0, 512], sizes = [1024, 128], strides = [1, 1]} : vector<1024x1024xf32> to vector<1024x128xf32>
    %sub3A_647 = arith.subf %add3A_645, %slice3A_646 : vector<1024x128xf32>
    %lt3A_648 = arith.cmpf olt, %sub3A_647, %min3A_638 : vector<1024x128xf32>
    %min3A_649 = arith.minimumf %sub3A_647, %min3A_638 : vector<1024x128xf32>
    %jit3A_650 = arith.constant 52 : i32
    %broadcast_in_dim3A_651 = vector.broadcast %jit3A_650 : i32 to vector<1024x128xi32>
    %select_n3A_652 = arith.select %lt3A_648, %broadcast_in_dim3A_651, %select_n3A_641 : vector<1024x128xi1>, vector<1024x128xi32>
    %slice3A_653 = vector.extract_strided_slice %get3A_597 {offsets = [0, 640], sizes = [1, 128], strides = [1, 1]} : vector<1x1024xf32> to vector<1x128xf32>
    %add3A_654 = vector.broadcast %broadcast_in_dim3A : vector<1024x1xf32> to vector<1024x128xf32>
    %add3A_655 = vector.broadcast %slice3A_653 : vector<1x128xf32> to vector<1024x128xf32>
    %add3A_656 = arith.addf %add3A_654, %add3A_655 : vector<1024x128xf32>
    %slice3A_657 = vector.extract_strided_slice %dot_general3A_594 {offsets = [0, 640], sizes = [1024, 128], strides = [1, 1]} : vector<1024x1024xf32> to vector<1024x128xf32>
    %sub3A_658 = arith.subf %add3A_656, %slice3A_657 : vector<1024x128xf32>
    %lt3A_659 = arith.cmpf olt, %sub3A_658, %min3A_649 : vector<1024x128xf32>
    %min3A_660 = arith.minimumf %sub3A_658, %min3A_649 : vector<1024x128xf32>
    %jit3A_661 = arith.constant 53 : i32
    %broadcast_in_dim3A_662 = vector.broadcast %jit3A_661 : i32 to vector<1024x128xi32>
    %select_n3A_663 = arith.select %lt3A_659, %broadcast_in_dim3A_662, %select_n3A_652 : vector<1024x128xi1>, vector<1024x128xi32>
    %slice3A_664 = vector.extract_strided_slice %get3A_597 {offsets = [0, 768], sizes = [1, 128], strides = [1, 1]} : vector<1x1024xf32> to vector<1x128xf32>
    %add3A_665 = vector.broadcast %broadcast_in_dim3A : vector<1024x1xf32> to vector<1024x128xf32>
    %add3A_666 = vector.broadcast %slice3A_664 : vector<1x128xf32> to vector<1024x128xf32>
    %add3A_667 = arith.addf %add3A_665, %add3A_666 : vector<1024x128xf32>
    %slice3A_668 = vector.extract_strided_slice %dot_general3A_594 {offsets = [0, 768], sizes = [1024, 128], strides = [1, 1]} : vector<1024x1024xf32> to vector<1024x128xf32>
    %sub3A_669 = arith.subf %add3A_667, %slice3A_668 : vector<1024x128xf32>
    %lt3A_670 = arith.cmpf olt, %sub3A_669, %min3A_660 : vector<1024x128xf32>
    %min3A_671 = arith.minimumf %sub3A_669, %min3A_660 : vector<1024x128xf32>
    %jit3A_672 = arith.constant 54 : i32
    %broadcast_in_dim3A_673 = vector.broadcast %jit3A_672 : i32 to vector<1024x128xi32>
    %select_n3A_674 = arith.select %lt3A_670, %broadcast_in_dim3A_673, %select_n3A_663 : vector<1024x128xi1>, vector<1024x128xi32>
    %slice3A_675 = vector.extract_strided_slice %get3A_597 {offsets = [0, 896], sizes = [1, 128], strides = [1, 1]} : vector<1x1024xf32> to vector<1x128xf32>
    %add3A_676 = vector.broadcast %broadcast_in_dim3A : vector<1024x1xf32> to vector<1024x128xf32>
    %add3A_677 = vector.broadcast %slice3A_675 : vector<1x128xf32> to vector<1024x128xf32>
    %add3A_678 = arith.addf %add3A_676, %add3A_677 : vector<1024x128xf32>
    %slice3A_679 = vector.extract_strided_slice %dot_general3A_594 {offsets = [0, 896], sizes = [1024, 128], strides = [1, 1]} : vector<1024x1024xf32> to vector<1024x128xf32>
    %sub3A_680 = arith.subf %add3A_678, %slice3A_679 : vector<1024x128xf32>
    %lt3A_681 = arith.cmpf olt, %sub3A_680, %min3A_671 : vector<1024x128xf32>
    %min3A_682 = arith.minimumf %sub3A_680, %min3A_671 : vector<1024x128xf32>
    %jit3A_683 = arith.constant 55 : i32
    %broadcast_in_dim3A_684 = vector.broadcast %jit3A_683 : i32 to vector<1024x128xi32>
    %select_n3A_685 = arith.select %lt3A_681, %broadcast_in_dim3A_684, %select_n3A_674 : vector<1024x128xi1>, vector<1024x128xi32>
    %get3A_686 = arith.constant 7168 : index
    %get3A_687 = arith.constant 0 : index
    %get3A_688 = vector.load %arg2[%get3A_686, %get3A_687] : memref<8192x256xf32, #tpu.memory_space<vmem>>, vector<1024x256xf32>
    %dot_general3A_689 = arith.constant dense<0.000000e+00> : vector<1024x1024xf32>
    %dot_general3A_690 = tpu.matmul %add3A, %get3A_688, %dot_general3A_689 {dimension_numbers = #tpu.dot_dimension_numbers<[1], [1], [0], [0], [0, 0, 1, 0], [], []>, transpose_lhs_hint = false} : vector<1024x256xf32>, vector<1024x256xf32>, vector<1024x1024xf32> -> vector<1024x1024xf32>
    %get3A_691 = arith.constant 0 : index
    %get3A_692 = arith.constant 7168 : index
    %get3A_693 = vector.load %arg5[%get3A_691, %get3A_692] : memref<1x8192xf32, #tpu.memory_space<vmem>>, vector<1x1024xf32>
    %slice3A_694 = vector.extract_strided_slice %get3A_693 {offsets = [0, 0], sizes = [1, 128], strides = [1, 1]} : vector<1x1024xf32> to vector<1x128xf32>
    %add3A_695 = vector.broadcast %broadcast_in_dim3A : vector<1024x1xf32> to vector<1024x128xf32>
    %add3A_696 = vector.broadcast %slice3A_694 : vector<1x128xf32> to vector<1024x128xf32>
    %add3A_697 = arith.addf %add3A_695, %add3A_696 : vector<1024x128xf32>
    %slice3A_698 = vector.extract_strided_slice %dot_general3A_690 {offsets = [0, 0], sizes = [1024, 128], strides = [1, 1]} : vector<1024x1024xf32> to vector<1024x128xf32>
    %sub3A_699 = arith.subf %add3A_697, %slice3A_698 : vector<1024x128xf32>
    %lt3A_700 = arith.cmpf olt, %sub3A_699, %min3A_682 : vector<1024x128xf32>
    %min3A_701 = arith.minimumf %sub3A_699, %min3A_682 : vector<1024x128xf32>
    %jit3A_702 = arith.constant 56 : i32
    %broadcast_in_dim3A_703 = vector.broadcast %jit3A_702 : i32 to vector<1024x128xi32>
    %select_n3A_704 = arith.select %lt3A_700, %broadcast_in_dim3A_703, %select_n3A_685 : vector<1024x128xi1>, vector<1024x128xi32>
    %slice3A_705 = vector.extract_strided_slice %get3A_693 {offsets = [0, 128], sizes = [1, 128], strides = [1, 1]} : vector<1x1024xf32> to vector<1x128xf32>
    %add3A_706 = vector.broadcast %broadcast_in_dim3A : vector<1024x1xf32> to vector<1024x128xf32>
    %add3A_707 = vector.broadcast %slice3A_705 : vector<1x128xf32> to vector<1024x128xf32>
    %add3A_708 = arith.addf %add3A_706, %add3A_707 : vector<1024x128xf32>
    %slice3A_709 = vector.extract_strided_slice %dot_general3A_690 {offsets = [0, 128], sizes = [1024, 128], strides = [1, 1]} : vector<1024x1024xf32> to vector<1024x128xf32>
    %sub3A_710 = arith.subf %add3A_708, %slice3A_709 : vector<1024x128xf32>
    %lt3A_711 = arith.cmpf olt, %sub3A_710, %min3A_701 : vector<1024x128xf32>
    %min3A_712 = arith.minimumf %sub3A_710, %min3A_701 : vector<1024x128xf32>
    %jit3A_713 = arith.constant 57 : i32
    %broadcast_in_dim3A_714 = vector.broadcast %jit3A_713 : i32 to vector<1024x128xi32>
    %select_n3A_715 = arith.select %lt3A_711, %broadcast_in_dim3A_714, %select_n3A_704 : vector<1024x128xi1>, vector<1024x128xi32>
    %slice3A_716 = vector.extract_strided_slice %get3A_693 {offsets = [0, 256], sizes = [1, 128], strides = [1, 1]} : vector<1x1024xf32> to vector<1x128xf32>
    %add3A_717 = vector.broadcast %broadcast_in_dim3A : vector<1024x1xf32> to vector<1024x128xf32>
    %add3A_718 = vector.broadcast %slice3A_716 : vector<1x128xf32> to vector<1024x128xf32>
    %add3A_719 = arith.addf %add3A_717, %add3A_718 : vector<1024x128xf32>
    %slice3A_720 = vector.extract_strided_slice %dot_general3A_690 {offsets = [0, 256], sizes = [1024, 128], strides = [1, 1]} : vector<1024x1024xf32> to vector<1024x128xf32>
    %sub3A_721 = arith.subf %add3A_719, %slice3A_720 : vector<1024x128xf32>
    %lt3A_722 = arith.cmpf olt, %sub3A_721, %min3A_712 : vector<1024x128xf32>
    %min3A_723 = arith.minimumf %sub3A_721, %min3A_712 : vector<1024x128xf32>
    %jit3A_724 = arith.constant 58 : i32
    %broadcast_in_dim3A_725 = vector.broadcast %jit3A_724 : i32 to vector<1024x128xi32>
    %select_n3A_726 = arith.select %lt3A_722, %broadcast_in_dim3A_725, %select_n3A_715 : vector<1024x128xi1>, vector<1024x128xi32>
    %slice3A_727 = vector.extract_strided_slice %get3A_693 {offsets = [0, 384], sizes = [1, 128], strides = [1, 1]} : vector<1x1024xf32> to vector<1x128xf32>
    %add3A_728 = vector.broadcast %broadcast_in_dim3A : vector<1024x1xf32> to vector<1024x128xf32>
    %add3A_729 = vector.broadcast %slice3A_727 : vector<1x128xf32> to vector<1024x128xf32>
    %add3A_730 = arith.addf %add3A_728, %add3A_729 : vector<1024x128xf32>
    %slice3A_731 = vector.extract_strided_slice %dot_general3A_690 {offsets = [0, 384], sizes = [1024, 128], strides = [1, 1]} : vector<1024x1024xf32> to vector<1024x128xf32>
    %sub3A_732 = arith.subf %add3A_730, %slice3A_731 : vector<1024x128xf32>
    %lt3A_733 = arith.cmpf olt, %sub3A_732, %min3A_723 : vector<1024x128xf32>
    %min3A_734 = arith.minimumf %sub3A_732, %min3A_723 : vector<1024x128xf32>
    %jit3A_735 = arith.constant 59 : i32
    %broadcast_in_dim3A_736 = vector.broadcast %jit3A_735 : i32 to vector<1024x128xi32>
    %select_n3A_737 = arith.select %lt3A_733, %broadcast_in_dim3A_736, %select_n3A_726 : vector<1024x128xi1>, vector<1024x128xi32>
    %slice3A_738 = vector.extract_strided_slice %get3A_693 {offsets = [0, 512], sizes = [1, 128], strides = [1, 1]} : vector<1x1024xf32> to vector<1x128xf32>
    %add3A_739 = vector.broadcast %broadcast_in_dim3A : vector<1024x1xf32> to vector<1024x128xf32>
    %add3A_740 = vector.broadcast %slice3A_738 : vector<1x128xf32> to vector<1024x128xf32>
    %add3A_741 = arith.addf %add3A_739, %add3A_740 : vector<1024x128xf32>
    %slice3A_742 = vector.extract_strided_slice %dot_general3A_690 {offsets = [0, 512], sizes = [1024, 128], strides = [1, 1]} : vector<1024x1024xf32> to vector<1024x128xf32>
    %sub3A_743 = arith.subf %add3A_741, %slice3A_742 : vector<1024x128xf32>
    %lt3A_744 = arith.cmpf olt, %sub3A_743, %min3A_734 : vector<1024x128xf32>
    %min3A_745 = arith.minimumf %sub3A_743, %min3A_734 : vector<1024x128xf32>
    %jit3A_746 = arith.constant 60 : i32
    %broadcast_in_dim3A_747 = vector.broadcast %jit3A_746 : i32 to vector<1024x128xi32>
    %select_n3A_748 = arith.select %lt3A_744, %broadcast_in_dim3A_747, %select_n3A_737 : vector<1024x128xi1>, vector<1024x128xi32>
    %slice3A_749 = vector.extract_strided_slice %get3A_693 {offsets = [0, 640], sizes = [1, 128], strides = [1, 1]} : vector<1x1024xf32> to vector<1x128xf32>
    %add3A_750 = vector.broadcast %broadcast_in_dim3A : vector<1024x1xf32> to vector<1024x128xf32>
    %add3A_751 = vector.broadcast %slice3A_749 : vector<1x128xf32> to vector<1024x128xf32>
    %add3A_752 = arith.addf %add3A_750, %add3A_751 : vector<1024x128xf32>
    %slice3A_753 = vector.extract_strided_slice %dot_general3A_690 {offsets = [0, 640], sizes = [1024, 128], strides = [1, 1]} : vector<1024x1024xf32> to vector<1024x128xf32>
    %sub3A_754 = arith.subf %add3A_752, %slice3A_753 : vector<1024x128xf32>
    %lt3A_755 = arith.cmpf olt, %sub3A_754, %min3A_745 : vector<1024x128xf32>
    %min3A_756 = arith.minimumf %sub3A_754, %min3A_745 : vector<1024x128xf32>
    %jit3A_757 = arith.constant 61 : i32
    %broadcast_in_dim3A_758 = vector.broadcast %jit3A_757 : i32 to vector<1024x128xi32>
    %select_n3A_759 = arith.select %lt3A_755, %broadcast_in_dim3A_758, %select_n3A_748 : vector<1024x128xi1>, vector<1024x128xi32>
    %slice3A_760 = vector.extract_strided_slice %get3A_693 {offsets = [0, 768], sizes = [1, 128], strides = [1, 1]} : vector<1x1024xf32> to vector<1x128xf32>
    %add3A_761 = vector.broadcast %broadcast_in_dim3A : vector<1024x1xf32> to vector<1024x128xf32>
    %add3A_762 = vector.broadcast %slice3A_760 : vector<1x128xf32> to vector<1024x128xf32>
    %add3A_763 = arith.addf %add3A_761, %add3A_762 : vector<1024x128xf32>
    %slice3A_764 = vector.extract_strided_slice %dot_general3A_690 {offsets = [0, 768], sizes = [1024, 128], strides = [1, 1]} : vector<1024x1024xf32> to vector<1024x128xf32>
    %sub3A_765 = arith.subf %add3A_763, %slice3A_764 : vector<1024x128xf32>
    %lt3A_766 = arith.cmpf olt, %sub3A_765, %min3A_756 : vector<1024x128xf32>
    %min3A_767 = arith.minimumf %sub3A_765, %min3A_756 : vector<1024x128xf32>
    %jit3A_768 = arith.constant 62 : i32
    %broadcast_in_dim3A_769 = vector.broadcast %jit3A_768 : i32 to vector<1024x128xi32>
    %select_n3A_770 = arith.select %lt3A_766, %broadcast_in_dim3A_769, %select_n3A_759 : vector<1024x128xi1>, vector<1024x128xi32>
    %slice3A_771 = vector.extract_strided_slice %get3A_693 {offsets = [0, 896], sizes = [1, 128], strides = [1, 1]} : vector<1x1024xf32> to vector<1x128xf32>
    %add3A_772 = vector.broadcast %broadcast_in_dim3A : vector<1024x1xf32> to vector<1024x128xf32>
    %add3A_773 = vector.broadcast %slice3A_771 : vector<1x128xf32> to vector<1024x128xf32>
    %add3A_774 = arith.addf %add3A_772, %add3A_773 : vector<1024x128xf32>
    %slice3A_775 = vector.extract_strided_slice %dot_general3A_690 {offsets = [0, 896], sizes = [1024, 128], strides = [1, 1]} : vector<1024x1024xf32> to vector<1024x128xf32>
    %sub3A_776 = arith.subf %add3A_774, %slice3A_775 : vector<1024x128xf32>
    %lt3A_777 = arith.cmpf olt, %sub3A_776, %min3A_767 : vector<1024x128xf32>
    %min3A_778 = arith.minimumf %sub3A_776, %min3A_767 : vector<1024x128xf32>
    %jit3A_779 = arith.constant 63 : i32
    %broadcast_in_dim3A_780 = vector.broadcast %jit3A_779 : i32 to vector<1024x128xi32>
    %select_n3A_781 = arith.select %lt3A_777, %broadcast_in_dim3A_780, %select_n3A_770 : vector<1024x128xi1>, vector<1024x128xi32>
    %reduce_min3A = arith.constant dense<0x7F800000> : vector<1024xf32>
    %reduce_min3A_782 = vector.multi_reduction <minimumf>, %min3A_778, %reduce_min3A [1] : vector<1024x128xf32> to vector<1024xf32>
    %broadcast_in_dim3A_783 = vector.shape_cast %reduce_min3A_782 : vector<1024xf32> to vector<1024x1xf32>
    %eq3A_784 = vector.broadcast %broadcast_in_dim3A_783 : vector<1024x1xf32> to vector<1024x128xf32>
    %eq3A_785 = arith.cmpf oeq, %min3A_778, %eq3A_784 : vector<1024x128xf32>
    %mul3A_786 = arith.constant 128 : i32
    %mul3A_787 = vector.broadcast %mul3A_786 : i32 to vector<1024x128xi32>
    %mul3A_788 = arith.muli %select_n3A_781, %mul3A_787 : vector<1024x128xi32>
    %add3A_789 = arith.addi %mul3A_788, %iota3A : vector<1024x128xi32>
    %jit3A_790 = arith.constant 8192 : i32
    %broadcast_in_dim3A_791 = vector.broadcast %jit3A_790 : i32 to vector<1024x128xi32>
    %select_n3A_792 = arith.select %eq3A_785, %add3A_789, %broadcast_in_dim3A_791 : vector<1024x128xi1>, vector<1024x128xi32>
    %reduce_min3A_793 = arith.constant dense<2147483647> : vector<1024xi32>
    %reduce_min3A_794 = vector.multi_reduction <minsi>, %select_n3A_792, %reduce_min3A_793 [1] : vector<1024x128xi32> to vector<1024xi32>
    %broadcast_in_dim3A_795 = vector.shape_cast %reduce_min3A_794 : vector<1024xi32> to vector<1024x1xi32>
    %swap3A_796 = arith.constant 0 : index
    %swap3A_797 = arith.constant 0 : index
    %swap3A_798 = vector.load %arg3[%swap3A_796, %swap3A_797] : memref<1024x1xi32, #tpu.memory_space<vmem>>, vector<1024x1xi32>
    tpu.vector_store %arg3[%swap3A_796, %swap3A_797], %broadcast_in_dim3A_795 {strides = array<i32>} : memref<1024x1xi32, #tpu.memory_space<vmem>>, vector<1024x1xi32>,
    return
  }
  func.func @transform_0(%arg0: i32) -> (i32, i32) {
    %c0_i32 = arith.constant 0 : i32
    %c0_i32_0 = arith.constant 0 : i32
    return %arg0, %c0_i32 : i32, i32
  }
  func.func @transform_1(%arg0: i32) -> (i32, i32) {
    %c0_i32 = arith.constant 0 : i32
    %c0_i32_0 = arith.constant 0 : i32
    %c0_i32_1 = arith.constant 0 : i32
    return %c0_i32, %c0_i32_0 : i32, i32
  }
  func.func @transform_2(%arg0: i32) -> (i32, i32) {
    %c0_i32 = arith.constant 0 : i32
    %c0_i32_0 = arith.constant 0 : i32
    return %arg0, %c0_i32 : i32, i32
  }
  func.func @transform_3(%arg0: i32) -> (i32, i32, i32) {
    %c0_i32 = arith.constant 0 : i32
    %c0_i32_0 = arith.constant 0 : i32
    %c0_i32_1 = arith.constant 0 : i32
    return %arg0, %c0_i32, %c0_i32_0 : i32, i32, i32
  }
}

module attributes {stable_mosaic.version = 14 : i64} {
  func.func @body(%arg0: i32, %arg1: memref<1024x256xf32, #tpu.memory_space<vmem>>, %arg2: memref<1024x256xf32, #tpu.memory_space<vmem>>, %arg3: memref<1024x256xf32, #tpu.memory_space<vmem>>, %arg4: memref<8192x256xf32, #tpu.memory_space<vmem>>, %arg5: memref<1024x1xi32, #tpu.memory_space<vmem>>, %arg6: memref<1x1x128xf32, #tpu.memory_space<vmem>>, %arg7: memref<1x8192xf32, #tpu.memory_space<vmem>>) attributes {dimension_semantics = [#tpu.dimension_semantics<arbitrary>], iteration_bounds = array<i64: 4>, scalar_prefetch = 0 : i64, scratch_operands = 1 : i64, tpu.core_type = #tpu.core_type<tc>, window_params = [{transform_indices = @transform_0, window_bounds = array<i64: 1024, 256>}, {transform_indices = @transform_1, window_bounds = array<i64: 1024, 256>}, {transform_indices = @transform_2, window_bounds = array<i64: 1024, 256>}, {pipeline_mode = #tpu.pipeline_mode<synchronous>, transform_indices = @transform_3, window_bounds = array<i64: 8192, 256>}, {transform_indices = @transform_4, window_bounds = array<i64: 1024, 1>}, {transform_indices = @transform_5, window_bounds = array<i64: 1, 1, 128>}]} {
    %get3A = arith.constant 0 : index
    %get3A_0 = arith.constant 0 : index
    %get3A_1 = vector.load %arg1[%get3A, %get3A_0] : memref<1024x256xf32, #tpu.memory_space<vmem>>, vector<1024x256xf32>
    %get3A_2 = arith.constant 0 : index
    %get3A_3 = arith.constant 0 : index
    %get3A_4 = vector.load %arg2[%get3A_2, %get3A_3] : memref<1024x256xf32, #tpu.memory_space<vmem>>, vector<1024x256xf32>
    %sub3A = arith.subf %get3A_1, %get3A_4 : vector<1024x256xf32>
    %get3A_5 = arith.constant 0 : index
    %get3A_6 = arith.constant 0 : index
    %get3A_7 = vector.load %arg3[%get3A_5, %get3A_6] : memref<1024x256xf32, #tpu.memory_space<vmem>>, vector<1024x256xf32>
    %sub3A_8 = arith.subf %sub3A, %get3A_7 : vector<1024x256xf32>
    %add3A = arith.addf %sub3A_8, %sub3A_8 : vector<1024x256xf32>
    %mul3A = arith.mulf %sub3A_8, %sub3A_8 : vector<1024x256xf32>
    %reduce_sum3A = arith.constant dense<0.000000e+00> : vector<1024xf32>
    %reduce_sum3A_9 = vector.multi_reduction <add>, %mul3A, %reduce_sum3A [1] : vector<1024x256xf32> to vector<1024xf32>
    %broadcast_in_dim3A = vector.shape_cast %reduce_sum3A_9 : vector<1024xf32> to vector<1024x1xf32>
    %broadcast_in_dim3A_10 = arith.constant 0.000000e+00 : f32
    %broadcast_in_dim3A_11 = vector.broadcast %broadcast_in_dim3A_10 : f32 to vector<1x1x128xf32>
    %reduce_sum3A_12 = vector.shape_cast %broadcast_in_dim3A : vector<1024x1xf32> to vector<1x1024x1xf32>
    %reduce_sum3A_13 = arith.constant dense<0.000000e+00> : vector<1xf32>
    %reduce_sum3A_14 = vector.multi_reduction <add>, %reduce_sum3A_12, %reduce_sum3A_13 [1, 2] : vector<1x1024x1xf32> to vector<1xf32>
    %reduce_sum3A_15 = vector.shape_cast %reduce_sum3A_14 : vector<1xf32> to vector<1x1x1xf32>
    %reduce_sum3A_16 = vector.extract %reduce_sum3A_15[0, 0, 0] : f32 from vector<1x1x1xf32>
    %add3A_17 = vector.broadcast %reduce_sum3A_16 : f32 to vector<1x1x128xf32>
    %add3A_18 = arith.addf %broadcast_in_dim3A_11, %add3A_17 : vector<1x1x128xf32>
    %swap3A = arith.constant 0 : index
    %swap3A_19 = arith.constant 0 : index
    %swap3A_20 = arith.constant 0 : index
    %swap3A_21 = vector.load %arg6[%swap3A, %swap3A_19, %swap3A_20] : memref<1x1x128xf32, #tpu.memory_space<vmem>>, vector<1x1x128xf32>
    tpu.vector_store %arg6[%swap3A, %swap3A_19, %swap3A_20], %add3A_18 {strides = array<i32>} : memref<1x1x128xf32, #tpu.memory_space<vmem>>, vector<1x1x128xf32>,
    %iota3A = tpu.iota {dimensions = array<i32: 1>} : vector<1024x128xi32>
    %eq3A = arith.constant 0 : i32
    %eq3A_22 = arith.cmpi eq, %arg0, %eq3A : i32
    %convert_element_type3A = arith.extui %eq3A_22 : i1 to i32
    %cond3A = arith.constant 0 : i32
    %cond3A_23 = arith.cmpi ne, %convert_element_type3A, %cond3A : i32
    scf.if %cond3A_23 {
      %get3A_807 = arith.constant 0 : index
      %get3A_808 = arith.constant 0 : index
      %get3A_809 = vector.load %arg4[%get3A_807, %get3A_808] : memref<8192x256xf32, #tpu.memory_space<vmem>>, vector<1024x256xf32>
      %mul3A_810 = arith.mulf %get3A_809, %get3A_809 : vector<1024x256xf32>
      %reduce_sum3A_811 = arith.constant dense<0.000000e+00> : vector<1024xf32>
      %reduce_sum3A_812 = vector.multi_reduction <add>, %mul3A_810, %reduce_sum3A_811 [1] : vector<1024x256xf32> to vector<1024xf32>
      %broadcast_in_dim3A_813 = vector.shape_cast %reduce_sum3A_812 : vector<1024xf32> to vector<1x1024xf32>
      %swap3A_814 = arith.constant 0 : index
      %swap3A_815 = arith.constant 0 : index
      %swap3A_816 = vector.load %arg7[%swap3A_814, %swap3A_815] : memref<1x8192xf32, #tpu.memory_space<vmem>>, vector<1x1024xf32>
      tpu.vector_store %arg7[%swap3A_814, %swap3A_815], %broadcast_in_dim3A_813 {strides = array<i32>} : memref<1x8192xf32, #tpu.memory_space<vmem>>, vector<1x1024xf32>,
      %get3A_817 = arith.constant 1024 : index
      %get3A_818 = arith.constant 0 : index
      %get3A_819 = vector.load %arg4[%get3A_817, %get3A_818] : memref<8192x256xf32, #tpu.memory_space<vmem>>, vector<1024x256xf32>
      %mul3A_820 = arith.mulf %get3A_819, %get3A_819 : vector<1024x256xf32>
      %reduce_sum3A_821 = arith.constant dense<0.000000e+00> : vector<1024xf32>
      %reduce_sum3A_822 = vector.multi_reduction <add>, %mul3A_820, %reduce_sum3A_821 [1] : vector<1024x256xf32> to vector<1024xf32>
      %broadcast_in_dim3A_823 = vector.shape_cast %reduce_sum3A_822 : vector<1024xf32> to vector<1x1024xf32>
      %swap3A_824 = arith.constant 0 : index
      %swap3A_825 = arith.constant 1024 : index
      %swap3A_826 = vector.load %arg7[%swap3A_824, %swap3A_825] : memref<1x8192xf32, #tpu.memory_space<vmem>>, vector<1x1024xf32>
      tpu.vector_store %arg7[%swap3A_824, %swap3A_825], %broadcast_in_dim3A_823 {strides = array<i32>} : memref<1x8192xf32, #tpu.memory_space<vmem>>, vector<1x1024xf32>,
      %get3A_827 = arith.constant 2048 : index
      %get3A_828 = arith.constant 0 : index
      %get3A_829 = vector.load %arg4[%get3A_827, %get3A_828] : memref<8192x256xf32, #tpu.memory_space<vmem>>, vector<1024x256xf32>
      %mul3A_830 = arith.mulf %get3A_829, %get3A_829 : vector<1024x256xf32>
      %reduce_sum3A_831 = arith.constant dense<0.000000e+00> : vector<1024xf32>
      %reduce_sum3A_832 = vector.multi_reduction <add>, %mul3A_830, %reduce_sum3A_831 [1] : vector<1024x256xf32> to vector<1024xf32>
      %broadcast_in_dim3A_833 = vector.shape_cast %reduce_sum3A_832 : vector<1024xf32> to vector<1x1024xf32>
      %swap3A_834 = arith.constant 0 : index
      %swap3A_835 = arith.constant 2048 : index
      %swap3A_836 = vector.load %arg7[%swap3A_834, %swap3A_835] : memref<1x8192xf32, #tpu.memory_space<vmem>>, vector<1x1024xf32>
      tpu.vector_store %arg7[%swap3A_834, %swap3A_835], %broadcast_in_dim3A_833 {strides = array<i32>} : memref<1x8192xf32, #tpu.memory_space<vmem>>, vector<1x1024xf32>,
      %get3A_837 = arith.constant 3072 : index
      %get3A_838 = arith.constant 0 : index
      %get3A_839 = vector.load %arg4[%get3A_837, %get3A_838] : memref<8192x256xf32, #tpu.memory_space<vmem>>, vector<1024x256xf32>
      %mul3A_840 = arith.mulf %get3A_839, %get3A_839 : vector<1024x256xf32>
      %reduce_sum3A_841 = arith.constant dense<0.000000e+00> : vector<1024xf32>
      %reduce_sum3A_842 = vector.multi_reduction <add>, %mul3A_840, %reduce_sum3A_841 [1] : vector<1024x256xf32> to vector<1024xf32>
      %broadcast_in_dim3A_843 = vector.shape_cast %reduce_sum3A_842 : vector<1024xf32> to vector<1x1024xf32>
      %swap3A_844 = arith.constant 0 : index
      %swap3A_845 = arith.constant 3072 : index
      %swap3A_846 = vector.load %arg7[%swap3A_844, %swap3A_845] : memref<1x8192xf32, #tpu.memory_space<vmem>>, vector<1x1024xf32>
      tpu.vector_store %arg7[%swap3A_844, %swap3A_845], %broadcast_in_dim3A_843 {strides = array<i32>} : memref<1x8192xf32, #tpu.memory_space<vmem>>, vector<1x1024xf32>,
      %get3A_847 = arith.constant 4096 : index
      %get3A_848 = arith.constant 0 : index
      %get3A_849 = vector.load %arg4[%get3A_847, %get3A_848] : memref<8192x256xf32, #tpu.memory_space<vmem>>, vector<1024x256xf32>
      %mul3A_850 = arith.mulf %get3A_849, %get3A_849 : vector<1024x256xf32>
      %reduce_sum3A_851 = arith.constant dense<0.000000e+00> : vector<1024xf32>
      %reduce_sum3A_852 = vector.multi_reduction <add>, %mul3A_850, %reduce_sum3A_851 [1] : vector<1024x256xf32> to vector<1024xf32>
      %broadcast_in_dim3A_853 = vector.shape_cast %reduce_sum3A_852 : vector<1024xf32> to vector<1x1024xf32>
      %swap3A_854 = arith.constant 0 : index
      %swap3A_855 = arith.constant 4096 : index
      %swap3A_856 = vector.load %arg7[%swap3A_854, %swap3A_855] : memref<1x8192xf32, #tpu.memory_space<vmem>>, vector<1x1024xf32>
      tpu.vector_store %arg7[%swap3A_854, %swap3A_855], %broadcast_in_dim3A_853 {strides = array<i32>} : memref<1x8192xf32, #tpu.memory_space<vmem>>, vector<1x1024xf32>,
      %get3A_857 = arith.constant 5120 : index
      %get3A_858 = arith.constant 0 : index
      %get3A_859 = vector.load %arg4[%get3A_857, %get3A_858] : memref<8192x256xf32, #tpu.memory_space<vmem>>, vector<1024x256xf32>
      %mul3A_860 = arith.mulf %get3A_859, %get3A_859 : vector<1024x256xf32>
      %reduce_sum3A_861 = arith.constant dense<0.000000e+00> : vector<1024xf32>
      %reduce_sum3A_862 = vector.multi_reduction <add>, %mul3A_860, %reduce_sum3A_861 [1] : vector<1024x256xf32> to vector<1024xf32>
      %broadcast_in_dim3A_863 = vector.shape_cast %reduce_sum3A_862 : vector<1024xf32> to vector<1x1024xf32>
      %swap3A_864 = arith.constant 0 : index
      %swap3A_865 = arith.constant 5120 : index
      %swap3A_866 = vector.load %arg7[%swap3A_864, %swap3A_865] : memref<1x8192xf32, #tpu.memory_space<vmem>>, vector<1x1024xf32>
      tpu.vector_store %arg7[%swap3A_864, %swap3A_865], %broadcast_in_dim3A_863 {strides = array<i32>} : memref<1x8192xf32, #tpu.memory_space<vmem>>, vector<1x1024xf32>,
      %get3A_867 = arith.constant 6144 : index
      %get3A_868 = arith.constant 0 : index
      %get3A_869 = vector.load %arg4[%get3A_867, %get3A_868] : memref<8192x256xf32, #tpu.memory_space<vmem>>, vector<1024x256xf32>
      %mul3A_870 = arith.mulf %get3A_869, %get3A_869 : vector<1024x256xf32>
      %reduce_sum3A_871 = arith.constant dense<0.000000e+00> : vector<1024xf32>
      %reduce_sum3A_872 = vector.multi_reduction <add>, %mul3A_870, %reduce_sum3A_871 [1] : vector<1024x256xf32> to vector<1024xf32>
      %broadcast_in_dim3A_873 = vector.shape_cast %reduce_sum3A_872 : vector<1024xf32> to vector<1x1024xf32>
      %swap3A_874 = arith.constant 0 : index
      %swap3A_875 = arith.constant 6144 : index
      %swap3A_876 = vector.load %arg7[%swap3A_874, %swap3A_875] : memref<1x8192xf32, #tpu.memory_space<vmem>>, vector<1x1024xf32>
      tpu.vector_store %arg7[%swap3A_874, %swap3A_875], %broadcast_in_dim3A_873 {strides = array<i32>} : memref<1x8192xf32, #tpu.memory_space<vmem>>, vector<1x1024xf32>,
      %get3A_877 = arith.constant 7168 : index
      %get3A_878 = arith.constant 0 : index
      %get3A_879 = vector.load %arg4[%get3A_877, %get3A_878] : memref<8192x256xf32, #tpu.memory_space<vmem>>, vector<1024x256xf32>
      %mul3A_880 = arith.mulf %get3A_879, %get3A_879 : vector<1024x256xf32>
      %reduce_sum3A_881 = arith.constant dense<0.000000e+00> : vector<1024xf32>
      %reduce_sum3A_882 = vector.multi_reduction <add>, %mul3A_880, %reduce_sum3A_881 [1] : vector<1024x256xf32> to vector<1024xf32>
      %broadcast_in_dim3A_883 = vector.shape_cast %reduce_sum3A_882 : vector<1024xf32> to vector<1x1024xf32>
      %swap3A_884 = arith.constant 0 : index
      %swap3A_885 = arith.constant 7168 : index
      %swap3A_886 = vector.load %arg7[%swap3A_884, %swap3A_885] : memref<1x8192xf32, #tpu.memory_space<vmem>>, vector<1x1024xf32>
      tpu.vector_store %arg7[%swap3A_884, %swap3A_885], %broadcast_in_dim3A_883 {strides = array<i32>} : memref<1x8192xf32, #tpu.memory_space<vmem>>, vector<1x1024xf32>,
    } else {
    }
    %broadcast_in_dim3A_24 = arith.constant 0x7F800000 : f32
    %broadcast_in_dim3A_25 = vector.broadcast %broadcast_in_dim3A_24 : f32 to vector<1024x128xf32>
    %broadcast_in_dim3A_26 = arith.constant 0 : i32
    %broadcast_in_dim3A_27 = vector.broadcast %broadcast_in_dim3A_26 : i32 to vector<1024x128xi32>
    %get3A_28 = arith.constant 0 : index
    %get3A_29 = arith.constant 0 : index
    %get3A_30 = vector.load %arg4[%get3A_28, %get3A_29] : memref<8192x256xf32, #tpu.memory_space<vmem>>, vector<1024x256xf32>
    %dot_general3A = arith.constant dense<0.000000e+00> : vector<1024x1024xf32>
    %dot_general3A_31 = tpu.matmul %add3A, %get3A_30, %dot_general3A {dimension_numbers = #tpu.dot_dimension_numbers<[1], [1], [0], [0], [0, 0, 1, 0], [], []>, transpose_lhs_hint = false} : vector<1024x256xf32>, vector<1024x256xf32>, vector<1024x1024xf32> -> vector<1024x1024xf32>
    %get3A_32 = arith.constant 0 : index
    %get3A_33 = arith.constant 0 : index
    %get3A_34 = vector.load %arg7[%get3A_32, %get3A_33] : memref<1x8192xf32, #tpu.memory_space<vmem>>, vector<1x1024xf32>
    %slice3A = vector.extract_strided_slice %get3A_34 {offsets = [0, 0], sizes = [1, 128], strides = [1, 1]} : vector<1x1024xf32> to vector<1x128xf32>
    %add3A_35 = vector.broadcast %broadcast_in_dim3A : vector<1024x1xf32> to vector<1024x128xf32>
    %add3A_36 = vector.broadcast %slice3A : vector<1x128xf32> to vector<1024x128xf32>
    %add3A_37 = arith.addf %add3A_35, %add3A_36 : vector<1024x128xf32>
    %slice3A_38 = vector.extract_strided_slice %dot_general3A_31 {offsets = [0, 0], sizes = [1024, 128], strides = [1, 1]} : vector<1024x1024xf32> to vector<1024x128xf32>
    %sub3A_39 = arith.subf %add3A_37, %slice3A_38 : vector<1024x128xf32>
    %lt3A = arith.cmpf olt, %sub3A_39, %broadcast_in_dim3A_25 : vector<1024x128xf32>
    %min3A = arith.minimumf %sub3A_39, %broadcast_in_dim3A_25 : vector<1024x128xf32>
    %jit3A = arith.constant 0 : i32
    %broadcast_in_dim3A_40 = vector.broadcast %jit3A : i32 to vector<1024x128xi32>
    %select_n3A = arith.select %lt3A, %broadcast_in_dim3A_40, %broadcast_in_dim3A_27 : vector<1024x128xi1>, vector<1024x128xi32>
    %slice3A_41 = vector.extract_strided_slice %get3A_34 {offsets = [0, 128], sizes = [1, 128], strides = [1, 1]} : vector<1x1024xf32> to vector<1x128xf32>
    %add3A_42 = vector.broadcast %broadcast_in_dim3A : vector<1024x1xf32> to vector<1024x128xf32>
    %add3A_43 = vector.broadcast %slice3A_41 : vector<1x128xf32> to vector<1024x128xf32>
    %add3A_44 = arith.addf %add3A_42, %add3A_43 : vector<1024x128xf32>
    %slice3A_45 = vector.extract_strided_slice %dot_general3A_31 {offsets = [0, 128], sizes = [1024, 128], strides = [1, 1]} : vector<1024x1024xf32> to vector<1024x128xf32>
    %sub3A_46 = arith.subf %add3A_44, %slice3A_45 : vector<1024x128xf32>
    %lt3A_47 = arith.cmpf olt, %sub3A_46, %min3A : vector<1024x128xf32>
    %min3A_48 = arith.minimumf %sub3A_46, %min3A : vector<1024x128xf32>
    %jit3A_49 = arith.constant 1 : i32
    %broadcast_in_dim3A_50 = vector.broadcast %jit3A_49 : i32 to vector<1024x128xi32>
    %select_n3A_51 = arith.select %lt3A_47, %broadcast_in_dim3A_50, %select_n3A : vector<1024x128xi1>, vector<1024x128xi32>
    %slice3A_52 = vector.extract_strided_slice %get3A_34 {offsets = [0, 256], sizes = [1, 128], strides = [1, 1]} : vector<1x1024xf32> to vector<1x128xf32>
    %add3A_53 = vector.broadcast %broadcast_in_dim3A : vector<1024x1xf32> to vector<1024x128xf32>
    %add3A_54 = vector.broadcast %slice3A_52 : vector<1x128xf32> to vector<1024x128xf32>
    %add3A_55 = arith.addf %add3A_53, %add3A_54 : vector<1024x128xf32>
    %slice3A_56 = vector.extract_strided_slice %dot_general3A_31 {offsets = [0, 256], sizes = [1024, 128], strides = [1, 1]} : vector<1024x1024xf32> to vector<1024x128xf32>
    %sub3A_57 = arith.subf %add3A_55, %slice3A_56 : vector<1024x128xf32>
    %lt3A_58 = arith.cmpf olt, %sub3A_57, %min3A_48 : vector<1024x128xf32>
    %min3A_59 = arith.minimumf %sub3A_57, %min3A_48 : vector<1024x128xf32>
    %jit3A_60 = arith.constant 2 : i32
    %broadcast_in_dim3A_61 = vector.broadcast %jit3A_60 : i32 to vector<1024x128xi32>
    %select_n3A_62 = arith.select %lt3A_58, %broadcast_in_dim3A_61, %select_n3A_51 : vector<1024x128xi1>, vector<1024x128xi32>
    %slice3A_63 = vector.extract_strided_slice %get3A_34 {offsets = [0, 384], sizes = [1, 128], strides = [1, 1]} : vector<1x1024xf32> to vector<1x128xf32>
    %add3A_64 = vector.broadcast %broadcast_in_dim3A : vector<1024x1xf32> to vector<1024x128xf32>
    %add3A_65 = vector.broadcast %slice3A_63 : vector<1x128xf32> to vector<1024x128xf32>
    %add3A_66 = arith.addf %add3A_64, %add3A_65 : vector<1024x128xf32>
    %slice3A_67 = vector.extract_strided_slice %dot_general3A_31 {offsets = [0, 384], sizes = [1024, 128], strides = [1, 1]} : vector<1024x1024xf32> to vector<1024x128xf32>
    %sub3A_68 = arith.subf %add3A_66, %slice3A_67 : vector<1024x128xf32>
    %lt3A_69 = arith.cmpf olt, %sub3A_68, %min3A_59 : vector<1024x128xf32>
    %min3A_70 = arith.minimumf %sub3A_68, %min3A_59 : vector<1024x128xf32>
    %jit3A_71 = arith.constant 3 : i32
    %broadcast_in_dim3A_72 = vector.broadcast %jit3A_71 : i32 to vector<1024x128xi32>
    %select_n3A_73 = arith.select %lt3A_69, %broadcast_in_dim3A_72, %select_n3A_62 : vector<1024x128xi1>, vector<1024x128xi32>
    %slice3A_74 = vector.extract_strided_slice %get3A_34 {offsets = [0, 512], sizes = [1, 128], strides = [1, 1]} : vector<1x1024xf32> to vector<1x128xf32>
    %add3A_75 = vector.broadcast %broadcast_in_dim3A : vector<1024x1xf32> to vector<1024x128xf32>
    %add3A_76 = vector.broadcast %slice3A_74 : vector<1x128xf32> to vector<1024x128xf32>
    %add3A_77 = arith.addf %add3A_75, %add3A_76 : vector<1024x128xf32>
    %slice3A_78 = vector.extract_strided_slice %dot_general3A_31 {offsets = [0, 512], sizes = [1024, 128], strides = [1, 1]} : vector<1024x1024xf32> to vector<1024x128xf32>
    %sub3A_79 = arith.subf %add3A_77, %slice3A_78 : vector<1024x128xf32>
    %lt3A_80 = arith.cmpf olt, %sub3A_79, %min3A_70 : vector<1024x128xf32>
    %min3A_81 = arith.minimumf %sub3A_79, %min3A_70 : vector<1024x128xf32>
    %jit3A_82 = arith.constant 4 : i32
    %broadcast_in_dim3A_83 = vector.broadcast %jit3A_82 : i32 to vector<1024x128xi32>
    %select_n3A_84 = arith.select %lt3A_80, %broadcast_in_dim3A_83, %select_n3A_73 : vector<1024x128xi1>, vector<1024x128xi32>
    %slice3A_85 = vector.extract_strided_slice %get3A_34 {offsets = [0, 640], sizes = [1, 128], strides = [1, 1]} : vector<1x1024xf32> to vector<1x128xf32>
    %add3A_86 = vector.broadcast %broadcast_in_dim3A : vector<1024x1xf32> to vector<1024x128xf32>
    %add3A_87 = vector.broadcast %slice3A_85 : vector<1x128xf32> to vector<1024x128xf32>
    %add3A_88 = arith.addf %add3A_86, %add3A_87 : vector<1024x128xf32>
    %slice3A_89 = vector.extract_strided_slice %dot_general3A_31 {offsets = [0, 640], sizes = [1024, 128], strides = [1, 1]} : vector<1024x1024xf32> to vector<1024x128xf32>
    %sub3A_90 = arith.subf %add3A_88, %slice3A_89 : vector<1024x128xf32>
    %lt3A_91 = arith.cmpf olt, %sub3A_90, %min3A_81 : vector<1024x128xf32>
    %min3A_92 = arith.minimumf %sub3A_90, %min3A_81 : vector<1024x128xf32>
    %jit3A_93 = arith.constant 5 : i32
    %broadcast_in_dim3A_94 = vector.broadcast %jit3A_93 : i32 to vector<1024x128xi32>
    %select_n3A_95 = arith.select %lt3A_91, %broadcast_in_dim3A_94, %select_n3A_84 : vector<1024x128xi1>, vector<1024x128xi32>
    %slice3A_96 = vector.extract_strided_slice %get3A_34 {offsets = [0, 768], sizes = [1, 128], strides = [1, 1]} : vector<1x1024xf32> to vector<1x128xf32>
    %add3A_97 = vector.broadcast %broadcast_in_dim3A : vector<1024x1xf32> to vector<1024x128xf32>
    %add3A_98 = vector.broadcast %slice3A_96 : vector<1x128xf32> to vector<1024x128xf32>
    %add3A_99 = arith.addf %add3A_97, %add3A_98 : vector<1024x128xf32>
    %slice3A_100 = vector.extract_strided_slice %dot_general3A_31 {offsets = [0, 768], sizes = [1024, 128], strides = [1, 1]} : vector<1024x1024xf32> to vector<1024x128xf32>
    %sub3A_101 = arith.subf %add3A_99, %slice3A_100 : vector<1024x128xf32>
    %lt3A_102 = arith.cmpf olt, %sub3A_101, %min3A_92 : vector<1024x128xf32>
    %min3A_103 = arith.minimumf %sub3A_101, %min3A_92 : vector<1024x128xf32>
    %jit3A_104 = arith.constant 6 : i32
    %broadcast_in_dim3A_105 = vector.broadcast %jit3A_104 : i32 to vector<1024x128xi32>
    %select_n3A_106 = arith.select %lt3A_102, %broadcast_in_dim3A_105, %select_n3A_95 : vector<1024x128xi1>, vector<1024x128xi32>
    %slice3A_107 = vector.extract_strided_slice %get3A_34 {offsets = [0, 896], sizes = [1, 128], strides = [1, 1]} : vector<1x1024xf32> to vector<1x128xf32>
    %add3A_108 = vector.broadcast %broadcast_in_dim3A : vector<1024x1xf32> to vector<1024x128xf32>
    %add3A_109 = vector.broadcast %slice3A_107 : vector<1x128xf32> to vector<1024x128xf32>
    %add3A_110 = arith.addf %add3A_108, %add3A_109 : vector<1024x128xf32>
    %slice3A_111 = vector.extract_strided_slice %dot_general3A_31 {offsets = [0, 896], sizes = [1024, 128], strides = [1, 1]} : vector<1024x1024xf32> to vector<1024x128xf32>
    %sub3A_112 = arith.subf %add3A_110, %slice3A_111 : vector<1024x128xf32>
    %lt3A_113 = arith.cmpf olt, %sub3A_112, %min3A_103 : vector<1024x128xf32>
    %min3A_114 = arith.minimumf %sub3A_112, %min3A_103 : vector<1024x128xf32>
    %jit3A_115 = arith.constant 7 : i32
    %broadcast_in_dim3A_116 = vector.broadcast %jit3A_115 : i32 to vector<1024x128xi32>
    %select_n3A_117 = arith.select %lt3A_113, %broadcast_in_dim3A_116, %select_n3A_106 : vector<1024x128xi1>, vector<1024x128xi32>
    %get3A_118 = arith.constant 1024 : index
    %get3A_119 = arith.constant 0 : index
    %get3A_120 = vector.load %arg4[%get3A_118, %get3A_119] : memref<8192x256xf32, #tpu.memory_space<vmem>>, vector<1024x256xf32>
    %dot_general3A_121 = arith.constant dense<0.000000e+00> : vector<1024x1024xf32>
    %dot_general3A_122 = tpu.matmul %add3A, %get3A_120, %dot_general3A_121 {dimension_numbers = #tpu.dot_dimension_numbers<[1], [1], [0], [0], [0, 0, 1, 0], [], []>, transpose_lhs_hint = false} : vector<1024x256xf32>, vector<1024x256xf32>, vector<1024x1024xf32> -> vector<1024x1024xf32>
    %get3A_123 = arith.constant 0 : index
    %get3A_124 = arith.constant 1024 : index
    %get3A_125 = vector.load %arg7[%get3A_123, %get3A_124] : memref<1x8192xf32, #tpu.memory_space<vmem>>, vector<1x1024xf32>
    %slice3A_126 = vector.extract_strided_slice %get3A_125 {offsets = [0, 0], sizes = [1, 128], strides = [1, 1]} : vector<1x1024xf32> to vector<1x128xf32>
    %add3A_127 = vector.broadcast %broadcast_in_dim3A : vector<1024x1xf32> to vector<1024x128xf32>
    %add3A_128 = vector.broadcast %slice3A_126 : vector<1x128xf32> to vector<1024x128xf32>
    %add3A_129 = arith.addf %add3A_127, %add3A_128 : vector<1024x128xf32>
    %slice3A_130 = vector.extract_strided_slice %dot_general3A_122 {offsets = [0, 0], sizes = [1024, 128], strides = [1, 1]} : vector<1024x1024xf32> to vector<1024x128xf32>
    %sub3A_131 = arith.subf %add3A_129, %slice3A_130 : vector<1024x128xf32>
    %lt3A_132 = arith.cmpf olt, %sub3A_131, %min3A_114 : vector<1024x128xf32>
    %min3A_133 = arith.minimumf %sub3A_131, %min3A_114 : vector<1024x128xf32>
    %jit3A_134 = arith.constant 8 : i32
    %broadcast_in_dim3A_135 = vector.broadcast %jit3A_134 : i32 to vector<1024x128xi32>
    %select_n3A_136 = arith.select %lt3A_132, %broadcast_in_dim3A_135, %select_n3A_117 : vector<1024x128xi1>, vector<1024x128xi32>
    %slice3A_137 = vector.extract_strided_slice %get3A_125 {offsets = [0, 128], sizes = [1, 128], strides = [1, 1]} : vector<1x1024xf32> to vector<1x128xf32>
    %add3A_138 = vector.broadcast %broadcast_in_dim3A : vector<1024x1xf32> to vector<1024x128xf32>
    %add3A_139 = vector.broadcast %slice3A_137 : vector<1x128xf32> to vector<1024x128xf32>
    %add3A_140 = arith.addf %add3A_138, %add3A_139 : vector<1024x128xf32>
    %slice3A_141 = vector.extract_strided_slice %dot_general3A_122 {offsets = [0, 128], sizes = [1024, 128], strides = [1, 1]} : vector<1024x1024xf32> to vector<1024x128xf32>
    %sub3A_142 = arith.subf %add3A_140, %slice3A_141 : vector<1024x128xf32>
    %lt3A_143 = arith.cmpf olt, %sub3A_142, %min3A_133 : vector<1024x128xf32>
    %min3A_144 = arith.minimumf %sub3A_142, %min3A_133 : vector<1024x128xf32>
    %jit3A_145 = arith.constant 9 : i32
    %broadcast_in_dim3A_146 = vector.broadcast %jit3A_145 : i32 to vector<1024x128xi32>
    %select_n3A_147 = arith.select %lt3A_143, %broadcast_in_dim3A_146, %select_n3A_136 : vector<1024x128xi1>, vector<1024x128xi32>
    %slice3A_148 = vector.extract_strided_slice %get3A_125 {offsets = [0, 256], sizes = [1, 128], strides = [1, 1]} : vector<1x1024xf32> to vector<1x128xf32>
    %add3A_149 = vector.broadcast %broadcast_in_dim3A : vector<1024x1xf32> to vector<1024x128xf32>
    %add3A_150 = vector.broadcast %slice3A_148 : vector<1x128xf32> to vector<1024x128xf32>
    %add3A_151 = arith.addf %add3A_149, %add3A_150 : vector<1024x128xf32>
    %slice3A_152 = vector.extract_strided_slice %dot_general3A_122 {offsets = [0, 256], sizes = [1024, 128], strides = [1, 1]} : vector<1024x1024xf32> to vector<1024x128xf32>
    %sub3A_153 = arith.subf %add3A_151, %slice3A_152 : vector<1024x128xf32>
    %lt3A_154 = arith.cmpf olt, %sub3A_153, %min3A_144 : vector<1024x128xf32>
    %min3A_155 = arith.minimumf %sub3A_153, %min3A_144 : vector<1024x128xf32>
    %jit3A_156 = arith.constant 10 : i32
    %broadcast_in_dim3A_157 = vector.broadcast %jit3A_156 : i32 to vector<1024x128xi32>
    %select_n3A_158 = arith.select %lt3A_154, %broadcast_in_dim3A_157, %select_n3A_147 : vector<1024x128xi1>, vector<1024x128xi32>
    %slice3A_159 = vector.extract_strided_slice %get3A_125 {offsets = [0, 384], sizes = [1, 128], strides = [1, 1]} : vector<1x1024xf32> to vector<1x128xf32>
    %add3A_160 = vector.broadcast %broadcast_in_dim3A : vector<1024x1xf32> to vector<1024x128xf32>
    %add3A_161 = vector.broadcast %slice3A_159 : vector<1x128xf32> to vector<1024x128xf32>
    %add3A_162 = arith.addf %add3A_160, %add3A_161 : vector<1024x128xf32>
    %slice3A_163 = vector.extract_strided_slice %dot_general3A_122 {offsets = [0, 384], sizes = [1024, 128], strides = [1, 1]} : vector<1024x1024xf32> to vector<1024x128xf32>
    %sub3A_164 = arith.subf %add3A_162, %slice3A_163 : vector<1024x128xf32>
    %lt3A_165 = arith.cmpf olt, %sub3A_164, %min3A_155 : vector<1024x128xf32>
    %min3A_166 = arith.minimumf %sub3A_164, %min3A_155 : vector<1024x128xf32>
    %jit3A_167 = arith.constant 11 : i32
    %broadcast_in_dim3A_168 = vector.broadcast %jit3A_167 : i32 to vector<1024x128xi32>
    %select_n3A_169 = arith.select %lt3A_165, %broadcast_in_dim3A_168, %select_n3A_158 : vector<1024x128xi1>, vector<1024x128xi32>
    %slice3A_170 = vector.extract_strided_slice %get3A_125 {offsets = [0, 512], sizes = [1, 128], strides = [1, 1]} : vector<1x1024xf32> to vector<1x128xf32>
    %add3A_171 = vector.broadcast %broadcast_in_dim3A : vector<1024x1xf32> to vector<1024x128xf32>
    %add3A_172 = vector.broadcast %slice3A_170 : vector<1x128xf32> to vector<1024x128xf32>
    %add3A_173 = arith.addf %add3A_171, %add3A_172 : vector<1024x128xf32>
    %slice3A_174 = vector.extract_strided_slice %dot_general3A_122 {offsets = [0, 512], sizes = [1024, 128], strides = [1, 1]} : vector<1024x1024xf32> to vector<1024x128xf32>
    %sub3A_175 = arith.subf %add3A_173, %slice3A_174 : vector<1024x128xf32>
    %lt3A_176 = arith.cmpf olt, %sub3A_175, %min3A_166 : vector<1024x128xf32>
    %min3A_177 = arith.minimumf %sub3A_175, %min3A_166 : vector<1024x128xf32>
    %jit3A_178 = arith.constant 12 : i32
    %broadcast_in_dim3A_179 = vector.broadcast %jit3A_178 : i32 to vector<1024x128xi32>
    %select_n3A_180 = arith.select %lt3A_176, %broadcast_in_dim3A_179, %select_n3A_169 : vector<1024x128xi1>, vector<1024x128xi32>
    %slice3A_181 = vector.extract_strided_slice %get3A_125 {offsets = [0, 640], sizes = [1, 128], strides = [1, 1]} : vector<1x1024xf32> to vector<1x128xf32>
    %add3A_182 = vector.broadcast %broadcast_in_dim3A : vector<1024x1xf32> to vector<1024x128xf32>
    %add3A_183 = vector.broadcast %slice3A_181 : vector<1x128xf32> to vector<1024x128xf32>
    %add3A_184 = arith.addf %add3A_182, %add3A_183 : vector<1024x128xf32>
    %slice3A_185 = vector.extract_strided_slice %dot_general3A_122 {offsets = [0, 640], sizes = [1024, 128], strides = [1, 1]} : vector<1024x1024xf32> to vector<1024x128xf32>
    %sub3A_186 = arith.subf %add3A_184, %slice3A_185 : vector<1024x128xf32>
    %lt3A_187 = arith.cmpf olt, %sub3A_186, %min3A_177 : vector<1024x128xf32>
    %min3A_188 = arith.minimumf %sub3A_186, %min3A_177 : vector<1024x128xf32>
    %jit3A_189 = arith.constant 13 : i32
    %broadcast_in_dim3A_190 = vector.broadcast %jit3A_189 : i32 to vector<1024x128xi32>
    %select_n3A_191 = arith.select %lt3A_187, %broadcast_in_dim3A_190, %select_n3A_180 : vector<1024x128xi1>, vector<1024x128xi32>
    %slice3A_192 = vector.extract_strided_slice %get3A_125 {offsets = [0, 768], sizes = [1, 128], strides = [1, 1]} : vector<1x1024xf32> to vector<1x128xf32>
    %add3A_193 = vector.broadcast %broadcast_in_dim3A : vector<1024x1xf32> to vector<1024x128xf32>
    %add3A_194 = vector.broadcast %slice3A_192 : vector<1x128xf32> to vector<1024x128xf32>
    %add3A_195 = arith.addf %add3A_193, %add3A_194 : vector<1024x128xf32>
    %slice3A_196 = vector.extract_strided_slice %dot_general3A_122 {offsets = [0, 768], sizes = [1024, 128], strides = [1, 1]} : vector<1024x1024xf32> to vector<1024x128xf32>
    %sub3A_197 = arith.subf %add3A_195, %slice3A_196 : vector<1024x128xf32>
    %lt3A_198 = arith.cmpf olt, %sub3A_197, %min3A_188 : vector<1024x128xf32>
    %min3A_199 = arith.minimumf %sub3A_197, %min3A_188 : vector<1024x128xf32>
    %jit3A_200 = arith.constant 14 : i32
    %broadcast_in_dim3A_201 = vector.broadcast %jit3A_200 : i32 to vector<1024x128xi32>
    %select_n3A_202 = arith.select %lt3A_198, %broadcast_in_dim3A_201, %select_n3A_191 : vector<1024x128xi1>, vector<1024x128xi32>
    %slice3A_203 = vector.extract_strided_slice %get3A_125 {offsets = [0, 896], sizes = [1, 128], strides = [1, 1]} : vector<1x1024xf32> to vector<1x128xf32>
    %add3A_204 = vector.broadcast %broadcast_in_dim3A : vector<1024x1xf32> to vector<1024x128xf32>
    %add3A_205 = vector.broadcast %slice3A_203 : vector<1x128xf32> to vector<1024x128xf32>
    %add3A_206 = arith.addf %add3A_204, %add3A_205 : vector<1024x128xf32>
    %slice3A_207 = vector.extract_strided_slice %dot_general3A_122 {offsets = [0, 896], sizes = [1024, 128], strides = [1, 1]} : vector<1024x1024xf32> to vector<1024x128xf32>
    %sub3A_208 = arith.subf %add3A_206, %slice3A_207 : vector<1024x128xf32>
    %lt3A_209 = arith.cmpf olt, %sub3A_208, %min3A_199 : vector<1024x128xf32>
    %min3A_210 = arith.minimumf %sub3A_208, %min3A_199 : vector<1024x128xf32>
    %jit3A_211 = arith.constant 15 : i32
    %broadcast_in_dim3A_212 = vector.broadcast %jit3A_211 : i32 to vector<1024x128xi32>
    %select_n3A_213 = arith.select %lt3A_209, %broadcast_in_dim3A_212, %select_n3A_202 : vector<1024x128xi1>, vector<1024x128xi32>
    %get3A_214 = arith.constant 2048 : index
    %get3A_215 = arith.constant 0 : index
    %get3A_216 = vector.load %arg4[%get3A_214, %get3A_215] : memref<8192x256xf32, #tpu.memory_space<vmem>>, vector<1024x256xf32>
    %dot_general3A_217 = arith.constant dense<0.000000e+00> : vector<1024x1024xf32>
    %dot_general3A_218 = tpu.matmul %add3A, %get3A_216, %dot_general3A_217 {dimension_numbers = #tpu.dot_dimension_numbers<[1], [1], [0], [0], [0, 0, 1, 0], [], []>, transpose_lhs_hint = false} : vector<1024x256xf32>, vector<1024x256xf32>, vector<1024x1024xf32> -> vector<1024x1024xf32>
    %get3A_219 = arith.constant 0 : index
    %get3A_220 = arith.constant 2048 : index
    %get3A_221 = vector.load %arg7[%get3A_219, %get3A_220] : memref<1x8192xf32, #tpu.memory_space<vmem>>, vector<1x1024xf32>
    %slice3A_222 = vector.extract_strided_slice %get3A_221 {offsets = [0, 0], sizes = [1, 128], strides = [1, 1]} : vector<1x1024xf32> to vector<1x128xf32>
    %add3A_223 = vector.broadcast %broadcast_in_dim3A : vector<1024x1xf32> to vector<1024x128xf32>
    %add3A_224 = vector.broadcast %slice3A_222 : vector<1x128xf32> to vector<1024x128xf32>
    %add3A_225 = arith.addf %add3A_223, %add3A_224 : vector<1024x128xf32>
    %slice3A_226 = vector.extract_strided_slice %dot_general3A_218 {offsets = [0, 0], sizes = [1024, 128], strides = [1, 1]} : vector<1024x1024xf32> to vector<1024x128xf32>
    %sub3A_227 = arith.subf %add3A_225, %slice3A_226 : vector<1024x128xf32>
    %lt3A_228 = arith.cmpf olt, %sub3A_227, %min3A_210 : vector<1024x128xf32>
    %min3A_229 = arith.minimumf %sub3A_227, %min3A_210 : vector<1024x128xf32>
    %jit3A_230 = arith.constant 16 : i32
    %broadcast_in_dim3A_231 = vector.broadcast %jit3A_230 : i32 to vector<1024x128xi32>
    %select_n3A_232 = arith.select %lt3A_228, %broadcast_in_dim3A_231, %select_n3A_213 : vector<1024x128xi1>, vector<1024x128xi32>
    %slice3A_233 = vector.extract_strided_slice %get3A_221 {offsets = [0, 128], sizes = [1, 128], strides = [1, 1]} : vector<1x1024xf32> to vector<1x128xf32>
    %add3A_234 = vector.broadcast %broadcast_in_dim3A : vector<1024x1xf32> to vector<1024x128xf32>
    %add3A_235 = vector.broadcast %slice3A_233 : vector<1x128xf32> to vector<1024x128xf32>
    %add3A_236 = arith.addf %add3A_234, %add3A_235 : vector<1024x128xf32>
    %slice3A_237 = vector.extract_strided_slice %dot_general3A_218 {offsets = [0, 128], sizes = [1024, 128], strides = [1, 1]} : vector<1024x1024xf32> to vector<1024x128xf32>
    %sub3A_238 = arith.subf %add3A_236, %slice3A_237 : vector<1024x128xf32>
    %lt3A_239 = arith.cmpf olt, %sub3A_238, %min3A_229 : vector<1024x128xf32>
    %min3A_240 = arith.minimumf %sub3A_238, %min3A_229 : vector<1024x128xf32>
    %jit3A_241 = arith.constant 17 : i32
    %broadcast_in_dim3A_242 = vector.broadcast %jit3A_241 : i32 to vector<1024x128xi32>
    %select_n3A_243 = arith.select %lt3A_239, %broadcast_in_dim3A_242, %select_n3A_232 : vector<1024x128xi1>, vector<1024x128xi32>
    %slice3A_244 = vector.extract_strided_slice %get3A_221 {offsets = [0, 256], sizes = [1, 128], strides = [1, 1]} : vector<1x1024xf32> to vector<1x128xf32>
    %add3A_245 = vector.broadcast %broadcast_in_dim3A : vector<1024x1xf32> to vector<1024x128xf32>
    %add3A_246 = vector.broadcast %slice3A_244 : vector<1x128xf32> to vector<1024x128xf32>
    %add3A_247 = arith.addf %add3A_245, %add3A_246 : vector<1024x128xf32>
    %slice3A_248 = vector.extract_strided_slice %dot_general3A_218 {offsets = [0, 256], sizes = [1024, 128], strides = [1, 1]} : vector<1024x1024xf32> to vector<1024x128xf32>
    %sub3A_249 = arith.subf %add3A_247, %slice3A_248 : vector<1024x128xf32>
    %lt3A_250 = arith.cmpf olt, %sub3A_249, %min3A_240 : vector<1024x128xf32>
    %min3A_251 = arith.minimumf %sub3A_249, %min3A_240 : vector<1024x128xf32>
    %jit3A_252 = arith.constant 18 : i32
    %broadcast_in_dim3A_253 = vector.broadcast %jit3A_252 : i32 to vector<1024x128xi32>
    %select_n3A_254 = arith.select %lt3A_250, %broadcast_in_dim3A_253, %select_n3A_243 : vector<1024x128xi1>, vector<1024x128xi32>
    %slice3A_255 = vector.extract_strided_slice %get3A_221 {offsets = [0, 384], sizes = [1, 128], strides = [1, 1]} : vector<1x1024xf32> to vector<1x128xf32>
    %add3A_256 = vector.broadcast %broadcast_in_dim3A : vector<1024x1xf32> to vector<1024x128xf32>
    %add3A_257 = vector.broadcast %slice3A_255 : vector<1x128xf32> to vector<1024x128xf32>
    %add3A_258 = arith.addf %add3A_256, %add3A_257 : vector<1024x128xf32>
    %slice3A_259 = vector.extract_strided_slice %dot_general3A_218 {offsets = [0, 384], sizes = [1024, 128], strides = [1, 1]} : vector<1024x1024xf32> to vector<1024x128xf32>
    %sub3A_260 = arith.subf %add3A_258, %slice3A_259 : vector<1024x128xf32>
    %lt3A_261 = arith.cmpf olt, %sub3A_260, %min3A_251 : vector<1024x128xf32>
    %min3A_262 = arith.minimumf %sub3A_260, %min3A_251 : vector<1024x128xf32>
    %jit3A_263 = arith.constant 19 : i32
    %broadcast_in_dim3A_264 = vector.broadcast %jit3A_263 : i32 to vector<1024x128xi32>
    %select_n3A_265 = arith.select %lt3A_261, %broadcast_in_dim3A_264, %select_n3A_254 : vector<1024x128xi1>, vector<1024x128xi32>
    %slice3A_266 = vector.extract_strided_slice %get3A_221 {offsets = [0, 512], sizes = [1, 128], strides = [1, 1]} : vector<1x1024xf32> to vector<1x128xf32>
    %add3A_267 = vector.broadcast %broadcast_in_dim3A : vector<1024x1xf32> to vector<1024x128xf32>
    %add3A_268 = vector.broadcast %slice3A_266 : vector<1x128xf32> to vector<1024x128xf32>
    %add3A_269 = arith.addf %add3A_267, %add3A_268 : vector<1024x128xf32>
    %slice3A_270 = vector.extract_strided_slice %dot_general3A_218 {offsets = [0, 512], sizes = [1024, 128], strides = [1, 1]} : vector<1024x1024xf32> to vector<1024x128xf32>
    %sub3A_271 = arith.subf %add3A_269, %slice3A_270 : vector<1024x128xf32>
    %lt3A_272 = arith.cmpf olt, %sub3A_271, %min3A_262 : vector<1024x128xf32>
    %min3A_273 = arith.minimumf %sub3A_271, %min3A_262 : vector<1024x128xf32>
    %jit3A_274 = arith.constant 20 : i32
    %broadcast_in_dim3A_275 = vector.broadcast %jit3A_274 : i32 to vector<1024x128xi32>
    %select_n3A_276 = arith.select %lt3A_272, %broadcast_in_dim3A_275, %select_n3A_265 : vector<1024x128xi1>, vector<1024x128xi32>
    %slice3A_277 = vector.extract_strided_slice %get3A_221 {offsets = [0, 640], sizes = [1, 128], strides = [1, 1]} : vector<1x1024xf32> to vector<1x128xf32>
    %add3A_278 = vector.broadcast %broadcast_in_dim3A : vector<1024x1xf32> to vector<1024x128xf32>
    %add3A_279 = vector.broadcast %slice3A_277 : vector<1x128xf32> to vector<1024x128xf32>
    %add3A_280 = arith.addf %add3A_278, %add3A_279 : vector<1024x128xf32>
    %slice3A_281 = vector.extract_strided_slice %dot_general3A_218 {offsets = [0, 640], sizes = [1024, 128], strides = [1, 1]} : vector<1024x1024xf32> to vector<1024x128xf32>
    %sub3A_282 = arith.subf %add3A_280, %slice3A_281 : vector<1024x128xf32>
    %lt3A_283 = arith.cmpf olt, %sub3A_282, %min3A_273 : vector<1024x128xf32>
    %min3A_284 = arith.minimumf %sub3A_282, %min3A_273 : vector<1024x128xf32>
    %jit3A_285 = arith.constant 21 : i32
    %broadcast_in_dim3A_286 = vector.broadcast %jit3A_285 : i32 to vector<1024x128xi32>
    %select_n3A_287 = arith.select %lt3A_283, %broadcast_in_dim3A_286, %select_n3A_276 : vector<1024x128xi1>, vector<1024x128xi32>
    %slice3A_288 = vector.extract_strided_slice %get3A_221 {offsets = [0, 768], sizes = [1, 128], strides = [1, 1]} : vector<1x1024xf32> to vector<1x128xf32>
    %add3A_289 = vector.broadcast %broadcast_in_dim3A : vector<1024x1xf32> to vector<1024x128xf32>
    %add3A_290 = vector.broadcast %slice3A_288 : vector<1x128xf32> to vector<1024x128xf32>
    %add3A_291 = arith.addf %add3A_289, %add3A_290 : vector<1024x128xf32>
    %slice3A_292 = vector.extract_strided_slice %dot_general3A_218 {offsets = [0, 768], sizes = [1024, 128], strides = [1, 1]} : vector<1024x1024xf32> to vector<1024x128xf32>
    %sub3A_293 = arith.subf %add3A_291, %slice3A_292 : vector<1024x128xf32>
    %lt3A_294 = arith.cmpf olt, %sub3A_293, %min3A_284 : vector<1024x128xf32>
    %min3A_295 = arith.minimumf %sub3A_293, %min3A_284 : vector<1024x128xf32>
    %jit3A_296 = arith.constant 22 : i32
    %broadcast_in_dim3A_297 = vector.broadcast %jit3A_296 : i32 to vector<1024x128xi32>
    %select_n3A_298 = arith.select %lt3A_294, %broadcast_in_dim3A_297, %select_n3A_287 : vector<1024x128xi1>, vector<1024x128xi32>
    %slice3A_299 = vector.extract_strided_slice %get3A_221 {offsets = [0, 896], sizes = [1, 128], strides = [1, 1]} : vector<1x1024xf32> to vector<1x128xf32>
    %add3A_300 = vector.broadcast %broadcast_in_dim3A : vector<1024x1xf32> to vector<1024x128xf32>
    %add3A_301 = vector.broadcast %slice3A_299 : vector<1x128xf32> to vector<1024x128xf32>
    %add3A_302 = arith.addf %add3A_300, %add3A_301 : vector<1024x128xf32>
    %slice3A_303 = vector.extract_strided_slice %dot_general3A_218 {offsets = [0, 896], sizes = [1024, 128], strides = [1, 1]} : vector<1024x1024xf32> to vector<1024x128xf32>
    %sub3A_304 = arith.subf %add3A_302, %slice3A_303 : vector<1024x128xf32>
    %lt3A_305 = arith.cmpf olt, %sub3A_304, %min3A_295 : vector<1024x128xf32>
    %min3A_306 = arith.minimumf %sub3A_304, %min3A_295 : vector<1024x128xf32>
    %jit3A_307 = arith.constant 23 : i32
    %broadcast_in_dim3A_308 = vector.broadcast %jit3A_307 : i32 to vector<1024x128xi32>
    %select_n3A_309 = arith.select %lt3A_305, %broadcast_in_dim3A_308, %select_n3A_298 : vector<1024x128xi1>, vector<1024x128xi32>
    %get3A_310 = arith.constant 3072 : index
    %get3A_311 = arith.constant 0 : index
    %get3A_312 = vector.load %arg4[%get3A_310, %get3A_311] : memref<8192x256xf32, #tpu.memory_space<vmem>>, vector<1024x256xf32>
    %dot_general3A_313 = arith.constant dense<0.000000e+00> : vector<1024x1024xf32>
    %dot_general3A_314 = tpu.matmul %add3A, %get3A_312, %dot_general3A_313 {dimension_numbers = #tpu.dot_dimension_numbers<[1], [1], [0], [0], [0, 0, 1, 0], [], []>, transpose_lhs_hint = false} : vector<1024x256xf32>, vector<1024x256xf32>, vector<1024x1024xf32> -> vector<1024x1024xf32>
    %get3A_315 = arith.constant 0 : index
    %get3A_316 = arith.constant 3072 : index
    %get3A_317 = vector.load %arg7[%get3A_315, %get3A_316] : memref<1x8192xf32, #tpu.memory_space<vmem>>, vector<1x1024xf32>
    %slice3A_318 = vector.extract_strided_slice %get3A_317 {offsets = [0, 0], sizes = [1, 128], strides = [1, 1]} : vector<1x1024xf32> to vector<1x128xf32>
    %add3A_319 = vector.broadcast %broadcast_in_dim3A : vector<1024x1xf32> to vector<1024x128xf32>
    %add3A_320 = vector.broadcast %slice3A_318 : vector<1x128xf32> to vector<1024x128xf32>
    %add3A_321 = arith.addf %add3A_319, %add3A_320 : vector<1024x128xf32>
    %slice3A_322 = vector.extract_strided_slice %dot_general3A_314 {offsets = [0, 0], sizes = [1024, 128], strides = [1, 1]} : vector<1024x1024xf32> to vector<1024x128xf32>
    %sub3A_323 = arith.subf %add3A_321, %slice3A_322 : vector<1024x128xf32>
    %lt3A_324 = arith.cmpf olt, %sub3A_323, %min3A_306 : vector<1024x128xf32>
    %min3A_325 = arith.minimumf %sub3A_323, %min3A_306 : vector<1024x128xf32>
    %jit3A_326 = arith.constant 24 : i32
    %broadcast_in_dim3A_327 = vector.broadcast %jit3A_326 : i32 to vector<1024x128xi32>
    %select_n3A_328 = arith.select %lt3A_324, %broadcast_in_dim3A_327, %select_n3A_309 : vector<1024x128xi1>, vector<1024x128xi32>
    %slice3A_329 = vector.extract_strided_slice %get3A_317 {offsets = [0, 128], sizes = [1, 128], strides = [1, 1]} : vector<1x1024xf32> to vector<1x128xf32>
    %add3A_330 = vector.broadcast %broadcast_in_dim3A : vector<1024x1xf32> to vector<1024x128xf32>
    %add3A_331 = vector.broadcast %slice3A_329 : vector<1x128xf32> to vector<1024x128xf32>
    %add3A_332 = arith.addf %add3A_330, %add3A_331 : vector<1024x128xf32>
    %slice3A_333 = vector.extract_strided_slice %dot_general3A_314 {offsets = [0, 128], sizes = [1024, 128], strides = [1, 1]} : vector<1024x1024xf32> to vector<1024x128xf32>
    %sub3A_334 = arith.subf %add3A_332, %slice3A_333 : vector<1024x128xf32>
    %lt3A_335 = arith.cmpf olt, %sub3A_334, %min3A_325 : vector<1024x128xf32>
    %min3A_336 = arith.minimumf %sub3A_334, %min3A_325 : vector<1024x128xf32>
    %jit3A_337 = arith.constant 25 : i32
    %broadcast_in_dim3A_338 = vector.broadcast %jit3A_337 : i32 to vector<1024x128xi32>
    %select_n3A_339 = arith.select %lt3A_335, %broadcast_in_dim3A_338, %select_n3A_328 : vector<1024x128xi1>, vector<1024x128xi32>
    %slice3A_340 = vector.extract_strided_slice %get3A_317 {offsets = [0, 256], sizes = [1, 128], strides = [1, 1]} : vector<1x1024xf32> to vector<1x128xf32>
    %add3A_341 = vector.broadcast %broadcast_in_dim3A : vector<1024x1xf32> to vector<1024x128xf32>
    %add3A_342 = vector.broadcast %slice3A_340 : vector<1x128xf32> to vector<1024x128xf32>
    %add3A_343 = arith.addf %add3A_341, %add3A_342 : vector<1024x128xf32>
    %slice3A_344 = vector.extract_strided_slice %dot_general3A_314 {offsets = [0, 256], sizes = [1024, 128], strides = [1, 1]} : vector<1024x1024xf32> to vector<1024x128xf32>
    %sub3A_345 = arith.subf %add3A_343, %slice3A_344 : vector<1024x128xf32>
    %lt3A_346 = arith.cmpf olt, %sub3A_345, %min3A_336 : vector<1024x128xf32>
    %min3A_347 = arith.minimumf %sub3A_345, %min3A_336 : vector<1024x128xf32>
    %jit3A_348 = arith.constant 26 : i32
    %broadcast_in_dim3A_349 = vector.broadcast %jit3A_348 : i32 to vector<1024x128xi32>
    %select_n3A_350 = arith.select %lt3A_346, %broadcast_in_dim3A_349, %select_n3A_339 : vector<1024x128xi1>, vector<1024x128xi32>
    %slice3A_351 = vector.extract_strided_slice %get3A_317 {offsets = [0, 384], sizes = [1, 128], strides = [1, 1]} : vector<1x1024xf32> to vector<1x128xf32>
    %add3A_352 = vector.broadcast %broadcast_in_dim3A : vector<1024x1xf32> to vector<1024x128xf32>
    %add3A_353 = vector.broadcast %slice3A_351 : vector<1x128xf32> to vector<1024x128xf32>
    %add3A_354 = arith.addf %add3A_352, %add3A_353 : vector<1024x128xf32>
    %slice3A_355 = vector.extract_strided_slice %dot_general3A_314 {offsets = [0, 384], sizes = [1024, 128], strides = [1, 1]} : vector<1024x1024xf32> to vector<1024x128xf32>
    %sub3A_356 = arith.subf %add3A_354, %slice3A_355 : vector<1024x128xf32>
    %lt3A_357 = arith.cmpf olt, %sub3A_356, %min3A_347 : vector<1024x128xf32>
    %min3A_358 = arith.minimumf %sub3A_356, %min3A_347 : vector<1024x128xf32>
    %jit3A_359 = arith.constant 27 : i32
    %broadcast_in_dim3A_360 = vector.broadcast %jit3A_359 : i32 to vector<1024x128xi32>
    %select_n3A_361 = arith.select %lt3A_357, %broadcast_in_dim3A_360, %select_n3A_350 : vector<1024x128xi1>, vector<1024x128xi32>
    %slice3A_362 = vector.extract_strided_slice %get3A_317 {offsets = [0, 512], sizes = [1, 128], strides = [1, 1]} : vector<1x1024xf32> to vector<1x128xf32>
    %add3A_363 = vector.broadcast %broadcast_in_dim3A : vector<1024x1xf32> to vector<1024x128xf32>
    %add3A_364 = vector.broadcast %slice3A_362 : vector<1x128xf32> to vector<1024x128xf32>
    %add3A_365 = arith.addf %add3A_363, %add3A_364 : vector<1024x128xf32>
    %slice3A_366 = vector.extract_strided_slice %dot_general3A_314 {offsets = [0, 512], sizes = [1024, 128], strides = [1, 1]} : vector<1024x1024xf32> to vector<1024x128xf32>
    %sub3A_367 = arith.subf %add3A_365, %slice3A_366 : vector<1024x128xf32>
    %lt3A_368 = arith.cmpf olt, %sub3A_367, %min3A_358 : vector<1024x128xf32>
    %min3A_369 = arith.minimumf %sub3A_367, %min3A_358 : vector<1024x128xf32>
    %jit3A_370 = arith.constant 28 : i32
    %broadcast_in_dim3A_371 = vector.broadcast %jit3A_370 : i32 to vector<1024x128xi32>
    %select_n3A_372 = arith.select %lt3A_368, %broadcast_in_dim3A_371, %select_n3A_361 : vector<1024x128xi1>, vector<1024x128xi32>
    %slice3A_373 = vector.extract_strided_slice %get3A_317 {offsets = [0, 640], sizes = [1, 128], strides = [1, 1]} : vector<1x1024xf32> to vector<1x128xf32>
    %add3A_374 = vector.broadcast %broadcast_in_dim3A : vector<1024x1xf32> to vector<1024x128xf32>
    %add3A_375 = vector.broadcast %slice3A_373 : vector<1x128xf32> to vector<1024x128xf32>
    %add3A_376 = arith.addf %add3A_374, %add3A_375 : vector<1024x128xf32>
    %slice3A_377 = vector.extract_strided_slice %dot_general3A_314 {offsets = [0, 640], sizes = [1024, 128], strides = [1, 1]} : vector<1024x1024xf32> to vector<1024x128xf32>
    %sub3A_378 = arith.subf %add3A_376, %slice3A_377 : vector<1024x128xf32>
    %lt3A_379 = arith.cmpf olt, %sub3A_378, %min3A_369 : vector<1024x128xf32>
    %min3A_380 = arith.minimumf %sub3A_378, %min3A_369 : vector<1024x128xf32>
    %jit3A_381 = arith.constant 29 : i32
    %broadcast_in_dim3A_382 = vector.broadcast %jit3A_381 : i32 to vector<1024x128xi32>
    %select_n3A_383 = arith.select %lt3A_379, %broadcast_in_dim3A_382, %select_n3A_372 : vector<1024x128xi1>, vector<1024x128xi32>
    %slice3A_384 = vector.extract_strided_slice %get3A_317 {offsets = [0, 768], sizes = [1, 128], strides = [1, 1]} : vector<1x1024xf32> to vector<1x128xf32>
    %add3A_385 = vector.broadcast %broadcast_in_dim3A : vector<1024x1xf32> to vector<1024x128xf32>
    %add3A_386 = vector.broadcast %slice3A_384 : vector<1x128xf32> to vector<1024x128xf32>
    %add3A_387 = arith.addf %add3A_385, %add3A_386 : vector<1024x128xf32>
    %slice3A_388 = vector.extract_strided_slice %dot_general3A_314 {offsets = [0, 768], sizes = [1024, 128], strides = [1, 1]} : vector<1024x1024xf32> to vector<1024x128xf32>
    %sub3A_389 = arith.subf %add3A_387, %slice3A_388 : vector<1024x128xf32>
    %lt3A_390 = arith.cmpf olt, %sub3A_389, %min3A_380 : vector<1024x128xf32>
    %min3A_391 = arith.minimumf %sub3A_389, %min3A_380 : vector<1024x128xf32>
    %jit3A_392 = arith.constant 30 : i32
    %broadcast_in_dim3A_393 = vector.broadcast %jit3A_392 : i32 to vector<1024x128xi32>
    %select_n3A_394 = arith.select %lt3A_390, %broadcast_in_dim3A_393, %select_n3A_383 : vector<1024x128xi1>, vector<1024x128xi32>
    %slice3A_395 = vector.extract_strided_slice %get3A_317 {offsets = [0, 896], sizes = [1, 128], strides = [1, 1]} : vector<1x1024xf32> to vector<1x128xf32>
    %add3A_396 = vector.broadcast %broadcast_in_dim3A : vector<1024x1xf32> to vector<1024x128xf32>
    %add3A_397 = vector.broadcast %slice3A_395 : vector<1x128xf32> to vector<1024x128xf32>
    %add3A_398 = arith.addf %add3A_396, %add3A_397 : vector<1024x128xf32>
    %slice3A_399 = vector.extract_strided_slice %dot_general3A_314 {offsets = [0, 896], sizes = [1024, 128], strides = [1, 1]} : vector<1024x1024xf32> to vector<1024x128xf32>
    %sub3A_400 = arith.subf %add3A_398, %slice3A_399 : vector<1024x128xf32>
    %lt3A_401 = arith.cmpf olt, %sub3A_400, %min3A_391 : vector<1024x128xf32>
    %min3A_402 = arith.minimumf %sub3A_400, %min3A_391 : vector<1024x128xf32>
    %jit3A_403 = arith.constant 31 : i32
    %broadcast_in_dim3A_404 = vector.broadcast %jit3A_403 : i32 to vector<1024x128xi32>
    %select_n3A_405 = arith.select %lt3A_401, %broadcast_in_dim3A_404, %select_n3A_394 : vector<1024x128xi1>, vector<1024x128xi32>
    %get3A_406 = arith.constant 4096 : index
    %get3A_407 = arith.constant 0 : index
    %get3A_408 = vector.load %arg4[%get3A_406, %get3A_407] : memref<8192x256xf32, #tpu.memory_space<vmem>>, vector<1024x256xf32>
    %dot_general3A_409 = arith.constant dense<0.000000e+00> : vector<1024x1024xf32>
    %dot_general3A_410 = tpu.matmul %add3A, %get3A_408, %dot_general3A_409 {dimension_numbers = #tpu.dot_dimension_numbers<[1], [1], [0], [0], [0, 0, 1, 0], [], []>, transpose_lhs_hint = false} : vector<1024x256xf32>, vector<1024x256xf32>, vector<1024x1024xf32> -> vector<1024x1024xf32>
    %get3A_411 = arith.constant 0 : index
    %get3A_412 = arith.constant 4096 : index
    %get3A_413 = vector.load %arg7[%get3A_411, %get3A_412] : memref<1x8192xf32, #tpu.memory_space<vmem>>, vector<1x1024xf32>
    %slice3A_414 = vector.extract_strided_slice %get3A_413 {offsets = [0, 0], sizes = [1, 128], strides = [1, 1]} : vector<1x1024xf32> to vector<1x128xf32>
    %add3A_415 = vector.broadcast %broadcast_in_dim3A : vector<1024x1xf32> to vector<1024x128xf32>
    %add3A_416 = vector.broadcast %slice3A_414 : vector<1x128xf32> to vector<1024x128xf32>
    %add3A_417 = arith.addf %add3A_415, %add3A_416 : vector<1024x128xf32>
    %slice3A_418 = vector.extract_strided_slice %dot_general3A_410 {offsets = [0, 0], sizes = [1024, 128], strides = [1, 1]} : vector<1024x1024xf32> to vector<1024x128xf32>
    %sub3A_419 = arith.subf %add3A_417, %slice3A_418 : vector<1024x128xf32>
    %lt3A_420 = arith.cmpf olt, %sub3A_419, %min3A_402 : vector<1024x128xf32>
    %min3A_421 = arith.minimumf %sub3A_419, %min3A_402 : vector<1024x128xf32>
    %jit3A_422 = arith.constant 32 : i32
    %broadcast_in_dim3A_423 = vector.broadcast %jit3A_422 : i32 to vector<1024x128xi32>
    %select_n3A_424 = arith.select %lt3A_420, %broadcast_in_dim3A_423, %select_n3A_405 : vector<1024x128xi1>, vector<1024x128xi32>
    %slice3A_425 = vector.extract_strided_slice %get3A_413 {offsets = [0, 128], sizes = [1, 128], strides = [1, 1]} : vector<1x1024xf32> to vector<1x128xf32>
    %add3A_426 = vector.broadcast %broadcast_in_dim3A : vector<1024x1xf32> to vector<1024x128xf32>
    %add3A_427 = vector.broadcast %slice3A_425 : vector<1x128xf32> to vector<1024x128xf32>
    %add3A_428 = arith.addf %add3A_426, %add3A_427 : vector<1024x128xf32>
    %slice3A_429 = vector.extract_strided_slice %dot_general3A_410 {offsets = [0, 128], sizes = [1024, 128], strides = [1, 1]} : vector<1024x1024xf32> to vector<1024x128xf32>
    %sub3A_430 = arith.subf %add3A_428, %slice3A_429 : vector<1024x128xf32>
    %lt3A_431 = arith.cmpf olt, %sub3A_430, %min3A_421 : vector<1024x128xf32>
    %min3A_432 = arith.minimumf %sub3A_430, %min3A_421 : vector<1024x128xf32>
    %jit3A_433 = arith.constant 33 : i32
    %broadcast_in_dim3A_434 = vector.broadcast %jit3A_433 : i32 to vector<1024x128xi32>
    %select_n3A_435 = arith.select %lt3A_431, %broadcast_in_dim3A_434, %select_n3A_424 : vector<1024x128xi1>, vector<1024x128xi32>
    %slice3A_436 = vector.extract_strided_slice %get3A_413 {offsets = [0, 256], sizes = [1, 128], strides = [1, 1]} : vector<1x1024xf32> to vector<1x128xf32>
    %add3A_437 = vector.broadcast %broadcast_in_dim3A : vector<1024x1xf32> to vector<1024x128xf32>
    %add3A_438 = vector.broadcast %slice3A_436 : vector<1x128xf32> to vector<1024x128xf32>
    %add3A_439 = arith.addf %add3A_437, %add3A_438 : vector<1024x128xf32>
    %slice3A_440 = vector.extract_strided_slice %dot_general3A_410 {offsets = [0, 256], sizes = [1024, 128], strides = [1, 1]} : vector<1024x1024xf32> to vector<1024x128xf32>
    %sub3A_441 = arith.subf %add3A_439, %slice3A_440 : vector<1024x128xf32>
    %lt3A_442 = arith.cmpf olt, %sub3A_441, %min3A_432 : vector<1024x128xf32>
    %min3A_443 = arith.minimumf %sub3A_441, %min3A_432 : vector<1024x128xf32>
    %jit3A_444 = arith.constant 34 : i32
    %broadcast_in_dim3A_445 = vector.broadcast %jit3A_444 : i32 to vector<1024x128xi32>
    %select_n3A_446 = arith.select %lt3A_442, %broadcast_in_dim3A_445, %select_n3A_435 : vector<1024x128xi1>, vector<1024x128xi32>
    %slice3A_447 = vector.extract_strided_slice %get3A_413 {offsets = [0, 384], sizes = [1, 128], strides = [1, 1]} : vector<1x1024xf32> to vector<1x128xf32>
    %add3A_448 = vector.broadcast %broadcast_in_dim3A : vector<1024x1xf32> to vector<1024x128xf32>
    %add3A_449 = vector.broadcast %slice3A_447 : vector<1x128xf32> to vector<1024x128xf32>
    %add3A_450 = arith.addf %add3A_448, %add3A_449 : vector<1024x128xf32>
    %slice3A_451 = vector.extract_strided_slice %dot_general3A_410 {offsets = [0, 384], sizes = [1024, 128], strides = [1, 1]} : vector<1024x1024xf32> to vector<1024x128xf32>
    %sub3A_452 = arith.subf %add3A_450, %slice3A_451 : vector<1024x128xf32>
    %lt3A_453 = arith.cmpf olt, %sub3A_452, %min3A_443 : vector<1024x128xf32>
    %min3A_454 = arith.minimumf %sub3A_452, %min3A_443 : vector<1024x128xf32>
    %jit3A_455 = arith.constant 35 : i32
    %broadcast_in_dim3A_456 = vector.broadcast %jit3A_455 : i32 to vector<1024x128xi32>
    %select_n3A_457 = arith.select %lt3A_453, %broadcast_in_dim3A_456, %select_n3A_446 : vector<1024x128xi1>, vector<1024x128xi32>
    %slice3A_458 = vector.extract_strided_slice %get3A_413 {offsets = [0, 512], sizes = [1, 128], strides = [1, 1]} : vector<1x1024xf32> to vector<1x128xf32>
    %add3A_459 = vector.broadcast %broadcast_in_dim3A : vector<1024x1xf32> to vector<1024x128xf32>
    %add3A_460 = vector.broadcast %slice3A_458 : vector<1x128xf32> to vector<1024x128xf32>
    %add3A_461 = arith.addf %add3A_459, %add3A_460 : vector<1024x128xf32>
    %slice3A_462 = vector.extract_strided_slice %dot_general3A_410 {offsets = [0, 512], sizes = [1024, 128], strides = [1, 1]} : vector<1024x1024xf32> to vector<1024x128xf32>
    %sub3A_463 = arith.subf %add3A_461, %slice3A_462 : vector<1024x128xf32>
    %lt3A_464 = arith.cmpf olt, %sub3A_463, %min3A_454 : vector<1024x128xf32>
    %min3A_465 = arith.minimumf %sub3A_463, %min3A_454 : vector<1024x128xf32>
    %jit3A_466 = arith.constant 36 : i32
    %broadcast_in_dim3A_467 = vector.broadcast %jit3A_466 : i32 to vector<1024x128xi32>
    %select_n3A_468 = arith.select %lt3A_464, %broadcast_in_dim3A_467, %select_n3A_457 : vector<1024x128xi1>, vector<1024x128xi32>
    %slice3A_469 = vector.extract_strided_slice %get3A_413 {offsets = [0, 640], sizes = [1, 128], strides = [1, 1]} : vector<1x1024xf32> to vector<1x128xf32>
    %add3A_470 = vector.broadcast %broadcast_in_dim3A : vector<1024x1xf32> to vector<1024x128xf32>
    %add3A_471 = vector.broadcast %slice3A_469 : vector<1x128xf32> to vector<1024x128xf32>
    %add3A_472 = arith.addf %add3A_470, %add3A_471 : vector<1024x128xf32>
    %slice3A_473 = vector.extract_strided_slice %dot_general3A_410 {offsets = [0, 640], sizes = [1024, 128], strides = [1, 1]} : vector<1024x1024xf32> to vector<1024x128xf32>
    %sub3A_474 = arith.subf %add3A_472, %slice3A_473 : vector<1024x128xf32>
    %lt3A_475 = arith.cmpf olt, %sub3A_474, %min3A_465 : vector<1024x128xf32>
    %min3A_476 = arith.minimumf %sub3A_474, %min3A_465 : vector<1024x128xf32>
    %jit3A_477 = arith.constant 37 : i32
    %broadcast_in_dim3A_478 = vector.broadcast %jit3A_477 : i32 to vector<1024x128xi32>
    %select_n3A_479 = arith.select %lt3A_475, %broadcast_in_dim3A_478, %select_n3A_468 : vector<1024x128xi1>, vector<1024x128xi32>
    %slice3A_480 = vector.extract_strided_slice %get3A_413 {offsets = [0, 768], sizes = [1, 128], strides = [1, 1]} : vector<1x1024xf32> to vector<1x128xf32>
    %add3A_481 = vector.broadcast %broadcast_in_dim3A : vector<1024x1xf32> to vector<1024x128xf32>
    %add3A_482 = vector.broadcast %slice3A_480 : vector<1x128xf32> to vector<1024x128xf32>
    %add3A_483 = arith.addf %add3A_481, %add3A_482 : vector<1024x128xf32>
    %slice3A_484 = vector.extract_strided_slice %dot_general3A_410 {offsets = [0, 768], sizes = [1024, 128], strides = [1, 1]} : vector<1024x1024xf32> to vector<1024x128xf32>
    %sub3A_485 = arith.subf %add3A_483, %slice3A_484 : vector<1024x128xf32>
    %lt3A_486 = arith.cmpf olt, %sub3A_485, %min3A_476 : vector<1024x128xf32>
    %min3A_487 = arith.minimumf %sub3A_485, %min3A_476 : vector<1024x128xf32>
    %jit3A_488 = arith.constant 38 : i32
    %broadcast_in_dim3A_489 = vector.broadcast %jit3A_488 : i32 to vector<1024x128xi32>
    %select_n3A_490 = arith.select %lt3A_486, %broadcast_in_dim3A_489, %select_n3A_479 : vector<1024x128xi1>, vector<1024x128xi32>
    %slice3A_491 = vector.extract_strided_slice %get3A_413 {offsets = [0, 896], sizes = [1, 128], strides = [1, 1]} : vector<1x1024xf32> to vector<1x128xf32>
    %add3A_492 = vector.broadcast %broadcast_in_dim3A : vector<1024x1xf32> to vector<1024x128xf32>
    %add3A_493 = vector.broadcast %slice3A_491 : vector<1x128xf32> to vector<1024x128xf32>
    %add3A_494 = arith.addf %add3A_492, %add3A_493 : vector<1024x128xf32>
    %slice3A_495 = vector.extract_strided_slice %dot_general3A_410 {offsets = [0, 896], sizes = [1024, 128], strides = [1, 1]} : vector<1024x1024xf32> to vector<1024x128xf32>
    %sub3A_496 = arith.subf %add3A_494, %slice3A_495 : vector<1024x128xf32>
    %lt3A_497 = arith.cmpf olt, %sub3A_496, %min3A_487 : vector<1024x128xf32>
    %min3A_498 = arith.minimumf %sub3A_496, %min3A_487 : vector<1024x128xf32>
    %jit3A_499 = arith.constant 39 : i32
    %broadcast_in_dim3A_500 = vector.broadcast %jit3A_499 : i32 to vector<1024x128xi32>
    %select_n3A_501 = arith.select %lt3A_497, %broadcast_in_dim3A_500, %select_n3A_490 : vector<1024x128xi1>, vector<1024x128xi32>
    %get3A_502 = arith.constant 5120 : index
    %get3A_503 = arith.constant 0 : index
    %get3A_504 = vector.load %arg4[%get3A_502, %get3A_503] : memref<8192x256xf32, #tpu.memory_space<vmem>>, vector<1024x256xf32>
    %dot_general3A_505 = arith.constant dense<0.000000e+00> : vector<1024x1024xf32>
    %dot_general3A_506 = tpu.matmul %add3A, %get3A_504, %dot_general3A_505 {dimension_numbers = #tpu.dot_dimension_numbers<[1], [1], [0], [0], [0, 0, 1, 0], [], []>, transpose_lhs_hint = false} : vector<1024x256xf32>, vector<1024x256xf32>, vector<1024x1024xf32> -> vector<1024x1024xf32>
    %get3A_507 = arith.constant 0 : index
    %get3A_508 = arith.constant 5120 : index
    %get3A_509 = vector.load %arg7[%get3A_507, %get3A_508] : memref<1x8192xf32, #tpu.memory_space<vmem>>, vector<1x1024xf32>
    %slice3A_510 = vector.extract_strided_slice %get3A_509 {offsets = [0, 0], sizes = [1, 128], strides = [1, 1]} : vector<1x1024xf32> to vector<1x128xf32>
    %add3A_511 = vector.broadcast %broadcast_in_dim3A : vector<1024x1xf32> to vector<1024x128xf32>
    %add3A_512 = vector.broadcast %slice3A_510 : vector<1x128xf32> to vector<1024x128xf32>
    %add3A_513 = arith.addf %add3A_511, %add3A_512 : vector<1024x128xf32>
    %slice3A_514 = vector.extract_strided_slice %dot_general3A_506 {offsets = [0, 0], sizes = [1024, 128], strides = [1, 1]} : vector<1024x1024xf32> to vector<1024x128xf32>
    %sub3A_515 = arith.subf %add3A_513, %slice3A_514 : vector<1024x128xf32>
    %lt3A_516 = arith.cmpf olt, %sub3A_515, %min3A_498 : vector<1024x128xf32>
    %min3A_517 = arith.minimumf %sub3A_515, %min3A_498 : vector<1024x128xf32>
    %jit3A_518 = arith.constant 40 : i32
    %broadcast_in_dim3A_519 = vector.broadcast %jit3A_518 : i32 to vector<1024x128xi32>
    %select_n3A_520 = arith.select %lt3A_516, %broadcast_in_dim3A_519, %select_n3A_501 : vector<1024x128xi1>, vector<1024x128xi32>
    %slice3A_521 = vector.extract_strided_slice %get3A_509 {offsets = [0, 128], sizes = [1, 128], strides = [1, 1]} : vector<1x1024xf32> to vector<1x128xf32>
    %add3A_522 = vector.broadcast %broadcast_in_dim3A : vector<1024x1xf32> to vector<1024x128xf32>
    %add3A_523 = vector.broadcast %slice3A_521 : vector<1x128xf32> to vector<1024x128xf32>
    %add3A_524 = arith.addf %add3A_522, %add3A_523 : vector<1024x128xf32>
    %slice3A_525 = vector.extract_strided_slice %dot_general3A_506 {offsets = [0, 128], sizes = [1024, 128], strides = [1, 1]} : vector<1024x1024xf32> to vector<1024x128xf32>
    %sub3A_526 = arith.subf %add3A_524, %slice3A_525 : vector<1024x128xf32>
    %lt3A_527 = arith.cmpf olt, %sub3A_526, %min3A_517 : vector<1024x128xf32>
    %min3A_528 = arith.minimumf %sub3A_526, %min3A_517 : vector<1024x128xf32>
    %jit3A_529 = arith.constant 41 : i32
    %broadcast_in_dim3A_530 = vector.broadcast %jit3A_529 : i32 to vector<1024x128xi32>
    %select_n3A_531 = arith.select %lt3A_527, %broadcast_in_dim3A_530, %select_n3A_520 : vector<1024x128xi1>, vector<1024x128xi32>
    %slice3A_532 = vector.extract_strided_slice %get3A_509 {offsets = [0, 256], sizes = [1, 128], strides = [1, 1]} : vector<1x1024xf32> to vector<1x128xf32>
    %add3A_533 = vector.broadcast %broadcast_in_dim3A : vector<1024x1xf32> to vector<1024x128xf32>
    %add3A_534 = vector.broadcast %slice3A_532 : vector<1x128xf32> to vector<1024x128xf32>
    %add3A_535 = arith.addf %add3A_533, %add3A_534 : vector<1024x128xf32>
    %slice3A_536 = vector.extract_strided_slice %dot_general3A_506 {offsets = [0, 256], sizes = [1024, 128], strides = [1, 1]} : vector<1024x1024xf32> to vector<1024x128xf32>
    %sub3A_537 = arith.subf %add3A_535, %slice3A_536 : vector<1024x128xf32>
    %lt3A_538 = arith.cmpf olt, %sub3A_537, %min3A_528 : vector<1024x128xf32>
    %min3A_539 = arith.minimumf %sub3A_537, %min3A_528 : vector<1024x128xf32>
    %jit3A_540 = arith.constant 42 : i32
    %broadcast_in_dim3A_541 = vector.broadcast %jit3A_540 : i32 to vector<1024x128xi32>
    %select_n3A_542 = arith.select %lt3A_538, %broadcast_in_dim3A_541, %select_n3A_531 : vector<1024x128xi1>, vector<1024x128xi32>
    %slice3A_543 = vector.extract_strided_slice %get3A_509 {offsets = [0, 384], sizes = [1, 128], strides = [1, 1]} : vector<1x1024xf32> to vector<1x128xf32>
    %add3A_544 = vector.broadcast %broadcast_in_dim3A : vector<1024x1xf32> to vector<1024x128xf32>
    %add3A_545 = vector.broadcast %slice3A_543 : vector<1x128xf32> to vector<1024x128xf32>
    %add3A_546 = arith.addf %add3A_544, %add3A_545 : vector<1024x128xf32>
    %slice3A_547 = vector.extract_strided_slice %dot_general3A_506 {offsets = [0, 384], sizes = [1024, 128], strides = [1, 1]} : vector<1024x1024xf32> to vector<1024x128xf32>
    %sub3A_548 = arith.subf %add3A_546, %slice3A_547 : vector<1024x128xf32>
    %lt3A_549 = arith.cmpf olt, %sub3A_548, %min3A_539 : vector<1024x128xf32>
    %min3A_550 = arith.minimumf %sub3A_548, %min3A_539 : vector<1024x128xf32>
    %jit3A_551 = arith.constant 43 : i32
    %broadcast_in_dim3A_552 = vector.broadcast %jit3A_551 : i32 to vector<1024x128xi32>
    %select_n3A_553 = arith.select %lt3A_549, %broadcast_in_dim3A_552, %select_n3A_542 : vector<1024x128xi1>, vector<1024x128xi32>
    %slice3A_554 = vector.extract_strided_slice %get3A_509 {offsets = [0, 512], sizes = [1, 128], strides = [1, 1]} : vector<1x1024xf32> to vector<1x128xf32>
    %add3A_555 = vector.broadcast %broadcast_in_dim3A : vector<1024x1xf32> to vector<1024x128xf32>
    %add3A_556 = vector.broadcast %slice3A_554 : vector<1x128xf32> to vector<1024x128xf32>
    %add3A_557 = arith.addf %add3A_555, %add3A_556 : vector<1024x128xf32>
    %slice3A_558 = vector.extract_strided_slice %dot_general3A_506 {offsets = [0, 512], sizes = [1024, 128], strides = [1, 1]} : vector<1024x1024xf32> to vector<1024x128xf32>
    %sub3A_559 = arith.subf %add3A_557, %slice3A_558 : vector<1024x128xf32>
    %lt3A_560 = arith.cmpf olt, %sub3A_559, %min3A_550 : vector<1024x128xf32>
    %min3A_561 = arith.minimumf %sub3A_559, %min3A_550 : vector<1024x128xf32>
    %jit3A_562 = arith.constant 44 : i32
    %broadcast_in_dim3A_563 = vector.broadcast %jit3A_562 : i32 to vector<1024x128xi32>
    %select_n3A_564 = arith.select %lt3A_560, %broadcast_in_dim3A_563, %select_n3A_553 : vector<1024x128xi1>, vector<1024x128xi32>
    %slice3A_565 = vector.extract_strided_slice %get3A_509 {offsets = [0, 640], sizes = [1, 128], strides = [1, 1]} : vector<1x1024xf32> to vector<1x128xf32>
    %add3A_566 = vector.broadcast %broadcast_in_dim3A : vector<1024x1xf32> to vector<1024x128xf32>
    %add3A_567 = vector.broadcast %slice3A_565 : vector<1x128xf32> to vector<1024x128xf32>
    %add3A_568 = arith.addf %add3A_566, %add3A_567 : vector<1024x128xf32>
    %slice3A_569 = vector.extract_strided_slice %dot_general3A_506 {offsets = [0, 640], sizes = [1024, 128], strides = [1, 1]} : vector<1024x1024xf32> to vector<1024x128xf32>
    %sub3A_570 = arith.subf %add3A_568, %slice3A_569 : vector<1024x128xf32>
    %lt3A_571 = arith.cmpf olt, %sub3A_570, %min3A_561 : vector<1024x128xf32>
    %min3A_572 = arith.minimumf %sub3A_570, %min3A_561 : vector<1024x128xf32>
    %jit3A_573 = arith.constant 45 : i32
    %broadcast_in_dim3A_574 = vector.broadcast %jit3A_573 : i32 to vector<1024x128xi32>
    %select_n3A_575 = arith.select %lt3A_571, %broadcast_in_dim3A_574, %select_n3A_564 : vector<1024x128xi1>, vector<1024x128xi32>
    %slice3A_576 = vector.extract_strided_slice %get3A_509 {offsets = [0, 768], sizes = [1, 128], strides = [1, 1]} : vector<1x1024xf32> to vector<1x128xf32>
    %add3A_577 = vector.broadcast %broadcast_in_dim3A : vector<1024x1xf32> to vector<1024x128xf32>
    %add3A_578 = vector.broadcast %slice3A_576 : vector<1x128xf32> to vector<1024x128xf32>
    %add3A_579 = arith.addf %add3A_577, %add3A_578 : vector<1024x128xf32>
    %slice3A_580 = vector.extract_strided_slice %dot_general3A_506 {offsets = [0, 768], sizes = [1024, 128], strides = [1, 1]} : vector<1024x1024xf32> to vector<1024x128xf32>
    %sub3A_581 = arith.subf %add3A_579, %slice3A_580 : vector<1024x128xf32>
    %lt3A_582 = arith.cmpf olt, %sub3A_581, %min3A_572 : vector<1024x128xf32>
    %min3A_583 = arith.minimumf %sub3A_581, %min3A_572 : vector<1024x128xf32>
    %jit3A_584 = arith.constant 46 : i32
    %broadcast_in_dim3A_585 = vector.broadcast %jit3A_584 : i32 to vector<1024x128xi32>
    %select_n3A_586 = arith.select %lt3A_582, %broadcast_in_dim3A_585, %select_n3A_575 : vector<1024x128xi1>, vector<1024x128xi32>
    %slice3A_587 = vector.extract_strided_slice %get3A_509 {offsets = [0, 896], sizes = [1, 128], strides = [1, 1]} : vector<1x1024xf32> to vector<1x128xf32>
    %add3A_588 = vector.broadcast %broadcast_in_dim3A : vector<1024x1xf32> to vector<1024x128xf32>
    %add3A_589 = vector.broadcast %slice3A_587 : vector<1x128xf32> to vector<1024x128xf32>
    %add3A_590 = arith.addf %add3A_588, %add3A_589 : vector<1024x128xf32>
    %slice3A_591 = vector.extract_strided_slice %dot_general3A_506 {offsets = [0, 896], sizes = [1024, 128], strides = [1, 1]} : vector<1024x1024xf32> to vector<1024x128xf32>
    %sub3A_592 = arith.subf %add3A_590, %slice3A_591 : vector<1024x128xf32>
    %lt3A_593 = arith.cmpf olt, %sub3A_592, %min3A_583 : vector<1024x128xf32>
    %min3A_594 = arith.minimumf %sub3A_592, %min3A_583 : vector<1024x128xf32>
    %jit3A_595 = arith.constant 47 : i32
    %broadcast_in_dim3A_596 = vector.broadcast %jit3A_595 : i32 to vector<1024x128xi32>
    %select_n3A_597 = arith.select %lt3A_593, %broadcast_in_dim3A_596, %select_n3A_586 : vector<1024x128xi1>, vector<1024x128xi32>
    %get3A_598 = arith.constant 6144 : index
    %get3A_599 = arith.constant 0 : index
    %get3A_600 = vector.load %arg4[%get3A_598, %get3A_599] : memref<8192x256xf32, #tpu.memory_space<vmem>>, vector<1024x256xf32>
    %dot_general3A_601 = arith.constant dense<0.000000e+00> : vector<1024x1024xf32>
    %dot_general3A_602 = tpu.matmul %add3A, %get3A_600, %dot_general3A_601 {dimension_numbers = #tpu.dot_dimension_numbers<[1], [1], [0], [0], [0, 0, 1, 0], [], []>, transpose_lhs_hint = false} : vector<1024x256xf32>, vector<1024x256xf32>, vector<1024x1024xf32> -> vector<1024x1024xf32>
    %get3A_603 = arith.constant 0 : index
    %get3A_604 = arith.constant 6144 : index
    %get3A_605 = vector.load %arg7[%get3A_603, %get3A_604] : memref<1x8192xf32, #tpu.memory_space<vmem>>, vector<1x1024xf32>
    %slice3A_606 = vector.extract_strided_slice %get3A_605 {offsets = [0, 0], sizes = [1, 128], strides = [1, 1]} : vector<1x1024xf32> to vector<1x128xf32>
    %add3A_607 = vector.broadcast %broadcast_in_dim3A : vector<1024x1xf32> to vector<1024x128xf32>
    %add3A_608 = vector.broadcast %slice3A_606 : vector<1x128xf32> to vector<1024x128xf32>
    %add3A_609 = arith.addf %add3A_607, %add3A_608 : vector<1024x128xf32>
    %slice3A_610 = vector.extract_strided_slice %dot_general3A_602 {offsets = [0, 0], sizes = [1024, 128], strides = [1, 1]} : vector<1024x1024xf32> to vector<1024x128xf32>
    %sub3A_611 = arith.subf %add3A_609, %slice3A_610 : vector<1024x128xf32>
    %lt3A_612 = arith.cmpf olt, %sub3A_611, %min3A_594 : vector<1024x128xf32>
    %min3A_613 = arith.minimumf %sub3A_611, %min3A_594 : vector<1024x128xf32>
    %jit3A_614 = arith.constant 48 : i32
    %broadcast_in_dim3A_615 = vector.broadcast %jit3A_614 : i32 to vector<1024x128xi32>
    %select_n3A_616 = arith.select %lt3A_612, %broadcast_in_dim3A_615, %select_n3A_597 : vector<1024x128xi1>, vector<1024x128xi32>
    %slice3A_617 = vector.extract_strided_slice %get3A_605 {offsets = [0, 128], sizes = [1, 128], strides = [1, 1]} : vector<1x1024xf32> to vector<1x128xf32>
    %add3A_618 = vector.broadcast %broadcast_in_dim3A : vector<1024x1xf32> to vector<1024x128xf32>
    %add3A_619 = vector.broadcast %slice3A_617 : vector<1x128xf32> to vector<1024x128xf32>
    %add3A_620 = arith.addf %add3A_618, %add3A_619 : vector<1024x128xf32>
    %slice3A_621 = vector.extract_strided_slice %dot_general3A_602 {offsets = [0, 128], sizes = [1024, 128], strides = [1, 1]} : vector<1024x1024xf32> to vector<1024x128xf32>
    %sub3A_622 = arith.subf %add3A_620, %slice3A_621 : vector<1024x128xf32>
    %lt3A_623 = arith.cmpf olt, %sub3A_622, %min3A_613 : vector<1024x128xf32>
    %min3A_624 = arith.minimumf %sub3A_622, %min3A_613 : vector<1024x128xf32>
    %jit3A_625 = arith.constant 49 : i32
    %broadcast_in_dim3A_626 = vector.broadcast %jit3A_625 : i32 to vector<1024x128xi32>
    %select_n3A_627 = arith.select %lt3A_623, %broadcast_in_dim3A_626, %select_n3A_616 : vector<1024x128xi1>, vector<1024x128xi32>
    %slice3A_628 = vector.extract_strided_slice %get3A_605 {offsets = [0, 256], sizes = [1, 128], strides = [1, 1]} : vector<1x1024xf32> to vector<1x128xf32>
    %add3A_629 = vector.broadcast %broadcast_in_dim3A : vector<1024x1xf32> to vector<1024x128xf32>
    %add3A_630 = vector.broadcast %slice3A_628 : vector<1x128xf32> to vector<1024x128xf32>
    %add3A_631 = arith.addf %add3A_629, %add3A_630 : vector<1024x128xf32>
    %slice3A_632 = vector.extract_strided_slice %dot_general3A_602 {offsets = [0, 256], sizes = [1024, 128], strides = [1, 1]} : vector<1024x1024xf32> to vector<1024x128xf32>
    %sub3A_633 = arith.subf %add3A_631, %slice3A_632 : vector<1024x128xf32>
    %lt3A_634 = arith.cmpf olt, %sub3A_633, %min3A_624 : vector<1024x128xf32>
    %min3A_635 = arith.minimumf %sub3A_633, %min3A_624 : vector<1024x128xf32>
    %jit3A_636 = arith.constant 50 : i32
    %broadcast_in_dim3A_637 = vector.broadcast %jit3A_636 : i32 to vector<1024x128xi32>
    %select_n3A_638 = arith.select %lt3A_634, %broadcast_in_dim3A_637, %select_n3A_627 : vector<1024x128xi1>, vector<1024x128xi32>
    %slice3A_639 = vector.extract_strided_slice %get3A_605 {offsets = [0, 384], sizes = [1, 128], strides = [1, 1]} : vector<1x1024xf32> to vector<1x128xf32>
    %add3A_640 = vector.broadcast %broadcast_in_dim3A : vector<1024x1xf32> to vector<1024x128xf32>
    %add3A_641 = vector.broadcast %slice3A_639 : vector<1x128xf32> to vector<1024x128xf32>
    %add3A_642 = arith.addf %add3A_640, %add3A_641 : vector<1024x128xf32>
    %slice3A_643 = vector.extract_strided_slice %dot_general3A_602 {offsets = [0, 384], sizes = [1024, 128], strides = [1, 1]} : vector<1024x1024xf32> to vector<1024x128xf32>
    %sub3A_644 = arith.subf %add3A_642, %slice3A_643 : vector<1024x128xf32>
    %lt3A_645 = arith.cmpf olt, %sub3A_644, %min3A_635 : vector<1024x128xf32>
    %min3A_646 = arith.minimumf %sub3A_644, %min3A_635 : vector<1024x128xf32>
    %jit3A_647 = arith.constant 51 : i32
    %broadcast_in_dim3A_648 = vector.broadcast %jit3A_647 : i32 to vector<1024x128xi32>
    %select_n3A_649 = arith.select %lt3A_645, %broadcast_in_dim3A_648, %select_n3A_638 : vector<1024x128xi1>, vector<1024x128xi32>
    %slice3A_650 = vector.extract_strided_slice %get3A_605 {offsets = [0, 512], sizes = [1, 128], strides = [1, 1]} : vector<1x1024xf32> to vector<1x128xf32>
    %add3A_651 = vector.broadcast %broadcast_in_dim3A : vector<1024x1xf32> to vector<1024x128xf32>
    %add3A_652 = vector.broadcast %slice3A_650 : vector<1x128xf32> to vector<1024x128xf32>
    %add3A_653 = arith.addf %add3A_651, %add3A_652 : vector<1024x128xf32>
    %slice3A_654 = vector.extract_strided_slice %dot_general3A_602 {offsets = [0, 512], sizes = [1024, 128], strides = [1, 1]} : vector<1024x1024xf32> to vector<1024x128xf32>
    %sub3A_655 = arith.subf %add3A_653, %slice3A_654 : vector<1024x128xf32>
    %lt3A_656 = arith.cmpf olt, %sub3A_655, %min3A_646 : vector<1024x128xf32>
    %min3A_657 = arith.minimumf %sub3A_655, %min3A_646 : vector<1024x128xf32>
    %jit3A_658 = arith.constant 52 : i32
    %broadcast_in_dim3A_659 = vector.broadcast %jit3A_658 : i32 to vector<1024x128xi32>
    %select_n3A_660 = arith.select %lt3A_656, %broadcast_in_dim3A_659, %select_n3A_649 : vector<1024x128xi1>, vector<1024x128xi32>
    %slice3A_661 = vector.extract_strided_slice %get3A_605 {offsets = [0, 640], sizes = [1, 128], strides = [1, 1]} : vector<1x1024xf32> to vector<1x128xf32>
    %add3A_662 = vector.broadcast %broadcast_in_dim3A : vector<1024x1xf32> to vector<1024x128xf32>
    %add3A_663 = vector.broadcast %slice3A_661 : vector<1x128xf32> to vector<1024x128xf32>
    %add3A_664 = arith.addf %add3A_662, %add3A_663 : vector<1024x128xf32>
    %slice3A_665 = vector.extract_strided_slice %dot_general3A_602 {offsets = [0, 640], sizes = [1024, 128], strides = [1, 1]} : vector<1024x1024xf32> to vector<1024x128xf32>
    %sub3A_666 = arith.subf %add3A_664, %slice3A_665 : vector<1024x128xf32>
    %lt3A_667 = arith.cmpf olt, %sub3A_666, %min3A_657 : vector<1024x128xf32>
    %min3A_668 = arith.minimumf %sub3A_666, %min3A_657 : vector<1024x128xf32>
    %jit3A_669 = arith.constant 53 : i32
    %broadcast_in_dim3A_670 = vector.broadcast %jit3A_669 : i32 to vector<1024x128xi32>
    %select_n3A_671 = arith.select %lt3A_667, %broadcast_in_dim3A_670, %select_n3A_660 : vector<1024x128xi1>, vector<1024x128xi32>
    %slice3A_672 = vector.extract_strided_slice %get3A_605 {offsets = [0, 768], sizes = [1, 128], strides = [1, 1]} : vector<1x1024xf32> to vector<1x128xf32>
    %add3A_673 = vector.broadcast %broadcast_in_dim3A : vector<1024x1xf32> to vector<1024x128xf32>
    %add3A_674 = vector.broadcast %slice3A_672 : vector<1x128xf32> to vector<1024x128xf32>
    %add3A_675 = arith.addf %add3A_673, %add3A_674 : vector<1024x128xf32>
    %slice3A_676 = vector.extract_strided_slice %dot_general3A_602 {offsets = [0, 768], sizes = [1024, 128], strides = [1, 1]} : vector<1024x1024xf32> to vector<1024x128xf32>
    %sub3A_677 = arith.subf %add3A_675, %slice3A_676 : vector<1024x128xf32>
    %lt3A_678 = arith.cmpf olt, %sub3A_677, %min3A_668 : vector<1024x128xf32>
    %min3A_679 = arith.minimumf %sub3A_677, %min3A_668 : vector<1024x128xf32>
    %jit3A_680 = arith.constant 54 : i32
    %broadcast_in_dim3A_681 = vector.broadcast %jit3A_680 : i32 to vector<1024x128xi32>
    %select_n3A_682 = arith.select %lt3A_678, %broadcast_in_dim3A_681, %select_n3A_671 : vector<1024x128xi1>, vector<1024x128xi32>
    %slice3A_683 = vector.extract_strided_slice %get3A_605 {offsets = [0, 896], sizes = [1, 128], strides = [1, 1]} : vector<1x1024xf32> to vector<1x128xf32>
    %add3A_684 = vector.broadcast %broadcast_in_dim3A : vector<1024x1xf32> to vector<1024x128xf32>
    %add3A_685 = vector.broadcast %slice3A_683 : vector<1x128xf32> to vector<1024x128xf32>
    %add3A_686 = arith.addf %add3A_684, %add3A_685 : vector<1024x128xf32>
    %slice3A_687 = vector.extract_strided_slice %dot_general3A_602 {offsets = [0, 896], sizes = [1024, 128], strides = [1, 1]} : vector<1024x1024xf32> to vector<1024x128xf32>
    %sub3A_688 = arith.subf %add3A_686, %slice3A_687 : vector<1024x128xf32>
    %lt3A_689 = arith.cmpf olt, %sub3A_688, %min3A_679 : vector<1024x128xf32>
    %min3A_690 = arith.minimumf %sub3A_688, %min3A_679 : vector<1024x128xf32>
    %jit3A_691 = arith.constant 55 : i32
    %broadcast_in_dim3A_692 = vector.broadcast %jit3A_691 : i32 to vector<1024x128xi32>
    %select_n3A_693 = arith.select %lt3A_689, %broadcast_in_dim3A_692, %select_n3A_682 : vector<1024x128xi1>, vector<1024x128xi32>
    %get3A_694 = arith.constant 7168 : index
    %get3A_695 = arith.constant 0 : index
    %get3A_696 = vector.load %arg4[%get3A_694, %get3A_695] : memref<8192x256xf32, #tpu.memory_space<vmem>>, vector<1024x256xf32>
    %dot_general3A_697 = arith.constant dense<0.000000e+00> : vector<1024x1024xf32>
    %dot_general3A_698 = tpu.matmul %add3A, %get3A_696, %dot_general3A_697 {dimension_numbers = #tpu.dot_dimension_numbers<[1], [1], [0], [0], [0, 0, 1, 0], [], []>, transpose_lhs_hint = false} : vector<1024x256xf32>, vector<1024x256xf32>, vector<1024x1024xf32> -> vector<1024x1024xf32>
    %get3A_699 = arith.constant 0 : index
    %get3A_700 = arith.constant 7168 : index
    %get3A_701 = vector.load %arg7[%get3A_699, %get3A_700] : memref<1x8192xf32, #tpu.memory_space<vmem>>, vector<1x1024xf32>
    %slice3A_702 = vector.extract_strided_slice %get3A_701 {offsets = [0, 0], sizes = [1, 128], strides = [1, 1]} : vector<1x1024xf32> to vector<1x128xf32>
    %add3A_703 = vector.broadcast %broadcast_in_dim3A : vector<1024x1xf32> to vector<1024x128xf32>
    %add3A_704 = vector.broadcast %slice3A_702 : vector<1x128xf32> to vector<1024x128xf32>
    %add3A_705 = arith.addf %add3A_703, %add3A_704 : vector<1024x128xf32>
    %slice3A_706 = vector.extract_strided_slice %dot_general3A_698 {offsets = [0, 0], sizes = [1024, 128], strides = [1, 1]} : vector<1024x1024xf32> to vector<1024x128xf32>
    %sub3A_707 = arith.subf %add3A_705, %slice3A_706 : vector<1024x128xf32>
    %lt3A_708 = arith.cmpf olt, %sub3A_707, %min3A_690 : vector<1024x128xf32>
    %min3A_709 = arith.minimumf %sub3A_707, %min3A_690 : vector<1024x128xf32>
    %jit3A_710 = arith.constant 56 : i32
    %broadcast_in_dim3A_711 = vector.broadcast %jit3A_710 : i32 to vector<1024x128xi32>
    %select_n3A_712 = arith.select %lt3A_708, %broadcast_in_dim3A_711, %select_n3A_693 : vector<1024x128xi1>, vector<1024x128xi32>
    %slice3A_713 = vector.extract_strided_slice %get3A_701 {offsets = [0, 128], sizes = [1, 128], strides = [1, 1]} : vector<1x1024xf32> to vector<1x128xf32>
    %add3A_714 = vector.broadcast %broadcast_in_dim3A : vector<1024x1xf32> to vector<1024x128xf32>
    %add3A_715 = vector.broadcast %slice3A_713 : vector<1x128xf32> to vector<1024x128xf32>
    %add3A_716 = arith.addf %add3A_714, %add3A_715 : vector<1024x128xf32>
    %slice3A_717 = vector.extract_strided_slice %dot_general3A_698 {offsets = [0, 128], sizes = [1024, 128], strides = [1, 1]} : vector<1024x1024xf32> to vector<1024x128xf32>
    %sub3A_718 = arith.subf %add3A_716, %slice3A_717 : vector<1024x128xf32>
    %lt3A_719 = arith.cmpf olt, %sub3A_718, %min3A_709 : vector<1024x128xf32>
    %min3A_720 = arith.minimumf %sub3A_718, %min3A_709 : vector<1024x128xf32>
    %jit3A_721 = arith.constant 57 : i32
    %broadcast_in_dim3A_722 = vector.broadcast %jit3A_721 : i32 to vector<1024x128xi32>
    %select_n3A_723 = arith.select %lt3A_719, %broadcast_in_dim3A_722, %select_n3A_712 : vector<1024x128xi1>, vector<1024x128xi32>
    %slice3A_724 = vector.extract_strided_slice %get3A_701 {offsets = [0, 256], sizes = [1, 128], strides = [1, 1]} : vector<1x1024xf32> to vector<1x128xf32>
    %add3A_725 = vector.broadcast %broadcast_in_dim3A : vector<1024x1xf32> to vector<1024x128xf32>
    %add3A_726 = vector.broadcast %slice3A_724 : vector<1x128xf32> to vector<1024x128xf32>
    %add3A_727 = arith.addf %add3A_725, %add3A_726 : vector<1024x128xf32>
    %slice3A_728 = vector.extract_strided_slice %dot_general3A_698 {offsets = [0, 256], sizes = [1024, 128], strides = [1, 1]} : vector<1024x1024xf32> to vector<1024x128xf32>
    %sub3A_729 = arith.subf %add3A_727, %slice3A_728 : vector<1024x128xf32>
    %lt3A_730 = arith.cmpf olt, %sub3A_729, %min3A_720 : vector<1024x128xf32>
    %min3A_731 = arith.minimumf %sub3A_729, %min3A_720 : vector<1024x128xf32>
    %jit3A_732 = arith.constant 58 : i32
    %broadcast_in_dim3A_733 = vector.broadcast %jit3A_732 : i32 to vector<1024x128xi32>
    %select_n3A_734 = arith.select %lt3A_730, %broadcast_in_dim3A_733, %select_n3A_723 : vector<1024x128xi1>, vector<1024x128xi32>
    %slice3A_735 = vector.extract_strided_slice %get3A_701 {offsets = [0, 384], sizes = [1, 128], strides = [1, 1]} : vector<1x1024xf32> to vector<1x128xf32>
    %add3A_736 = vector.broadcast %broadcast_in_dim3A : vector<1024x1xf32> to vector<1024x128xf32>
    %add3A_737 = vector.broadcast %slice3A_735 : vector<1x128xf32> to vector<1024x128xf32>
    %add3A_738 = arith.addf %add3A_736, %add3A_737 : vector<1024x128xf32>
    %slice3A_739 = vector.extract_strided_slice %dot_general3A_698 {offsets = [0, 384], sizes = [1024, 128], strides = [1, 1]} : vector<1024x1024xf32> to vector<1024x128xf32>
    %sub3A_740 = arith.subf %add3A_738, %slice3A_739 : vector<1024x128xf32>
    %lt3A_741 = arith.cmpf olt, %sub3A_740, %min3A_731 : vector<1024x128xf32>
    %min3A_742 = arith.minimumf %sub3A_740, %min3A_731 : vector<1024x128xf32>
    %jit3A_743 = arith.constant 59 : i32
    %broadcast_in_dim3A_744 = vector.broadcast %jit3A_743 : i32 to vector<1024x128xi32>
    %select_n3A_745 = arith.select %lt3A_741, %broadcast_in_dim3A_744, %select_n3A_734 : vector<1024x128xi1>, vector<1024x128xi32>
    %slice3A_746 = vector.extract_strided_slice %get3A_701 {offsets = [0, 512], sizes = [1, 128], strides = [1, 1]} : vector<1x1024xf32> to vector<1x128xf32>
    %add3A_747 = vector.broadcast %broadcast_in_dim3A : vector<1024x1xf32> to vector<1024x128xf32>
    %add3A_748 = vector.broadcast %slice3A_746 : vector<1x128xf32> to vector<1024x128xf32>
    %add3A_749 = arith.addf %add3A_747, %add3A_748 : vector<1024x128xf32>
    %slice3A_750 = vector.extract_strided_slice %dot_general3A_698 {offsets = [0, 512], sizes = [1024, 128], strides = [1, 1]} : vector<1024x1024xf32> to vector<1024x128xf32>
    %sub3A_751 = arith.subf %add3A_749, %slice3A_750 : vector<1024x128xf32>
    %lt3A_752 = arith.cmpf olt, %sub3A_751, %min3A_742 : vector<1024x128xf32>
    %min3A_753 = arith.minimumf %sub3A_751, %min3A_742 : vector<1024x128xf32>
    %jit3A_754 = arith.constant 60 : i32
    %broadcast_in_dim3A_755 = vector.broadcast %jit3A_754 : i32 to vector<1024x128xi32>
    %select_n3A_756 = arith.select %lt3A_752, %broadcast_in_dim3A_755, %select_n3A_745 : vector<1024x128xi1>, vector<1024x128xi32>
    %slice3A_757 = vector.extract_strided_slice %get3A_701 {offsets = [0, 640], sizes = [1, 128], strides = [1, 1]} : vector<1x1024xf32> to vector<1x128xf32>
    %add3A_758 = vector.broadcast %broadcast_in_dim3A : vector<1024x1xf32> to vector<1024x128xf32>
    %add3A_759 = vector.broadcast %slice3A_757 : vector<1x128xf32> to vector<1024x128xf32>
    %add3A_760 = arith.addf %add3A_758, %add3A_759 : vector<1024x128xf32>
    %slice3A_761 = vector.extract_strided_slice %dot_general3A_698 {offsets = [0, 640], sizes = [1024, 128], strides = [1, 1]} : vector<1024x1024xf32> to vector<1024x128xf32>
    %sub3A_762 = arith.subf %add3A_760, %slice3A_761 : vector<1024x128xf32>
    %lt3A_763 = arith.cmpf olt, %sub3A_762, %min3A_753 : vector<1024x128xf32>
    %min3A_764 = arith.minimumf %sub3A_762, %min3A_753 : vector<1024x128xf32>
    %jit3A_765 = arith.constant 61 : i32
    %broadcast_in_dim3A_766 = vector.broadcast %jit3A_765 : i32 to vector<1024x128xi32>
    %select_n3A_767 = arith.select %lt3A_763, %broadcast_in_dim3A_766, %select_n3A_756 : vector<1024x128xi1>, vector<1024x128xi32>
    %slice3A_768 = vector.extract_strided_slice %get3A_701 {offsets = [0, 768], sizes = [1, 128], strides = [1, 1]} : vector<1x1024xf32> to vector<1x128xf32>
    %add3A_769 = vector.broadcast %broadcast_in_dim3A : vector<1024x1xf32> to vector<1024x128xf32>
    %add3A_770 = vector.broadcast %slice3A_768 : vector<1x128xf32> to vector<1024x128xf32>
    %add3A_771 = arith.addf %add3A_769, %add3A_770 : vector<1024x128xf32>
    %slice3A_772 = vector.extract_strided_slice %dot_general3A_698 {offsets = [0, 768], sizes = [1024, 128], strides = [1, 1]} : vector<1024x1024xf32> to vector<1024x128xf32>
    %sub3A_773 = arith.subf %add3A_771, %slice3A_772 : vector<1024x128xf32>
    %lt3A_774 = arith.cmpf olt, %sub3A_773, %min3A_764 : vector<1024x128xf32>
    %min3A_775 = arith.minimumf %sub3A_773, %min3A_764 : vector<1024x128xf32>
    %jit3A_776 = arith.constant 62 : i32
    %broadcast_in_dim3A_777 = vector.broadcast %jit3A_776 : i32 to vector<1024x128xi32>
    %select_n3A_778 = arith.select %lt3A_774, %broadcast_in_dim3A_777, %select_n3A_767 : vector<1024x128xi1>, vector<1024x128xi32>
    %slice3A_779 = vector.extract_strided_slice %get3A_701 {offsets = [0, 896], sizes = [1, 128], strides = [1, 1]} : vector<1x1024xf32> to vector<1x128xf32>
    %add3A_780 = vector.broadcast %broadcast_in_dim3A : vector<1024x1xf32> to vector<1024x128xf32>
    %add3A_781 = vector.broadcast %slice3A_779 : vector<1x128xf32> to vector<1024x128xf32>
    %add3A_782 = arith.addf %add3A_780, %add3A_781 : vector<1024x128xf32>
    %slice3A_783 = vector.extract_strided_slice %dot_general3A_698 {offsets = [0, 896], sizes = [1024, 128], strides = [1, 1]} : vector<1024x1024xf32> to vector<1024x128xf32>
    %sub3A_784 = arith.subf %add3A_782, %slice3A_783 : vector<1024x128xf32>
    %lt3A_785 = arith.cmpf olt, %sub3A_784, %min3A_775 : vector<1024x128xf32>
    %min3A_786 = arith.minimumf %sub3A_784, %min3A_775 : vector<1024x128xf32>
    %jit3A_787 = arith.constant 63 : i32
    %broadcast_in_dim3A_788 = vector.broadcast %jit3A_787 : i32 to vector<1024x128xi32>
    %select_n3A_789 = arith.select %lt3A_785, %broadcast_in_dim3A_788, %select_n3A_778 : vector<1024x128xi1>, vector<1024x128xi32>
    %reduce_min3A = arith.constant dense<0x7F800000> : vector<1024xf32>
    %reduce_min3A_790 = vector.multi_reduction <minimumf>, %min3A_786, %reduce_min3A [1] : vector<1024x128xf32> to vector<1024xf32>
    %broadcast_in_dim3A_791 = vector.shape_cast %reduce_min3A_790 : vector<1024xf32> to vector<1024x1xf32>
    %eq3A_792 = vector.broadcast %broadcast_in_dim3A_791 : vector<1024x1xf32> to vector<1024x128xf32>
    %eq3A_793 = arith.cmpf oeq, %min3A_786, %eq3A_792 : vector<1024x128xf32>
    %mul3A_794 = arith.constant 128 : i32
    %mul3A_795 = vector.broadcast %mul3A_794 : i32 to vector<1024x128xi32>
    %mul3A_796 = arith.muli %select_n3A_789, %mul3A_795 : vector<1024x128xi32>
    %add3A_797 = arith.addi %mul3A_796, %iota3A : vector<1024x128xi32>
    %jit3A_798 = arith.constant 8192 : i32
    %broadcast_in_dim3A_799 = vector.broadcast %jit3A_798 : i32 to vector<1024x128xi32>
    %select_n3A_800 = arith.select %eq3A_793, %add3A_797, %broadcast_in_dim3A_799 : vector<1024x128xi1>, vector<1024x128xi32>
    %reduce_min3A_801 = arith.constant dense<2147483647> : vector<1024xi32>
    %reduce_min3A_802 = vector.multi_reduction <minsi>, %select_n3A_800, %reduce_min3A_801 [1] : vector<1024x128xi32> to vector<1024xi32>
    %broadcast_in_dim3A_803 = vector.shape_cast %reduce_min3A_802 : vector<1024xi32> to vector<1024x1xi32>
    %swap3A_804 = arith.constant 0 : index
    %swap3A_805 = arith.constant 0 : index
    %swap3A_806 = vector.load %arg5[%swap3A_804, %swap3A_805] : memref<1024x1xi32, #tpu.memory_space<vmem>>, vector<1024x1xi32>
    tpu.vector_store %arg5[%swap3A_804, %swap3A_805], %broadcast_in_dim3A_803 {strides = array<i32>} : memref<1024x1xi32, #tpu.memory_space<vmem>>, vector<1024x1xi32>,
    return
  }
  func.func @transform_0(%arg0: i32) -> (i32, i32) {
    %c0_i32 = arith.constant 0 : i32
    %c0_i32_0 = arith.constant 0 : i32
    return %arg0, %c0_i32 : i32, i32
  }
  func.func @transform_1(%arg0: i32) -> (i32, i32) {
    %c0_i32 = arith.constant 0 : i32
    %c0_i32_0 = arith.constant 0 : i32
    return %arg0, %c0_i32 : i32, i32
  }
  func.func @transform_2(%arg0: i32) -> (i32, i32) {
    %c0_i32 = arith.constant 0 : i32
    %c0_i32_0 = arith.constant 0 : i32
    return %arg0, %c0_i32 : i32, i32
  }
  func.func @transform_3(%arg0: i32) -> (i32, i32) {
    %c0_i32 = arith.constant 0 : i32
    %c0_i32_0 = arith.constant 0 : i32
    %c0_i32_1 = arith.constant 0 : i32
    return %c0_i32, %c0_i32_0 : i32, i32
  }
  func.func @transform_4(%arg0: i32) -> (i32, i32) {
    %c0_i32 = arith.constant 0 : i32
    %c0_i32_0 = arith.constant 0 : i32
    return %arg0, %c0_i32 : i32, i32
  }
  func.func @transform_5(%arg0: i32) -> (i32, i32, i32) {
    %c0_i32 = arith.constant 0 : i32
    %c0_i32_0 = arith.constant 0 : i32
    %c0_i32_1 = arith.constant 0 : i32
    return %arg0, %c0_i32, %c0_i32_0 : i32, i32, i32
  }
}

module attributes {stable_mosaic.version = 14 : i64} {
  func.func @body(%arg0: i32, %arg1: memref<1024x256xf32, #tpu.memory_space<vmem>>, %arg2: memref<1024x256xf32, #tpu.memory_space<vmem>>, %arg3: memref<1024x256xf32, #tpu.memory_space<vmem>>, %arg4: memref<1024x256xf32, #tpu.memory_space<vmem>>, %arg5: memref<8192x256xf32, #tpu.memory_space<vmem>>, %arg6: memref<1024x1xi32, #tpu.memory_space<vmem>>, %arg7: memref<1x1x128xf32, #tpu.memory_space<vmem>>, %arg8: memref<1024x256xf32, #tpu.memory_space<vmem>>, %arg9: memref<1x8192xf32, #tpu.memory_space<vmem>>) attributes {dimension_semantics = [#tpu.dimension_semantics<arbitrary>], iteration_bounds = array<i64: 4>, scalar_prefetch = 0 : i64, scratch_operands = 1 : i64, tpu.core_type = #tpu.core_type<tc>, window_params = [{transform_indices = @transform_0, window_bounds = array<i64: 1024, 256>}, {transform_indices = @transform_1, window_bounds = array<i64: 1024, 256>}, {transform_indices = @transform_2, window_bounds = array<i64: 1024, 256>}, {transform_indices = @transform_3, window_bounds = array<i64: 1024, 256>}, {pipeline_mode = #tpu.pipeline_mode<synchronous>, transform_indices = @transform_4, window_bounds = array<i64: 8192, 256>}, {transform_indices = @transform_5, window_bounds = array<i64: 1024, 1>}, {transform_indices = @transform_6, window_bounds = array<i64: 1, 1, 128>}, {transform_indices = @transform_7, window_bounds = array<i64: 1024, 256>}]} {
    %get3A = arith.constant 0 : index
    %get3A_0 = arith.constant 0 : index
    %get3A_1 = vector.load %arg1[%get3A, %get3A_0] : memref<1024x256xf32, #tpu.memory_space<vmem>>, vector<1024x256xf32>
    %get3A_2 = arith.constant 0 : index
    %get3A_3 = arith.constant 0 : index
    %get3A_4 = vector.load %arg2[%get3A_2, %get3A_3] : memref<1024x256xf32, #tpu.memory_space<vmem>>, vector<1024x256xf32>
    %sub3A = arith.subf %get3A_1, %get3A_4 : vector<1024x256xf32>
    %get3A_5 = arith.constant 0 : index
    %get3A_6 = arith.constant 0 : index
    %get3A_7 = vector.load %arg3[%get3A_5, %get3A_6] : memref<1024x256xf32, #tpu.memory_space<vmem>>, vector<1024x256xf32>
    %sub3A_8 = arith.subf %sub3A, %get3A_7 : vector<1024x256xf32>
    %get3A_9 = arith.constant 0 : index
    %get3A_10 = arith.constant 0 : index
    %get3A_11 = vector.load %arg4[%get3A_9, %get3A_10] : memref<1024x256xf32, #tpu.memory_space<vmem>>, vector<1024x256xf32>
    %sub3A_12 = arith.subf %sub3A_8, %get3A_11 : vector<1024x256xf32>
    %swap3A = arith.constant 0 : index
    %swap3A_13 = arith.constant 0 : index
    %swap3A_14 = vector.load %arg8[%swap3A, %swap3A_13] : memref<1024x256xf32, #tpu.memory_space<vmem>>, vector<1024x256xf32>
    tpu.vector_store %arg8[%swap3A, %swap3A_13], %sub3A_12 {strides = array<i32>} : memref<1024x256xf32, #tpu.memory_space<vmem>>, vector<1024x256xf32>,
    %add3A = arith.addf %sub3A_12, %sub3A_12 : vector<1024x256xf32>
    %mul3A = arith.mulf %sub3A_12, %sub3A_12 : vector<1024x256xf32>
    %reduce_sum3A = arith.constant dense<0.000000e+00> : vector<1024xf32>
    %reduce_sum3A_15 = vector.multi_reduction <add>, %mul3A, %reduce_sum3A [1] : vector<1024x256xf32> to vector<1024xf32>
    %broadcast_in_dim3A = vector.shape_cast %reduce_sum3A_15 : vector<1024xf32> to vector<1024x1xf32>
    %broadcast_in_dim3A_16 = arith.constant 0.000000e+00 : f32
    %broadcast_in_dim3A_17 = vector.broadcast %broadcast_in_dim3A_16 : f32 to vector<1x1x128xf32>
    %reduce_sum3A_18 = vector.shape_cast %broadcast_in_dim3A : vector<1024x1xf32> to vector<1x1024x1xf32>
    %reduce_sum3A_19 = arith.constant dense<0.000000e+00> : vector<1xf32>
    %reduce_sum3A_20 = vector.multi_reduction <add>, %reduce_sum3A_18, %reduce_sum3A_19 [1, 2] : vector<1x1024x1xf32> to vector<1xf32>
    %reduce_sum3A_21 = vector.shape_cast %reduce_sum3A_20 : vector<1xf32> to vector<1x1x1xf32>
    %reduce_sum3A_22 = vector.extract %reduce_sum3A_21[0, 0, 0] : f32 from vector<1x1x1xf32>
    %add3A_23 = vector.broadcast %reduce_sum3A_22 : f32 to vector<1x1x128xf32>
    %add3A_24 = arith.addf %broadcast_in_dim3A_17, %add3A_23 : vector<1x1x128xf32>
    %swap3A_25 = arith.constant 0 : index
    %swap3A_26 = arith.constant 0 : index
    %swap3A_27 = arith.constant 0 : index
    %swap3A_28 = vector.load %arg7[%swap3A_25, %swap3A_26, %swap3A_27] : memref<1x1x128xf32, #tpu.memory_space<vmem>>, vector<1x1x128xf32>
    tpu.vector_store %arg7[%swap3A_25, %swap3A_26, %swap3A_27], %add3A_24 {strides = array<i32>} : memref<1x1x128xf32, #tpu.memory_space<vmem>>, vector<1x1x128xf32>,
    %iota3A = tpu.iota {dimensions = array<i32: 1>} : vector<1024x128xi32>
    %eq3A = arith.constant 0 : i32
    %eq3A_29 = arith.cmpi eq, %arg0, %eq3A : i32
    %convert_element_type3A = arith.extui %eq3A_29 : i1 to i32
    %cond3A = arith.constant 0 : i32
    %cond3A_30 = arith.cmpi ne, %convert_element_type3A, %cond3A : i32
    scf.if %cond3A_30 {
      %get3A_814 = arith.constant 0 : index
      %get3A_815 = arith.constant 0 : index
      %get3A_816 = vector.load %arg5[%get3A_814, %get3A_815] : memref<8192x256xf32, #tpu.memory_space<vmem>>, vector<1024x256xf32>
      %mul3A_817 = arith.mulf %get3A_816, %get3A_816 : vector<1024x256xf32>
      %reduce_sum3A_818 = arith.constant dense<0.000000e+00> : vector<1024xf32>
      %reduce_sum3A_819 = vector.multi_reduction <add>, %mul3A_817, %reduce_sum3A_818 [1] : vector<1024x256xf32> to vector<1024xf32>
      %broadcast_in_dim3A_820 = vector.shape_cast %reduce_sum3A_819 : vector<1024xf32> to vector<1x1024xf32>
      %swap3A_821 = arith.constant 0 : index
      %swap3A_822 = arith.constant 0 : index
      %swap3A_823 = vector.load %arg9[%swap3A_821, %swap3A_822] : memref<1x8192xf32, #tpu.memory_space<vmem>>, vector<1x1024xf32>
      tpu.vector_store %arg9[%swap3A_821, %swap3A_822], %broadcast_in_dim3A_820 {strides = array<i32>} : memref<1x8192xf32, #tpu.memory_space<vmem>>, vector<1x1024xf32>,
      %get3A_824 = arith.constant 1024 : index
      %get3A_825 = arith.constant 0 : index
      %get3A_826 = vector.load %arg5[%get3A_824, %get3A_825] : memref<8192x256xf32, #tpu.memory_space<vmem>>, vector<1024x256xf32>
      %mul3A_827 = arith.mulf %get3A_826, %get3A_826 : vector<1024x256xf32>
      %reduce_sum3A_828 = arith.constant dense<0.000000e+00> : vector<1024xf32>
      %reduce_sum3A_829 = vector.multi_reduction <add>, %mul3A_827, %reduce_sum3A_828 [1] : vector<1024x256xf32> to vector<1024xf32>
      %broadcast_in_dim3A_830 = vector.shape_cast %reduce_sum3A_829 : vector<1024xf32> to vector<1x1024xf32>
      %swap3A_831 = arith.constant 0 : index
      %swap3A_832 = arith.constant 1024 : index
      %swap3A_833 = vector.load %arg9[%swap3A_831, %swap3A_832] : memref<1x8192xf32, #tpu.memory_space<vmem>>, vector<1x1024xf32>
      tpu.vector_store %arg9[%swap3A_831, %swap3A_832], %broadcast_in_dim3A_830 {strides = array<i32>} : memref<1x8192xf32, #tpu.memory_space<vmem>>, vector<1x1024xf32>,
      %get3A_834 = arith.constant 2048 : index
      %get3A_835 = arith.constant 0 : index
      %get3A_836 = vector.load %arg5[%get3A_834, %get3A_835] : memref<8192x256xf32, #tpu.memory_space<vmem>>, vector<1024x256xf32>
      %mul3A_837 = arith.mulf %get3A_836, %get3A_836 : vector<1024x256xf32>
      %reduce_sum3A_838 = arith.constant dense<0.000000e+00> : vector<1024xf32>
      %reduce_sum3A_839 = vector.multi_reduction <add>, %mul3A_837, %reduce_sum3A_838 [1] : vector<1024x256xf32> to vector<1024xf32>
      %broadcast_in_dim3A_840 = vector.shape_cast %reduce_sum3A_839 : vector<1024xf32> to vector<1x1024xf32>
      %swap3A_841 = arith.constant 0 : index
      %swap3A_842 = arith.constant 2048 : index
      %swap3A_843 = vector.load %arg9[%swap3A_841, %swap3A_842] : memref<1x8192xf32, #tpu.memory_space<vmem>>, vector<1x1024xf32>
      tpu.vector_store %arg9[%swap3A_841, %swap3A_842], %broadcast_in_dim3A_840 {strides = array<i32>} : memref<1x8192xf32, #tpu.memory_space<vmem>>, vector<1x1024xf32>,
      %get3A_844 = arith.constant 3072 : index
      %get3A_845 = arith.constant 0 : index
      %get3A_846 = vector.load %arg5[%get3A_844, %get3A_845] : memref<8192x256xf32, #tpu.memory_space<vmem>>, vector<1024x256xf32>
      %mul3A_847 = arith.mulf %get3A_846, %get3A_846 : vector<1024x256xf32>
      %reduce_sum3A_848 = arith.constant dense<0.000000e+00> : vector<1024xf32>
      %reduce_sum3A_849 = vector.multi_reduction <add>, %mul3A_847, %reduce_sum3A_848 [1] : vector<1024x256xf32> to vector<1024xf32>
      %broadcast_in_dim3A_850 = vector.shape_cast %reduce_sum3A_849 : vector<1024xf32> to vector<1x1024xf32>
      %swap3A_851 = arith.constant 0 : index
      %swap3A_852 = arith.constant 3072 : index
      %swap3A_853 = vector.load %arg9[%swap3A_851, %swap3A_852] : memref<1x8192xf32, #tpu.memory_space<vmem>>, vector<1x1024xf32>
      tpu.vector_store %arg9[%swap3A_851, %swap3A_852], %broadcast_in_dim3A_850 {strides = array<i32>} : memref<1x8192xf32, #tpu.memory_space<vmem>>, vector<1x1024xf32>,
      %get3A_854 = arith.constant 4096 : index
      %get3A_855 = arith.constant 0 : index
      %get3A_856 = vector.load %arg5[%get3A_854, %get3A_855] : memref<8192x256xf32, #tpu.memory_space<vmem>>, vector<1024x256xf32>
      %mul3A_857 = arith.mulf %get3A_856, %get3A_856 : vector<1024x256xf32>
      %reduce_sum3A_858 = arith.constant dense<0.000000e+00> : vector<1024xf32>
      %reduce_sum3A_859 = vector.multi_reduction <add>, %mul3A_857, %reduce_sum3A_858 [1] : vector<1024x256xf32> to vector<1024xf32>
      %broadcast_in_dim3A_860 = vector.shape_cast %reduce_sum3A_859 : vector<1024xf32> to vector<1x1024xf32>
      %swap3A_861 = arith.constant 0 : index
      %swap3A_862 = arith.constant 4096 : index
      %swap3A_863 = vector.load %arg9[%swap3A_861, %swap3A_862] : memref<1x8192xf32, #tpu.memory_space<vmem>>, vector<1x1024xf32>
      tpu.vector_store %arg9[%swap3A_861, %swap3A_862], %broadcast_in_dim3A_860 {strides = array<i32>} : memref<1x8192xf32, #tpu.memory_space<vmem>>, vector<1x1024xf32>,
      %get3A_864 = arith.constant 5120 : index
      %get3A_865 = arith.constant 0 : index
      %get3A_866 = vector.load %arg5[%get3A_864, %get3A_865] : memref<8192x256xf32, #tpu.memory_space<vmem>>, vector<1024x256xf32>
      %mul3A_867 = arith.mulf %get3A_866, %get3A_866 : vector<1024x256xf32>
      %reduce_sum3A_868 = arith.constant dense<0.000000e+00> : vector<1024xf32>
      %reduce_sum3A_869 = vector.multi_reduction <add>, %mul3A_867, %reduce_sum3A_868 [1] : vector<1024x256xf32> to vector<1024xf32>
      %broadcast_in_dim3A_870 = vector.shape_cast %reduce_sum3A_869 : vector<1024xf32> to vector<1x1024xf32>
      %swap3A_871 = arith.constant 0 : index
      %swap3A_872 = arith.constant 5120 : index
      %swap3A_873 = vector.load %arg9[%swap3A_871, %swap3A_872] : memref<1x8192xf32, #tpu.memory_space<vmem>>, vector<1x1024xf32>
      tpu.vector_store %arg9[%swap3A_871, %swap3A_872], %broadcast_in_dim3A_870 {strides = array<i32>} : memref<1x8192xf32, #tpu.memory_space<vmem>>, vector<1x1024xf32>,
      %get3A_874 = arith.constant 6144 : index
      %get3A_875 = arith.constant 0 : index
      %get3A_876 = vector.load %arg5[%get3A_874, %get3A_875] : memref<8192x256xf32, #tpu.memory_space<vmem>>, vector<1024x256xf32>
      %mul3A_877 = arith.mulf %get3A_876, %get3A_876 : vector<1024x256xf32>
      %reduce_sum3A_878 = arith.constant dense<0.000000e+00> : vector<1024xf32>
      %reduce_sum3A_879 = vector.multi_reduction <add>, %mul3A_877, %reduce_sum3A_878 [1] : vector<1024x256xf32> to vector<1024xf32>
      %broadcast_in_dim3A_880 = vector.shape_cast %reduce_sum3A_879 : vector<1024xf32> to vector<1x1024xf32>
      %swap3A_881 = arith.constant 0 : index
      %swap3A_882 = arith.constant 6144 : index
      %swap3A_883 = vector.load %arg9[%swap3A_881, %swap3A_882] : memref<1x8192xf32, #tpu.memory_space<vmem>>, vector<1x1024xf32>
      tpu.vector_store %arg9[%swap3A_881, %swap3A_882], %broadcast_in_dim3A_880 {strides = array<i32>} : memref<1x8192xf32, #tpu.memory_space<vmem>>, vector<1x1024xf32>,
      %get3A_884 = arith.constant 7168 : index
      %get3A_885 = arith.constant 0 : index
      %get3A_886 = vector.load %arg5[%get3A_884, %get3A_885] : memref<8192x256xf32, #tpu.memory_space<vmem>>, vector<1024x256xf32>
      %mul3A_887 = arith.mulf %get3A_886, %get3A_886 : vector<1024x256xf32>
      %reduce_sum3A_888 = arith.constant dense<0.000000e+00> : vector<1024xf32>
      %reduce_sum3A_889 = vector.multi_reduction <add>, %mul3A_887, %reduce_sum3A_888 [1] : vector<1024x256xf32> to vector<1024xf32>
      %broadcast_in_dim3A_890 = vector.shape_cast %reduce_sum3A_889 : vector<1024xf32> to vector<1x1024xf32>
      %swap3A_891 = arith.constant 0 : index
      %swap3A_892 = arith.constant 7168 : index
      %swap3A_893 = vector.load %arg9[%swap3A_891, %swap3A_892] : memref<1x8192xf32, #tpu.memory_space<vmem>>, vector<1x1024xf32>
      tpu.vector_store %arg9[%swap3A_891, %swap3A_892], %broadcast_in_dim3A_890 {strides = array<i32>} : memref<1x8192xf32, #tpu.memory_space<vmem>>, vector<1x1024xf32>,
    } else {
    }
    %broadcast_in_dim3A_31 = arith.constant 0x7F800000 : f32
    %broadcast_in_dim3A_32 = vector.broadcast %broadcast_in_dim3A_31 : f32 to vector<1024x128xf32>
    %broadcast_in_dim3A_33 = arith.constant 0 : i32
    %broadcast_in_dim3A_34 = vector.broadcast %broadcast_in_dim3A_33 : i32 to vector<1024x128xi32>
    %get3A_35 = arith.constant 0 : index
    %get3A_36 = arith.constant 0 : index
    %get3A_37 = vector.load %arg5[%get3A_35, %get3A_36] : memref<8192x256xf32, #tpu.memory_space<vmem>>, vector<1024x256xf32>
    %dot_general3A = arith.constant dense<0.000000e+00> : vector<1024x1024xf32>
    %dot_general3A_38 = tpu.matmul %add3A, %get3A_37, %dot_general3A {dimension_numbers = #tpu.dot_dimension_numbers<[1], [1], [0], [0], [0, 0, 1, 0], [], []>, transpose_lhs_hint = false} : vector<1024x256xf32>, vector<1024x256xf32>, vector<1024x1024xf32> -> vector<1024x1024xf32>
    %get3A_39 = arith.constant 0 : index
    %get3A_40 = arith.constant 0 : index
    %get3A_41 = vector.load %arg9[%get3A_39, %get3A_40] : memref<1x8192xf32, #tpu.memory_space<vmem>>, vector<1x1024xf32>
    %slice3A = vector.extract_strided_slice %get3A_41 {offsets = [0, 0], sizes = [1, 128], strides = [1, 1]} : vector<1x1024xf32> to vector<1x128xf32>
    %add3A_42 = vector.broadcast %broadcast_in_dim3A : vector<1024x1xf32> to vector<1024x128xf32>
    %add3A_43 = vector.broadcast %slice3A : vector<1x128xf32> to vector<1024x128xf32>
    %add3A_44 = arith.addf %add3A_42, %add3A_43 : vector<1024x128xf32>
    %slice3A_45 = vector.extract_strided_slice %dot_general3A_38 {offsets = [0, 0], sizes = [1024, 128], strides = [1, 1]} : vector<1024x1024xf32> to vector<1024x128xf32>
    %sub3A_46 = arith.subf %add3A_44, %slice3A_45 : vector<1024x128xf32>
    %lt3A = arith.cmpf olt, %sub3A_46, %broadcast_in_dim3A_32 : vector<1024x128xf32>
    %min3A = arith.minimumf %sub3A_46, %broadcast_in_dim3A_32 : vector<1024x128xf32>
    %jit3A = arith.constant 0 : i32
    %broadcast_in_dim3A_47 = vector.broadcast %jit3A : i32 to vector<1024x128xi32>
    %select_n3A = arith.select %lt3A, %broadcast_in_dim3A_47, %broadcast_in_dim3A_34 : vector<1024x128xi1>, vector<1024x128xi32>
    %slice3A_48 = vector.extract_strided_slice %get3A_41 {offsets = [0, 128], sizes = [1, 128], strides = [1, 1]} : vector<1x1024xf32> to vector<1x128xf32>
    %add3A_49 = vector.broadcast %broadcast_in_dim3A : vector<1024x1xf32> to vector<1024x128xf32>
    %add3A_50 = vector.broadcast %slice3A_48 : vector<1x128xf32> to vector<1024x128xf32>
    %add3A_51 = arith.addf %add3A_49, %add3A_50 : vector<1024x128xf32>
    %slice3A_52 = vector.extract_strided_slice %dot_general3A_38 {offsets = [0, 128], sizes = [1024, 128], strides = [1, 1]} : vector<1024x1024xf32> to vector<1024x128xf32>
    %sub3A_53 = arith.subf %add3A_51, %slice3A_52 : vector<1024x128xf32>
    %lt3A_54 = arith.cmpf olt, %sub3A_53, %min3A : vector<1024x128xf32>
    %min3A_55 = arith.minimumf %sub3A_53, %min3A : vector<1024x128xf32>
    %jit3A_56 = arith.constant 1 : i32
    %broadcast_in_dim3A_57 = vector.broadcast %jit3A_56 : i32 to vector<1024x128xi32>
    %select_n3A_58 = arith.select %lt3A_54, %broadcast_in_dim3A_57, %select_n3A : vector<1024x128xi1>, vector<1024x128xi32>
    %slice3A_59 = vector.extract_strided_slice %get3A_41 {offsets = [0, 256], sizes = [1, 128], strides = [1, 1]} : vector<1x1024xf32> to vector<1x128xf32>
    %add3A_60 = vector.broadcast %broadcast_in_dim3A : vector<1024x1xf32> to vector<1024x128xf32>
    %add3A_61 = vector.broadcast %slice3A_59 : vector<1x128xf32> to vector<1024x128xf32>
    %add3A_62 = arith.addf %add3A_60, %add3A_61 : vector<1024x128xf32>
    %slice3A_63 = vector.extract_strided_slice %dot_general3A_38 {offsets = [0, 256], sizes = [1024, 128], strides = [1, 1]} : vector<1024x1024xf32> to vector<1024x128xf32>
    %sub3A_64 = arith.subf %add3A_62, %slice3A_63 : vector<1024x128xf32>
    %lt3A_65 = arith.cmpf olt, %sub3A_64, %min3A_55 : vector<1024x128xf32>
    %min3A_66 = arith.minimumf %sub3A_64, %min3A_55 : vector<1024x128xf32>
    %jit3A_67 = arith.constant 2 : i32
    %broadcast_in_dim3A_68 = vector.broadcast %jit3A_67 : i32 to vector<1024x128xi32>
    %select_n3A_69 = arith.select %lt3A_65, %broadcast_in_dim3A_68, %select_n3A_58 : vector<1024x128xi1>, vector<1024x128xi32>
    %slice3A_70 = vector.extract_strided_slice %get3A_41 {offsets = [0, 384], sizes = [1, 128], strides = [1, 1]} : vector<1x1024xf32> to vector<1x128xf32>
    %add3A_71 = vector.broadcast %broadcast_in_dim3A : vector<1024x1xf32> to vector<1024x128xf32>
    %add3A_72 = vector.broadcast %slice3A_70 : vector<1x128xf32> to vector<1024x128xf32>
    %add3A_73 = arith.addf %add3A_71, %add3A_72 : vector<1024x128xf32>
    %slice3A_74 = vector.extract_strided_slice %dot_general3A_38 {offsets = [0, 384], sizes = [1024, 128], strides = [1, 1]} : vector<1024x1024xf32> to vector<1024x128xf32>
    %sub3A_75 = arith.subf %add3A_73, %slice3A_74 : vector<1024x128xf32>
    %lt3A_76 = arith.cmpf olt, %sub3A_75, %min3A_66 : vector<1024x128xf32>
    %min3A_77 = arith.minimumf %sub3A_75, %min3A_66 : vector<1024x128xf32>
    %jit3A_78 = arith.constant 3 : i32
    %broadcast_in_dim3A_79 = vector.broadcast %jit3A_78 : i32 to vector<1024x128xi32>
    %select_n3A_80 = arith.select %lt3A_76, %broadcast_in_dim3A_79, %select_n3A_69 : vector<1024x128xi1>, vector<1024x128xi32>
    %slice3A_81 = vector.extract_strided_slice %get3A_41 {offsets = [0, 512], sizes = [1, 128], strides = [1, 1]} : vector<1x1024xf32> to vector<1x128xf32>
    %add3A_82 = vector.broadcast %broadcast_in_dim3A : vector<1024x1xf32> to vector<1024x128xf32>
    %add3A_83 = vector.broadcast %slice3A_81 : vector<1x128xf32> to vector<1024x128xf32>
    %add3A_84 = arith.addf %add3A_82, %add3A_83 : vector<1024x128xf32>
    %slice3A_85 = vector.extract_strided_slice %dot_general3A_38 {offsets = [0, 512], sizes = [1024, 128], strides = [1, 1]} : vector<1024x1024xf32> to vector<1024x128xf32>
    %sub3A_86 = arith.subf %add3A_84, %slice3A_85 : vector<1024x128xf32>
    %lt3A_87 = arith.cmpf olt, %sub3A_86, %min3A_77 : vector<1024x128xf32>
    %min3A_88 = arith.minimumf %sub3A_86, %min3A_77 : vector<1024x128xf32>
    %jit3A_89 = arith.constant 4 : i32
    %broadcast_in_dim3A_90 = vector.broadcast %jit3A_89 : i32 to vector<1024x128xi32>
    %select_n3A_91 = arith.select %lt3A_87, %broadcast_in_dim3A_90, %select_n3A_80 : vector<1024x128xi1>, vector<1024x128xi32>
    %slice3A_92 = vector.extract_strided_slice %get3A_41 {offsets = [0, 640], sizes = [1, 128], strides = [1, 1]} : vector<1x1024xf32> to vector<1x128xf32>
    %add3A_93 = vector.broadcast %broadcast_in_dim3A : vector<1024x1xf32> to vector<1024x128xf32>
    %add3A_94 = vector.broadcast %slice3A_92 : vector<1x128xf32> to vector<1024x128xf32>
    %add3A_95 = arith.addf %add3A_93, %add3A_94 : vector<1024x128xf32>
    %slice3A_96 = vector.extract_strided_slice %dot_general3A_38 {offsets = [0, 640], sizes = [1024, 128], strides = [1, 1]} : vector<1024x1024xf32> to vector<1024x128xf32>
    %sub3A_97 = arith.subf %add3A_95, %slice3A_96 : vector<1024x128xf32>
    %lt3A_98 = arith.cmpf olt, %sub3A_97, %min3A_88 : vector<1024x128xf32>
    %min3A_99 = arith.minimumf %sub3A_97, %min3A_88 : vector<1024x128xf32>
    %jit3A_100 = arith.constant 5 : i32
    %broadcast_in_dim3A_101 = vector.broadcast %jit3A_100 : i32 to vector<1024x128xi32>
    %select_n3A_102 = arith.select %lt3A_98, %broadcast_in_dim3A_101, %select_n3A_91 : vector<1024x128xi1>, vector<1024x128xi32>
    %slice3A_103 = vector.extract_strided_slice %get3A_41 {offsets = [0, 768], sizes = [1, 128], strides = [1, 1]} : vector<1x1024xf32> to vector<1x128xf32>
    %add3A_104 = vector.broadcast %broadcast_in_dim3A : vector<1024x1xf32> to vector<1024x128xf32>
    %add3A_105 = vector.broadcast %slice3A_103 : vector<1x128xf32> to vector<1024x128xf32>
    %add3A_106 = arith.addf %add3A_104, %add3A_105 : vector<1024x128xf32>
    %slice3A_107 = vector.extract_strided_slice %dot_general3A_38 {offsets = [0, 768], sizes = [1024, 128], strides = [1, 1]} : vector<1024x1024xf32> to vector<1024x128xf32>
    %sub3A_108 = arith.subf %add3A_106, %slice3A_107 : vector<1024x128xf32>
    %lt3A_109 = arith.cmpf olt, %sub3A_108, %min3A_99 : vector<1024x128xf32>
    %min3A_110 = arith.minimumf %sub3A_108, %min3A_99 : vector<1024x128xf32>
    %jit3A_111 = arith.constant 6 : i32
    %broadcast_in_dim3A_112 = vector.broadcast %jit3A_111 : i32 to vector<1024x128xi32>
    %select_n3A_113 = arith.select %lt3A_109, %broadcast_in_dim3A_112, %select_n3A_102 : vector<1024x128xi1>, vector<1024x128xi32>
    %slice3A_114 = vector.extract_strided_slice %get3A_41 {offsets = [0, 896], sizes = [1, 128], strides = [1, 1]} : vector<1x1024xf32> to vector<1x128xf32>
    %add3A_115 = vector.broadcast %broadcast_in_dim3A : vector<1024x1xf32> to vector<1024x128xf32>
    %add3A_116 = vector.broadcast %slice3A_114 : vector<1x128xf32> to vector<1024x128xf32>
    %add3A_117 = arith.addf %add3A_115, %add3A_116 : vector<1024x128xf32>
    %slice3A_118 = vector.extract_strided_slice %dot_general3A_38 {offsets = [0, 896], sizes = [1024, 128], strides = [1, 1]} : vector<1024x1024xf32> to vector<1024x128xf32>
    %sub3A_119 = arith.subf %add3A_117, %slice3A_118 : vector<1024x128xf32>
    %lt3A_120 = arith.cmpf olt, %sub3A_119, %min3A_110 : vector<1024x128xf32>
    %min3A_121 = arith.minimumf %sub3A_119, %min3A_110 : vector<1024x128xf32>
    %jit3A_122 = arith.constant 7 : i32
    %broadcast_in_dim3A_123 = vector.broadcast %jit3A_122 : i32 to vector<1024x128xi32>
    %select_n3A_124 = arith.select %lt3A_120, %broadcast_in_dim3A_123, %select_n3A_113 : vector<1024x128xi1>, vector<1024x128xi32>
    %get3A_125 = arith.constant 1024 : index
    %get3A_126 = arith.constant 0 : index
    %get3A_127 = vector.load %arg5[%get3A_125, %get3A_126] : memref<8192x256xf32, #tpu.memory_space<vmem>>, vector<1024x256xf32>
    %dot_general3A_128 = arith.constant dense<0.000000e+00> : vector<1024x1024xf32>
    %dot_general3A_129 = tpu.matmul %add3A, %get3A_127, %dot_general3A_128 {dimension_numbers = #tpu.dot_dimension_numbers<[1], [1], [0], [0], [0, 0, 1, 0], [], []>, transpose_lhs_hint = false} : vector<1024x256xf32>, vector<1024x256xf32>, vector<1024x1024xf32> -> vector<1024x1024xf32>
    %get3A_130 = arith.constant 0 : index
    %get3A_131 = arith.constant 1024 : index
    %get3A_132 = vector.load %arg9[%get3A_130, %get3A_131] : memref<1x8192xf32, #tpu.memory_space<vmem>>, vector<1x1024xf32>
    %slice3A_133 = vector.extract_strided_slice %get3A_132 {offsets = [0, 0], sizes = [1, 128], strides = [1, 1]} : vector<1x1024xf32> to vector<1x128xf32>
    %add3A_134 = vector.broadcast %broadcast_in_dim3A : vector<1024x1xf32> to vector<1024x128xf32>
    %add3A_135 = vector.broadcast %slice3A_133 : vector<1x128xf32> to vector<1024x128xf32>
    %add3A_136 = arith.addf %add3A_134, %add3A_135 : vector<1024x128xf32>
    %slice3A_137 = vector.extract_strided_slice %dot_general3A_129 {offsets = [0, 0], sizes = [1024, 128], strides = [1, 1]} : vector<1024x1024xf32> to vector<1024x128xf32>
    %sub3A_138 = arith.subf %add3A_136, %slice3A_137 : vector<1024x128xf32>
    %lt3A_139 = arith.cmpf olt, %sub3A_138, %min3A_121 : vector<1024x128xf32>
    %min3A_140 = arith.minimumf %sub3A_138, %min3A_121 : vector<1024x128xf32>
    %jit3A_141 = arith.constant 8 : i32
    %broadcast_in_dim3A_142 = vector.broadcast %jit3A_141 : i32 to vector<1024x128xi32>
    %select_n3A_143 = arith.select %lt3A_139, %broadcast_in_dim3A_142, %select_n3A_124 : vector<1024x128xi1>, vector<1024x128xi32>
    %slice3A_144 = vector.extract_strided_slice %get3A_132 {offsets = [0, 128], sizes = [1, 128], strides = [1, 1]} : vector<1x1024xf32> to vector<1x128xf32>
    %add3A_145 = vector.broadcast %broadcast_in_dim3A : vector<1024x1xf32> to vector<1024x128xf32>
    %add3A_146 = vector.broadcast %slice3A_144 : vector<1x128xf32> to vector<1024x128xf32>
    %add3A_147 = arith.addf %add3A_145, %add3A_146 : vector<1024x128xf32>
    %slice3A_148 = vector.extract_strided_slice %dot_general3A_129 {offsets = [0, 128], sizes = [1024, 128], strides = [1, 1]} : vector<1024x1024xf32> to vector<1024x128xf32>
    %sub3A_149 = arith.subf %add3A_147, %slice3A_148 : vector<1024x128xf32>
    %lt3A_150 = arith.cmpf olt, %sub3A_149, %min3A_140 : vector<1024x128xf32>
    %min3A_151 = arith.minimumf %sub3A_149, %min3A_140 : vector<1024x128xf32>
    %jit3A_152 = arith.constant 9 : i32
    %broadcast_in_dim3A_153 = vector.broadcast %jit3A_152 : i32 to vector<1024x128xi32>
    %select_n3A_154 = arith.select %lt3A_150, %broadcast_in_dim3A_153, %select_n3A_143 : vector<1024x128xi1>, vector<1024x128xi32>
    %slice3A_155 = vector.extract_strided_slice %get3A_132 {offsets = [0, 256], sizes = [1, 128], strides = [1, 1]} : vector<1x1024xf32> to vector<1x128xf32>
    %add3A_156 = vector.broadcast %broadcast_in_dim3A : vector<1024x1xf32> to vector<1024x128xf32>
    %add3A_157 = vector.broadcast %slice3A_155 : vector<1x128xf32> to vector<1024x128xf32>
    %add3A_158 = arith.addf %add3A_156, %add3A_157 : vector<1024x128xf32>
    %slice3A_159 = vector.extract_strided_slice %dot_general3A_129 {offsets = [0, 256], sizes = [1024, 128], strides = [1, 1]} : vector<1024x1024xf32> to vector<1024x128xf32>
    %sub3A_160 = arith.subf %add3A_158, %slice3A_159 : vector<1024x128xf32>
    %lt3A_161 = arith.cmpf olt, %sub3A_160, %min3A_151 : vector<1024x128xf32>
    %min3A_162 = arith.minimumf %sub3A_160, %min3A_151 : vector<1024x128xf32>
    %jit3A_163 = arith.constant 10 : i32
    %broadcast_in_dim3A_164 = vector.broadcast %jit3A_163 : i32 to vector<1024x128xi32>
    %select_n3A_165 = arith.select %lt3A_161, %broadcast_in_dim3A_164, %select_n3A_154 : vector<1024x128xi1>, vector<1024x128xi32>
    %slice3A_166 = vector.extract_strided_slice %get3A_132 {offsets = [0, 384], sizes = [1, 128], strides = [1, 1]} : vector<1x1024xf32> to vector<1x128xf32>
    %add3A_167 = vector.broadcast %broadcast_in_dim3A : vector<1024x1xf32> to vector<1024x128xf32>
    %add3A_168 = vector.broadcast %slice3A_166 : vector<1x128xf32> to vector<1024x128xf32>
    %add3A_169 = arith.addf %add3A_167, %add3A_168 : vector<1024x128xf32>
    %slice3A_170 = vector.extract_strided_slice %dot_general3A_129 {offsets = [0, 384], sizes = [1024, 128], strides = [1, 1]} : vector<1024x1024xf32> to vector<1024x128xf32>
    %sub3A_171 = arith.subf %add3A_169, %slice3A_170 : vector<1024x128xf32>
    %lt3A_172 = arith.cmpf olt, %sub3A_171, %min3A_162 : vector<1024x128xf32>
    %min3A_173 = arith.minimumf %sub3A_171, %min3A_162 : vector<1024x128xf32>
    %jit3A_174 = arith.constant 11 : i32
    %broadcast_in_dim3A_175 = vector.broadcast %jit3A_174 : i32 to vector<1024x128xi32>
    %select_n3A_176 = arith.select %lt3A_172, %broadcast_in_dim3A_175, %select_n3A_165 : vector<1024x128xi1>, vector<1024x128xi32>
    %slice3A_177 = vector.extract_strided_slice %get3A_132 {offsets = [0, 512], sizes = [1, 128], strides = [1, 1]} : vector<1x1024xf32> to vector<1x128xf32>
    %add3A_178 = vector.broadcast %broadcast_in_dim3A : vector<1024x1xf32> to vector<1024x128xf32>
    %add3A_179 = vector.broadcast %slice3A_177 : vector<1x128xf32> to vector<1024x128xf32>
    %add3A_180 = arith.addf %add3A_178, %add3A_179 : vector<1024x128xf32>
    %slice3A_181 = vector.extract_strided_slice %dot_general3A_129 {offsets = [0, 512], sizes = [1024, 128], strides = [1, 1]} : vector<1024x1024xf32> to vector<1024x128xf32>
    %sub3A_182 = arith.subf %add3A_180, %slice3A_181 : vector<1024x128xf32>
    %lt3A_183 = arith.cmpf olt, %sub3A_182, %min3A_173 : vector<1024x128xf32>
    %min3A_184 = arith.minimumf %sub3A_182, %min3A_173 : vector<1024x128xf32>
    %jit3A_185 = arith.constant 12 : i32
    %broadcast_in_dim3A_186 = vector.broadcast %jit3A_185 : i32 to vector<1024x128xi32>
    %select_n3A_187 = arith.select %lt3A_183, %broadcast_in_dim3A_186, %select_n3A_176 : vector<1024x128xi1>, vector<1024x128xi32>
    %slice3A_188 = vector.extract_strided_slice %get3A_132 {offsets = [0, 640], sizes = [1, 128], strides = [1, 1]} : vector<1x1024xf32> to vector<1x128xf32>
    %add3A_189 = vector.broadcast %broadcast_in_dim3A : vector<1024x1xf32> to vector<1024x128xf32>
    %add3A_190 = vector.broadcast %slice3A_188 : vector<1x128xf32> to vector<1024x128xf32>
    %add3A_191 = arith.addf %add3A_189, %add3A_190 : vector<1024x128xf32>
    %slice3A_192 = vector.extract_strided_slice %dot_general3A_129 {offsets = [0, 640], sizes = [1024, 128], strides = [1, 1]} : vector<1024x1024xf32> to vector<1024x128xf32>
    %sub3A_193 = arith.subf %add3A_191, %slice3A_192 : vector<1024x128xf32>
    %lt3A_194 = arith.cmpf olt, %sub3A_193, %min3A_184 : vector<1024x128xf32>
    %min3A_195 = arith.minimumf %sub3A_193, %min3A_184 : vector<1024x128xf32>
    %jit3A_196 = arith.constant 13 : i32
    %broadcast_in_dim3A_197 = vector.broadcast %jit3A_196 : i32 to vector<1024x128xi32>
    %select_n3A_198 = arith.select %lt3A_194, %broadcast_in_dim3A_197, %select_n3A_187 : vector<1024x128xi1>, vector<1024x128xi32>
    %slice3A_199 = vector.extract_strided_slice %get3A_132 {offsets = [0, 768], sizes = [1, 128], strides = [1, 1]} : vector<1x1024xf32> to vector<1x128xf32>
    %add3A_200 = vector.broadcast %broadcast_in_dim3A : vector<1024x1xf32> to vector<1024x128xf32>
    %add3A_201 = vector.broadcast %slice3A_199 : vector<1x128xf32> to vector<1024x128xf32>
    %add3A_202 = arith.addf %add3A_200, %add3A_201 : vector<1024x128xf32>
    %slice3A_203 = vector.extract_strided_slice %dot_general3A_129 {offsets = [0, 768], sizes = [1024, 128], strides = [1, 1]} : vector<1024x1024xf32> to vector<1024x128xf32>
    %sub3A_204 = arith.subf %add3A_202, %slice3A_203 : vector<1024x128xf32>
    %lt3A_205 = arith.cmpf olt, %sub3A_204, %min3A_195 : vector<1024x128xf32>
    %min3A_206 = arith.minimumf %sub3A_204, %min3A_195 : vector<1024x128xf32>
    %jit3A_207 = arith.constant 14 : i32
    %broadcast_in_dim3A_208 = vector.broadcast %jit3A_207 : i32 to vector<1024x128xi32>
    %select_n3A_209 = arith.select %lt3A_205, %broadcast_in_dim3A_208, %select_n3A_198 : vector<1024x128xi1>, vector<1024x128xi32>
    %slice3A_210 = vector.extract_strided_slice %get3A_132 {offsets = [0, 896], sizes = [1, 128], strides = [1, 1]} : vector<1x1024xf32> to vector<1x128xf32>
    %add3A_211 = vector.broadcast %broadcast_in_dim3A : vector<1024x1xf32> to vector<1024x128xf32>
    %add3A_212 = vector.broadcast %slice3A_210 : vector<1x128xf32> to vector<1024x128xf32>
    %add3A_213 = arith.addf %add3A_211, %add3A_212 : vector<1024x128xf32>
    %slice3A_214 = vector.extract_strided_slice %dot_general3A_129 {offsets = [0, 896], sizes = [1024, 128], strides = [1, 1]} : vector<1024x1024xf32> to vector<1024x128xf32>
    %sub3A_215 = arith.subf %add3A_213, %slice3A_214 : vector<1024x128xf32>
    %lt3A_216 = arith.cmpf olt, %sub3A_215, %min3A_206 : vector<1024x128xf32>
    %min3A_217 = arith.minimumf %sub3A_215, %min3A_206 : vector<1024x128xf32>
    %jit3A_218 = arith.constant 15 : i32
    %broadcast_in_dim3A_219 = vector.broadcast %jit3A_218 : i32 to vector<1024x128xi32>
    %select_n3A_220 = arith.select %lt3A_216, %broadcast_in_dim3A_219, %select_n3A_209 : vector<1024x128xi1>, vector<1024x128xi32>
    %get3A_221 = arith.constant 2048 : index
    %get3A_222 = arith.constant 0 : index
    %get3A_223 = vector.load %arg5[%get3A_221, %get3A_222] : memref<8192x256xf32, #tpu.memory_space<vmem>>, vector<1024x256xf32>
    %dot_general3A_224 = arith.constant dense<0.000000e+00> : vector<1024x1024xf32>
    %dot_general3A_225 = tpu.matmul %add3A, %get3A_223, %dot_general3A_224 {dimension_numbers = #tpu.dot_dimension_numbers<[1], [1], [0], [0], [0, 0, 1, 0], [], []>, transpose_lhs_hint = false} : vector<1024x256xf32>, vector<1024x256xf32>, vector<1024x1024xf32> -> vector<1024x1024xf32>
    %get3A_226 = arith.constant 0 : index
    %get3A_227 = arith.constant 2048 : index
    %get3A_228 = vector.load %arg9[%get3A_226, %get3A_227] : memref<1x8192xf32, #tpu.memory_space<vmem>>, vector<1x1024xf32>
    %slice3A_229 = vector.extract_strided_slice %get3A_228 {offsets = [0, 0], sizes = [1, 128], strides = [1, 1]} : vector<1x1024xf32> to vector<1x128xf32>
    %add3A_230 = vector.broadcast %broadcast_in_dim3A : vector<1024x1xf32> to vector<1024x128xf32>
    %add3A_231 = vector.broadcast %slice3A_229 : vector<1x128xf32> to vector<1024x128xf32>
    %add3A_232 = arith.addf %add3A_230, %add3A_231 : vector<1024x128xf32>
    %slice3A_233 = vector.extract_strided_slice %dot_general3A_225 {offsets = [0, 0], sizes = [1024, 128], strides = [1, 1]} : vector<1024x1024xf32> to vector<1024x128xf32>
    %sub3A_234 = arith.subf %add3A_232, %slice3A_233 : vector<1024x128xf32>
    %lt3A_235 = arith.cmpf olt, %sub3A_234, %min3A_217 : vector<1024x128xf32>
    %min3A_236 = arith.minimumf %sub3A_234, %min3A_217 : vector<1024x128xf32>
    %jit3A_237 = arith.constant 16 : i32
    %broadcast_in_dim3A_238 = vector.broadcast %jit3A_237 : i32 to vector<1024x128xi32>
    %select_n3A_239 = arith.select %lt3A_235, %broadcast_in_dim3A_238, %select_n3A_220 : vector<1024x128xi1>, vector<1024x128xi32>
    %slice3A_240 = vector.extract_strided_slice %get3A_228 {offsets = [0, 128], sizes = [1, 128], strides = [1, 1]} : vector<1x1024xf32> to vector<1x128xf32>
    %add3A_241 = vector.broadcast %broadcast_in_dim3A : vector<1024x1xf32> to vector<1024x128xf32>
    %add3A_242 = vector.broadcast %slice3A_240 : vector<1x128xf32> to vector<1024x128xf32>
    %add3A_243 = arith.addf %add3A_241, %add3A_242 : vector<1024x128xf32>
    %slice3A_244 = vector.extract_strided_slice %dot_general3A_225 {offsets = [0, 128], sizes = [1024, 128], strides = [1, 1]} : vector<1024x1024xf32> to vector<1024x128xf32>
    %sub3A_245 = arith.subf %add3A_243, %slice3A_244 : vector<1024x128xf32>
    %lt3A_246 = arith.cmpf olt, %sub3A_245, %min3A_236 : vector<1024x128xf32>
    %min3A_247 = arith.minimumf %sub3A_245, %min3A_236 : vector<1024x128xf32>
    %jit3A_248 = arith.constant 17 : i32
    %broadcast_in_dim3A_249 = vector.broadcast %jit3A_248 : i32 to vector<1024x128xi32>
    %select_n3A_250 = arith.select %lt3A_246, %broadcast_in_dim3A_249, %select_n3A_239 : vector<1024x128xi1>, vector<1024x128xi32>
    %slice3A_251 = vector.extract_strided_slice %get3A_228 {offsets = [0, 256], sizes = [1, 128], strides = [1, 1]} : vector<1x1024xf32> to vector<1x128xf32>
    %add3A_252 = vector.broadcast %broadcast_in_dim3A : vector<1024x1xf32> to vector<1024x128xf32>
    %add3A_253 = vector.broadcast %slice3A_251 : vector<1x128xf32> to vector<1024x128xf32>
    %add3A_254 = arith.addf %add3A_252, %add3A_253 : vector<1024x128xf32>
    %slice3A_255 = vector.extract_strided_slice %dot_general3A_225 {offsets = [0, 256], sizes = [1024, 128], strides = [1, 1]} : vector<1024x1024xf32> to vector<1024x128xf32>
    %sub3A_256 = arith.subf %add3A_254, %slice3A_255 : vector<1024x128xf32>
    %lt3A_257 = arith.cmpf olt, %sub3A_256, %min3A_247 : vector<1024x128xf32>
    %min3A_258 = arith.minimumf %sub3A_256, %min3A_247 : vector<1024x128xf32>
    %jit3A_259 = arith.constant 18 : i32
    %broadcast_in_dim3A_260 = vector.broadcast %jit3A_259 : i32 to vector<1024x128xi32>
    %select_n3A_261 = arith.select %lt3A_257, %broadcast_in_dim3A_260, %select_n3A_250 : vector<1024x128xi1>, vector<1024x128xi32>
    %slice3A_262 = vector.extract_strided_slice %get3A_228 {offsets = [0, 384], sizes = [1, 128], strides = [1, 1]} : vector<1x1024xf32> to vector<1x128xf32>
    %add3A_263 = vector.broadcast %broadcast_in_dim3A : vector<1024x1xf32> to vector<1024x128xf32>
    %add3A_264 = vector.broadcast %slice3A_262 : vector<1x128xf32> to vector<1024x128xf32>
    %add3A_265 = arith.addf %add3A_263, %add3A_264 : vector<1024x128xf32>
    %slice3A_266 = vector.extract_strided_slice %dot_general3A_225 {offsets = [0, 384], sizes = [1024, 128], strides = [1, 1]} : vector<1024x1024xf32> to vector<1024x128xf32>
    %sub3A_267 = arith.subf %add3A_265, %slice3A_266 : vector<1024x128xf32>
    %lt3A_268 = arith.cmpf olt, %sub3A_267, %min3A_258 : vector<1024x128xf32>
    %min3A_269 = arith.minimumf %sub3A_267, %min3A_258 : vector<1024x128xf32>
    %jit3A_270 = arith.constant 19 : i32
    %broadcast_in_dim3A_271 = vector.broadcast %jit3A_270 : i32 to vector<1024x128xi32>
    %select_n3A_272 = arith.select %lt3A_268, %broadcast_in_dim3A_271, %select_n3A_261 : vector<1024x128xi1>, vector<1024x128xi32>
    %slice3A_273 = vector.extract_strided_slice %get3A_228 {offsets = [0, 512], sizes = [1, 128], strides = [1, 1]} : vector<1x1024xf32> to vector<1x128xf32>
    %add3A_274 = vector.broadcast %broadcast_in_dim3A : vector<1024x1xf32> to vector<1024x128xf32>
    %add3A_275 = vector.broadcast %slice3A_273 : vector<1x128xf32> to vector<1024x128xf32>
    %add3A_276 = arith.addf %add3A_274, %add3A_275 : vector<1024x128xf32>
    %slice3A_277 = vector.extract_strided_slice %dot_general3A_225 {offsets = [0, 512], sizes = [1024, 128], strides = [1, 1]} : vector<1024x1024xf32> to vector<1024x128xf32>
    %sub3A_278 = arith.subf %add3A_276, %slice3A_277 : vector<1024x128xf32>
    %lt3A_279 = arith.cmpf olt, %sub3A_278, %min3A_269 : vector<1024x128xf32>
    %min3A_280 = arith.minimumf %sub3A_278, %min3A_269 : vector<1024x128xf32>
    %jit3A_281 = arith.constant 20 : i32
    %broadcast_in_dim3A_282 = vector.broadcast %jit3A_281 : i32 to vector<1024x128xi32>
    %select_n3A_283 = arith.select %lt3A_279, %broadcast_in_dim3A_282, %select_n3A_272 : vector<1024x128xi1>, vector<1024x128xi32>
    %slice3A_284 = vector.extract_strided_slice %get3A_228 {offsets = [0, 640], sizes = [1, 128], strides = [1, 1]} : vector<1x1024xf32> to vector<1x128xf32>
    %add3A_285 = vector.broadcast %broadcast_in_dim3A : vector<1024x1xf32> to vector<1024x128xf32>
    %add3A_286 = vector.broadcast %slice3A_284 : vector<1x128xf32> to vector<1024x128xf32>
    %add3A_287 = arith.addf %add3A_285, %add3A_286 : vector<1024x128xf32>
    %slice3A_288 = vector.extract_strided_slice %dot_general3A_225 {offsets = [0, 640], sizes = [1024, 128], strides = [1, 1]} : vector<1024x1024xf32> to vector<1024x128xf32>
    %sub3A_289 = arith.subf %add3A_287, %slice3A_288 : vector<1024x128xf32>
    %lt3A_290 = arith.cmpf olt, %sub3A_289, %min3A_280 : vector<1024x128xf32>
    %min3A_291 = arith.minimumf %sub3A_289, %min3A_280 : vector<1024x128xf32>
    %jit3A_292 = arith.constant 21 : i32
    %broadcast_in_dim3A_293 = vector.broadcast %jit3A_292 : i32 to vector<1024x128xi32>
    %select_n3A_294 = arith.select %lt3A_290, %broadcast_in_dim3A_293, %select_n3A_283 : vector<1024x128xi1>, vector<1024x128xi32>
    %slice3A_295 = vector.extract_strided_slice %get3A_228 {offsets = [0, 768], sizes = [1, 128], strides = [1, 1]} : vector<1x1024xf32> to vector<1x128xf32>
    %add3A_296 = vector.broadcast %broadcast_in_dim3A : vector<1024x1xf32> to vector<1024x128xf32>
    %add3A_297 = vector.broadcast %slice3A_295 : vector<1x128xf32> to vector<1024x128xf32>
    %add3A_298 = arith.addf %add3A_296, %add3A_297 : vector<1024x128xf32>
    %slice3A_299 = vector.extract_strided_slice %dot_general3A_225 {offsets = [0, 768], sizes = [1024, 128], strides = [1, 1]} : vector<1024x1024xf32> to vector<1024x128xf32>
    %sub3A_300 = arith.subf %add3A_298, %slice3A_299 : vector<1024x128xf32>
    %lt3A_301 = arith.cmpf olt, %sub3A_300, %min3A_291 : vector<1024x128xf32>
    %min3A_302 = arith.minimumf %sub3A_300, %min3A_291 : vector<1024x128xf32>
    %jit3A_303 = arith.constant 22 : i32
    %broadcast_in_dim3A_304 = vector.broadcast %jit3A_303 : i32 to vector<1024x128xi32>
    %select_n3A_305 = arith.select %lt3A_301, %broadcast_in_dim3A_304, %select_n3A_294 : vector<1024x128xi1>, vector<1024x128xi32>
    %slice3A_306 = vector.extract_strided_slice %get3A_228 {offsets = [0, 896], sizes = [1, 128], strides = [1, 1]} : vector<1x1024xf32> to vector<1x128xf32>
    %add3A_307 = vector.broadcast %broadcast_in_dim3A : vector<1024x1xf32> to vector<1024x128xf32>
    %add3A_308 = vector.broadcast %slice3A_306 : vector<1x128xf32> to vector<1024x128xf32>
    %add3A_309 = arith.addf %add3A_307, %add3A_308 : vector<1024x128xf32>
    %slice3A_310 = vector.extract_strided_slice %dot_general3A_225 {offsets = [0, 896], sizes = [1024, 128], strides = [1, 1]} : vector<1024x1024xf32> to vector<1024x128xf32>
    %sub3A_311 = arith.subf %add3A_309, %slice3A_310 : vector<1024x128xf32>
    %lt3A_312 = arith.cmpf olt, %sub3A_311, %min3A_302 : vector<1024x128xf32>
    %min3A_313 = arith.minimumf %sub3A_311, %min3A_302 : vector<1024x128xf32>
    %jit3A_314 = arith.constant 23 : i32
    %broadcast_in_dim3A_315 = vector.broadcast %jit3A_314 : i32 to vector<1024x128xi32>
    %select_n3A_316 = arith.select %lt3A_312, %broadcast_in_dim3A_315, %select_n3A_305 : vector<1024x128xi1>, vector<1024x128xi32>
    %get3A_317 = arith.constant 3072 : index
    %get3A_318 = arith.constant 0 : index
    %get3A_319 = vector.load %arg5[%get3A_317, %get3A_318] : memref<8192x256xf32, #tpu.memory_space<vmem>>, vector<1024x256xf32>
    %dot_general3A_320 = arith.constant dense<0.000000e+00> : vector<1024x1024xf32>
    %dot_general3A_321 = tpu.matmul %add3A, %get3A_319, %dot_general3A_320 {dimension_numbers = #tpu.dot_dimension_numbers<[1], [1], [0], [0], [0, 0, 1, 0], [], []>, transpose_lhs_hint = false} : vector<1024x256xf32>, vector<1024x256xf32>, vector<1024x1024xf32> -> vector<1024x1024xf32>
    %get3A_322 = arith.constant 0 : index
    %get3A_323 = arith.constant 3072 : index
    %get3A_324 = vector.load %arg9[%get3A_322, %get3A_323] : memref<1x8192xf32, #tpu.memory_space<vmem>>, vector<1x1024xf32>
    %slice3A_325 = vector.extract_strided_slice %get3A_324 {offsets = [0, 0], sizes = [1, 128], strides = [1, 1]} : vector<1x1024xf32> to vector<1x128xf32>
    %add3A_326 = vector.broadcast %broadcast_in_dim3A : vector<1024x1xf32> to vector<1024x128xf32>
    %add3A_327 = vector.broadcast %slice3A_325 : vector<1x128xf32> to vector<1024x128xf32>
    %add3A_328 = arith.addf %add3A_326, %add3A_327 : vector<1024x128xf32>
    %slice3A_329 = vector.extract_strided_slice %dot_general3A_321 {offsets = [0, 0], sizes = [1024, 128], strides = [1, 1]} : vector<1024x1024xf32> to vector<1024x128xf32>
    %sub3A_330 = arith.subf %add3A_328, %slice3A_329 : vector<1024x128xf32>
    %lt3A_331 = arith.cmpf olt, %sub3A_330, %min3A_313 : vector<1024x128xf32>
    %min3A_332 = arith.minimumf %sub3A_330, %min3A_313 : vector<1024x128xf32>
    %jit3A_333 = arith.constant 24 : i32
    %broadcast_in_dim3A_334 = vector.broadcast %jit3A_333 : i32 to vector<1024x128xi32>
    %select_n3A_335 = arith.select %lt3A_331, %broadcast_in_dim3A_334, %select_n3A_316 : vector<1024x128xi1>, vector<1024x128xi32>
    %slice3A_336 = vector.extract_strided_slice %get3A_324 {offsets = [0, 128], sizes = [1, 128], strides = [1, 1]} : vector<1x1024xf32> to vector<1x128xf32>
    %add3A_337 = vector.broadcast %broadcast_in_dim3A : vector<1024x1xf32> to vector<1024x128xf32>
    %add3A_338 = vector.broadcast %slice3A_336 : vector<1x128xf32> to vector<1024x128xf32>
    %add3A_339 = arith.addf %add3A_337, %add3A_338 : vector<1024x128xf32>
    %slice3A_340 = vector.extract_strided_slice %dot_general3A_321 {offsets = [0, 128], sizes = [1024, 128], strides = [1, 1]} : vector<1024x1024xf32> to vector<1024x128xf32>
    %sub3A_341 = arith.subf %add3A_339, %slice3A_340 : vector<1024x128xf32>
    %lt3A_342 = arith.cmpf olt, %sub3A_341, %min3A_332 : vector<1024x128xf32>
    %min3A_343 = arith.minimumf %sub3A_341, %min3A_332 : vector<1024x128xf32>
    %jit3A_344 = arith.constant 25 : i32
    %broadcast_in_dim3A_345 = vector.broadcast %jit3A_344 : i32 to vector<1024x128xi32>
    %select_n3A_346 = arith.select %lt3A_342, %broadcast_in_dim3A_345, %select_n3A_335 : vector<1024x128xi1>, vector<1024x128xi32>
    %slice3A_347 = vector.extract_strided_slice %get3A_324 {offsets = [0, 256], sizes = [1, 128], strides = [1, 1]} : vector<1x1024xf32> to vector<1x128xf32>
    %add3A_348 = vector.broadcast %broadcast_in_dim3A : vector<1024x1xf32> to vector<1024x128xf32>
    %add3A_349 = vector.broadcast %slice3A_347 : vector<1x128xf32> to vector<1024x128xf32>
    %add3A_350 = arith.addf %add3A_348, %add3A_349 : vector<1024x128xf32>
    %slice3A_351 = vector.extract_strided_slice %dot_general3A_321 {offsets = [0, 256], sizes = [1024, 128], strides = [1, 1]} : vector<1024x1024xf32> to vector<1024x128xf32>
    %sub3A_352 = arith.subf %add3A_350, %slice3A_351 : vector<1024x128xf32>
    %lt3A_353 = arith.cmpf olt, %sub3A_352, %min3A_343 : vector<1024x128xf32>
    %min3A_354 = arith.minimumf %sub3A_352, %min3A_343 : vector<1024x128xf32>
    %jit3A_355 = arith.constant 26 : i32
    %broadcast_in_dim3A_356 = vector.broadcast %jit3A_355 : i32 to vector<1024x128xi32>
    %select_n3A_357 = arith.select %lt3A_353, %broadcast_in_dim3A_356, %select_n3A_346 : vector<1024x128xi1>, vector<1024x128xi32>
    %slice3A_358 = vector.extract_strided_slice %get3A_324 {offsets = [0, 384], sizes = [1, 128], strides = [1, 1]} : vector<1x1024xf32> to vector<1x128xf32>
    %add3A_359 = vector.broadcast %broadcast_in_dim3A : vector<1024x1xf32> to vector<1024x128xf32>
    %add3A_360 = vector.broadcast %slice3A_358 : vector<1x128xf32> to vector<1024x128xf32>
    %add3A_361 = arith.addf %add3A_359, %add3A_360 : vector<1024x128xf32>
    %slice3A_362 = vector.extract_strided_slice %dot_general3A_321 {offsets = [0, 384], sizes = [1024, 128], strides = [1, 1]} : vector<1024x1024xf32> to vector<1024x128xf32>
    %sub3A_363 = arith.subf %add3A_361, %slice3A_362 : vector<1024x128xf32>
    %lt3A_364 = arith.cmpf olt, %sub3A_363, %min3A_354 : vector<1024x128xf32>
    %min3A_365 = arith.minimumf %sub3A_363, %min3A_354 : vector<1024x128xf32>
    %jit3A_366 = arith.constant 27 : i32
    %broadcast_in_dim3A_367 = vector.broadcast %jit3A_366 : i32 to vector<1024x128xi32>
    %select_n3A_368 = arith.select %lt3A_364, %broadcast_in_dim3A_367, %select_n3A_357 : vector<1024x128xi1>, vector<1024x128xi32>
    %slice3A_369 = vector.extract_strided_slice %get3A_324 {offsets = [0, 512], sizes = [1, 128], strides = [1, 1]} : vector<1x1024xf32> to vector<1x128xf32>
    %add3A_370 = vector.broadcast %broadcast_in_dim3A : vector<1024x1xf32> to vector<1024x128xf32>
    %add3A_371 = vector.broadcast %slice3A_369 : vector<1x128xf32> to vector<1024x128xf32>
    %add3A_372 = arith.addf %add3A_370, %add3A_371 : vector<1024x128xf32>
    %slice3A_373 = vector.extract_strided_slice %dot_general3A_321 {offsets = [0, 512], sizes = [1024, 128], strides = [1, 1]} : vector<1024x1024xf32> to vector<1024x128xf32>
    %sub3A_374 = arith.subf %add3A_372, %slice3A_373 : vector<1024x128xf32>
    %lt3A_375 = arith.cmpf olt, %sub3A_374, %min3A_365 : vector<1024x128xf32>
    %min3A_376 = arith.minimumf %sub3A_374, %min3A_365 : vector<1024x128xf32>
    %jit3A_377 = arith.constant 28 : i32
    %broadcast_in_dim3A_378 = vector.broadcast %jit3A_377 : i32 to vector<1024x128xi32>
    %select_n3A_379 = arith.select %lt3A_375, %broadcast_in_dim3A_378, %select_n3A_368 : vector<1024x128xi1>, vector<1024x128xi32>
    %slice3A_380 = vector.extract_strided_slice %get3A_324 {offsets = [0, 640], sizes = [1, 128], strides = [1, 1]} : vector<1x1024xf32> to vector<1x128xf32>
    %add3A_381 = vector.broadcast %broadcast_in_dim3A : vector<1024x1xf32> to vector<1024x128xf32>
    %add3A_382 = vector.broadcast %slice3A_380 : vector<1x128xf32> to vector<1024x128xf32>
    %add3A_383 = arith.addf %add3A_381, %add3A_382 : vector<1024x128xf32>
    %slice3A_384 = vector.extract_strided_slice %dot_general3A_321 {offsets = [0, 640], sizes = [1024, 128], strides = [1, 1]} : vector<1024x1024xf32> to vector<1024x128xf32>
    %sub3A_385 = arith.subf %add3A_383, %slice3A_384 : vector<1024x128xf32>
    %lt3A_386 = arith.cmpf olt, %sub3A_385, %min3A_376 : vector<1024x128xf32>
    %min3A_387 = arith.minimumf %sub3A_385, %min3A_376 : vector<1024x128xf32>
    %jit3A_388 = arith.constant 29 : i32
    %broadcast_in_dim3A_389 = vector.broadcast %jit3A_388 : i32 to vector<1024x128xi32>
    %select_n3A_390 = arith.select %lt3A_386, %broadcast_in_dim3A_389, %select_n3A_379 : vector<1024x128xi1>, vector<1024x128xi32>
    %slice3A_391 = vector.extract_strided_slice %get3A_324 {offsets = [0, 768], sizes = [1, 128], strides = [1, 1]} : vector<1x1024xf32> to vector<1x128xf32>
    %add3A_392 = vector.broadcast %broadcast_in_dim3A : vector<1024x1xf32> to vector<1024x128xf32>
    %add3A_393 = vector.broadcast %slice3A_391 : vector<1x128xf32> to vector<1024x128xf32>
    %add3A_394 = arith.addf %add3A_392, %add3A_393 : vector<1024x128xf32>
    %slice3A_395 = vector.extract_strided_slice %dot_general3A_321 {offsets = [0, 768], sizes = [1024, 128], strides = [1, 1]} : vector<1024x1024xf32> to vector<1024x128xf32>
    %sub3A_396 = arith.subf %add3A_394, %slice3A_395 : vector<1024x128xf32>
    %lt3A_397 = arith.cmpf olt, %sub3A_396, %min3A_387 : vector<1024x128xf32>
    %min3A_398 = arith.minimumf %sub3A_396, %min3A_387 : vector<1024x128xf32>
    %jit3A_399 = arith.constant 30 : i32
    %broadcast_in_dim3A_400 = vector.broadcast %jit3A_399 : i32 to vector<1024x128xi32>
    %select_n3A_401 = arith.select %lt3A_397, %broadcast_in_dim3A_400, %select_n3A_390 : vector<1024x128xi1>, vector<1024x128xi32>
    %slice3A_402 = vector.extract_strided_slice %get3A_324 {offsets = [0, 896], sizes = [1, 128], strides = [1, 1]} : vector<1x1024xf32> to vector<1x128xf32>
    %add3A_403 = vector.broadcast %broadcast_in_dim3A : vector<1024x1xf32> to vector<1024x128xf32>
    %add3A_404 = vector.broadcast %slice3A_402 : vector<1x128xf32> to vector<1024x128xf32>
    %add3A_405 = arith.addf %add3A_403, %add3A_404 : vector<1024x128xf32>
    %slice3A_406 = vector.extract_strided_slice %dot_general3A_321 {offsets = [0, 896], sizes = [1024, 128], strides = [1, 1]} : vector<1024x1024xf32> to vector<1024x128xf32>
    %sub3A_407 = arith.subf %add3A_405, %slice3A_406 : vector<1024x128xf32>
    %lt3A_408 = arith.cmpf olt, %sub3A_407, %min3A_398 : vector<1024x128xf32>
    %min3A_409 = arith.minimumf %sub3A_407, %min3A_398 : vector<1024x128xf32>
    %jit3A_410 = arith.constant 31 : i32
    %broadcast_in_dim3A_411 = vector.broadcast %jit3A_410 : i32 to vector<1024x128xi32>
    %select_n3A_412 = arith.select %lt3A_408, %broadcast_in_dim3A_411, %select_n3A_401 : vector<1024x128xi1>, vector<1024x128xi32>
    %get3A_413 = arith.constant 4096 : index
    %get3A_414 = arith.constant 0 : index
    %get3A_415 = vector.load %arg5[%get3A_413, %get3A_414] : memref<8192x256xf32, #tpu.memory_space<vmem>>, vector<1024x256xf32>
    %dot_general3A_416 = arith.constant dense<0.000000e+00> : vector<1024x1024xf32>
    %dot_general3A_417 = tpu.matmul %add3A, %get3A_415, %dot_general3A_416 {dimension_numbers = #tpu.dot_dimension_numbers<[1], [1], [0], [0], [0, 0, 1, 0], [], []>, transpose_lhs_hint = false} : vector<1024x256xf32>, vector<1024x256xf32>, vector<1024x1024xf32> -> vector<1024x1024xf32>
    %get3A_418 = arith.constant 0 : index
    %get3A_419 = arith.constant 4096 : index
    %get3A_420 = vector.load %arg9[%get3A_418, %get3A_419] : memref<1x8192xf32, #tpu.memory_space<vmem>>, vector<1x1024xf32>
    %slice3A_421 = vector.extract_strided_slice %get3A_420 {offsets = [0, 0], sizes = [1, 128], strides = [1, 1]} : vector<1x1024xf32> to vector<1x128xf32>
    %add3A_422 = vector.broadcast %broadcast_in_dim3A : vector<1024x1xf32> to vector<1024x128xf32>
    %add3A_423 = vector.broadcast %slice3A_421 : vector<1x128xf32> to vector<1024x128xf32>
    %add3A_424 = arith.addf %add3A_422, %add3A_423 : vector<1024x128xf32>
    %slice3A_425 = vector.extract_strided_slice %dot_general3A_417 {offsets = [0, 0], sizes = [1024, 128], strides = [1, 1]} : vector<1024x1024xf32> to vector<1024x128xf32>
    %sub3A_426 = arith.subf %add3A_424, %slice3A_425 : vector<1024x128xf32>
    %lt3A_427 = arith.cmpf olt, %sub3A_426, %min3A_409 : vector<1024x128xf32>
    %min3A_428 = arith.minimumf %sub3A_426, %min3A_409 : vector<1024x128xf32>
    %jit3A_429 = arith.constant 32 : i32
    %broadcast_in_dim3A_430 = vector.broadcast %jit3A_429 : i32 to vector<1024x128xi32>
    %select_n3A_431 = arith.select %lt3A_427, %broadcast_in_dim3A_430, %select_n3A_412 : vector<1024x128xi1>, vector<1024x128xi32>
    %slice3A_432 = vector.extract_strided_slice %get3A_420 {offsets = [0, 128], sizes = [1, 128], strides = [1, 1]} : vector<1x1024xf32> to vector<1x128xf32>
    %add3A_433 = vector.broadcast %broadcast_in_dim3A : vector<1024x1xf32> to vector<1024x128xf32>
    %add3A_434 = vector.broadcast %slice3A_432 : vector<1x128xf32> to vector<1024x128xf32>
    %add3A_435 = arith.addf %add3A_433, %add3A_434 : vector<1024x128xf32>
    %slice3A_436 = vector.extract_strided_slice %dot_general3A_417 {offsets = [0, 128], sizes = [1024, 128], strides = [1, 1]} : vector<1024x1024xf32> to vector<1024x128xf32>
    %sub3A_437 = arith.subf %add3A_435, %slice3A_436 : vector<1024x128xf32>
    %lt3A_438 = arith.cmpf olt, %sub3A_437, %min3A_428 : vector<1024x128xf32>
    %min3A_439 = arith.minimumf %sub3A_437, %min3A_428 : vector<1024x128xf32>
    %jit3A_440 = arith.constant 33 : i32
    %broadcast_in_dim3A_441 = vector.broadcast %jit3A_440 : i32 to vector<1024x128xi32>
    %select_n3A_442 = arith.select %lt3A_438, %broadcast_in_dim3A_441, %select_n3A_431 : vector<1024x128xi1>, vector<1024x128xi32>
    %slice3A_443 = vector.extract_strided_slice %get3A_420 {offsets = [0, 256], sizes = [1, 128], strides = [1, 1]} : vector<1x1024xf32> to vector<1x128xf32>
    %add3A_444 = vector.broadcast %broadcast_in_dim3A : vector<1024x1xf32> to vector<1024x128xf32>
    %add3A_445 = vector.broadcast %slice3A_443 : vector<1x128xf32> to vector<1024x128xf32>
    %add3A_446 = arith.addf %add3A_444, %add3A_445 : vector<1024x128xf32>
    %slice3A_447 = vector.extract_strided_slice %dot_general3A_417 {offsets = [0, 256], sizes = [1024, 128], strides = [1, 1]} : vector<1024x1024xf32> to vector<1024x128xf32>
    %sub3A_448 = arith.subf %add3A_446, %slice3A_447 : vector<1024x128xf32>
    %lt3A_449 = arith.cmpf olt, %sub3A_448, %min3A_439 : vector<1024x128xf32>
    %min3A_450 = arith.minimumf %sub3A_448, %min3A_439 : vector<1024x128xf32>
    %jit3A_451 = arith.constant 34 : i32
    %broadcast_in_dim3A_452 = vector.broadcast %jit3A_451 : i32 to vector<1024x128xi32>
    %select_n3A_453 = arith.select %lt3A_449, %broadcast_in_dim3A_452, %select_n3A_442 : vector<1024x128xi1>, vector<1024x128xi32>
    %slice3A_454 = vector.extract_strided_slice %get3A_420 {offsets = [0, 384], sizes = [1, 128], strides = [1, 1]} : vector<1x1024xf32> to vector<1x128xf32>
    %add3A_455 = vector.broadcast %broadcast_in_dim3A : vector<1024x1xf32> to vector<1024x128xf32>
    %add3A_456 = vector.broadcast %slice3A_454 : vector<1x128xf32> to vector<1024x128xf32>
    %add3A_457 = arith.addf %add3A_455, %add3A_456 : vector<1024x128xf32>
    %slice3A_458 = vector.extract_strided_slice %dot_general3A_417 {offsets = [0, 384], sizes = [1024, 128], strides = [1, 1]} : vector<1024x1024xf32> to vector<1024x128xf32>
    %sub3A_459 = arith.subf %add3A_457, %slice3A_458 : vector<1024x128xf32>
    %lt3A_460 = arith.cmpf olt, %sub3A_459, %min3A_450 : vector<1024x128xf32>
    %min3A_461 = arith.minimumf %sub3A_459, %min3A_450 : vector<1024x128xf32>
    %jit3A_462 = arith.constant 35 : i32
    %broadcast_in_dim3A_463 = vector.broadcast %jit3A_462 : i32 to vector<1024x128xi32>
    %select_n3A_464 = arith.select %lt3A_460, %broadcast_in_dim3A_463, %select_n3A_453 : vector<1024x128xi1>, vector<1024x128xi32>
    %slice3A_465 = vector.extract_strided_slice %get3A_420 {offsets = [0, 512], sizes = [1, 128], strides = [1, 1]} : vector<1x1024xf32> to vector<1x128xf32>
    %add3A_466 = vector.broadcast %broadcast_in_dim3A : vector<1024x1xf32> to vector<1024x128xf32>
    %add3A_467 = vector.broadcast %slice3A_465 : vector<1x128xf32> to vector<1024x128xf32>
    %add3A_468 = arith.addf %add3A_466, %add3A_467 : vector<1024x128xf32>
    %slice3A_469 = vector.extract_strided_slice %dot_general3A_417 {offsets = [0, 512], sizes = [1024, 128], strides = [1, 1]} : vector<1024x1024xf32> to vector<1024x128xf32>
    %sub3A_470 = arith.subf %add3A_468, %slice3A_469 : vector<1024x128xf32>
    %lt3A_471 = arith.cmpf olt, %sub3A_470, %min3A_461 : vector<1024x128xf32>
    %min3A_472 = arith.minimumf %sub3A_470, %min3A_461 : vector<1024x128xf32>
    %jit3A_473 = arith.constant 36 : i32
    %broadcast_in_dim3A_474 = vector.broadcast %jit3A_473 : i32 to vector<1024x128xi32>
    %select_n3A_475 = arith.select %lt3A_471, %broadcast_in_dim3A_474, %select_n3A_464 : vector<1024x128xi1>, vector<1024x128xi32>
    %slice3A_476 = vector.extract_strided_slice %get3A_420 {offsets = [0, 640], sizes = [1, 128], strides = [1, 1]} : vector<1x1024xf32> to vector<1x128xf32>
    %add3A_477 = vector.broadcast %broadcast_in_dim3A : vector<1024x1xf32> to vector<1024x128xf32>
    %add3A_478 = vector.broadcast %slice3A_476 : vector<1x128xf32> to vector<1024x128xf32>
    %add3A_479 = arith.addf %add3A_477, %add3A_478 : vector<1024x128xf32>
    %slice3A_480 = vector.extract_strided_slice %dot_general3A_417 {offsets = [0, 640], sizes = [1024, 128], strides = [1, 1]} : vector<1024x1024xf32> to vector<1024x128xf32>
    %sub3A_481 = arith.subf %add3A_479, %slice3A_480 : vector<1024x128xf32>
    %lt3A_482 = arith.cmpf olt, %sub3A_481, %min3A_472 : vector<1024x128xf32>
    %min3A_483 = arith.minimumf %sub3A_481, %min3A_472 : vector<1024x128xf32>
    %jit3A_484 = arith.constant 37 : i32
    %broadcast_in_dim3A_485 = vector.broadcast %jit3A_484 : i32 to vector<1024x128xi32>
    %select_n3A_486 = arith.select %lt3A_482, %broadcast_in_dim3A_485, %select_n3A_475 : vector<1024x128xi1>, vector<1024x128xi32>
    %slice3A_487 = vector.extract_strided_slice %get3A_420 {offsets = [0, 768], sizes = [1, 128], strides = [1, 1]} : vector<1x1024xf32> to vector<1x128xf32>
    %add3A_488 = vector.broadcast %broadcast_in_dim3A : vector<1024x1xf32> to vector<1024x128xf32>
    %add3A_489 = vector.broadcast %slice3A_487 : vector<1x128xf32> to vector<1024x128xf32>
    %add3A_490 = arith.addf %add3A_488, %add3A_489 : vector<1024x128xf32>
    %slice3A_491 = vector.extract_strided_slice %dot_general3A_417 {offsets = [0, 768], sizes = [1024, 128], strides = [1, 1]} : vector<1024x1024xf32> to vector<1024x128xf32>
    %sub3A_492 = arith.subf %add3A_490, %slice3A_491 : vector<1024x128xf32>
    %lt3A_493 = arith.cmpf olt, %sub3A_492, %min3A_483 : vector<1024x128xf32>
    %min3A_494 = arith.minimumf %sub3A_492, %min3A_483 : vector<1024x128xf32>
    %jit3A_495 = arith.constant 38 : i32
    %broadcast_in_dim3A_496 = vector.broadcast %jit3A_495 : i32 to vector<1024x128xi32>
    %select_n3A_497 = arith.select %lt3A_493, %broadcast_in_dim3A_496, %select_n3A_486 : vector<1024x128xi1>, vector<1024x128xi32>
    %slice3A_498 = vector.extract_strided_slice %get3A_420 {offsets = [0, 896], sizes = [1, 128], strides = [1, 1]} : vector<1x1024xf32> to vector<1x128xf32>
    %add3A_499 = vector.broadcast %broadcast_in_dim3A : vector<1024x1xf32> to vector<1024x128xf32>
    %add3A_500 = vector.broadcast %slice3A_498 : vector<1x128xf32> to vector<1024x128xf32>
    %add3A_501 = arith.addf %add3A_499, %add3A_500 : vector<1024x128xf32>
    %slice3A_502 = vector.extract_strided_slice %dot_general3A_417 {offsets = [0, 896], sizes = [1024, 128], strides = [1, 1]} : vector<1024x1024xf32> to vector<1024x128xf32>
    %sub3A_503 = arith.subf %add3A_501, %slice3A_502 : vector<1024x128xf32>
    %lt3A_504 = arith.cmpf olt, %sub3A_503, %min3A_494 : vector<1024x128xf32>
    %min3A_505 = arith.minimumf %sub3A_503, %min3A_494 : vector<1024x128xf32>
    %jit3A_506 = arith.constant 39 : i32
    %broadcast_in_dim3A_507 = vector.broadcast %jit3A_506 : i32 to vector<1024x128xi32>
    %select_n3A_508 = arith.select %lt3A_504, %broadcast_in_dim3A_507, %select_n3A_497 : vector<1024x128xi1>, vector<1024x128xi32>
    %get3A_509 = arith.constant 5120 : index
    %get3A_510 = arith.constant 0 : index
    %get3A_511 = vector.load %arg5[%get3A_509, %get3A_510] : memref<8192x256xf32, #tpu.memory_space<vmem>>, vector<1024x256xf32>
    %dot_general3A_512 = arith.constant dense<0.000000e+00> : vector<1024x1024xf32>
    %dot_general3A_513 = tpu.matmul %add3A, %get3A_511, %dot_general3A_512 {dimension_numbers = #tpu.dot_dimension_numbers<[1], [1], [0], [0], [0, 0, 1, 0], [], []>, transpose_lhs_hint = false} : vector<1024x256xf32>, vector<1024x256xf32>, vector<1024x1024xf32> -> vector<1024x1024xf32>
    %get3A_514 = arith.constant 0 : index
    %get3A_515 = arith.constant 5120 : index
    %get3A_516 = vector.load %arg9[%get3A_514, %get3A_515] : memref<1x8192xf32, #tpu.memory_space<vmem>>, vector<1x1024xf32>
    %slice3A_517 = vector.extract_strided_slice %get3A_516 {offsets = [0, 0], sizes = [1, 128], strides = [1, 1]} : vector<1x1024xf32> to vector<1x128xf32>
    %add3A_518 = vector.broadcast %broadcast_in_dim3A : vector<1024x1xf32> to vector<1024x128xf32>
    %add3A_519 = vector.broadcast %slice3A_517 : vector<1x128xf32> to vector<1024x128xf32>
    %add3A_520 = arith.addf %add3A_518, %add3A_519 : vector<1024x128xf32>
    %slice3A_521 = vector.extract_strided_slice %dot_general3A_513 {offsets = [0, 0], sizes = [1024, 128], strides = [1, 1]} : vector<1024x1024xf32> to vector<1024x128xf32>
    %sub3A_522 = arith.subf %add3A_520, %slice3A_521 : vector<1024x128xf32>
    %lt3A_523 = arith.cmpf olt, %sub3A_522, %min3A_505 : vector<1024x128xf32>
    %min3A_524 = arith.minimumf %sub3A_522, %min3A_505 : vector<1024x128xf32>
    %jit3A_525 = arith.constant 40 : i32
    %broadcast_in_dim3A_526 = vector.broadcast %jit3A_525 : i32 to vector<1024x128xi32>
    %select_n3A_527 = arith.select %lt3A_523, %broadcast_in_dim3A_526, %select_n3A_508 : vector<1024x128xi1>, vector<1024x128xi32>
    %slice3A_528 = vector.extract_strided_slice %get3A_516 {offsets = [0, 128], sizes = [1, 128], strides = [1, 1]} : vector<1x1024xf32> to vector<1x128xf32>
    %add3A_529 = vector.broadcast %broadcast_in_dim3A : vector<1024x1xf32> to vector<1024x128xf32>
    %add3A_530 = vector.broadcast %slice3A_528 : vector<1x128xf32> to vector<1024x128xf32>
    %add3A_531 = arith.addf %add3A_529, %add3A_530 : vector<1024x128xf32>
    %slice3A_532 = vector.extract_strided_slice %dot_general3A_513 {offsets = [0, 128], sizes = [1024, 128], strides = [1, 1]} : vector<1024x1024xf32> to vector<1024x128xf32>
    %sub3A_533 = arith.subf %add3A_531, %slice3A_532 : vector<1024x128xf32>
    %lt3A_534 = arith.cmpf olt, %sub3A_533, %min3A_524 : vector<1024x128xf32>
    %min3A_535 = arith.minimumf %sub3A_533, %min3A_524 : vector<1024x128xf32>
    %jit3A_536 = arith.constant 41 : i32
    %broadcast_in_dim3A_537 = vector.broadcast %jit3A_536 : i32 to vector<1024x128xi32>
    %select_n3A_538 = arith.select %lt3A_534, %broadcast_in_dim3A_537, %select_n3A_527 : vector<1024x128xi1>, vector<1024x128xi32>
    %slice3A_539 = vector.extract_strided_slice %get3A_516 {offsets = [0, 256], sizes = [1, 128], strides = [1, 1]} : vector<1x1024xf32> to vector<1x128xf32>
    %add3A_540 = vector.broadcast %broadcast_in_dim3A : vector<1024x1xf32> to vector<1024x128xf32>
    %add3A_541 = vector.broadcast %slice3A_539 : vector<1x128xf32> to vector<1024x128xf32>
    %add3A_542 = arith.addf %add3A_540, %add3A_541 : vector<1024x128xf32>
    %slice3A_543 = vector.extract_strided_slice %dot_general3A_513 {offsets = [0, 256], sizes = [1024, 128], strides = [1, 1]} : vector<1024x1024xf32> to vector<1024x128xf32>
    %sub3A_544 = arith.subf %add3A_542, %slice3A_543 : vector<1024x128xf32>
    %lt3A_545 = arith.cmpf olt, %sub3A_544, %min3A_535 : vector<1024x128xf32>
    %min3A_546 = arith.minimumf %sub3A_544, %min3A_535 : vector<1024x128xf32>
    %jit3A_547 = arith.constant 42 : i32
    %broadcast_in_dim3A_548 = vector.broadcast %jit3A_547 : i32 to vector<1024x128xi32>
    %select_n3A_549 = arith.select %lt3A_545, %broadcast_in_dim3A_548, %select_n3A_538 : vector<1024x128xi1>, vector<1024x128xi32>
    %slice3A_550 = vector.extract_strided_slice %get3A_516 {offsets = [0, 384], sizes = [1, 128], strides = [1, 1]} : vector<1x1024xf32> to vector<1x128xf32>
    %add3A_551 = vector.broadcast %broadcast_in_dim3A : vector<1024x1xf32> to vector<1024x128xf32>
    %add3A_552 = vector.broadcast %slice3A_550 : vector<1x128xf32> to vector<1024x128xf32>
    %add3A_553 = arith.addf %add3A_551, %add3A_552 : vector<1024x128xf32>
    %slice3A_554 = vector.extract_strided_slice %dot_general3A_513 {offsets = [0, 384], sizes = [1024, 128], strides = [1, 1]} : vector<1024x1024xf32> to vector<1024x128xf32>
    %sub3A_555 = arith.subf %add3A_553, %slice3A_554 : vector<1024x128xf32>
    %lt3A_556 = arith.cmpf olt, %sub3A_555, %min3A_546 : vector<1024x128xf32>
    %min3A_557 = arith.minimumf %sub3A_555, %min3A_546 : vector<1024x128xf32>
    %jit3A_558 = arith.constant 43 : i32
    %broadcast_in_dim3A_559 = vector.broadcast %jit3A_558 : i32 to vector<1024x128xi32>
    %select_n3A_560 = arith.select %lt3A_556, %broadcast_in_dim3A_559, %select_n3A_549 : vector<1024x128xi1>, vector<1024x128xi32>
    %slice3A_561 = vector.extract_strided_slice %get3A_516 {offsets = [0, 512], sizes = [1, 128], strides = [1, 1]} : vector<1x1024xf32> to vector<1x128xf32>
    %add3A_562 = vector.broadcast %broadcast_in_dim3A : vector<1024x1xf32> to vector<1024x128xf32>
    %add3A_563 = vector.broadcast %slice3A_561 : vector<1x128xf32> to vector<1024x128xf32>
    %add3A_564 = arith.addf %add3A_562, %add3A_563 : vector<1024x128xf32>
    %slice3A_565 = vector.extract_strided_slice %dot_general3A_513 {offsets = [0, 512], sizes = [1024, 128], strides = [1, 1]} : vector<1024x1024xf32> to vector<1024x128xf32>
    %sub3A_566 = arith.subf %add3A_564, %slice3A_565 : vector<1024x128xf32>
    %lt3A_567 = arith.cmpf olt, %sub3A_566, %min3A_557 : vector<1024x128xf32>
    %min3A_568 = arith.minimumf %sub3A_566, %min3A_557 : vector<1024x128xf32>
    %jit3A_569 = arith.constant 44 : i32
    %broadcast_in_dim3A_570 = vector.broadcast %jit3A_569 : i32 to vector<1024x128xi32>
    %select_n3A_571 = arith.select %lt3A_567, %broadcast_in_dim3A_570, %select_n3A_560 : vector<1024x128xi1>, vector<1024x128xi32>
    %slice3A_572 = vector.extract_strided_slice %get3A_516 {offsets = [0, 640], sizes = [1, 128], strides = [1, 1]} : vector<1x1024xf32> to vector<1x128xf32>
    %add3A_573 = vector.broadcast %broadcast_in_dim3A : vector<1024x1xf32> to vector<1024x128xf32>
    %add3A_574 = vector.broadcast %slice3A_572 : vector<1x128xf32> to vector<1024x128xf32>
    %add3A_575 = arith.addf %add3A_573, %add3A_574 : vector<1024x128xf32>
    %slice3A_576 = vector.extract_strided_slice %dot_general3A_513 {offsets = [0, 640], sizes = [1024, 128], strides = [1, 1]} : vector<1024x1024xf32> to vector<1024x128xf32>
    %sub3A_577 = arith.subf %add3A_575, %slice3A_576 : vector<1024x128xf32>
    %lt3A_578 = arith.cmpf olt, %sub3A_577, %min3A_568 : vector<1024x128xf32>
    %min3A_579 = arith.minimumf %sub3A_577, %min3A_568 : vector<1024x128xf32>
    %jit3A_580 = arith.constant 45 : i32
    %broadcast_in_dim3A_581 = vector.broadcast %jit3A_580 : i32 to vector<1024x128xi32>
    %select_n3A_582 = arith.select %lt3A_578, %broadcast_in_dim3A_581, %select_n3A_571 : vector<1024x128xi1>, vector<1024x128xi32>
    %slice3A_583 = vector.extract_strided_slice %get3A_516 {offsets = [0, 768], sizes = [1, 128], strides = [1, 1]} : vector<1x1024xf32> to vector<1x128xf32>
    %add3A_584 = vector.broadcast %broadcast_in_dim3A : vector<1024x1xf32> to vector<1024x128xf32>
    %add3A_585 = vector.broadcast %slice3A_583 : vector<1x128xf32> to vector<1024x128xf32>
    %add3A_586 = arith.addf %add3A_584, %add3A_585 : vector<1024x128xf32>
    %slice3A_587 = vector.extract_strided_slice %dot_general3A_513 {offsets = [0, 768], sizes = [1024, 128], strides = [1, 1]} : vector<1024x1024xf32> to vector<1024x128xf32>
    %sub3A_588 = arith.subf %add3A_586, %slice3A_587 : vector<1024x128xf32>
    %lt3A_589 = arith.cmpf olt, %sub3A_588, %min3A_579 : vector<1024x128xf32>
    %min3A_590 = arith.minimumf %sub3A_588, %min3A_579 : vector<1024x128xf32>
    %jit3A_591 = arith.constant 46 : i32
    %broadcast_in_dim3A_592 = vector.broadcast %jit3A_591 : i32 to vector<1024x128xi32>
    %select_n3A_593 = arith.select %lt3A_589, %broadcast_in_dim3A_592, %select_n3A_582 : vector<1024x128xi1>, vector<1024x128xi32>
    %slice3A_594 = vector.extract_strided_slice %get3A_516 {offsets = [0, 896], sizes = [1, 128], strides = [1, 1]} : vector<1x1024xf32> to vector<1x128xf32>
    %add3A_595 = vector.broadcast %broadcast_in_dim3A : vector<1024x1xf32> to vector<1024x128xf32>
    %add3A_596 = vector.broadcast %slice3A_594 : vector<1x128xf32> to vector<1024x128xf32>
    %add3A_597 = arith.addf %add3A_595, %add3A_596 : vector<1024x128xf32>
    %slice3A_598 = vector.extract_strided_slice %dot_general3A_513 {offsets = [0, 896], sizes = [1024, 128], strides = [1, 1]} : vector<1024x1024xf32> to vector<1024x128xf32>
    %sub3A_599 = arith.subf %add3A_597, %slice3A_598 : vector<1024x128xf32>
    %lt3A_600 = arith.cmpf olt, %sub3A_599, %min3A_590 : vector<1024x128xf32>
    %min3A_601 = arith.minimumf %sub3A_599, %min3A_590 : vector<1024x128xf32>
    %jit3A_602 = arith.constant 47 : i32
    %broadcast_in_dim3A_603 = vector.broadcast %jit3A_602 : i32 to vector<1024x128xi32>
    %select_n3A_604 = arith.select %lt3A_600, %broadcast_in_dim3A_603, %select_n3A_593 : vector<1024x128xi1>, vector<1024x128xi32>
    %get3A_605 = arith.constant 6144 : index
    %get3A_606 = arith.constant 0 : index
    %get3A_607 = vector.load %arg5[%get3A_605, %get3A_606] : memref<8192x256xf32, #tpu.memory_space<vmem>>, vector<1024x256xf32>
    %dot_general3A_608 = arith.constant dense<0.000000e+00> : vector<1024x1024xf32>
    %dot_general3A_609 = tpu.matmul %add3A, %get3A_607, %dot_general3A_608 {dimension_numbers = #tpu.dot_dimension_numbers<[1], [1], [0], [0], [0, 0, 1, 0], [], []>, transpose_lhs_hint = false} : vector<1024x256xf32>, vector<1024x256xf32>, vector<1024x1024xf32> -> vector<1024x1024xf32>
    %get3A_610 = arith.constant 0 : index
    %get3A_611 = arith.constant 6144 : index
    %get3A_612 = vector.load %arg9[%get3A_610, %get3A_611] : memref<1x8192xf32, #tpu.memory_space<vmem>>, vector<1x1024xf32>
    %slice3A_613 = vector.extract_strided_slice %get3A_612 {offsets = [0, 0], sizes = [1, 128], strides = [1, 1]} : vector<1x1024xf32> to vector<1x128xf32>
    %add3A_614 = vector.broadcast %broadcast_in_dim3A : vector<1024x1xf32> to vector<1024x128xf32>
    %add3A_615 = vector.broadcast %slice3A_613 : vector<1x128xf32> to vector<1024x128xf32>
    %add3A_616 = arith.addf %add3A_614, %add3A_615 : vector<1024x128xf32>
    %slice3A_617 = vector.extract_strided_slice %dot_general3A_609 {offsets = [0, 0], sizes = [1024, 128], strides = [1, 1]} : vector<1024x1024xf32> to vector<1024x128xf32>
    %sub3A_618 = arith.subf %add3A_616, %slice3A_617 : vector<1024x128xf32>
    %lt3A_619 = arith.cmpf olt, %sub3A_618, %min3A_601 : vector<1024x128xf32>
    %min3A_620 = arith.minimumf %sub3A_618, %min3A_601 : vector<1024x128xf32>
    %jit3A_621 = arith.constant 48 : i32
    %broadcast_in_dim3A_622 = vector.broadcast %jit3A_621 : i32 to vector<1024x128xi32>
    %select_n3A_623 = arith.select %lt3A_619, %broadcast_in_dim3A_622, %select_n3A_604 : vector<1024x128xi1>, vector<1024x128xi32>
    %slice3A_624 = vector.extract_strided_slice %get3A_612 {offsets = [0, 128], sizes = [1, 128], strides = [1, 1]} : vector<1x1024xf32> to vector<1x128xf32>
    %add3A_625 = vector.broadcast %broadcast_in_dim3A : vector<1024x1xf32> to vector<1024x128xf32>
    %add3A_626 = vector.broadcast %slice3A_624 : vector<1x128xf32> to vector<1024x128xf32>
    %add3A_627 = arith.addf %add3A_625, %add3A_626 : vector<1024x128xf32>
    %slice3A_628 = vector.extract_strided_slice %dot_general3A_609 {offsets = [0, 128], sizes = [1024, 128], strides = [1, 1]} : vector<1024x1024xf32> to vector<1024x128xf32>
    %sub3A_629 = arith.subf %add3A_627, %slice3A_628 : vector<1024x128xf32>
    %lt3A_630 = arith.cmpf olt, %sub3A_629, %min3A_620 : vector<1024x128xf32>
    %min3A_631 = arith.minimumf %sub3A_629, %min3A_620 : vector<1024x128xf32>
    %jit3A_632 = arith.constant 49 : i32
    %broadcast_in_dim3A_633 = vector.broadcast %jit3A_632 : i32 to vector<1024x128xi32>
    %select_n3A_634 = arith.select %lt3A_630, %broadcast_in_dim3A_633, %select_n3A_623 : vector<1024x128xi1>, vector<1024x128xi32>
    %slice3A_635 = vector.extract_strided_slice %get3A_612 {offsets = [0, 256], sizes = [1, 128], strides = [1, 1]} : vector<1x1024xf32> to vector<1x128xf32>
    %add3A_636 = vector.broadcast %broadcast_in_dim3A : vector<1024x1xf32> to vector<1024x128xf32>
    %add3A_637 = vector.broadcast %slice3A_635 : vector<1x128xf32> to vector<1024x128xf32>
    %add3A_638 = arith.addf %add3A_636, %add3A_637 : vector<1024x128xf32>
    %slice3A_639 = vector.extract_strided_slice %dot_general3A_609 {offsets = [0, 256], sizes = [1024, 128], strides = [1, 1]} : vector<1024x1024xf32> to vector<1024x128xf32>
    %sub3A_640 = arith.subf %add3A_638, %slice3A_639 : vector<1024x128xf32>
    %lt3A_641 = arith.cmpf olt, %sub3A_640, %min3A_631 : vector<1024x128xf32>
    %min3A_642 = arith.minimumf %sub3A_640, %min3A_631 : vector<1024x128xf32>
    %jit3A_643 = arith.constant 50 : i32
    %broadcast_in_dim3A_644 = vector.broadcast %jit3A_643 : i32 to vector<1024x128xi32>
    %select_n3A_645 = arith.select %lt3A_641, %broadcast_in_dim3A_644, %select_n3A_634 : vector<1024x128xi1>, vector<1024x128xi32>
    %slice3A_646 = vector.extract_strided_slice %get3A_612 {offsets = [0, 384], sizes = [1, 128], strides = [1, 1]} : vector<1x1024xf32> to vector<1x128xf32>
    %add3A_647 = vector.broadcast %broadcast_in_dim3A : vector<1024x1xf32> to vector<1024x128xf32>
    %add3A_648 = vector.broadcast %slice3A_646 : vector<1x128xf32> to vector<1024x128xf32>
    %add3A_649 = arith.addf %add3A_647, %add3A_648 : vector<1024x128xf32>
    %slice3A_650 = vector.extract_strided_slice %dot_general3A_609 {offsets = [0, 384], sizes = [1024, 128], strides = [1, 1]} : vector<1024x1024xf32> to vector<1024x128xf32>
    %sub3A_651 = arith.subf %add3A_649, %slice3A_650 : vector<1024x128xf32>
    %lt3A_652 = arith.cmpf olt, %sub3A_651, %min3A_642 : vector<1024x128xf32>
    %min3A_653 = arith.minimumf %sub3A_651, %min3A_642 : vector<1024x128xf32>
    %jit3A_654 = arith.constant 51 : i32
    %broadcast_in_dim3A_655 = vector.broadcast %jit3A_654 : i32 to vector<1024x128xi32>
    %select_n3A_656 = arith.select %lt3A_652, %broadcast_in_dim3A_655, %select_n3A_645 : vector<1024x128xi1>, vector<1024x128xi32>
    %slice3A_657 = vector.extract_strided_slice %get3A_612 {offsets = [0, 512], sizes = [1, 128], strides = [1, 1]} : vector<1x1024xf32> to vector<1x128xf32>
    %add3A_658 = vector.broadcast %broadcast_in_dim3A : vector<1024x1xf32> to vector<1024x128xf32>
    %add3A_659 = vector.broadcast %slice3A_657 : vector<1x128xf32> to vector<1024x128xf32>
    %add3A_660 = arith.addf %add3A_658, %add3A_659 : vector<1024x128xf32>
    %slice3A_661 = vector.extract_strided_slice %dot_general3A_609 {offsets = [0, 512], sizes = [1024, 128], strides = [1, 1]} : vector<1024x1024xf32> to vector<1024x128xf32>
    %sub3A_662 = arith.subf %add3A_660, %slice3A_661 : vector<1024x128xf32>
    %lt3A_663 = arith.cmpf olt, %sub3A_662, %min3A_653 : vector<1024x128xf32>
    %min3A_664 = arith.minimumf %sub3A_662, %min3A_653 : vector<1024x128xf32>
    %jit3A_665 = arith.constant 52 : i32
    %broadcast_in_dim3A_666 = vector.broadcast %jit3A_665 : i32 to vector<1024x128xi32>
    %select_n3A_667 = arith.select %lt3A_663, %broadcast_in_dim3A_666, %select_n3A_656 : vector<1024x128xi1>, vector<1024x128xi32>
    %slice3A_668 = vector.extract_strided_slice %get3A_612 {offsets = [0, 640], sizes = [1, 128], strides = [1, 1]} : vector<1x1024xf32> to vector<1x128xf32>
    %add3A_669 = vector.broadcast %broadcast_in_dim3A : vector<1024x1xf32> to vector<1024x128xf32>
    %add3A_670 = vector.broadcast %slice3A_668 : vector<1x128xf32> to vector<1024x128xf32>
    %add3A_671 = arith.addf %add3A_669, %add3A_670 : vector<1024x128xf32>
    %slice3A_672 = vector.extract_strided_slice %dot_general3A_609 {offsets = [0, 640], sizes = [1024, 128], strides = [1, 1]} : vector<1024x1024xf32> to vector<1024x128xf32>
    %sub3A_673 = arith.subf %add3A_671, %slice3A_672 : vector<1024x128xf32>
    %lt3A_674 = arith.cmpf olt, %sub3A_673, %min3A_664 : vector<1024x128xf32>
    %min3A_675 = arith.minimumf %sub3A_673, %min3A_664 : vector<1024x128xf32>
    %jit3A_676 = arith.constant 53 : i32
    %broadcast_in_dim3A_677 = vector.broadcast %jit3A_676 : i32 to vector<1024x128xi32>
    %select_n3A_678 = arith.select %lt3A_674, %broadcast_in_dim3A_677, %select_n3A_667 : vector<1024x128xi1>, vector<1024x128xi32>
    %slice3A_679 = vector.extract_strided_slice %get3A_612 {offsets = [0, 768], sizes = [1, 128], strides = [1, 1]} : vector<1x1024xf32> to vector<1x128xf32>
    %add3A_680 = vector.broadcast %broadcast_in_dim3A : vector<1024x1xf32> to vector<1024x128xf32>
    %add3A_681 = vector.broadcast %slice3A_679 : vector<1x128xf32> to vector<1024x128xf32>
    %add3A_682 = arith.addf %add3A_680, %add3A_681 : vector<1024x128xf32>
    %slice3A_683 = vector.extract_strided_slice %dot_general3A_609 {offsets = [0, 768], sizes = [1024, 128], strides = [1, 1]} : vector<1024x1024xf32> to vector<1024x128xf32>
    %sub3A_684 = arith.subf %add3A_682, %slice3A_683 : vector<1024x128xf32>
    %lt3A_685 = arith.cmpf olt, %sub3A_684, %min3A_675 : vector<1024x128xf32>
    %min3A_686 = arith.minimumf %sub3A_684, %min3A_675 : vector<1024x128xf32>
    %jit3A_687 = arith.constant 54 : i32
    %broadcast_in_dim3A_688 = vector.broadcast %jit3A_687 : i32 to vector<1024x128xi32>
    %select_n3A_689 = arith.select %lt3A_685, %broadcast_in_dim3A_688, %select_n3A_678 : vector<1024x128xi1>, vector<1024x128xi32>
    %slice3A_690 = vector.extract_strided_slice %get3A_612 {offsets = [0, 896], sizes = [1, 128], strides = [1, 1]} : vector<1x1024xf32> to vector<1x128xf32>
    %add3A_691 = vector.broadcast %broadcast_in_dim3A : vector<1024x1xf32> to vector<1024x128xf32>
    %add3A_692 = vector.broadcast %slice3A_690 : vector<1x128xf32> to vector<1024x128xf32>
    %add3A_693 = arith.addf %add3A_691, %add3A_692 : vector<1024x128xf32>
    %slice3A_694 = vector.extract_strided_slice %dot_general3A_609 {offsets = [0, 896], sizes = [1024, 128], strides = [1, 1]} : vector<1024x1024xf32> to vector<1024x128xf32>
    %sub3A_695 = arith.subf %add3A_693, %slice3A_694 : vector<1024x128xf32>
    %lt3A_696 = arith.cmpf olt, %sub3A_695, %min3A_686 : vector<1024x128xf32>
    %min3A_697 = arith.minimumf %sub3A_695, %min3A_686 : vector<1024x128xf32>
    %jit3A_698 = arith.constant 55 : i32
    %broadcast_in_dim3A_699 = vector.broadcast %jit3A_698 : i32 to vector<1024x128xi32>
    %select_n3A_700 = arith.select %lt3A_696, %broadcast_in_dim3A_699, %select_n3A_689 : vector<1024x128xi1>, vector<1024x128xi32>
    %get3A_701 = arith.constant 7168 : index
    %get3A_702 = arith.constant 0 : index
    %get3A_703 = vector.load %arg5[%get3A_701, %get3A_702] : memref<8192x256xf32, #tpu.memory_space<vmem>>, vector<1024x256xf32>
    %dot_general3A_704 = arith.constant dense<0.000000e+00> : vector<1024x1024xf32>
    %dot_general3A_705 = tpu.matmul %add3A, %get3A_703, %dot_general3A_704 {dimension_numbers = #tpu.dot_dimension_numbers<[1], [1], [0], [0], [0, 0, 1, 0], [], []>, transpose_lhs_hint = false} : vector<1024x256xf32>, vector<1024x256xf32>, vector<1024x1024xf32> -> vector<1024x1024xf32>
    %get3A_706 = arith.constant 0 : index
    %get3A_707 = arith.constant 7168 : index
    %get3A_708 = vector.load %arg9[%get3A_706, %get3A_707] : memref<1x8192xf32, #tpu.memory_space<vmem>>, vector<1x1024xf32>
    %slice3A_709 = vector.extract_strided_slice %get3A_708 {offsets = [0, 0], sizes = [1, 128], strides = [1, 1]} : vector<1x1024xf32> to vector<1x128xf32>
    %add3A_710 = vector.broadcast %broadcast_in_dim3A : vector<1024x1xf32> to vector<1024x128xf32>
    %add3A_711 = vector.broadcast %slice3A_709 : vector<1x128xf32> to vector<1024x128xf32>
    %add3A_712 = arith.addf %add3A_710, %add3A_711 : vector<1024x128xf32>
    %slice3A_713 = vector.extract_strided_slice %dot_general3A_705 {offsets = [0, 0], sizes = [1024, 128], strides = [1, 1]} : vector<1024x1024xf32> to vector<1024x128xf32>
    %sub3A_714 = arith.subf %add3A_712, %slice3A_713 : vector<1024x128xf32>
    %lt3A_715 = arith.cmpf olt, %sub3A_714, %min3A_697 : vector<1024x128xf32>
    %min3A_716 = arith.minimumf %sub3A_714, %min3A_697 : vector<1024x128xf32>
    %jit3A_717 = arith.constant 56 : i32
    %broadcast_in_dim3A_718 = vector.broadcast %jit3A_717 : i32 to vector<1024x128xi32>
    %select_n3A_719 = arith.select %lt3A_715, %broadcast_in_dim3A_718, %select_n3A_700 : vector<1024x128xi1>, vector<1024x128xi32>
    %slice3A_720 = vector.extract_strided_slice %get3A_708 {offsets = [0, 128], sizes = [1, 128], strides = [1, 1]} : vector<1x1024xf32> to vector<1x128xf32>
    %add3A_721 = vector.broadcast %broadcast_in_dim3A : vector<1024x1xf32> to vector<1024x128xf32>
    %add3A_722 = vector.broadcast %slice3A_720 : vector<1x128xf32> to vector<1024x128xf32>
    %add3A_723 = arith.addf %add3A_721, %add3A_722 : vector<1024x128xf32>
    %slice3A_724 = vector.extract_strided_slice %dot_general3A_705 {offsets = [0, 128], sizes = [1024, 128], strides = [1, 1]} : vector<1024x1024xf32> to vector<1024x128xf32>
    %sub3A_725 = arith.subf %add3A_723, %slice3A_724 : vector<1024x128xf32>
    %lt3A_726 = arith.cmpf olt, %sub3A_725, %min3A_716 : vector<1024x128xf32>
    %min3A_727 = arith.minimumf %sub3A_725, %min3A_716 : vector<1024x128xf32>
    %jit3A_728 = arith.constant 57 : i32
    %broadcast_in_dim3A_729 = vector.broadcast %jit3A_728 : i32 to vector<1024x128xi32>
    %select_n3A_730 = arith.select %lt3A_726, %broadcast_in_dim3A_729, %select_n3A_719 : vector<1024x128xi1>, vector<1024x128xi32>
    %slice3A_731 = vector.extract_strided_slice %get3A_708 {offsets = [0, 256], sizes = [1, 128], strides = [1, 1]} : vector<1x1024xf32> to vector<1x128xf32>
    %add3A_732 = vector.broadcast %broadcast_in_dim3A : vector<1024x1xf32> to vector<1024x128xf32>
    %add3A_733 = vector.broadcast %slice3A_731 : vector<1x128xf32> to vector<1024x128xf32>
    %add3A_734 = arith.addf %add3A_732, %add3A_733 : vector<1024x128xf32>
    %slice3A_735 = vector.extract_strided_slice %dot_general3A_705 {offsets = [0, 256], sizes = [1024, 128], strides = [1, 1]} : vector<1024x1024xf32> to vector<1024x128xf32>
    %sub3A_736 = arith.subf %add3A_734, %slice3A_735 : vector<1024x128xf32>
    %lt3A_737 = arith.cmpf olt, %sub3A_736, %min3A_727 : vector<1024x128xf32>
    %min3A_738 = arith.minimumf %sub3A_736, %min3A_727 : vector<1024x128xf32>
    %jit3A_739 = arith.constant 58 : i32
    %broadcast_in_dim3A_740 = vector.broadcast %jit3A_739 : i32 to vector<1024x128xi32>
    %select_n3A_741 = arith.select %lt3A_737, %broadcast_in_dim3A_740, %select_n3A_730 : vector<1024x128xi1>, vector<1024x128xi32>
    %slice3A_742 = vector.extract_strided_slice %get3A_708 {offsets = [0, 384], sizes = [1, 128], strides = [1, 1]} : vector<1x1024xf32> to vector<1x128xf32>
    %add3A_743 = vector.broadcast %broadcast_in_dim3A : vector<1024x1xf32> to vector<1024x128xf32>
    %add3A_744 = vector.broadcast %slice3A_742 : vector<1x128xf32> to vector<1024x128xf32>
    %add3A_745 = arith.addf %add3A_743, %add3A_744 : vector<1024x128xf32>
    %slice3A_746 = vector.extract_strided_slice %dot_general3A_705 {offsets = [0, 384], sizes = [1024, 128], strides = [1, 1]} : vector<1024x1024xf32> to vector<1024x128xf32>
    %sub3A_747 = arith.subf %add3A_745, %slice3A_746 : vector<1024x128xf32>
    %lt3A_748 = arith.cmpf olt, %sub3A_747, %min3A_738 : vector<1024x128xf32>
    %min3A_749 = arith.minimumf %sub3A_747, %min3A_738 : vector<1024x128xf32>
    %jit3A_750 = arith.constant 59 : i32
    %broadcast_in_dim3A_751 = vector.broadcast %jit3A_750 : i32 to vector<1024x128xi32>
    %select_n3A_752 = arith.select %lt3A_748, %broadcast_in_dim3A_751, %select_n3A_741 : vector<1024x128xi1>, vector<1024x128xi32>
    %slice3A_753 = vector.extract_strided_slice %get3A_708 {offsets = [0, 512], sizes = [1, 128], strides = [1, 1]} : vector<1x1024xf32> to vector<1x128xf32>
    %add3A_754 = vector.broadcast %broadcast_in_dim3A : vector<1024x1xf32> to vector<1024x128xf32>
    %add3A_755 = vector.broadcast %slice3A_753 : vector<1x128xf32> to vector<1024x128xf32>
    %add3A_756 = arith.addf %add3A_754, %add3A_755 : vector<1024x128xf32>
    %slice3A_757 = vector.extract_strided_slice %dot_general3A_705 {offsets = [0, 512], sizes = [1024, 128], strides = [1, 1]} : vector<1024x1024xf32> to vector<1024x128xf32>
    %sub3A_758 = arith.subf %add3A_756, %slice3A_757 : vector<1024x128xf32>
    %lt3A_759 = arith.cmpf olt, %sub3A_758, %min3A_749 : vector<1024x128xf32>
    %min3A_760 = arith.minimumf %sub3A_758, %min3A_749 : vector<1024x128xf32>
    %jit3A_761 = arith.constant 60 : i32
    %broadcast_in_dim3A_762 = vector.broadcast %jit3A_761 : i32 to vector<1024x128xi32>
    %select_n3A_763 = arith.select %lt3A_759, %broadcast_in_dim3A_762, %select_n3A_752 : vector<1024x128xi1>, vector<1024x128xi32>
    %slice3A_764 = vector.extract_strided_slice %get3A_708 {offsets = [0, 640], sizes = [1, 128], strides = [1, 1]} : vector<1x1024xf32> to vector<1x128xf32>
    %add3A_765 = vector.broadcast %broadcast_in_dim3A : vector<1024x1xf32> to vector<1024x128xf32>
    %add3A_766 = vector.broadcast %slice3A_764 : vector<1x128xf32> to vector<1024x128xf32>
    %add3A_767 = arith.addf %add3A_765, %add3A_766 : vector<1024x128xf32>
    %slice3A_768 = vector.extract_strided_slice %dot_general3A_705 {offsets = [0, 640], sizes = [1024, 128], strides = [1, 1]} : vector<1024x1024xf32> to vector<1024x128xf32>
    %sub3A_769 = arith.subf %add3A_767, %slice3A_768 : vector<1024x128xf32>
    %lt3A_770 = arith.cmpf olt, %sub3A_769, %min3A_760 : vector<1024x128xf32>
    %min3A_771 = arith.minimumf %sub3A_769, %min3A_760 : vector<1024x128xf32>
    %jit3A_772 = arith.constant 61 : i32
    %broadcast_in_dim3A_773 = vector.broadcast %jit3A_772 : i32 to vector<1024x128xi32>
    %select_n3A_774 = arith.select %lt3A_770, %broadcast_in_dim3A_773, %select_n3A_763 : vector<1024x128xi1>, vector<1024x128xi32>
    %slice3A_775 = vector.extract_strided_slice %get3A_708 {offsets = [0, 768], sizes = [1, 128], strides = [1, 1]} : vector<1x1024xf32> to vector<1x128xf32>
    %add3A_776 = vector.broadcast %broadcast_in_dim3A : vector<1024x1xf32> to vector<1024x128xf32>
    %add3A_777 = vector.broadcast %slice3A_775 : vector<1x128xf32> to vector<1024x128xf32>
    %add3A_778 = arith.addf %add3A_776, %add3A_777 : vector<1024x128xf32>
    %slice3A_779 = vector.extract_strided_slice %dot_general3A_705 {offsets = [0, 768], sizes = [1024, 128], strides = [1, 1]} : vector<1024x1024xf32> to vector<1024x128xf32>
    %sub3A_780 = arith.subf %add3A_778, %slice3A_779 : vector<1024x128xf32>
    %lt3A_781 = arith.cmpf olt, %sub3A_780, %min3A_771 : vector<1024x128xf32>
    %min3A_782 = arith.minimumf %sub3A_780, %min3A_771 : vector<1024x128xf32>
    %jit3A_783 = arith.constant 62 : i32
    %broadcast_in_dim3A_784 = vector.broadcast %jit3A_783 : i32 to vector<1024x128xi32>
    %select_n3A_785 = arith.select %lt3A_781, %broadcast_in_dim3A_784, %select_n3A_774 : vector<1024x128xi1>, vector<1024x128xi32>
    %slice3A_786 = vector.extract_strided_slice %get3A_708 {offsets = [0, 896], sizes = [1, 128], strides = [1, 1]} : vector<1x1024xf32> to vector<1x128xf32>
    %add3A_787 = vector.broadcast %broadcast_in_dim3A : vector<1024x1xf32> to vector<1024x128xf32>
    %add3A_788 = vector.broadcast %slice3A_786 : vector<1x128xf32> to vector<1024x128xf32>
    %add3A_789 = arith.addf %add3A_787, %add3A_788 : vector<1024x128xf32>
    %slice3A_790 = vector.extract_strided_slice %dot_general3A_705 {offsets = [0, 896], sizes = [1024, 128], strides = [1, 1]} : vector<1024x1024xf32> to vector<1024x128xf32>
    %sub3A_791 = arith.subf %add3A_789, %slice3A_790 : vector<1024x128xf32>
    %lt3A_792 = arith.cmpf olt, %sub3A_791, %min3A_782 : vector<1024x128xf32>
    %min3A_793 = arith.minimumf %sub3A_791, %min3A_782 : vector<1024x128xf32>
    %jit3A_794 = arith.constant 63 : i32
    %broadcast_in_dim3A_795 = vector.broadcast %jit3A_794 : i32 to vector<1024x128xi32>
    %select_n3A_796 = arith.select %lt3A_792, %broadcast_in_dim3A_795, %select_n3A_785 : vector<1024x128xi1>, vector<1024x128xi32>
    %reduce_min3A = arith.constant dense<0x7F800000> : vector<1024xf32>
    %reduce_min3A_797 = vector.multi_reduction <minimumf>, %min3A_793, %reduce_min3A [1] : vector<1024x128xf32> to vector<1024xf32>
    %broadcast_in_dim3A_798 = vector.shape_cast %reduce_min3A_797 : vector<1024xf32> to vector<1024x1xf32>
    %eq3A_799 = vector.broadcast %broadcast_in_dim3A_798 : vector<1024x1xf32> to vector<1024x128xf32>
    %eq3A_800 = arith.cmpf oeq, %min3A_793, %eq3A_799 : vector<1024x128xf32>
    %mul3A_801 = arith.constant 128 : i32
    %mul3A_802 = vector.broadcast %mul3A_801 : i32 to vector<1024x128xi32>
    %mul3A_803 = arith.muli %select_n3A_796, %mul3A_802 : vector<1024x128xi32>
    %add3A_804 = arith.addi %mul3A_803, %iota3A : vector<1024x128xi32>
    %jit3A_805 = arith.constant 8192 : i32
    %broadcast_in_dim3A_806 = vector.broadcast %jit3A_805 : i32 to vector<1024x128xi32>
    %select_n3A_807 = arith.select %eq3A_800, %add3A_804, %broadcast_in_dim3A_806 : vector<1024x128xi1>, vector<1024x128xi32>
    %reduce_min3A_808 = arith.constant dense<2147483647> : vector<1024xi32>
    %reduce_min3A_809 = vector.multi_reduction <minsi>, %select_n3A_807, %reduce_min3A_808 [1] : vector<1024x128xi32> to vector<1024xi32>
    %broadcast_in_dim3A_810 = vector.shape_cast %reduce_min3A_809 : vector<1024xi32> to vector<1024x1xi32>
    %swap3A_811 = arith.constant 0 : index
    %swap3A_812 = arith.constant 0 : index
    %swap3A_813 = vector.load %arg6[%swap3A_811, %swap3A_812] : memref<1024x1xi32, #tpu.memory_space<vmem>>, vector<1024x1xi32>
    tpu.vector_store %arg6[%swap3A_811, %swap3A_812], %broadcast_in_dim3A_810 {strides = array<i32>} : memref<1024x1xi32, #tpu.memory_space<vmem>>, vector<1024x1xi32>,
    return
  }
  func.func @transform_0(%arg0: i32) -> (i32, i32) {
    %c0_i32 = arith.constant 0 : i32
    %c0_i32_0 = arith.constant 0 : i32
    return %arg0, %c0_i32 : i32, i32
  }
  func.func @transform_1(%arg0: i32) -> (i32, i32) {
    %c0_i32 = arith.constant 0 : i32
    %c0_i32_0 = arith.constant 0 : i32
    return %arg0, %c0_i32 : i32, i32
  }
  func.func @transform_2(%arg0: i32) -> (i32, i32) {
    %c0_i32 = arith.constant 0 : i32
    %c0_i32_0 = arith.constant 0 : i32
    return %arg0, %c0_i32 : i32, i32
  }
  func.func @transform_3(%arg0: i32) -> (i32, i32) {
    %c0_i32 = arith.constant 0 : i32
    %c0_i32_0 = arith.constant 0 : i32
    return %arg0, %c0_i32 : i32, i32
  }
  func.func @transform_4(%arg0: i32) -> (i32, i32) {
    %c0_i32 = arith.constant 0 : i32
    %c0_i32_0 = arith.constant 0 : i32
    %c0_i32_1 = arith.constant 0 : i32
    return %c0_i32, %c0_i32_0 : i32, i32
  }
  func.func @transform_5(%arg0: i32) -> (i32, i32) {
    %c0_i32 = arith.constant 0 : i32
    %c0_i32_0 = arith.constant 0 : i32
    return %arg0, %c0_i32 : i32, i32
  }
  func.func @transform_6(%arg0: i32) -> (i32, i32, i32) {
    %c0_i32 = arith.constant 0 : i32
    %c0_i32_0 = arith.constant 0 : i32
    %c0_i32_1 = arith.constant 0 : i32
    return %arg0, %c0_i32, %c0_i32_0 : i32, i32, i32
  }
  func.func @transform_7(%arg0: i32) -> (i32, i32) {
    %c0_i32 = arith.constant 0 : i32
    %c0_i32_0 = arith.constant 0 : i32
    return %arg0, %c0_i32 : i32, i32
  }
}

</mosaic_0001>

<sc_bundles>
// kernel: kernel.10.cloned.1.call-start
scs
__scs_entry_jumppad:
0x0: {  	(pc) =	sbr.rel $0x88, $3  }
0x1: {  	(tag) =	ssettag $0x0;
	lr =	simm.s32 $0x1  }
0x2: {  	[smem:$0x3F9F] =	sst lr;
	_ =	strace $0xD0000000  }
0x3: {  	_ = 	snop  }
0x4: {  	_ = 	snop  }
0x5: {  	_ = 	snop  }
0x6: {  	_ = 	snop  }
0x7: {  	_ = 	snop  }
__scs_overlays_trampoline_lowered:
0x8: {  	[smem:$0x3FAE] =	sst s0  }
0x9: {  	[smem:$0x3FAF] =	sst s1  }
0xa: {  	[smem:$0x3FB0] =	sst s2  }
0xb: {  	[smem:$0x3FB1] =	sst s3  }
0xc: {  	[smem:$0x3FB2] =	sst s4  }
0xd: {  	[smem:$0x3FB3] =	sst s5  }
0xe: {  	[smem:$0x3FB4] =	sst s6  }
0xf: {  	[smem:$0x3FB5] =	sst s7  }
0x10: {  	[smem:$0x3FB6] =	sst s8  }
0x11: {  	[smem:$0x3FB7] =	sst s9;
	s0 =	simm.s32 @!p0 $0x0  }
0x12: {  	s1 =	sld [smem:$0x3F9D];
	s0 =	simm.s32 @p0 $0x1  }
0x13: {  	[smem:$0x3FB8] =	sst s0;
	s0 =	simm.s32 @!p1 $0x0  }
0x14: {  	s2 =	sld [smem:$0x3F9C];
	s0 =	simm.s32 @p1 $0x1  }
0x15: {  	[smem:$0x3FB9] =	sst s0;
	s0 =	simm.s32 @!p2 $0x0  }
0x16: {  	s3 =	sld [smem:$0x3FDB];
	s0 =	simm.s32 @p2 $0x1  }
0x17: {  	s4 =	simm.s32 $0x1BF5;
	[smem:$0x3FBB] =	sst s0  }
0x18: {  	s0 =	sld [smem:$0x3F9E];
	_ =	swait.ge [sflag:s4], $0x0  }
0x19: {  	s7 =	sld [smem:$0x3F9F]  }
0x1a: {  	s8 =	sadd.s32 $0xFFFFE003, lr  }
0x1b: {  	s9 =	sadd.s32 $0xFFFFFEF7, lr;
	s5 =	simm.s32 $0xFFFFFFFF;
	p2 =	slt.u32 s8, $0xFFFFF086  }
0x1c: {  	p1 =	slt.u32 s9, $0xF7A;
	s5 =	simm.s32 @!p2 $0x0  }
0x1d: {  	s5 =	simm.s32 @p1 $0x1;
	p0 =	seq.s32 s7, s2  }
0x1e: {  	s7 =	smul.u32 @!p0 $0xF7A, s2;
	p2 =	seq.s32 @!p0 s5, $0x0  }
0x1f: {  	s9 =	smul.u32 $0xF7A, s1;
	s8 =	simm.s32 @!p0 $0x1BF5;
	p2 =	por !p2, p0  }
0x20: {  	[sflag:s8] =	ssyncset.s32 @!p0 $0xFFFFF086;
	s6 =	sadd.s32 @!p0 s3, s7;
	s7 =	simm.s32 @!p0 $0x108  }
0x21: {  	s3 =	sadd.s32 s3, s9;
	s6 =	sadd.s32 @!p0 $0x88, s6;
	s7 =	simm.s32 @p2 $0x1082  }
0x22: {  	[simem:s7], [sflag:s8] =	dma.local @!p0 [hbm:s6], $0xF7A  }
0x23: {  	s9 =	sor.u32 $0xD0000000, s2;
	s6 =	simm.s32 $0x108;
	_ =	swait.ge @!p0 [sflag:s8], $0x0  }
0x24: {  	s3 =	sadd.s32 $0x88, s3;
	s6 =	simm.s32 @!p1 $0x1082;
	[sflag:s4] =	ssyncset.s32 $0xFFFFF086  }
0x25: {  	[simem:s6], [sflag:s4] =	dma.local [hbm:s3], $0xF7A  }
0x26: {  	[smem:$0x3F9F] =	sst s1;
	(tag) =	ssettag s2;
	_ =	strace s9  }
0x27: {  	s1 =	sld [smem:$0x3FAF]  }
0x28: {  	s2 =	sld [smem:$0x3FB0]  }
0x29: {  	s4 =	sld [smem:$0x3FB2]  }
0x2a: {  	p0 =	seq.s32 s5, $0x0;
	s5 =	sld [smem:$0x3FB3]  }
0x2b: {  	s6 =	sld [smem:$0x3FB4]  }
0x2c: {  	s7 =	sld [smem:$0x3FB5]  }
0x2d: {  	s3 =	simm.s32 $0x108;
	s8 =	sld [smem:$0x3FB6]  }
0x2e: {  	s3 =	simm.s32 @!p0 $0x1082;
	s9 =	sld [smem:$0x3FB7]  }
0x2f: {  	lr =	sadd.s32 s0, s3;
	s0 =	sld [smem:$0x3FAE]  }
0x30: {  	s3 =	sld [smem:$0x3FB1]  }
0x31: {  	[smem:$0x3FBA] =	sst s10  }
0x32: {  	s10 =	sld [smem:$0x3FB8];
	_ =	sdelay $0x3  }
0x33: {  	p0 =	seq.s32 s10, $0x1;
	s10 =	sld [smem:$0x3FBA];
	_ =	sdelay $0x3  }
0x34: {  	[smem:$0x3FBA] =	sst s10  }
0x35: {  	s10 =	sld [smem:$0x3FB9];
	_ =	sdelay $0x3  }
0x36: {  	p1 =	seq.s32 s10, $0x1;
	s10 =	sld [smem:$0x3FBA];
	_ =	sdelay $0x3  }
0x37: {  	[smem:$0x3FBA] =	sst s10  }
0x38: {  	s10 =	sld [smem:$0x3FBB]  }
0x39: {  	_ = 	snop;
	(pc) =	sbr.ind lr, $3  }
0x3a: {  	_ = 	snop  }
0x3b: {  	_ = 	snop  }
0x3c: {  	p2 =	seq.s32 s10, $0x1;
	s10 =	sld [smem:$0x3FBA]  }
0x3d: {  	_ =	shalt  }
0x3e: {  	_ =	shalt  }
0x3f: {  	_ =	shalt  }
0x40: {  	_ =	shalt  }
0x41: {  	_ =	shalt  }
0x42: {  	_ =	shalt  }
0x43: {  	_ =	shalt  }
0x44: {  	_ =	shalt  }
0x45: {  	_ =	shalt  }
0x46: {  	_ =	shalt  }
0x47: {  	_ =	shalt  }
0x48: {  	_ =	shalt  }
0x49: {  	_ =	shalt  }
0x4a: {  	_ =	shalt  }
0x4b: {  	_ =	shalt  }
0x4c: {  	_ =	shalt  }
0x4d: {  	_ =	shalt  }
0x4e: {  	_ =	shalt  }
0x4f: {  	_ =	shalt  }
0x50: {  	_ =	shalt  }
0x51: {  	_ =	shalt  }
0x52: {  	_ =	shalt  }
0x53: {  	_ =	shalt  }
0x54: {  	_ =	shalt  }
0x55: {  	_ =	shalt  }
0x56: {  	_ =	shalt  }
0x57: {  	_ =	shalt  }
0x58: {  	_ =	shalt  }
0x59: {  	_ =	shalt  }
0x5a: {  	_ =	shalt  }
0x5b: {  	_ =	shalt  }
0x5c: {  	_ =	shalt  }
0x5d: {  	_ =	shalt  }
0x5e: {  	_ =	shalt  }
0x5f: {  	_ =	shalt  }
0x60: {  	_ =	shalt  }
0x61: {  	_ =	shalt  }
0x62: {  	_ =	shalt  }
0x63: {  	_ =	shalt  }
0x64: {  	_ =	shalt  }
0x65: {  	_ =	shalt  }
0x66: {  	_ =	shalt  }
0x67: {  	_ =	shalt  }
0x68: {  	_ =	shalt  }
0x69: {  	_ =	shalt  }
0x6a: {  	_ =	shalt  }
0x6b: {  	_ =	shalt  }
0x6c: {  	_ =	shalt  }
0x6d: {  	_ =	shalt  }
0x6e: {  	_ =	shalt  }
0x6f: {  	_ =	shalt  }
0x70: {  	_ =	shalt  }
0x71: {  	_ =	shalt  }
0x72: {  	_ =	shalt  }
0x73: {  	_ =	shalt  }
0x74: {  	_ =	shalt  }
0x75: {  	_ =	shalt  }
0x76: {  	_ =	shalt  }
0x77: {  	_ =	shalt  }
0x78: {  	_ =	shalt  }
0x79: {  	_ =	shalt  }
0x7a: {  	_ =	shalt  }
0x7b: {  	_ =	shalt  }
0x7c: {  	_ =	shalt  }
0x7d: {  	_ =	shalt  }
0x7e: {  	_ =	shalt  }
0x7f: {  	_ =	shalt  }
0x80: {  	_ =	shalt  }
0x81: {  	_ =	shalt  }
0x82: {  	_ =	shalt  }
0x83: {  	_ =	shalt  }
0x84: {  	_ =	shalt  }
0x85: {  	_ =	shalt  }
0x86: {  	_ =	shalt  }
0x87: {  	_ =	shalt  }
.Lfunc_end0:
.L_simem_size_0:
called_computation_lowered:
.L_overlay_start_0:
0x88: {  	s2 =	sld [smem:$0x3FD9]  }
0x89: {  	s3 =	sld [smem:$0x3FFE];
	_ =	sdelay $0x1  }
0x8a: {  	s1 =	srdreg.scid  }
0x8b: {  	s0 =	sand.u32 $0x1, s1  }
0x8c: {  	s14 =	sshll.u32 s0, $0xA;
	s2 =	sadd.s32 s3, s2  }
0x8d: {  	s2 =	sadd.s32 s2, s14  }
0x8e: {  	[smem:$0x3FC6] =	sst s2  }
0x8f: {  	_ = 	snop  }
0x90: {  	s2 =	sld [smem:$0x3FD0];
	_ =	sdelay $0x2  }
0x91: {  	s15 =	simm.s32 $0xA;
	s4 =	simm.s32 $0x10  }
0x92: {  	[smem:s4], [sflag:s15] =	dma.local [hbm:s2], $0x1  }
0x93: {  	_ =	swait.eq [sflag:s15], $0x1  }
0x94: {  	[sflag:s15] =	ssyncset.done $0x0  }
0x95: {  	s16 =	sld [smem:$0x10];
	[sflag:s15] =	ssyncadd.s32 $0xFFFFFFFF  }
0x96: {  	s17 =	sld [smem:$0x12];
	(tm) =	ssettm $0x1  }
0x97: {  	s18 =	sld [smem:$0x3FFB];
	_ =	sdelay $0x3  }
0x98: {  	_ =	strace s18  }
0x99: {  	s4 =	sld [smem:$0x3FFC];
	_ =	sdelay $0x3  }
0x9a: {  	_ =	strace s4  }
0x9b: {  	s4 =	sld [smem:$0x3FFD];
	_ =	sdelay $0x3  }
0x9c: {  	_ =	strace s4  }
0x9d: {  	_ =	strace $0x8FFFFFFF  }
0x9e: {  	s19 =	sld [smem:$0x3FDB];
	_ =	sdelay $0x1  }
0x9f: {  	s5 =	simm.s32 $_scs_section_size  }
0xa0: {  	s6 =	simm.s32 $_size__tile_overlayer_lowered;
	s7 =	simm.s32 $_tile_overlayer_lowered  }
0xa1: {  	s22 =	simm.s32 $0x1BFF;
	s21 =	sshll.u32 s7, $0x1;
	s4 =	sadd.s32 s5, s19  }
0xa2: {  	s8 =	simm.s32 $0x0;
	s20 =	sshll.u32 s6, $0x1;
	s6 =	sadd.s32 s21, s4  }
0xa3: {  	[timem:s8], [sflag:s22] =	dma.local [hbm:s6], s20  }
0xa4: {  	_ =	swait.ge [sflag:s22], s20  }
0xa5: {  	s5 =	ssub.s32 $0x0, s20;
	[sflag:s22] =	ssyncset.done $0x0  }
0xa6: {  	[sflag:s22] =	ssyncadd.s32 s5;
	_ =	sdelay $0x1  }
0xa7: {  	s23 =	simm.s32 $0x1B8B  }
0xa8: {  	_ =	swait.ge [sflag:s23], $0x1  }
0xa9: {  	[sflag:s23] =	ssyncset.done $0x0  }
0xaa: {  	s25 =	simm.s32 $0x1B8E;
	s24 =	sld [smem:$0x3FFE];
	[sflag:s23] =	ssyncadd.s32 $0xFFFFFFFF  }
0xab: {  	s26 =	simm.s32 $execute0_lowered;
	[smem:$0x3FD2] =	sst s25  }
0xac: {  	s6 =	sshll.u32 s26, $0x1;
	_ =	strace $0x80000046;
	[dreg:$0x1] =	wrdreg $0xFFFFFFFF  }
0xad: {  	s28 =	simm.s32 $_size_execute0_lowered;
	s4 =	sadd.s32 s4, s6;
	[dreg:$0x0] =	wrdreg $0x0  }
0xae: {  	s6 =	sshll.u32 s28, $0x1;
	[dreg:$0x2] =	wrdreg s4  }
0xaf: {  	[dreg:$0x3] =	wrdreg s6  }
0xb0: {  	[dreg:$0x4] =	wrdreg $0xC0  }
0xb1: {  	_ =	task [dreg:s8], $0x5FFFF  }
0xb2: {  	[dreg:$0x1] =	wrdreg $0xFFFFFFFF  }
0xb3: {  	[dreg:$0x0] =	wrdreg $0x60  }
0xb4: {  	[dreg:$0x2] =	wrdreg s24  }
0xb5: {  	[dreg:$0x3] =	wrdreg s17  }
0xb6: {  	[dreg:$0x4] =	wrdreg s16  }
0xb7: {  	[dreg:$0x5] =	wrdreg $0x9  }
0xb8: {  	_ =	task.clear_ibuf [dreg:s8], $0x6FFFF;
	_ =	strace $0x90000046  }
0xb9: {  	s29 =	simm.s32 $0x9;
	_ =	strace $0x80000048  }
0xba: {  	_ =	swait.ge [sflag:s29], $0x1  }
0xbb: {  	[sflag:s29] =	ssyncadd.s32 $0xFFFFFFFF  }
0xbc: {  	_ =	strace $0x90000048  }
0xbd: {  	_ =	sfence  }
0xbe: {  	s30 =	sld [smem:$0x0];
	_ =	sdelay $0x2  }
0xbf: {  	s31 =	sshll.u32 s1, $0xD;
	s1 =	sshrl.u32 s1, $0x2  }
0xc0: {  	s3 =	sand.u32 $0x4000, s31;
	s1 =	sadd.s32 s1, s30  }
0xc1: {  	s0 =	sor.u32 s3, s0;
	s1 =	sshll.u32 s1, $0x11  }
0xc2: {  	s0 =	sor.u32 s1, s0  }
0xc3: {  	s0 =	sadd.s32 $0x8F2B, s0  }
0xc4: {  	[sflag:s0] =	ssyncadd.remote.s32 $0x1  }
0xc5: {  	_ =	sfence.sel $0xFFFF  }
0xc6: {  	[dreg:$0x0] =	wrdreg $0xFFFFFFFF;
	(pc) =	sbr.abs _section_cstart, $3  }
0xc7: {  	[dreg:$0x1] =	wrdreg $0xFFFFFFFF  }
0xc8: {  	_ =	task.clear_ibuf [dreg:s8], $0x2FFFF;
	_ =	strace $0x9FFFFFFF  }
0xc9: {  	(tm) =	ssettm $0x7FFFFFFF  }
tec
execute0_lowered:
.L_overlay_start_1:
0x0: {  	(tag) =	ssettag $0x1  }
0x1: {  	s3 =	rddreg [dreg:$0x0]  }
0x2: {  	s4 =	rddreg [dreg:$0x1]  }
0x3: {  	s5 =	rddreg [dreg:$0x2]  }
0x4: {  	s0 =	rddreg [dreg:$0x3]  }
0x5: {  	s2 =	simm.s32 $0x0;
	s6 =	srdreg.scid;
	s1 =	stileid.u32  }
0x6: {  	s10 =	simm.s32 $0x1080;
	s11 =	simm.s32 $0x1880;
	s12 =	simm.s32 $0x2080  }
0x7: {  	s13 =	simm.s32 $0x2880;
	s14 =	simm.s32 $0x3080;
	s15 =	simm.s32 $0x3880  }
0x8: {  	s16 =	simm.s32 $0x4080;
	s17 =	simm.s32 $0x4880;
	s18 =	simm.s32 $0x5080  }
0x9: {  	s19 =	simm.s32 $0x5880;
	s20 =	simm.s32 $0x6080;
	s21 =	simm.s32 $0x6880  }
0xa: {  	s22 =	simm.s32 $0x7080;
	s23 =	simm.s32 $0x7880;
	s24 =	simm.s32 $0x1  }
0xb: {  	[smem:$0x7FF] =	sst s2;
	s6 =	sand.u32 $0x1, s6;
	s8 =	sshll.u32 s1, $0x8  }
0xc: {  	s3 =	sadd.s32 $0x80000, s3;
	s7 =	ssub.s32 $0x2, s6;
	s6 =	sshll.u32 s6, $0x7  }
0xd: {  	_ =	strace $0x80000047;
	s9 =	sshrl.u32 s7, $0x1;
	s6 =	sor.u32 s6, s8  }
0xe: {  	v2 =	vlaneseq.u32;
	s7 =	ssub.s32 s7, s9;
	s8 =	sshrl.u32 s6, $0x3;
	s6 =	sshll.u32 s6, $0x5  }
0xf: {  	vm0 =	vmmov $0xffff;
	v1 =	vshrl.u32 v2, $0x3;
	s9 =	simm.s32 $0x880;
	s4 =	sadd.s32 s4, s8;
	s5 =	sadd.s32 s5, s6  }
0x10: {  	v0 =	vand.u32 $0x7, v2;
	v2 =	vor.u32 $0x8, v2;
	v1 =	vmul.u32 $0x8, v1;
	s6 =	smax.u32 s7, $0x1;
	s7 =	simm.s32 $0x2;
	s8 =	simm.s32 $0x80  }
.LBB2_1:
0x11: {  	[tilespmem:s2], [sflag:$0x2] =	stream.linear.gather [hbm4b:s4+s2], $0x80, $0x38;
	[tilespmem:$0x8080] =	vst v63  }
0x12: {  	_ =	swait.ge [sflag:s7], $0x80  }
0x13: {  	[sflag:s7] =	ssyncset.done $0x0  }
0x14: {  	[sflag:s7] =	ssyncadd.s32 $0xFFFFFF80  }
0x15: {  	v3 =	vld [tilespmem:$0x0];
	_ =	sdelay $0x4  }
0x16: {  	v4 =	vshll.u32 v3, $0x1  }
0x17: {  	v3 =	vand.u32 $0x7, v3;
	v4 =	vand.u32 $0xFFFFFFF0, v4  }
0x18: {  	v3 =	vor.u32 v3, v4  }
0x19: {  	v4 =	vperm.xlane v3, v0;
	_ =	sdelay $0x1  }
0x1a: {  	v3 =	vperm.xlane v3, v2;
	v4 =	vadd.s32 v1, v4;
	_ =	sdelay $0x1  }
0x1b: {  	v3 =	vadd.s32 v1, v3;
	_ =	sdelay $0x2  }
0x1c: {  	[tilespmem:s8], [sflag:$0x1] =	stream.indirect_vreg.gather [hbm4b:s3+s2], $0x80, v4, vm0, $0xb8;
	[tilespmem:$0x8080] =	vst v63  }
0x1d: {  	_ = 	snop  }
0x1e: {  	[tilespmem:s9], [sflag:$0x1] =	stream.indirect_vreg.gather [hbm4b:s3+s2], $0x80, v3, vm0, $0xb8;
	[tilespmem:$0x8080] =	vst v63  }
0x1f: {  	v3 =	vld [tilespmem:$0x10];
	_ =	sdelay $0x4  }
0x20: {  	v57 =	vshll.u32 v3, $0x1  }
0x21: {  	v3 =	vand.u32 $0x7, v3;
	v4 =	vand.u32 $0xFFFFFFF0, v57  }
0x22: {  	v3 =	vor.u32 v3, v4  }
0x23: {  	v4 =	vperm.xlane v3, v0;
	_ =	sdelay $0x1  }
0x24: {  	v3 =	vperm.xlane v3, v2;
	v4 =	vadd.s32 v1, v4;
	_ =	sdelay $0x1  }
0x25: {  	v3 =	vadd.s32 v1, v3;
	_ =	sdelay $0x2  }
0x26: {  	[tilespmem:s10], [sflag:$0x1] =	stream.indirect_vreg.gather [hbm4b:s3+s2], $0x80, v4, vm0, $0xb8;
	[tilespmem:$0x8080] =	vst v63  }
0x27: {  	_ = 	snop  }
0x28: {  	[tilespmem:s11], [sflag:$0x1] =	stream.indirect_vreg.gather [hbm4b:s3+s2], $0x80, v3, vm0, $0xb8;
	[tilespmem:$0x8080] =	vst v63  }
0x29: {  	v3 =	vld [tilespmem:$0x20];
	_ =	sdelay $0x4  }
0x2a: {  	v58 =	vshll.u32 v3, $0x1  }
0x2b: {  	v3 =	vand.u32 $0x7, v3;
	v4 =	vand.u32 $0xFFFFFFF0, v58  }
0x2c: {  	v3 =	vor.u32 v3, v4  }
0x2d: {  	v4 =	vperm.xlane v3, v0;
	_ =	sdelay $0x1  }
0x2e: {  	v3 =	vperm.xlane v3, v2;
	v4 =	vadd.s32 v1, v4;
	_ =	sdelay $0x1  }
0x2f: {  	v3 =	vadd.s32 v1, v3;
	_ =	sdelay $0x2  }
0x30: {  	[tilespmem:s12], [sflag:$0x1] =	stream.indirect_vreg.gather [hbm4b:s3+s2], $0x80, v4, vm0, $0xb8;
	[tilespmem:$0x8080] =	vst v63  }
0x31: {  	_ = 	snop  }
0x32: {  	[tilespmem:s13], [sflag:$0x1] =	stream.indirect_vreg.gather [hbm4b:s3+s2], $0x80, v3, vm0, $0xb8;
	[tilespmem:$0x8080] =	vst v63  }
0x33: {  	v3 =	vld [tilespmem:$0x30];
	_ =	sdelay $0x4  }
0x34: {  	v59 =	vshll.u32 v3, $0x1  }
0x35: {  	v3 =	vand.u32 $0x7, v3;
	v4 =	vand.u32 $0xFFFFFFF0, v59  }
0x36: {  	v3 =	vor.u32 v3, v4  }
0x37: {  	v4 =	vperm.xlane v3, v0;
	_ =	sdelay $0x1  }
0x38: {  	v3 =	vperm.xlane v3, v2;
	v4 =	vadd.s32 v1, v4;
	_ =	sdelay $0x1  }
0x39: {  	v3 =	vadd.s32 v1, v3;
	_ =	sdelay $0x2  }
0x3a: {  	[tilespmem:s14], [sflag:$0x1] =	stream.indirect_vreg.gather [hbm4b:s3+s2], $0x80, v4, vm0, $0xb8;
	[tilespmem:$0x8080] =	vst v63  }
0x3b: {  	_ = 	snop  }
0x3c: {  	[tilespmem:s15], [sflag:$0x1] =	stream.indirect_vreg.gather [hbm4b:s3+s2], $0x80, v3, vm0, $0xb8;
	[tilespmem:$0x8080] =	vst v63  }
0x3d: {  	v3 =	vld [tilespmem:$0x40];
	_ =	sdelay $0x4  }
0x3e: {  	v60 =	vshll.u32 v3, $0x1  }
0x3f: {  	v3 =	vand.u32 $0x7, v3;
	v4 =	vand.u32 $0xFFFFFFF0, v60  }
0x40: {  	v3 =	vor.u32 v3, v4  }
0x41: {  	v4 =	vperm.xlane v3, v0;
	_ =	sdelay $0x1  }
0x42: {  	v3 =	vperm.xlane v3, v2;
	v4 =	vadd.s32 v1, v4;
	_ =	sdelay $0x1  }
0x43: {  	v3 =	vadd.s32 v1, v3;
	_ =	sdelay $0x2  }
0x44: {  	[tilespmem:s16], [sflag:$0x1] =	stream.indirect_vreg.gather [hbm4b:s3+s2], $0x80, v4, vm0, $0xb8;
	[tilespmem:$0x8080] =	vst v63  }
0x45: {  	_ = 	snop  }
0x46: {  	[tilespmem:s17], [sflag:$0x1] =	stream.indirect_vreg.gather [hbm4b:s3+s2], $0x80, v3, vm0, $0xb8;
	[tilespmem:$0x8080] =	vst v63  }
0x47: {  	v3 =	vld [tilespmem:$0x50];
	_ =	sdelay $0x4  }
0x48: {  	v61 =	vshll.u32 v3, $0x1  }
0x49: {  	v3 =	vand.u32 $0x7, v3;
	v4 =	vand.u32 $0xFFFFFFF0, v61  }
0x4a: {  	v3 =	vor.u32 v3, v4  }
0x4b: {  	v4 =	vperm.xlane v3, v0;
	_ =	sdelay $0x1  }
0x4c: {  	v3 =	vperm.xlane v3, v2;
	v4 =	vadd.s32 v1, v4;
	_ =	sdelay $0x1  }
0x4d: {  	v3 =	vadd.s32 v1, v3;
	_ =	sdelay $0x2  }
0x4e: {  	[tilespmem:s18], [sflag:$0x1] =	stream.indirect_vreg.gather [hbm4b:s3+s2], $0x80, v4, vm0, $0xb8;
	[tilespmem:$0x8080] =	vst v63  }
0x4f: {  	_ = 	snop  }
0x50: {  	[tilespmem:s19], [sflag:$0x1] =	stream.indirect_vreg.gather [hbm4b:s3+s2], $0x80, v3, vm0, $0xb8;
	[tilespmem:$0x8080] =	vst v63  }
0x51: {  	v3 =	vld [tilespmem:$0x60];
	_ =	sdelay $0x4  }
0x52: {  	v62 =	vshll.u32 v3, $0x1  }
0x53: {  	v3 =	vand.u32 $0x7, v3;
	v4 =	vand.u32 $0xFFFFFFF0, v62  }
0x54: {  	v3 =	vor.u32 v3, v4  }
0x55: {  	v4 =	vperm.xlane v3, v0;
	_ =	sdelay $0x1  }
0x56: {  	v3 =	vperm.xlane v3, v2;
	v4 =	vadd.s32 v1, v4;
	_ =	sdelay $0x1  }
0x57: {  	v3 =	vadd.s32 v1, v3;
	_ =	sdelay $0x2  }
0x58: {  	[tilespmem:s20], [sflag:$0x1] =	stream.indirect_vreg.gather [hbm4b:s3+s2], $0x80, v4, vm0, $0xb8;
	[tilespmem:$0x8080] =	vst v63  }
0x59: {  	_ = 	snop  }
0x5a: {  	[tilespmem:s21], [sflag:$0x1] =	stream.indirect_vreg.gather [hbm4b:s3+s2], $0x80, v3, vm0, $0xb8;
	[tilespmem:$0x8080] =	vst v63  }
0x5b: {  	v3 =	vld [tilespmem:$0x70];
	_ =	sdelay $0x4  }
0x5c: {  	v63 =	vshll.u32 v3, $0x1  }
0x5d: {  	v3 =	vand.u32 $0x7, v3;
	v4 =	vand.u32 $0xFFFFFFF0, v63  }
0x5e: {  	v3 =	vor.u32 v3, v4  }
0x5f: {  	v4 =	vperm.xlane v3, v0;
	_ =	sdelay $0x1  }
0x60: {  	v3 =	vperm.xlane v3, v2;
	v4 =	vadd.s32 v1, v4;
	_ =	sdelay $0x1  }
0x61: {  	v3 =	vadd.s32 v1, v3;
	_ =	sdelay $0x2  }
0x62: {  	[tilespmem:s22], [sflag:$0x1] =	stream.indirect_vreg.gather [hbm4b:s3+s2], $0x80, v4, vm0, $0xb8;
	[tilespmem:$0x8080] =	vst v63  }
0x63: {  	_ = 	snop  }
0x64: {  	[tilespmem:s23], [sflag:$0x1] =	stream.indirect_vreg.gather [hbm4b:s3+s2], $0x80, v3, vm0, $0xb8;
	[tilespmem:$0x8080] =	vst v63  }
0x65: {  	_ =	swait.ge [sflag:s24], $0x8000  }
0x66: {  	p0 =	sne.s32 s6, $0x1;
	[sflag:s24] =	ssyncset.done $0x0  }
.Ltmp0:
0x67: {  	[sflag:s24] =	ssyncadd.s32 $0xFFFF8000;
	(pc) =	sbr.rel @p0 .LBB2_1-.Ltmp0, $4  }
0x68: {  	[hbm4b:s5+s2] =	stream.linear.scatter [tilespmem:s8], [sflag:$0x2], $0x8000, $0x38;
	[tilespmem:$0x8080] =	vst v63  }
0x69: {  	_ =	swait.ge [sflag:s7], $0x8000  }
0x6a: {  	[sflag:s7] =	ssyncset.done $0x0  }
0x6b: {  	s6 =	sadd.s32 $0xFFFFFFFF, s6;
	[sflag:s7] =	ssyncadd.s32 $0xFFFF8000  }
0x6c: {  	_ =	sfence.sel $0x180000  }
0x6d: {  	[bflag:$0x0] =	sbarrier.arrive $0xFFFF  }
0x6e: {  	p0 =	sne.s32 s1, $0x0;
	_ =	strace $0x90000047  }
0x6f: {  	s0 =	sadd.s32 @!p0 $0x100000, s0;
	[bflag:$0x2] =	sbarrier.arrive $0xFFFF  }
0x70: {  	[sflag:s0] =	ssyncadd.tile.s32 @!p0 $0x1;
	_ =	shalt  }
.Lfunc_end2:
_tile_overlayer_lowered:
.L_overlay_start_2:
0x71: {  	(tag) =	ssettag $0x2  }
0x72: {  	s0 =	rddreg [dreg:$0x0];
	s2 =	stileid.u32  }
0x73: {  	s1 =	rddreg [dreg:$0x1];
	p0 =	sne.s32 s2, $0x0  }
0x74: {  	s3 =	rddreg [dreg:$0x2];
	[bflag:$0x3] =	sbarrier.arrive $0xFFFF;
	s2 =	simm.s32 @!p0 $0x1C02  }
0x75: {  	[timem:s3], [sflag:s2] =	dma.local @!p0 [hbm:s0], s1  }
0x76: {  	s0 =	simm.s32 @!p0 $0x2  }
0x77: {  	_ =	swait.ge @!p0 [sflag:s0], s1  }
0x78: {  	s1 =	ssub.s32 @!p0 $0x0, s1;
	[sflag:s0] =	ssyncset.done @!p0 $0x0  }
0x79: {  	[sflag:s0] =	ssyncadd.s32 @!p0 s1  }
0x7a: {  	[bflag:$0x3] =	sbarrier.arrive $0xFFFF  }
0x7b: {  	_ =	shalt  }

// kernel: kernel.13.cloned.1.call-start
scs
__scs_entry_jumppad:
0x0: {  	(pc) =	sbr.rel $0x88, $3  }
0x1: {  	(tag) =	ssettag $0x0;
	lr =	simm.s32 $0x1  }
0x2: {  	[smem:$0x3F9F] =	sst lr;
	_ =	strace $0xD0000000  }
0x3: {  	_ = 	snop  }
0x4: {  	_ = 	snop  }
0x5: {  	_ = 	snop  }
0x6: {  	_ = 	snop  }
0x7: {  	_ = 	snop  }
__scs_overlays_trampoline_lowered:
0x8: {  	[smem:$0x3FAE] =	sst s0  }
0x9: {  	[smem:$0x3FAF] =	sst s1  }
0xa: {  	[smem:$0x3FB0] =	sst s2  }
0xb: {  	[smem:$0x3FB1] =	sst s3  }
0xc: {  	[smem:$0x3FB2] =	sst s4  }
0xd: {  	[smem:$0x3FB3] =	sst s5  }
0xe: {  	[smem:$0x3FB4] =	sst s6  }
0xf: {  	[smem:$0x3FB5] =	sst s7  }
0x10: {  	[smem:$0x3FB6] =	sst s8  }
0x11: {  	[smem:$0x3FB7] =	sst s9;
	s0 =	simm.s32 @!p0 $0x0  }
0x12: {  	s1 =	sld [smem:$0x3F9D];
	s0 =	simm.s32 @p0 $0x1  }
0x13: {  	[smem:$0x3FB8] =	sst s0;
	s0 =	simm.s32 @!p1 $0x0  }
0x14: {  	s2 =	sld [smem:$0x3F9C];
	s0 =	simm.s32 @p1 $0x1  }
0x15: {  	[smem:$0x3FB9] =	sst s0;
	s0 =	simm.s32 @!p2 $0x0  }
0x16: {  	s3 =	sld [smem:$0x3FDB];
	s0 =	simm.s32 @p2 $0x1  }
0x17: {  	s4 =	simm.s32 $0x1BF5;
	[smem:$0x3FBB] =	sst s0  }
0x18: {  	s0 =	sld [smem:$0x3F9E];
	_ =	swait.ge [sflag:s4], $0x0  }
0x19: {  	s7 =	sld [smem:$0x3F9F]  }
0x1a: {  	s8 =	sadd.s32 $0xFFFFE003, lr  }
0x1b: {  	s9 =	sadd.s32 $0xFFFFFEF7, lr;
	s5 =	simm.s32 $0xFFFFFFFF;
	p2 =	slt.u32 s8, $0xFFFFF086  }
0x1c: {  	p1 =	slt.u32 s9, $0xF7A;
	s5 =	simm.s32 @!p2 $0x0  }
0x1d: {  	s5 =	simm.s32 @p1 $0x1;
	p0 =	seq.s32 s7, s2  }
0x1e: {  	s7 =	smul.u32 @!p0 $0xF7A, s2;
	p2 =	seq.s32 @!p0 s5, $0x0  }
0x1f: {  	s9 =	smul.u32 $0xF7A, s1;
	s8 =	simm.s32 @!p0 $0x1BF5;
	p2 =	por !p2, p0  }
0x20: {  	[sflag:s8] =	ssyncset.s32 @!p0 $0xFFFFF086;
	s6 =	sadd.s32 @!p0 s3, s7;
	s7 =	simm.s32 @!p0 $0x108  }
0x21: {  	s3 =	sadd.s32 s3, s9;
	s6 =	sadd.s32 @!p0 $0x88, s6;
	s7 =	simm.s32 @p2 $0x1082  }
0x22: {  	[simem:s7], [sflag:s8] =	dma.local @!p0 [hbm:s6], $0xF7A  }
0x23: {  	s9 =	sor.u32 $0xD0000000, s2;
	s6 =	simm.s32 $0x108;
	_ =	swait.ge @!p0 [sflag:s8], $0x0  }
0x24: {  	s3 =	sadd.s32 $0x88, s3;
	s6 =	simm.s32 @!p1 $0x1082;
	[sflag:s4] =	ssyncset.s32 $0xFFFFF086  }
0x25: {  	[simem:s6], [sflag:s4] =	dma.local [hbm:s3], $0xF7A  }
0x26: {  	[smem:$0x3F9F] =	sst s1;
	(tag) =	ssettag s2;
	_ =	strace s9  }
0x27: {  	s1 =	sld [smem:$0x3FAF]  }
0x28: {  	s2 =	sld [smem:$0x3FB0]  }
0x29: {  	s4 =	sld [smem:$0x3FB2]  }
0x2a: {  	p0 =	seq.s32 s5, $0x0;
	s5 =	sld [smem:$0x3FB3]  }
0x2b: {  	s6 =	sld [smem:$0x3FB4]  }
0x2c: {  	s7 =	sld [smem:$0x3FB5]  }
0x2d: {  	s3 =	simm.s32 $0x108;
	s8 =	sld [smem:$0x3FB6]  }
0x2e: {  	s3 =	simm.s32 @!p0 $0x1082;
	s9 =	sld [smem:$0x3FB7]  }
0x2f: {  	lr =	sadd.s32 s0, s3;
	s0 =	sld [smem:$0x3FAE]  }
0x30: {  	s3 =	sld [smem:$0x3FB1]  }
0x31: {  	[smem:$0x3FBA] =	sst s10  }
0x32: {  	s10 =	sld [smem:$0x3FB8];
	_ =	sdelay $0x3  }
0x33: {  	p0 =	seq.s32 s10, $0x1;
	s10 =	sld [smem:$0x3FBA];
	_ =	sdelay $0x3  }
0x34: {  	[smem:$0x3FBA] =	sst s10  }
0x35: {  	s10 =	sld [smem:$0x3FB9];
	_ =	sdelay $0x3  }
0x36: {  	p1 =	seq.s32 s10, $0x1;
	s10 =	sld [smem:$0x3FBA];
	_ =	sdelay $0x3  }
0x37: {  	[smem:$0x3FBA] =	sst s10  }
0x38: {  	s10 =	sld [smem:$0x3FBB]  }
0x39: {  	_ = 	snop;
	(pc) =	sbr.ind lr, $3  }
0x3a: {  	_ = 	snop  }
0x3b: {  	_ = 	snop  }
0x3c: {  	p2 =	seq.s32 s10, $0x1;
	s10 =	sld [smem:$0x3FBA]  }
0x3d: {  	_ =	shalt  }
0x3e: {  	_ =	shalt  }
0x3f: {  	_ =	shalt  }
0x40: {  	_ =	shalt  }
0x41: {  	_ =	shalt  }
0x42: {  	_ =	shalt  }
0x43: {  	_ =	shalt  }
0x44: {  	_ =	shalt  }
0x45: {  	_ =	shalt  }
0x46: {  	_ =	shalt  }
0x47: {  	_ =	shalt  }
0x48: {  	_ =	shalt  }
0x49: {  	_ =	shalt  }
0x4a: {  	_ =	shalt  }
0x4b: {  	_ =	shalt  }
0x4c: {  	_ =	shalt  }
0x4d: {  	_ =	shalt  }
0x4e: {  	_ =	shalt  }
0x4f: {  	_ =	shalt  }
0x50: {  	_ =	shalt  }
0x51: {  	_ =	shalt  }
0x52: {  	_ =	shalt  }
0x53: {  	_ =	shalt  }
0x54: {  	_ =	shalt  }
0x55: {  	_ =	shalt  }
0x56: {  	_ =	shalt  }
0x57: {  	_ =	shalt  }
0x58: {  	_ =	shalt  }
0x59: {  	_ =	shalt  }
0x5a: {  	_ =	shalt  }
0x5b: {  	_ =	shalt  }
0x5c: {  	_ =	shalt  }
0x5d: {  	_ =	shalt  }
0x5e: {  	_ =	shalt  }
0x5f: {  	_ =	shalt  }
0x60: {  	_ =	shalt  }
0x61: {  	_ =	shalt  }
0x62: {  	_ =	shalt  }
0x63: {  	_ =	shalt  }
0x64: {  	_ =	shalt  }
0x65: {  	_ =	shalt  }
0x66: {  	_ =	shalt  }
0x67: {  	_ =	shalt  }
0x68: {  	_ =	shalt  }
0x69: {  	_ =	shalt  }
0x6a: {  	_ =	shalt  }
0x6b: {  	_ =	shalt  }
0x6c: {  	_ =	shalt  }
0x6d: {  	_ =	shalt  }
0x6e: {  	_ =	shalt  }
0x6f: {  	_ =	shalt  }
0x70: {  	_ =	shalt  }
0x71: {  	_ =	shalt  }
0x72: {  	_ =	shalt  }
0x73: {  	_ =	shalt  }
0x74: {  	_ =	shalt  }
0x75: {  	_ =	shalt  }
0x76: {  	_ =	shalt  }
0x77: {  	_ =	shalt  }
0x78: {  	_ =	shalt  }
0x79: {  	_ =	shalt  }
0x7a: {  	_ =	shalt  }
0x7b: {  	_ =	shalt  }
0x7c: {  	_ =	shalt  }
0x7d: {  	_ =	shalt  }
0x7e: {  	_ =	shalt  }
0x7f: {  	_ =	shalt  }
0x80: {  	_ =	shalt  }
0x81: {  	_ =	shalt  }
0x82: {  	_ =	shalt  }
0x83: {  	_ =	shalt  }
0x84: {  	_ =	shalt  }
0x85: {  	_ =	shalt  }
0x86: {  	_ =	shalt  }
0x87: {  	_ =	shalt  }
.Lfunc_end0:
.L_simem_size_0:
called_computation.1_lowered:
.L_overlay_start_0:
0x88: {  	s2 =	sld [smem:$0x3FD9]  }
0x89: {  	s3 =	sld [smem:$0x3FFE];
	_ =	sdelay $0x1  }
0x8a: {  	s1 =	srdreg.scid  }
0x8b: {  	s0 =	sand.u32 $0x1, s1  }
0x8c: {  	s14 =	sshll.u32 s0, $0xA;
	s2 =	sadd.s32 s3, s2  }
0x8d: {  	s2 =	sadd.s32 s2, s14  }
0x8e: {  	[smem:$0x3FC6] =	sst s2  }
0x8f: {  	_ = 	snop  }
0x90: {  	s2 =	sld [smem:$0x3FD0];
	_ =	sdelay $0x2  }
0x91: {  	s15 =	simm.s32 $0xA;
	s4 =	simm.s32 $0x10  }
0x92: {  	[smem:s4], [sflag:s15] =	dma.local [hbm:s2], $0x1  }
0x93: {  	_ =	swait.eq [sflag:s15], $0x1  }
0x94: {  	[sflag:s15] =	ssyncset.done $0x0  }
0x95: {  	s16 =	sld [smem:$0x10];
	[sflag:s15] =	ssyncadd.s32 $0xFFFFFFFF  }
0x96: {  	s17 =	sld [smem:$0x12];
	(tm) =	ssettm $0x1  }
0x97: {  	s18 =	sld [smem:$0x3FFB];
	_ =	sdelay $0x3  }
0x98: {  	_ =	strace s18  }
0x99: {  	s4 =	sld [smem:$0x3FFC];
	_ =	sdelay $0x3  }
0x9a: {  	_ =	strace s4  }
0x9b: {  	s4 =	sld [smem:$0x3FFD];
	_ =	sdelay $0x3  }
0x9c: {  	_ =	strace s4  }
0x9d: {  	_ =	strace $0x8FFFFFFF  }
0x9e: {  	s19 =	sld [smem:$0x3FDB];
	_ =	sdelay $0x1  }
0x9f: {  	s5 =	simm.s32 $_scs_section_size  }
0xa0: {  	s6 =	simm.s32 $_size__tile_overlayer_lowered;
	s7 =	simm.s32 $_tile_overlayer_lowered  }
0xa1: {  	s22 =	simm.s32 $0x1BFF;
	s21 =	sshll.u32 s7, $0x1;
	s4 =	sadd.s32 s5, s19  }
0xa2: {  	s8 =	simm.s32 $0x0;
	s20 =	sshll.u32 s6, $0x1;
	s6 =	sadd.s32 s21, s4  }
0xa3: {  	[timem:s8], [sflag:s22] =	dma.local [hbm:s6], s20  }
0xa4: {  	_ =	swait.ge [sflag:s22], s20  }
0xa5: {  	s5 =	ssub.s32 $0x0, s20;
	[sflag:s22] =	ssyncset.done $0x0  }
0xa6: {  	[sflag:s22] =	ssyncadd.s32 s5;
	_ =	sdelay $0x1  }
0xa7: {  	s23 =	simm.s32 $0x1B8B  }
0xa8: {  	_ =	swait.ge [sflag:s23], $0x1  }
0xa9: {  	[sflag:s23] =	ssyncset.done $0x0  }
0xaa: {  	s25 =	simm.s32 $0x1B8E;
	s24 =	sld [smem:$0x3FFE];
	[sflag:s23] =	ssyncadd.s32 $0xFFFFFFFF  }
0xab: {  	s26 =	simm.s32 $execute0_lowered;
	[smem:$0x3FD2] =	sst s25  }
0xac: {  	s6 =	sshll.u32 s26, $0x1;
	_ =	strace $0x80000049;
	[dreg:$0x1] =	wrdreg $0xFFFFFFFF  }
0xad: {  	s28 =	simm.s32 $_size_execute0_lowered;
	s4 =	sadd.s32 s4, s6;
	[dreg:$0x0] =	wrdreg $0x0  }
0xae: {  	s6 =	sshll.u32 s28, $0x1;
	[dreg:$0x2] =	wrdreg s4  }
0xaf: {  	[dreg:$0x3] =	wrdreg s6  }
0xb0: {  	[dreg:$0x4] =	wrdreg $0xC0  }
0xb1: {  	_ =	task [dreg:s8], $0x5FFFF  }
0xb2: {  	[dreg:$0x1] =	wrdreg $0xFFFFFFFF  }
0xb3: {  	[dreg:$0x0] =	wrdreg $0x60  }
0xb4: {  	[dreg:$0x2] =	wrdreg s24  }
0xb5: {  	[dreg:$0x3] =	wrdreg s17  }
0xb6: {  	[dreg:$0x4] =	wrdreg s16  }
0xb7: {  	[dreg:$0x5] =	wrdreg $0x9  }
0xb8: {  	_ =	task.clear_ibuf [dreg:s8], $0x6FFFF;
	_ =	strace $0x90000049  }
0xb9: {  	s29 =	simm.s32 $0x9;
	_ =	strace $0x8000004B  }
0xba: {  	_ =	swait.ge [sflag:s29], $0x1  }
0xbb: {  	[sflag:s29] =	ssyncadd.s32 $0xFFFFFFFF  }
0xbc: {  	_ =	strace $0x9000004B  }
0xbd: {  	_ =	sfence  }
0xbe: {  	s30 =	sld [smem:$0x0];
	_ =	sdelay $0x2  }
0xbf: {  	s31 =	sshll.u32 s1, $0xD;
	s1 =	sshrl.u32 s1, $0x2  }
0xc0: {  	s3 =	sand.u32 $0x4000, s31;
	s1 =	sadd.s32 s1, s30  }
0xc1: {  	s0 =	sor.u32 s3, s0;
	s1 =	sshll.u32 s1, $0x11  }
0xc2: {  	s0 =	sor.u32 s1, s0  }
0xc3: {  	s0 =	sadd.s32 $0x8F2B, s0  }
0xc4: {  	[sflag:s0] =	ssyncadd.remote.s32 $0x1  }
0xc5: {  	_ =	sfence.sel $0xFFFF  }
0xc6: {  	[dreg:$0x0] =	wrdreg $0xFFFFFFFF;
	(pc) =	sbr.abs _section_cstart, $3  }
0xc7: {  	[dreg:$0x1] =	wrdreg $0xFFFFFFFF  }
0xc8: {  	_ =	task.clear_ibuf [dreg:s8], $0x2FFFF;
	_ =	strace $0x9FFFFFFF  }
0xc9: {  	(tm) =	ssettm $0x7FFFFFFF  }
tec
execute0_lowered:
.L_overlay_start_1:
0x0: {  	(tag) =	ssettag $0x1  }
0x1: {  	s3 =	rddreg [dreg:$0x0]  }
0x2: {  	s4 =	rddreg [dreg:$0x1]  }
0x3: {  	s5 =	rddreg [dreg:$0x2]  }
0x4: {  	s0 =	rddreg [dreg:$0x3]  }
0x5: {  	s2 =	simm.s32 $0x0;
	s6 =	srdreg.scid;
	s1 =	stileid.u32  }
0x6: {  	s10 =	simm.s32 $0x1080;
	s11 =	simm.s32 $0x1880;
	s12 =	simm.s32 $0x2080  }
0x7: {  	s13 =	simm.s32 $0x2880;
	s14 =	simm.s32 $0x3080;
	s15 =	simm.s32 $0x3880  }
0x8: {  	s16 =	simm.s32 $0x4080;
	s17 =	simm.s32 $0x4880;
	s18 =	simm.s32 $0x5080  }
0x9: {  	s19 =	simm.s32 $0x5880;
	s20 =	simm.s32 $0x6080;
	s21 =	simm.s32 $0x6880  }
0xa: {  	s22 =	simm.s32 $0x7080;
	s23 =	simm.s32 $0x7880;
	s24 =	simm.s32 $0x1  }
0xb: {  	[smem:$0x7FF] =	sst s2;
	s6 =	sand.u32 $0x1, s6;
	s8 =	sshll.u32 s1, $0x8  }
0xc: {  	s3 =	sadd.s32 $0xC0000, s3;
	s7 =	ssub.s32 $0x2, s6;
	s6 =	sshll.u32 s6, $0x7  }
0xd: {  	_ =	strace $0x8000004A;
	s9 =	sshrl.u32 s7, $0x1;
	s6 =	sor.u32 s6, s8  }
0xe: {  	v2 =	vlaneseq.u32;
	s7 =	ssub.s32 s7, s9;
	s8 =	sshrl.u32 s6, $0x3;
	s6 =	sshll.u32 s6, $0x5  }
0xf: {  	vm0 =	vmmov $0xffff;
	v1 =	vshrl.u32 v2, $0x3;
	s9 =	simm.s32 $0x880;
	s4 =	sadd.s32 s4, s8;
	s5 =	sadd.s32 s5, s6  }
0x10: {  	v0 =	vand.u32 $0x7, v2;
	v2 =	vor.u32 $0x8, v2;
	v1 =	vmul.u32 $0x8, v1;
	s6 =	smax.u32 s7, $0x1;
	s7 =	simm.s32 $0x2;
	s8 =	simm.s32 $0x80  }
.LBB2_1:
0x11: {  	[tilespmem:s2], [sflag:$0x2] =	stream.linear.gather [hbm4b:s4+s2], $0x80, $0x38;
	[tilespmem:$0x8080] =	vst v63  }
0x12: {  	_ =	swait.ge [sflag:s7], $0x80  }
0x13: {  	[sflag:s7] =	ssyncset.done $0x0  }
0x14: {  	[sflag:s7] =	ssyncadd.s32 $0xFFFFFF80  }
0x15: {  	v3 =	vld [tilespmem:$0x0];
	_ =	sdelay $0x4  }
0x16: {  	v4 =	vshll.u32 v3, $0x1  }
0x17: {  	v3 =	vand.u32 $0x7, v3;
	v4 =	vand.u32 $0xFFFFFFF0, v4  }
0x18: {  	v3 =	vor.u32 v3, v4  }
0x19: {  	v4 =	vperm.xlane v3, v0;
	_ =	sdelay $0x1  }
0x1a: {  	v3 =	vperm.xlane v3, v2;
	v4 =	vadd.s32 v1, v4;
	_ =	sdelay $0x1  }
0x1b: {  	v3 =	vadd.s32 v1, v3;
	_ =	sdelay $0x2  }
0x1c: {  	[tilespmem:s8], [sflag:$0x1] =	stream.indirect_vreg.gather [hbm4b:s3+s2], $0x80, v4, vm0, $0xb8;
	[tilespmem:$0x8080] =	vst v63  }
0x1d: {  	_ = 	snop  }
0x1e: {  	[tilespmem:s9], [sflag:$0x1] =	stream.indirect_vreg.gather [hbm4b:s3+s2], $0x80, v3, vm0, $0xb8;
	[tilespmem:$0x8080] =	vst v63  }
0x1f: {  	v3 =	vld [tilespmem:$0x10];
	_ =	sdelay $0x4  }
0x20: {  	v57 =	vshll.u32 v3, $0x1  }
0x21: {  	v3 =	vand.u32 $0x7, v3;
	v4 =	vand.u32 $0xFFFFFFF0, v57  }
0x22: {  	v3 =	vor.u32 v3, v4  }
0x23: {  	v4 =	vperm.xlane v3, v0;
	_ =	sdelay $0x1  }
0x24: {  	v3 =	vperm.xlane v3, v2;
	v4 =	vadd.s32 v1, v4;
	_ =	sdelay $0x1  }
0x25: {  	v3 =	vadd.s32 v1, v3;
	_ =	sdelay $0x2  }
0x26: {  	[tilespmem:s10], [sflag:$0x1] =	stream.indirect_vreg.gather [hbm4b:s3+s2], $0x80, v4, vm0, $0xb8;
	[tilespmem:$0x8080] =	vst v63  }
0x27: {  	_ = 	snop  }
0x28: {  	[tilespmem:s11], [sflag:$0x1] =	stream.indirect_vreg.gather [hbm4b:s3+s2], $0x80, v3, vm0, $0xb8;
	[tilespmem:$0x8080] =	vst v63  }
0x29: {  	v3 =	vld [tilespmem:$0x20];
	_ =	sdelay $0x4  }
0x2a: {  	v58 =	vshll.u32 v3, $0x1  }
0x2b: {  	v3 =	vand.u32 $0x7, v3;
	v4 =	vand.u32 $0xFFFFFFF0, v58  }
0x2c: {  	v3 =	vor.u32 v3, v4  }
0x2d: {  	v4 =	vperm.xlane v3, v0;
	_ =	sdelay $0x1  }
0x2e: {  	v3 =	vperm.xlane v3, v2;
	v4 =	vadd.s32 v1, v4;
	_ =	sdelay $0x1  }
0x2f: {  	v3 =	vadd.s32 v1, v3;
	_ =	sdelay $0x2  }
0x30: {  	[tilespmem:s12], [sflag:$0x1] =	stream.indirect_vreg.gather [hbm4b:s3+s2], $0x80, v4, vm0, $0xb8;
	[tilespmem:$0x8080] =	vst v63  }
0x31: {  	_ = 	snop  }
0x32: {  	[tilespmem:s13], [sflag:$0x1] =	stream.indirect_vreg.gather [hbm4b:s3+s2], $0x80, v3, vm0, $0xb8;
	[tilespmem:$0x8080] =	vst v63  }
0x33: {  	v3 =	vld [tilespmem:$0x30];
	_ =	sdelay $0x4  }
0x34: {  	v59 =	vshll.u32 v3, $0x1  }
0x35: {  	v3 =	vand.u32 $0x7, v3;
	v4 =	vand.u32 $0xFFFFFFF0, v59  }
0x36: {  	v3 =	vor.u32 v3, v4  }
0x37: {  	v4 =	vperm.xlane v3, v0;
	_ =	sdelay $0x1  }
0x38: {  	v3 =	vperm.xlane v3, v2;
	v4 =	vadd.s32 v1, v4;
	_ =	sdelay $0x1  }
0x39: {  	v3 =	vadd.s32 v1, v3;
	_ =	sdelay $0x2  }
0x3a: {  	[tilespmem:s14], [sflag:$0x1] =	stream.indirect_vreg.gather [hbm4b:s3+s2], $0x80, v4, vm0, $0xb8;
	[tilespmem:$0x8080] =	vst v63  }
0x3b: {  	_ = 	snop  }
0x3c: {  	[tilespmem:s15], [sflag:$0x1] =	stream.indirect_vreg.gather [hbm4b:s3+s2], $0x80, v3, vm0, $0xb8;
	[tilespmem:$0x8080] =	vst v63  }
0x3d: {  	v3 =	vld [tilespmem:$0x40];
	_ =	sdelay $0x4  }
0x3e: {  	v60 =	vshll.u32 v3, $0x1  }
0x3f: {  	v3 =	vand.u32 $0x7, v3;
	v4 =	vand.u32 $0xFFFFFFF0, v60  }
0x40: {  	v3 =	vor.u32 v3, v4  }
0x41: {  	v4 =	vperm.xlane v3, v0;
	_ =	sdelay $0x1  }
0x42: {  	v3 =	vperm.xlane v3, v2;
	v4 =	vadd.s32 v1, v4;
	_ =	sdelay $0x1  }
0x43: {  	v3 =	vadd.s32 v1, v3;
	_ =	sdelay $0x2  }
0x44: {  	[tilespmem:s16], [sflag:$0x1] =	stream.indirect_vreg.gather [hbm4b:s3+s2], $0x80, v4, vm0, $0xb8;
	[tilespmem:$0x8080] =	vst v63  }
0x45: {  	_ = 	snop  }
0x46: {  	[tilespmem:s17], [sflag:$0x1] =	stream.indirect_vreg.gather [hbm4b:s3+s2], $0x80, v3, vm0, $0xb8;
	[tilespmem:$0x8080] =	vst v63  }
0x47: {  	v3 =	vld [tilespmem:$0x50];
	_ =	sdelay $0x4  }
0x48: {  	v61 =	vshll.u32 v3, $0x1  }
0x49: {  	v3 =	vand.u32 $0x7, v3;
	v4 =	vand.u32 $0xFFFFFFF0, v61  }
0x4a: {  	v3 =	vor.u32 v3, v4  }
0x4b: {  	v4 =	vperm.xlane v3, v0;
	_ =	sdelay $0x1  }
0x4c: {  	v3 =	vperm.xlane v3, v2;
	v4 =	vadd.s32 v1, v4;
	_ =	sdelay $0x1  }
0x4d: {  	v3 =	vadd.s32 v1, v3;
	_ =	sdelay $0x2  }
0x4e: {  	[tilespmem:s18], [sflag:$0x1] =	stream.indirect_vreg.gather [hbm4b:s3+s2], $0x80, v4, vm0, $0xb8;
	[tilespmem:$0x8080] =	vst v63  }
0x4f: {  	_ = 	snop  }
0x50: {  	[tilespmem:s19], [sflag:$0x1] =	stream.indirect_vreg.gather [hbm4b:s3+s2], $0x80, v3, vm0, $0xb8;
	[tilespmem:$0x8080] =	vst v63  }
0x51: {  	v3 =	vld [tilespmem:$0x60];
	_ =	sdelay $0x4  }
0x52: {  	v62 =	vshll.u32 v3, $0x1  }
0x53: {  	v3 =	vand.u32 $0x7, v3;
	v4 =	vand.u32 $0xFFFFFFF0, v62  }
0x54: {  	v3 =	vor.u32 v3, v4  }
0x55: {  	v4 =	vperm.xlane v3, v0;
	_ =	sdelay $0x1  }
0x56: {  	v3 =	vperm.xlane v3, v2;
	v4 =	vadd.s32 v1, v4;
	_ =	sdelay $0x1  }
0x57: {  	v3 =	vadd.s32 v1, v3;
	_ =	sdelay $0x2  }
0x58: {  	[tilespmem:s20], [sflag:$0x1] =	stream.indirect_vreg.gather [hbm4b:s3+s2], $0x80, v4, vm0, $0xb8;
	[tilespmem:$0x8080] =	vst v63  }
0x59: {  	_ = 	snop  }
0x5a: {  	[tilespmem:s21], [sflag:$0x1] =	stream.indirect_vreg.gather [hbm4b:s3+s2], $0x80, v3, vm0, $0xb8;
	[tilespmem:$0x8080] =	vst v63  }
0x5b: {  	v3 =	vld [tilespmem:$0x70];
	_ =	sdelay $0x4  }
0x5c: {  	v63 =	vshll.u32 v3, $0x1  }
0x5d: {  	v3 =	vand.u32 $0x7, v3;
	v4 =	vand.u32 $0xFFFFFFF0, v63  }
0x5e: {  	v3 =	vor.u32 v3, v4  }
0x5f: {  	v4 =	vperm.xlane v3, v0;
	_ =	sdelay $0x1  }
0x60: {  	v3 =	vperm.xlane v3, v2;
	v4 =	vadd.s32 v1, v4;
	_ =	sdelay $0x1  }
0x61: {  	v3 =	vadd.s32 v1, v3;
	_ =	sdelay $0x2  }
0x62: {  	[tilespmem:s22], [sflag:$0x1] =	stream.indirect_vreg.gather [hbm4b:s3+s2], $0x80, v4, vm0, $0xb8;
	[tilespmem:$0x8080] =	vst v63  }
0x63: {  	_ = 	snop  }
0x64: {  	[tilespmem:s23], [sflag:$0x1] =	stream.indirect_vreg.gather [hbm4b:s3+s2], $0x80, v3, vm0, $0xb8;
	[tilespmem:$0x8080] =	vst v63  }
0x65: {  	_ =	swait.ge [sflag:s24], $0x8000  }
0x66: {  	p0 =	sne.s32 s6, $0x1;
	[sflag:s24] =	ssyncset.done $0x0  }
.Ltmp0:
0x67: {  	[sflag:s24] =	ssyncadd.s32 $0xFFFF8000;
	(pc) =	sbr.rel @p0 .LBB2_1-.Ltmp0, $4  }
0x68: {  	[hbm4b:s5+s2] =	stream.linear.scatter [tilespmem:s8], [sflag:$0x2], $0x8000, $0x38;
	[tilespmem:$0x8080] =	vst v63  }
0x69: {  	_ =	swait.ge [sflag:s7], $0x8000  }
0x6a: {  	[sflag:s7] =	ssyncset.done $0x0  }
0x6b: {  	s6 =	sadd.s32 $0xFFFFFFFF, s6;
	[sflag:s7] =	ssyncadd.s32 $0xFFFF8000  }
0x6c: {  	_ =	sfence.sel $0x180000  }
0x6d: {  	[bflag:$0x0] =	sbarrier.arrive $0xFFFF  }
0x6e: {  	p0 =	sne.s32 s1, $0x0;
	_ =	strace $0x9000004A  }
0x6f: {  	s0 =	sadd.s32 @!p0 $0x100000, s0;
	[bflag:$0x2] =	sbarrier.arrive $0xFFFF  }
0x70: {  	[sflag:s0] =	ssyncadd.tile.s32 @!p0 $0x1;
	_ =	shalt  }
.Lfunc_end2:
_tile_overlayer_lowered:
.L_overlay_start_2:
0x71: {  	(tag) =	ssettag $0x2  }
0x72: {  	s0 =	rddreg [dreg:$0x0];
	s2 =	stileid.u32  }
0x73: {  	s1 =	rddreg [dreg:$0x1];
	p0 =	sne.s32 s2, $0x0  }
0x74: {  	s3 =	rddreg [dreg:$0x2];
	[bflag:$0x3] =	sbarrier.arrive $0xFFFF;
	s2 =	simm.s32 @!p0 $0x1C02  }
0x75: {  	[timem:s3], [sflag:s2] =	dma.local @!p0 [hbm:s0], s1  }
0x76: {  	s0 =	simm.s32 @!p0 $0x2  }
0x77: {  	_ =	swait.ge @!p0 [sflag:s0], s1  }
0x78: {  	s1 =	ssub.s32 @!p0 $0x0, s1;
	[sflag:s0] =	ssyncset.done @!p0 $0x0  }
0x79: {  	[sflag:s0] =	ssyncadd.s32 @!p0 s1  }
0x7a: {  	[bflag:$0x3] =	sbarrier.arrive $0xFFFF  }
0x7b: {  	_ =	shalt  }

// kernel: kernel.16.cloned.1.call-start
scs
__scs_entry_jumppad:
0x0: {  	(pc) =	sbr.rel $0x88, $3  }
0x1: {  	(tag) =	ssettag $0x0;
	lr =	simm.s32 $0x1  }
0x2: {  	[smem:$0x3F9F] =	sst lr;
	_ =	strace $0xD0000000  }
0x3: {  	_ = 	snop  }
0x4: {  	_ = 	snop  }
0x5: {  	_ = 	snop  }
0x6: {  	_ = 	snop  }
0x7: {  	_ = 	snop  }
__scs_overlays_trampoline_lowered:
0x8: {  	[smem:$0x3FAE] =	sst s0  }
0x9: {  	[smem:$0x3FAF] =	sst s1  }
0xa: {  	[smem:$0x3FB0] =	sst s2  }
0xb: {  	[smem:$0x3FB1] =	sst s3  }
0xc: {  	[smem:$0x3FB2] =	sst s4  }
0xd: {  	[smem:$0x3FB3] =	sst s5  }
0xe: {  	[smem:$0x3FB4] =	sst s6  }
0xf: {  	[smem:$0x3FB5] =	sst s7  }
0x10: {  	[smem:$0x3FB6] =	sst s8  }
0x11: {  	[smem:$0x3FB7] =	sst s9;
	s0 =	simm.s32 @!p0 $0x0  }
0x12: {  	s1 =	sld [smem:$0x3F9D];
	s0 =	simm.s32 @p0 $0x1  }
0x13: {  	[smem:$0x3FB8] =	sst s0;
	s0 =	simm.s32 @!p1 $0x0  }
0x14: {  	s2 =	sld [smem:$0x3F9C];
	s0 =	simm.s32 @p1 $0x1  }
0x15: {  	[smem:$0x3FB9] =	sst s0;
	s0 =	simm.s32 @!p2 $0x0  }
0x16: {  	s3 =	sld [smem:$0x3FDB];
	s0 =	simm.s32 @p2 $0x1  }
0x17: {  	s4 =	simm.s32 $0x1BF5;
	[smem:$0x3FBB] =	sst s0  }
0x18: {  	s0 =	sld [smem:$0x3F9E];
	_ =	swait.ge [sflag:s4], $0x0  }
0x19: {  	s7 =	sld [smem:$0x3F9F]  }
0x1a: {  	s8 =	sadd.s32 $0xFFFFE003, lr  }
0x1b: {  	s9 =	sadd.s32 $0xFFFFFEF7, lr;
	s5 =	simm.s32 $0xFFFFFFFF;
	p2 =	slt.u32 s8, $0xFFFFF086  }
0x1c: {  	p1 =	slt.u32 s9, $0xF7A;
	s5 =	simm.s32 @!p2 $0x0  }
0x1d: {  	s5 =	simm.s32 @p1 $0x1;
	p0 =	seq.s32 s7, s2  }
0x1e: {  	s7 =	smul.u32 @!p0 $0xF7A, s2;
	p2 =	seq.s32 @!p0 s5, $0x0  }
0x1f: {  	s9 =	smul.u32 $0xF7A, s1;
	s8 =	simm.s32 @!p0 $0x1BF5;
	p2 =	por !p2, p0  }
0x20: {  	[sflag:s8] =	ssyncset.s32 @!p0 $0xFFFFF086;
	s6 =	sadd.s32 @!p0 s3, s7;
	s7 =	simm.s32 @!p0 $0x108  }
0x21: {  	s3 =	sadd.s32 s3, s9;
	s6 =	sadd.s32 @!p0 $0x88, s6;
	s7 =	simm.s32 @p2 $0x1082  }
0x22: {  	[simem:s7], [sflag:s8] =	dma.local @!p0 [hbm:s6], $0xF7A  }
0x23: {  	s9 =	sor.u32 $0xD0000000, s2;
	s6 =	simm.s32 $0x108;
	_ =	swait.ge @!p0 [sflag:s8], $0x0  }
0x24: {  	s3 =	sadd.s32 $0x88, s3;
	s6 =	simm.s32 @!p1 $0x1082;
	[sflag:s4] =	ssyncset.s32 $0xFFFFF086  }
0x25: {  	[simem:s6], [sflag:s4] =	dma.local [hbm:s3], $0xF7A  }
0x26: {  	[smem:$0x3F9F] =	sst s1;
	(tag) =	ssettag s2;
	_ =	strace s9  }
0x27: {  	s1 =	sld [smem:$0x3FAF]  }
0x28: {  	s2 =	sld [smem:$0x3FB0]  }
0x29: {  	s4 =	sld [smem:$0x3FB2]  }
0x2a: {  	p0 =	seq.s32 s5, $0x0;
	s5 =	sld [smem:$0x3FB3]  }
0x2b: {  	s6 =	sld [smem:$0x3FB4]  }
0x2c: {  	s7 =	sld [smem:$0x3FB5]  }
0x2d: {  	s3 =	simm.s32 $0x108;
	s8 =	sld [smem:$0x3FB6]  }
0x2e: {  	s3 =	simm.s32 @!p0 $0x1082;
	s9 =	sld [smem:$0x3FB7]  }
0x2f: {  	lr =	sadd.s32 s0, s3;
	s0 =	sld [smem:$0x3FAE]  }
0x30: {  	s3 =	sld [smem:$0x3FB1]  }
0x31: {  	[smem:$0x3FBA] =	sst s10  }
0x32: {  	s10 =	sld [smem:$0x3FB8];
	_ =	sdelay $0x3  }
0x33: {  	p0 =	seq.s32 s10, $0x1;
	s10 =	sld [smem:$0x3FBA];
	_ =	sdelay $0x3  }
0x34: {  	[smem:$0x3FBA] =	sst s10  }
0x35: {  	s10 =	sld [smem:$0x3FB9];
	_ =	sdelay $0x3  }
0x36: {  	p1 =	seq.s32 s10, $0x1;
	s10 =	sld [smem:$0x3FBA];
	_ =	sdelay $0x3  }
0x37: {  	[smem:$0x3FBA] =	sst s10  }
0x38: {  	s10 =	sld [smem:$0x3FBB]  }
0x39: {  	_ = 	snop;
	(pc) =	sbr.ind lr, $3  }
0x3a: {  	_ = 	snop  }
0x3b: {  	_ = 	snop  }
0x3c: {  	p2 =	seq.s32 s10, $0x1;
	s10 =	sld [smem:$0x3FBA]  }
0x3d: {  	_ =	shalt  }
0x3e: {  	_ =	shalt  }
0x3f: {  	_ =	shalt  }
0x40: {  	_ =	shalt  }
0x41: {  	_ =	shalt  }
0x42: {  	_ =	shalt  }
0x43: {  	_ =	shalt  }
0x44: {  	_ =	shalt  }
0x45: {  	_ =	shalt  }
0x46: {  	_ =	shalt  }
0x47: {  	_ =	shalt  }
0x48: {  	_ =	shalt  }
0x49: {  	_ =	shalt  }
0x4a: {  	_ =	shalt  }
0x4b: {  	_ =	shalt  }
0x4c: {  	_ =	shalt  }
0x4d: {  	_ =	shalt  }
0x4e: {  	_ =	shalt  }
0x4f: {  	_ =	shalt  }
0x50: {  	_ =	shalt  }
0x51: {  	_ =	shalt  }
0x52: {  	_ =	shalt  }
0x53: {  	_ =	shalt  }
0x54: {  	_ =	shalt  }
0x55: {  	_ =	shalt  }
0x56: {  	_ =	shalt  }
0x57: {  	_ =	shalt  }
0x58: {  	_ =	shalt  }
0x59: {  	_ =	shalt  }
0x5a: {  	_ =	shalt  }
0x5b: {  	_ =	shalt  }
0x5c: {  	_ =	shalt  }
0x5d: {  	_ =	shalt  }
0x5e: {  	_ =	shalt  }
0x5f: {  	_ =	shalt  }
0x60: {  	_ =	shalt  }
0x61: {  	_ =	shalt  }
0x62: {  	_ =	shalt  }
0x63: {  	_ =	shalt  }
0x64: {  	_ =	shalt  }
0x65: {  	_ =	shalt  }
0x66: {  	_ =	shalt  }
0x67: {  	_ =	shalt  }
0x68: {  	_ =	shalt  }
0x69: {  	_ =	shalt  }
0x6a: {  	_ =	shalt  }
0x6b: {  	_ =	shalt  }
0x6c: {  	_ =	shalt  }
0x6d: {  	_ =	shalt  }
0x6e: {  	_ =	shalt  }
0x6f: {  	_ =	shalt  }
0x70: {  	_ =	shalt  }
0x71: {  	_ =	shalt  }
0x72: {  	_ =	shalt  }
0x73: {  	_ =	shalt  }
0x74: {  	_ =	shalt  }
0x75: {  	_ =	shalt  }
0x76: {  	_ =	shalt  }
0x77: {  	_ =	shalt  }
0x78: {  	_ =	shalt  }
0x79: {  	_ =	shalt  }
0x7a: {  	_ =	shalt  }
0x7b: {  	_ =	shalt  }
0x7c: {  	_ =	shalt  }
0x7d: {  	_ =	shalt  }
0x7e: {  	_ =	shalt  }
0x7f: {  	_ =	shalt  }
0x80: {  	_ =	shalt  }
0x81: {  	_ =	shalt  }
0x82: {  	_ =	shalt  }
0x83: {  	_ =	shalt  }
0x84: {  	_ =	shalt  }
0x85: {  	_ =	shalt  }
0x86: {  	_ =	shalt  }
0x87: {  	_ =	shalt  }
.Lfunc_end0:
.L_simem_size_0:
called_computation.2_lowered:
.L_overlay_start_0:
0x88: {  	s2 =	sld [smem:$0x3FD9]  }
0x89: {  	s3 =	sld [smem:$0x3FFE];
	_ =	sdelay $0x1  }
0x8a: {  	s1 =	srdreg.scid  }
0x8b: {  	s0 =	sand.u32 $0x1, s1  }
0x8c: {  	s14 =	sshll.u32 s0, $0xA;
	s2 =	sadd.s32 s3, s2  }
0x8d: {  	s2 =	sadd.s32 s2, s14  }
0x8e: {  	[smem:$0x3FC6] =	sst s2  }
0x8f: {  	_ = 	snop  }
0x90: {  	s2 =	sld [smem:$0x3FD0];
	_ =	sdelay $0x2  }
0x91: {  	s15 =	simm.s32 $0xA;
	s4 =	simm.s32 $0x10  }
0x92: {  	[smem:s4], [sflag:s15] =	dma.local [hbm:s2], $0x1  }
0x93: {  	_ =	swait.eq [sflag:s15], $0x1  }
0x94: {  	[sflag:s15] =	ssyncset.done $0x0  }
0x95: {  	s16 =	sld [smem:$0x10];
	[sflag:s15] =	ssyncadd.s32 $0xFFFFFFFF  }
0x96: {  	s17 =	sld [smem:$0x12];
	(tm) =	ssettm $0x1  }
0x97: {  	s18 =	sld [smem:$0x3FFB];
	_ =	sdelay $0x3  }
0x98: {  	_ =	strace s18  }
0x99: {  	s4 =	sld [smem:$0x3FFC];
	_ =	sdelay $0x3  }
0x9a: {  	_ =	strace s4  }
0x9b: {  	s4 =	sld [smem:$0x3FFD];
	_ =	sdelay $0x3  }
0x9c: {  	_ =	strace s4  }
0x9d: {  	_ =	strace $0x8FFFFFFF  }
0x9e: {  	s19 =	sld [smem:$0x3FDB];
	_ =	sdelay $0x1  }
0x9f: {  	s5 =	simm.s32 $_scs_section_size  }
0xa0: {  	s6 =	simm.s32 $_size__tile_overlayer_lowered;
	s7 =	simm.s32 $_tile_overlayer_lowered  }
0xa1: {  	s22 =	simm.s32 $0x1BFF;
	s21 =	sshll.u32 s7, $0x1;
	s4 =	sadd.s32 s5, s19  }
0xa2: {  	s8 =	simm.s32 $0x0;
	s20 =	sshll.u32 s6, $0x1;
	s6 =	sadd.s32 s21, s4  }
0xa3: {  	[timem:s8], [sflag:s22] =	dma.local [hbm:s6], s20  }
0xa4: {  	_ =	swait.ge [sflag:s22], s20  }
0xa5: {  	s5 =	ssub.s32 $0x0, s20;
	[sflag:s22] =	ssyncset.done $0x0  }
0xa6: {  	[sflag:s22] =	ssyncadd.s32 s5;
	_ =	sdelay $0x1  }
0xa7: {  	s23 =	simm.s32 $0x1B8B  }
0xa8: {  	_ =	swait.ge [sflag:s23], $0x1  }
0xa9: {  	[sflag:s23] =	ssyncset.done $0x0  }
0xaa: {  	s25 =	simm.s32 $0x1B8E;
	s24 =	sld [smem:$0x3FFE];
	[sflag:s23] =	ssyncadd.s32 $0xFFFFFFFF  }
0xab: {  	s26 =	simm.s32 $execute0_lowered;
	[smem:$0x3FD2] =	sst s25  }
0xac: {  	s6 =	sshll.u32 s26, $0x1;
	_ =	strace $0x8000004C;
	[dreg:$0x1] =	wrdreg $0xFFFFFFFF  }
0xad: {  	s28 =	simm.s32 $_size_execute0_lowered;
	s4 =	sadd.s32 s4, s6;
	[dreg:$0x0] =	wrdreg $0x0  }
0xae: {  	s6 =	sshll.u32 s28, $0x1;
	[dreg:$0x2] =	wrdreg s4  }
0xaf: {  	[dreg:$0x3] =	wrdreg s6  }
0xb0: {  	[dreg:$0x4] =	wrdreg $0xC0  }
0xb1: {  	_ =	task [dreg:s8], $0x5FFFF  }
0xb2: {  	[dreg:$0x1] =	wrdreg $0xFFFFFFFF  }
0xb3: {  	[dreg:$0x0] =	wrdreg $0x60  }
0xb4: {  	[dreg:$0x2] =	wrdreg s24  }
0xb5: {  	[dreg:$0x3] =	wrdreg s17  }
0xb6: {  	[dreg:$0x4] =	wrdreg s16  }
0xb7: {  	[dreg:$0x5] =	wrdreg $0x9  }
0xb8: {  	_ =	task.clear_ibuf [dreg:s8], $0x6FFFF;
	_ =	strace $0x9000004C  }
0xb9: {  	s29 =	simm.s32 $0x9;
	_ =	strace $0x8000004E  }
0xba: {  	_ =	swait.ge [sflag:s29], $0x1  }
0xbb: {  	[sflag:s29] =	ssyncadd.s32 $0xFFFFFFFF  }
0xbc: {  	_ =	strace $0x9000004E  }
0xbd: {  	_ =	sfence  }
0xbe: {  	s30 =	sld [smem:$0x0];
	_ =	sdelay $0x2  }
0xbf: {  	s31 =	sshll.u32 s1, $0xD;
	s1 =	sshrl.u32 s1, $0x2  }
0xc0: {  	s3 =	sand.u32 $0x4000, s31;
	s1 =	sadd.s32 s1, s30  }
0xc1: {  	s0 =	sor.u32 s3, s0;
	s1 =	sshll.u32 s1, $0x11  }
0xc2: {  	s0 =	sor.u32 s1, s0  }
0xc3: {  	s0 =	sadd.s32 $0x8F2B, s0  }
0xc4: {  	[sflag:s0] =	ssyncadd.remote.s32 $0x1  }
0xc5: {  	_ =	sfence.sel $0xFFFF  }
0xc6: {  	[dreg:$0x0] =	wrdreg $0xFFFFFFFF;
	(pc) =	sbr.abs _section_cstart, $3  }
0xc7: {  	[dreg:$0x1] =	wrdreg $0xFFFFFFFF  }
0xc8: {  	_ =	task.clear_ibuf [dreg:s8], $0x2FFFF;
	_ =	strace $0x9FFFFFFF  }
0xc9: {  	(tm) =	ssettm $0x7FFFFFFF  }
tec
execute0_lowered:
.L_overlay_start_1:
0x0: {  	(tag) =	ssettag $0x1  }
0x1: {  	s1 =	rddreg [dreg:$0x0]  }
0x2: {  	s4 =	rddreg [dreg:$0x1]  }
0x3: {  	s5 =	rddreg [dreg:$0x2]  }
0x4: {  	s0 =	rddreg [dreg:$0x3];
	s3 =	simm.s32 $0x0;
	s6 =	srdreg.scid  }
0x5: {  	s2 =	stileid.u32;
	s10 =	simm.s32 $0x1080;
	s11 =	simm.s32 $0x1880  }
0x6: {  	s12 =	simm.s32 $0x2080;
	s13 =	simm.s32 $0x2880;
	s14 =	simm.s32 $0x3080  }
0x7: {  	s15 =	simm.s32 $0x3880;
	s16 =	simm.s32 $0x4080;
	s17 =	simm.s32 $0x4880  }
0x8: {  	s18 =	simm.s32 $0x5080;
	s19 =	simm.s32 $0x5880;
	s20 =	simm.s32 $0x6080  }
0x9: {  	s21 =	simm.s32 $0x6880;
	s22 =	simm.s32 $0x7080;
	s23 =	simm.s32 $0x7880  }
0xa: {  	s24 =	simm.s32 $0x1;
	[smem:$0x7FF] =	sst s3;
	s6 =	sand.u32 $0x1, s6  }
0xb: {  	s8 =	sshll.u32 s2, $0x8;
	s7 =	ssub.s32 $0x2, s6;
	s6 =	sshll.u32 s6, $0x7  }
0xc: {  	_ =	strace $0x8000004D;
	s9 =	sshrl.u32 s7, $0x1;
	s6 =	sor.u32 s6, s8  }
0xd: {  	v2 =	vlaneseq.u32;
	s7 =	ssub.s32 s7, s9;
	s8 =	sshrl.u32 s6, $0x3;
	s6 =	sshll.u32 s6, $0x5  }
0xe: {  	vm0 =	vmmov $0xffff;
	v1 =	vshrl.u32 v2, $0x3;
	s9 =	simm.s32 $0x880;
	s4 =	sadd.s32 s4, s8;
	s5 =	sadd.s32 s5, s6  }
0xf: {  	v0 =	vand.u32 $0x7, v2;
	v2 =	vor.u32 $0x8, v2;
	v1 =	vmul.u32 $0x8, v1;
	s6 =	smax.u32 s7, $0x1;
	s7 =	simm.s32 $0x2;
	s8 =	simm.s32 $0x80  }
.LBB2_1:
0x10: {  	[tilespmem:s3], [sflag:$0x2] =	stream.linear.gather [hbm4b:s4+s3], $0x80, $0x38;
	[tilespmem:$0x8080] =	vst v63  }
0x11: {  	_ =	swait.ge [sflag:s7], $0x80  }
0x12: {  	[sflag:s7] =	ssyncset.done $0x0  }
0x13: {  	[sflag:s7] =	ssyncadd.s32 $0xFFFFFF80  }
0x14: {  	v3 =	vld [tilespmem:$0x0];
	_ =	sdelay $0x4  }
0x15: {  	v4 =	vshll.u32 v3, $0x1  }
0x16: {  	v3 =	vand.u32 $0x7, v3;
	v4 =	vand.u32 $0xFFFFFFF0, v4  }
0x17: {  	v3 =	vor.u32 v3, v4  }
0x18: {  	v4 =	vperm.xlane v3, v0;
	_ =	sdelay $0x1  }
0x19: {  	v3 =	vperm.xlane v3, v2;
	v4 =	vadd.s32 v1, v4;
	_ =	sdelay $0x1  }
0x1a: {  	v3 =	vadd.s32 v1, v3;
	_ =	sdelay $0x2  }
0x1b: {  	[tilespmem:s8], [sflag:$0x1] =	stream.indirect_vreg.gather [hbm4b:s1+s3], $0x80, v4, vm0, $0xb8;
	[tilespmem:$0x8080] =	vst v63  }
0x1c: {  	_ = 	snop  }
0x1d: {  	[tilespmem:s9], [sflag:$0x1] =	stream.indirect_vreg.gather [hbm4b:s1+s3], $0x80, v3, vm0, $0xb8;
	[tilespmem:$0x8080] =	vst v63  }
0x1e: {  	v3 =	vld [tilespmem:$0x10];
	_ =	sdelay $0x4  }
0x1f: {  	v57 =	vshll.u32 v3, $0x1  }
0x20: {  	v3 =	vand.u32 $0x7, v3;
	v4 =	vand.u32 $0xFFFFFFF0, v57  }
0x21: {  	v3 =	vor.u32 v3, v4  }
0x22: {  	v4 =	vperm.xlane v3, v0;
	_ =	sdelay $0x1  }
0x23: {  	v3 =	vperm.xlane v3, v2;
	v4 =	vadd.s32 v1, v4;
	_ =	sdelay $0x1  }
0x24: {  	v3 =	vadd.s32 v1, v3;
	_ =	sdelay $0x2  }
0x25: {  	[tilespmem:s10], [sflag:$0x1] =	stream.indirect_vreg.gather [hbm4b:s1+s3], $0x80, v4, vm0, $0xb8;
	[tilespmem:$0x8080] =	vst v63  }
0x26: {  	_ = 	snop  }
0x27: {  	[tilespmem:s11], [sflag:$0x1] =	stream.indirect_vreg.gather [hbm4b:s1+s3], $0x80, v3, vm0, $0xb8;
	[tilespmem:$0x8080] =	vst v63  }
0x28: {  	v3 =	vld [tilespmem:$0x20];
	_ =	sdelay $0x4  }
0x29: {  	v58 =	vshll.u32 v3, $0x1  }
0x2a: {  	v3 =	vand.u32 $0x7, v3;
	v4 =	vand.u32 $0xFFFFFFF0, v58  }
0x2b: {  	v3 =	vor.u32 v3, v4  }
0x2c: {  	v4 =	vperm.xlane v3, v0;
	_ =	sdelay $0x1  }
0x2d: {  	v3 =	vperm.xlane v3, v2;
	v4 =	vadd.s32 v1, v4;
	_ =	sdelay $0x1  }
0x2e: {  	v3 =	vadd.s32 v1, v3;
	_ =	sdelay $0x2  }
0x2f: {  	[tilespmem:s12], [sflag:$0x1] =	stream.indirect_vreg.gather [hbm4b:s1+s3], $0x80, v4, vm0, $0xb8;
	[tilespmem:$0x8080] =	vst v63  }
0x30: {  	_ = 	snop  }
0x31: {  	[tilespmem:s13], [sflag:$0x1] =	stream.indirect_vreg.gather [hbm4b:s1+s3], $0x80, v3, vm0, $0xb8;
	[tilespmem:$0x8080] =	vst v63  }
0x32: {  	v3 =	vld [tilespmem:$0x30];
	_ =	sdelay $0x4  }
0x33: {  	v59 =	vshll.u32 v3, $0x1  }
0x34: {  	v3 =	vand.u32 $0x7, v3;
	v4 =	vand.u32 $0xFFFFFFF0, v59  }
0x35: {  	v3 =	vor.u32 v3, v4  }
0x36: {  	v4 =	vperm.xlane v3, v0;
	_ =	sdelay $0x1  }
0x37: {  	v3 =	vperm.xlane v3, v2;
	v4 =	vadd.s32 v1, v4;
	_ =	sdelay $0x1  }
0x38: {  	v3 =	vadd.s32 v1, v3;
	_ =	sdelay $0x2  }
0x39: {  	[tilespmem:s14], [sflag:$0x1] =	stream.indirect_vreg.gather [hbm4b:s1+s3], $0x80, v4, vm0, $0xb8;
	[tilespmem:$0x8080] =	vst v63  }
0x3a: {  	_ = 	snop  }
0x3b: {  	[tilespmem:s15], [sflag:$0x1] =	stream.indirect_vreg.gather [hbm4b:s1+s3], $0x80, v3, vm0, $0xb8;
	[tilespmem:$0x8080] =	vst v63  }
0x3c: {  	v3 =	vld [tilespmem:$0x40];
	_ =	sdelay $0x4  }
0x3d: {  	v60 =	vshll.u32 v3, $0x1  }
0x3e: {  	v3 =	vand.u32 $0x7, v3;
	v4 =	vand.u32 $0xFFFFFFF0, v60  }
0x3f: {  	v3 =	vor.u32 v3, v4  }
0x40: {  	v4 =	vperm.xlane v3, v0;
	_ =	sdelay $0x1  }
0x41: {  	v3 =	vperm.xlane v3, v2;
	v4 =	vadd.s32 v1, v4;
	_ =	sdelay $0x1  }
0x42: {  	v3 =	vadd.s32 v1, v3;
	_ =	sdelay $0x2  }
0x43: {  	[tilespmem:s16], [sflag:$0x1] =	stream.indirect_vreg.gather [hbm4b:s1+s3], $0x80, v4, vm0, $0xb8;
	[tilespmem:$0x8080] =	vst v63  }
0x44: {  	_ = 	snop  }
0x45: {  	[tilespmem:s17], [sflag:$0x1] =	stream.indirect_vreg.gather [hbm4b:s1+s3], $0x80, v3, vm0, $0xb8;
	[tilespmem:$0x8080] =	vst v63  }
0x46: {  	v3 =	vld [tilespmem:$0x50];
	_ =	sdelay $0x4  }
0x47: {  	v61 =	vshll.u32 v3, $0x1  }
0x48: {  	v3 =	vand.u32 $0x7, v3;
	v4 =	vand.u32 $0xFFFFFFF0, v61  }
0x49: {  	v3 =	vor.u32 v3, v4  }
0x4a: {  	v4 =	vperm.xlane v3, v0;
	_ =	sdelay $0x1  }
0x4b: {  	v3 =	vperm.xlane v3, v2;
	v4 =	vadd.s32 v1, v4;
	_ =	sdelay $0x1  }
0x4c: {  	v3 =	vadd.s32 v1, v3;
	_ =	sdelay $0x2  }
0x4d: {  	[tilespmem:s18], [sflag:$0x1] =	stream.indirect_vreg.gather [hbm4b:s1+s3], $0x80, v4, vm0, $0xb8;
	[tilespmem:$0x8080] =	vst v63  }
0x4e: {  	_ = 	snop  }
0x4f: {  	[tilespmem:s19], [sflag:$0x1] =	stream.indirect_vreg.gather [hbm4b:s1+s3], $0x80, v3, vm0, $0xb8;
	[tilespmem:$0x8080] =	vst v63  }
0x50: {  	v3 =	vld [tilespmem:$0x60];
	_ =	sdelay $0x4  }
0x51: {  	v62 =	vshll.u32 v3, $0x1  }
0x52: {  	v3 =	vand.u32 $0x7, v3;
	v4 =	vand.u32 $0xFFFFFFF0, v62  }
0x53: {  	v3 =	vor.u32 v3, v4  }
0x54: {  	v4 =	vperm.xlane v3, v0;
	_ =	sdelay $0x1  }
0x55: {  	v3 =	vperm.xlane v3, v2;
	v4 =	vadd.s32 v1, v4;
	_ =	sdelay $0x1  }
0x56: {  	v3 =	vadd.s32 v1, v3;
	_ =	sdelay $0x2  }
0x57: {  	[tilespmem:s20], [sflag:$0x1] =	stream.indirect_vreg.gather [hbm4b:s1+s3], $0x80, v4, vm0, $0xb8;
	[tilespmem:$0x8080] =	vst v63  }
0x58: {  	_ = 	snop  }
0x59: {  	[tilespmem:s21], [sflag:$0x1] =	stream.indirect_vreg.gather [hbm4b:s1+s3], $0x80, v3, vm0, $0xb8;
	[tilespmem:$0x8080] =	vst v63  }
0x5a: {  	v3 =	vld [tilespmem:$0x70];
	_ =	sdelay $0x4  }
0x5b: {  	v63 =	vshll.u32 v3, $0x1  }
0x5c: {  	v3 =	vand.u32 $0x7, v3;
	v4 =	vand.u32 $0xFFFFFFF0, v63  }
0x5d: {  	v3 =	vor.u32 v3, v4  }
0x5e: {  	v4 =	vperm.xlane v3, v0;
	_ =	sdelay $0x1  }
0x5f: {  	v3 =	vperm.xlane v3, v2;
	v4 =	vadd.s32 v1, v4;
	_ =	sdelay $0x1  }
0x60: {  	v3 =	vadd.s32 v1, v3;
	_ =	sdelay $0x2  }
0x61: {  	[tilespmem:s22], [sflag:$0x1] =	stream.indirect_vreg.gather [hbm4b:s1+s3], $0x80, v4, vm0, $0xb8;
	[tilespmem:$0x8080] =	vst v63  }
0x62: {  	_ = 	snop  }
0x63: {  	[tilespmem:s23], [sflag:$0x1] =	stream.indirect_vreg.gather [hbm4b:s1+s3], $0x80, v3, vm0, $0xb8;
	[tilespmem:$0x8080] =	vst v63  }
0x64: {  	_ =	swait.ge [sflag:s24], $0x8000  }
0x65: {  	p0 =	sne.s32 s6, $0x1;
	[sflag:s24] =	ssyncset.done $0x0  }
.Ltmp0:
0x66: {  	[sflag:s24] =	ssyncadd.s32 $0xFFFF8000;
	(pc) =	sbr.rel @p0 .LBB2_1-.Ltmp0, $4  }
0x67: {  	[hbm4b:s5+s3] =	stream.linear.scatter [tilespmem:s8], [sflag:$0x2], $0x8000, $0x38;
	[tilespmem:$0x8080] =	vst v63  }
0x68: {  	_ =	swait.ge [sflag:s7], $0x8000  }
0x69: {  	[sflag:s7] =	ssyncset.done $0x0  }
0x6a: {  	s6 =	sadd.s32 $0xFFFFFFFF, s6;
	[sflag:s7] =	ssyncadd.s32 $0xFFFF8000  }
0x6b: {  	_ =	sfence.sel $0x180000  }
0x6c: {  	[bflag:$0x0] =	sbarrier.arrive $0xFFFF  }
0x6d: {  	p0 =	sne.s32 s2, $0x0;
	_ =	strace $0x9000004D  }
0x6e: {  	s0 =	sadd.s32 @!p0 $0x100000, s0;
	[bflag:$0x2] =	sbarrier.arrive $0xFFFF  }
0x6f: {  	[sflag:s0] =	ssyncadd.tile.s32 @!p0 $0x1;
	_ =	shalt  }
.Lfunc_end2:
_tile_overlayer_lowered:
.L_overlay_start_2:
0x70: {  	(tag) =	ssettag $0x2  }
0x71: {  	s0 =	rddreg [dreg:$0x0];
	s2 =	stileid.u32  }
0x72: {  	s1 =	rddreg [dreg:$0x1];
	p0 =	sne.s32 s2, $0x0  }
0x73: {  	s3 =	rddreg [dreg:$0x2];
	[bflag:$0x3] =	sbarrier.arrive $0xFFFF;
	s2 =	simm.s32 @!p0 $0x1C02  }
0x74: {  	[timem:s3], [sflag:s2] =	dma.local @!p0 [hbm:s0], s1  }
0x75: {  	s0 =	simm.s32 @!p0 $0x2  }
0x76: {  	_ =	swait.ge @!p0 [sflag:s0], s1  }
0x77: {  	s1 =	ssub.s32 @!p0 $0x0, s1;
	[sflag:s0] =	ssyncset.done @!p0 $0x0  }
0x78: {  	[sflag:s0] =	ssyncadd.s32 @!p0 s1  }
0x79: {  	[bflag:$0x3] =	sbarrier.arrive $0xFFFF  }
0x7a: {  	_ =	shalt  }

// kernel: kernel.19.cloned.1.call-start
scs
__scs_entry_jumppad:
0x0: {  	(pc) =	sbr.rel $0x88, $3  }
0x1: {  	(tag) =	ssettag $0x0;
	lr =	simm.s32 $0x1  }
0x2: {  	[smem:$0x3F9F] =	sst lr;
	_ =	strace $0xD0000000  }
0x3: {  	_ = 	snop  }
0x4: {  	_ = 	snop  }
0x5: {  	_ = 	snop  }
0x6: {  	_ = 	snop  }
0x7: {  	_ = 	snop  }
__scs_overlays_trampoline_lowered:
0x8: {  	[smem:$0x3FAE] =	sst s0  }
0x9: {  	[smem:$0x3FAF] =	sst s1  }
0xa: {  	[smem:$0x3FB0] =	sst s2  }
0xb: {  	[smem:$0x3FB1] =	sst s3  }
0xc: {  	[smem:$0x3FB2] =	sst s4  }
0xd: {  	[smem:$0x3FB3] =	sst s5  }
0xe: {  	[smem:$0x3FB4] =	sst s6  }
0xf: {  	[smem:$0x3FB5] =	sst s7  }
0x10: {  	[smem:$0x3FB6] =	sst s8  }
0x11: {  	[smem:$0x3FB7] =	sst s9;
	s0 =	simm.s32 @!p0 $0x0  }
0x12: {  	s1 =	sld [smem:$0x3F9D];
	s0 =	simm.s32 @p0 $0x1  }
0x13: {  	[smem:$0x3FB8] =	sst s0;
	s0 =	simm.s32 @!p1 $0x0  }
0x14: {  	s2 =	sld [smem:$0x3F9C];
	s0 =	simm.s32 @p1 $0x1  }
0x15: {  	[smem:$0x3FB9] =	sst s0;
	s0 =	simm.s32 @!p2 $0x0  }
0x16: {  	s3 =	sld [smem:$0x3FDB];
	s0 =	simm.s32 @p2 $0x1  }
0x17: {  	s4 =	simm.s32 $0x1BF5;
	[smem:$0x3FBB] =	sst s0  }
0x18: {  	s0 =	sld [smem:$0x3F9E];
	_ =	swait.ge [sflag:s4], $0x0  }
0x19: {  	s7 =	sld [smem:$0x3F9F]  }
0x1a: {  	s8 =	sadd.s32 $0xFFFFE003, lr  }
0x1b: {  	s9 =	sadd.s32 $0xFFFFFEF7, lr;
	s5 =	simm.s32 $0xFFFFFFFF;
	p2 =	slt.u32 s8, $0xFFFFF086  }
0x1c: {  	p1 =	slt.u32 s9, $0xF7A;
	s5 =	simm.s32 @!p2 $0x0  }
0x1d: {  	s5 =	simm.s32 @p1 $0x1;
	p0 =	seq.s32 s7, s2  }
0x1e: {  	s7 =	smul.u32 @!p0 $0xF7A, s2;
	p2 =	seq.s32 @!p0 s5, $0x0  }
0x1f: {  	s9 =	smul.u32 $0xF7A, s1;
	s8 =	simm.s32 @!p0 $0x1BF5;
	p2 =	por !p2, p0  }
0x20: {  	[sflag:s8] =	ssyncset.s32 @!p0 $0xFFFFF086;
	s6 =	sadd.s32 @!p0 s3, s7;
	s7 =	simm.s32 @!p0 $0x108  }
0x21: {  	s3 =	sadd.s32 s3, s9;
	s6 =	sadd.s32 @!p0 $0x88, s6;
	s7 =	simm.s32 @p2 $0x1082  }
0x22: {  	[simem:s7], [sflag:s8] =	dma.local @!p0 [hbm:s6], $0xF7A  }
0x23: {  	s9 =	sor.u32 $0xD0000000, s2;
	s6 =	simm.s32 $0x108;
	_ =	swait.ge @!p0 [sflag:s8], $0x0  }
0x24: {  	s3 =	sadd.s32 $0x88, s3;
	s6 =	simm.s32 @!p1 $0x1082;
	[sflag:s4] =	ssyncset.s32 $0xFFFFF086  }
0x25: {  	[simem:s6], [sflag:s4] =	dma.local [hbm:s3], $0xF7A  }
0x26: {  	[smem:$0x3F9F] =	sst s1;
	(tag) =	ssettag s2;
	_ =	strace s9  }
0x27: {  	s1 =	sld [smem:$0x3FAF]  }
0x28: {  	s2 =	sld [smem:$0x3FB0]  }
0x29: {  	s4 =	sld [smem:$0x3FB2]  }
0x2a: {  	p0 =	seq.s32 s5, $0x0;
	s5 =	sld [smem:$0x3FB3]  }
0x2b: {  	s6 =	sld [smem:$0x3FB4]  }
0x2c: {  	s7 =	sld [smem:$0x3FB5]  }
0x2d: {  	s3 =	simm.s32 $0x108;
	s8 =	sld [smem:$0x3FB6]  }
0x2e: {  	s3 =	simm.s32 @!p0 $0x1082;
	s9 =	sld [smem:$0x3FB7]  }
0x2f: {  	lr =	sadd.s32 s0, s3;
	s0 =	sld [smem:$0x3FAE]  }
0x30: {  	s3 =	sld [smem:$0x3FB1]  }
0x31: {  	[smem:$0x3FBA] =	sst s10  }
0x32: {  	s10 =	sld [smem:$0x3FB8];
	_ =	sdelay $0x3  }
0x33: {  	p0 =	seq.s32 s10, $0x1;
	s10 =	sld [smem:$0x3FBA];
	_ =	sdelay $0x3  }
0x34: {  	[smem:$0x3FBA] =	sst s10  }
0x35: {  	s10 =	sld [smem:$0x3FB9];
	_ =	sdelay $0x3  }
0x36: {  	p1 =	seq.s32 s10, $0x1;
	s10 =	sld [smem:$0x3FBA];
	_ =	sdelay $0x3  }
0x37: {  	[smem:$0x3FBA] =	sst s10  }
0x38: {  	s10 =	sld [smem:$0x3FBB]  }
0x39: {  	_ = 	snop;
	(pc) =	sbr.ind lr, $3  }
0x3a: {  	_ = 	snop  }
0x3b: {  	_ = 	snop  }
0x3c: {  	p2 =	seq.s32 s10, $0x1;
	s10 =	sld [smem:$0x3FBA]  }
0x3d: {  	_ =	shalt  }
0x3e: {  	_ =	shalt  }
0x3f: {  	_ =	shalt  }
0x40: {  	_ =	shalt  }
0x41: {  	_ =	shalt  }
0x42: {  	_ =	shalt  }
0x43: {  	_ =	shalt  }
0x44: {  	_ =	shalt  }
0x45: {  	_ =	shalt  }
0x46: {  	_ =	shalt  }
0x47: {  	_ =	shalt  }
0x48: {  	_ =	shalt  }
0x49: {  	_ =	shalt  }
0x4a: {  	_ =	shalt  }
0x4b: {  	_ =	shalt  }
0x4c: {  	_ =	shalt  }
0x4d: {  	_ =	shalt  }
0x4e: {  	_ =	shalt  }
0x4f: {  	_ =	shalt  }
0x50: {  	_ =	shalt  }
0x51: {  	_ =	shalt  }
0x52: {  	_ =	shalt  }
0x53: {  	_ =	shalt  }
0x54: {  	_ =	shalt  }
0x55: {  	_ =	shalt  }
0x56: {  	_ =	shalt  }
0x57: {  	_ =	shalt  }
0x58: {  	_ =	shalt  }
0x59: {  	_ =	shalt  }
0x5a: {  	_ =	shalt  }
0x5b: {  	_ =	shalt  }
0x5c: {  	_ =	shalt  }
0x5d: {  	_ =	shalt  }
0x5e: {  	_ =	shalt  }
0x5f: {  	_ =	shalt  }
0x60: {  	_ =	shalt  }
0x61: {  	_ =	shalt  }
0x62: {  	_ =	shalt  }
0x63: {  	_ =	shalt  }
0x64: {  	_ =	shalt  }
0x65: {  	_ =	shalt  }
0x66: {  	_ =	shalt  }
0x67: {  	_ =	shalt  }
0x68: {  	_ =	shalt  }
0x69: {  	_ =	shalt  }
0x6a: {  	_ =	shalt  }
0x6b: {  	_ =	shalt  }
0x6c: {  	_ =	shalt  }
0x6d: {  	_ =	shalt  }
0x6e: {  	_ =	shalt  }
0x6f: {  	_ =	shalt  }
0x70: {  	_ =	shalt  }
0x71: {  	_ =	shalt  }
0x72: {  	_ =	shalt  }
0x73: {  	_ =	shalt  }
0x74: {  	_ =	shalt  }
0x75: {  	_ =	shalt  }
0x76: {  	_ =	shalt  }
0x77: {  	_ =	shalt  }
0x78: {  	_ =	shalt  }
0x79: {  	_ =	shalt  }
0x7a: {  	_ =	shalt  }
0x7b: {  	_ =	shalt  }
0x7c: {  	_ =	shalt  }
0x7d: {  	_ =	shalt  }
0x7e: {  	_ =	shalt  }
0x7f: {  	_ =	shalt  }
0x80: {  	_ =	shalt  }
0x81: {  	_ =	shalt  }
0x82: {  	_ =	shalt  }
0x83: {  	_ =	shalt  }
0x84: {  	_ =	shalt  }
0x85: {  	_ =	shalt  }
0x86: {  	_ =	shalt  }
0x87: {  	_ =	shalt  }
.Lfunc_end0:
.L_simem_size_0:
called_computation.3_lowered:
.L_overlay_start_0:
0x88: {  	s2 =	sld [smem:$0x3FD9]  }
0x89: {  	s3 =	sld [smem:$0x3FFE];
	_ =	sdelay $0x1  }
0x8a: {  	s1 =	srdreg.scid  }
0x8b: {  	s0 =	sand.u32 $0x1, s1  }
0x8c: {  	s14 =	sshll.u32 s0, $0xA;
	s2 =	sadd.s32 s3, s2  }
0x8d: {  	s2 =	sadd.s32 s2, s14  }
0x8e: {  	[smem:$0x3FC6] =	sst s2  }
0x8f: {  	_ = 	snop  }
0x90: {  	s2 =	sld [smem:$0x3FD0];
	_ =	sdelay $0x2  }
0x91: {  	s4 =	simm.s32 $0xA;
	s5 =	simm.s32 $0x10;
	s15 =	sld [smem:$0x3FC9]  }
0x92: {  	[smem:s5], [sflag:s4] =	dma.local [hbm:s2], $0x1  }
0x93: {  	_ =	swait.eq [sflag:s4], $0x1  }
0x94: {  	[sflag:s4] =	ssyncset.done $0x0  }
0x95: {  	[sflag:s4] =	ssyncadd.s32 $0xFFFFFFFF  }
0x96: {  	s16 =	sld [smem:$0x10];
	(tm) =	ssettm $0x1  }
0x97: {  	s17 =	sld [smem:$0x3FFB];
	_ =	sdelay $0x3  }
0x98: {  	_ =	strace s17  }
0x99: {  	s4 =	sld [smem:$0x3FFC];
	_ =	sdelay $0x3  }
0x9a: {  	_ =	strace s4  }
0x9b: {  	s4 =	sld [smem:$0x3FFD];
	_ =	sdelay $0x3  }
0x9c: {  	_ =	strace s4  }
0x9d: {  	_ =	strace $0x8FFFFFFF  }
0x9e: {  	s18 =	sld [smem:$0x3FDB];
	_ =	sdelay $0x1  }
0x9f: {  	s19 =	simm.s32 $_scs_section_size  }
0xa0: {  	s6 =	simm.s32 $_size__tile_overlayer_lowered;
	s7 =	simm.s32 $_tile_overlayer_lowered  }
0xa1: {  	s22 =	simm.s32 $0x1BFF;
	s21 =	sshll.u32 s7, $0x1;
	s4 =	sadd.s32 s19, s18  }
0xa2: {  	s8 =	simm.s32 $0x0;
	s20 =	sshll.u32 s6, $0x1;
	s6 =	sadd.s32 s21, s4  }
0xa3: {  	[timem:s8], [sflag:s22] =	dma.local [hbm:s6], s20  }
0xa4: {  	_ =	swait.ge [sflag:s22], s20  }
0xa5: {  	s5 =	ssub.s32 $0x0, s20;
	[sflag:s22] =	ssyncset.done $0x0  }
0xa6: {  	[sflag:s22] =	ssyncadd.s32 s5;
	_ =	sdelay $0x1  }
0xa7: {  	s23 =	simm.s32 $0x1B8B  }
0xa8: {  	_ =	swait.ge [sflag:s23], $0x1  }
0xa9: {  	[sflag:s23] =	ssyncset.done $0x0  }
0xaa: {  	s25 =	simm.s32 $0x1B8E;
	s24 =	sld [smem:$0x3FFE];
	[sflag:s23] =	ssyncadd.s32 $0xFFFFFFFF  }
0xab: {  	s26 =	simm.s32 $execute0_lowered;
	[smem:$0x3FD2] =	sst s25  }
0xac: {  	s6 =	sshll.u32 s26, $0x1;
	_ =	strace $0x8000004F;
	[dreg:$0x1] =	wrdreg $0xFFFFFFFF  }
0xad: {  	s28 =	simm.s32 $_size_execute0_lowered;
	s4 =	sadd.s32 s4, s6;
	[dreg:$0x0] =	wrdreg $0x0  }
0xae: {  	s6 =	sshll.u32 s28, $0x1;
	[dreg:$0x2] =	wrdreg s4  }
0xaf: {  	[dreg:$0x3] =	wrdreg s6  }
0xb0: {  	[dreg:$0x4] =	wrdreg $0xC0  }
0xb1: {  	_ =	task [dreg:s8], $0x5FFFF  }
0xb2: {  	[dreg:$0x1] =	wrdreg $0xFFFFFFFF  }
0xb3: {  	[dreg:$0x0] =	wrdreg $0x60  }
0xb4: {  	[dreg:$0x2] =	wrdreg s24  }
0xb5: {  	[dreg:$0x3] =	wrdreg s15  }
0xb6: {  	[dreg:$0x4] =	wrdreg s16  }
0xb7: {  	[dreg:$0x5] =	wrdreg $0x9  }
0xb8: {  	_ =	task.clear_ibuf [dreg:s8], $0x6FFFF;
	_ =	strace $0x9000004F  }
0xb9: {  	s29 =	simm.s32 $0x9;
	_ =	strace $0x80000051  }
0xba: {  	_ =	swait.ge [sflag:s29], $0x1  }
0xbb: {  	[sflag:s29] =	ssyncadd.s32 $0xFFFFFFFF  }
0xbc: {  	_ =	strace $0x90000051  }
0xbd: {  	_ =	sfence  }
0xbe: {  	s30 =	sld [smem:$0x0];
	_ =	sdelay $0x2  }
0xbf: {  	s31 =	sshll.u32 s1, $0xD;
	s1 =	sshrl.u32 s1, $0x2  }
0xc0: {  	s3 =	sand.u32 $0x4000, s31;
	s1 =	sadd.s32 s1, s30  }
0xc1: {  	s0 =	sor.u32 s3, s0;
	s1 =	sshll.u32 s1, $0x11  }
0xc2: {  	s0 =	sor.u32 s1, s0  }
0xc3: {  	s0 =	sadd.s32 $0x8F2B, s0  }
0xc4: {  	[sflag:s0] =	ssyncadd.remote.s32 $0x1  }
0xc5: {  	_ =	sfence.sel $0xFFFF  }
0xc6: {  	[dreg:$0x0] =	wrdreg $0xFFFFFFFF;
	(pc) =	sbr.abs _section_cstart, $3  }
0xc7: {  	[dreg:$0x1] =	wrdreg $0xFFFFFFFF  }
0xc8: {  	_ =	task.clear_ibuf [dreg:s8], $0x2FFFF;
	_ =	strace $0x9FFFFFFF  }
0xc9: {  	(tm) =	ssettm $0x7FFFFFFF  }
tec
execute0_lowered:
.L_overlay_start_1:
0x0: {  	(tag) =	ssettag $0x1  }
0x1: {  	s0 =	rddreg [dreg:$0x0]  }
0x2: {  	s1 =	rddreg [dreg:$0x1]  }
0x3: {  	s7 =	rddreg [dreg:$0x2]  }
0x4: {  	s3 =	srdreg.scid;
	s4 =	stileid.u32  }
0x5: {  	s2 =	simm.s32 $0x0;
	s11 =	simm.s32 $0x2;
	s16 =	simm.s32 $0xA100  }
0x6: {  	s17 =	simm.s32 $0xA900;
	s18 =	simm.s32 $0xB100;
	s19 =	simm.s32 $0xB900  }
0x7: {  	s20 =	simm.s32 $0xC100;
	s21 =	simm.s32 $0xC900;
	s22 =	simm.s32 $0xD100  }
0x8: {  	s23 =	simm.s32 $0xD900;
	s24 =	simm.s32 $0xE100;
	s25 =	simm.s32 $0xE900  }
0x9: {  	s28 =	simm.s32 $0xF900;
	s29 =	simm.s32 $0x10100;
	s30 =	simm.s32 $0x1  }
0xa: {  	s3 =	sand.u32 $0x1, s3;
	s4 =	sshll.u32 s4, $0x1;
	[smem:$0x7FF] =	sst s2  }
0xb: {  	s31 =	simm.s32 $0x8000;
	s5 =	sor.u32 s3, s4;
	_ =	strace $0x80000050  }
0xc: {  	s6 =	ssub.s32 $0x2, s3;
	s3 =	sadd.s32 $0x40000, s0;
	s4 =	sshll.u32 s5, $0x4  }
0xd: {  	s26 =	sshrl.u32 s6, $0x1;
	s10 =	sshll.u32 s5, $0xC;
	s8 =	sadd.s32 s4, s0  }
0xe: {  	v2 =	vlaneseq.u32;
	s9 =	ssub.s32 s6, s26;
	s5 =	sadd.s32 s0, s10;
	s6 =	sadd.s32 s1, s10  }
0xf: {  	vm0 =	vmmov $0xffff;
	v1 =	vshrl.u32 v2, $0x3;
	s7 =	sadd.s32 s7, s10;
	s26 =	simm.s32 $0xF100;
	s0 =	simm.s32 $0x0  }
0x10: {  	v0 =	vand.u32 $0x7, v2;
	v2 =	vor.u32 $0x8, v2;
	v1 =	vmul.u32 $0x8, v1;
	s4 =	sadd.s32 $0x20000, s8;
	s8 =	sadd.s32 $0x20200, s8;
	s9 =	smax.u32 s9, $0x1  }
.LBB2_1:
0x11: {  	s1 =	simm.s32 $0x8080  }
0x12: {  	[tilespmem:s1], [sflag:$0x2] =	stream.linear.gather [hbm4b:s4+s2], $0x80, $0x38;
	[tilespmem:$0x18100] =	vst v63  }
0x13: {  	_ =	swait.ge [sflag:s11], $0x80  }
0x14: {  	[sflag:s11] =	ssyncset.done $0x0  }
0x15: {  	[sflag:s11] =	ssyncadd.s32 $0xFFFFFF80  }
0x16: {  	v3 =	vld [tilespmem:$0x8080];
	_ =	sdelay $0x4  }
0x17: {  	v4 =	vshll.u32 v3, $0x1  }
0x18: {  	v3 =	vand.u32 $0x7, v3;
	v4 =	vand.u32 $0xFFFFFFF0, v4  }
0x19: {  	v3 =	vor.u32 v3, v4  }
0x1a: {  	v4 =	vperm.xlane v3, v0;
	_ =	sdelay $0x1  }
0x1b: {  	v3 =	vperm.xlane v3, v2;
	v4 =	vadd.s32 v1, v4;
	_ =	sdelay $0x1  }
0x1c: {  	v3 =	vadd.s32 v1, v3;
	_ =	sdelay $0x1  }
0x1d: {  	s10 =	simm.s32 $0x8100  }
0x1e: {  	[tilespmem:s10], [sflag:$0x1] =	stream.indirect_vreg.gather [hbm4b:s3+s2], $0x80, v4, vm0, $0xb8;
	[tilespmem:$0x18100] =	vst v63  }
0x1f: {  	s12 =	simm.s32 $0x8900  }
0x20: {  	[tilespmem:s12], [sflag:$0x1] =	stream.indirect_vreg.gather [hbm4b:s3+s2], $0x80, v3, vm0, $0xb8;
	[tilespmem:$0x18100] =	vst v63  }
0x21: {  	v3 =	vld [tilespmem:$0x8090];
	_ =	sdelay $0x4  }
0x22: {  	v4 =	vshll.u32 v3, $0x1  }
0x23: {  	v3 =	vand.u32 $0x7, v3;
	v4 =	vand.u32 $0xFFFFFFF0, v4  }
0x24: {  	v3 =	vor.u32 v3, v4  }
0x25: {  	v4 =	vperm.xlane v3, v0;
	_ =	sdelay $0x1  }
0x26: {  	v3 =	vperm.xlane v3, v2;
	v4 =	vadd.s32 v1, v4;
	_ =	sdelay $0x1  }
0x27: {  	v3 =	vadd.s32 v1, v3;
	_ =	sdelay $0x1  }
0x28: {  	s13 =	simm.s32 $0x9100  }
0x29: {  	[tilespmem:s13], [sflag:$0x1] =	stream.indirect_vreg.gather [hbm4b:s3+s2], $0x80, v4, vm0, $0xb8;
	[tilespmem:$0x18100] =	vst v63  }
0x2a: {  	s14 =	simm.s32 $0x9900  }
0x2b: {  	[tilespmem:s14], [sflag:$0x1] =	stream.indirect_vreg.gather [hbm4b:s3+s2], $0x80, v3, vm0, $0xb8;
	[tilespmem:$0x18100] =	vst v63  }
0x2c: {  	v3 =	vld [tilespmem:$0x80A0];
	_ =	sdelay $0x4  }
0x2d: {  	v4 =	vshll.u32 v3, $0x1  }
0x2e: {  	v3 =	vand.u32 $0x7, v3;
	v4 =	vand.u32 $0xFFFFFFF0, v4  }
0x2f: {  	v3 =	vor.u32 v3, v4  }
0x30: {  	v4 =	vperm.xlane v3, v0;
	_ =	sdelay $0x1  }
0x31: {  	v3 =	vperm.xlane v3, v2;
	v4 =	vadd.s32 v1, v4;
	_ =	sdelay $0x1  }
0x32: {  	v3 =	vadd.s32 v1, v3;
	_ =	sdelay $0x2  }
0x33: {  	[tilespmem:s16], [sflag:$0x1] =	stream.indirect_vreg.gather [hbm4b:s3+s2], $0x80, v4, vm0, $0xb8;
	[tilespmem:$0x18100] =	vst v63  }
0x34: {  	_ = 	snop  }
0x35: {  	[tilespmem:s17], [sflag:$0x1] =	stream.indirect_vreg.gather [hbm4b:s3+s2], $0x80, v3, vm0, $0xb8;
	[tilespmem:$0x18100] =	vst v63  }
0x36: {  	v3 =	vld [tilespmem:$0x80B0];
	_ =	sdelay $0x4  }
0x37: {  	v4 =	vshll.u32 v3, $0x1  }
0x38: {  	v3 =	vand.u32 $0x7, v3;
	v4 =	vand.u32 $0xFFFFFFF0, v4  }
0x39: {  	v3 =	vor.u32 v3, v4  }
0x3a: {  	v4 =	vperm.xlane v3, v0;
	_ =	sdelay $0x1  }
0x3b: {  	v3 =	vperm.xlane v3, v2;
	v4 =	vadd.s32 v1, v4;
	_ =	sdelay $0x1  }
0x3c: {  	v3 =	vadd.s32 v1, v3;
	_ =	sdelay $0x2  }
0x3d: {  	[tilespmem:s18], [sflag:$0x1] =	stream.indirect_vreg.gather [hbm4b:s3+s2], $0x80, v4, vm0, $0xb8;
	[tilespmem:$0x18100] =	vst v63  }
0x3e: {  	_ = 	snop  }
0x3f: {  	[tilespmem:s19], [sflag:$0x1] =	stream.indirect_vreg.gather [hbm4b:s3+s2], $0x80, v3, vm0, $0xb8;
	[tilespmem:$0x18100] =	vst v63  }
0x40: {  	v3 =	vld [tilespmem:$0x80C0];
	_ =	sdelay $0x4  }
0x41: {  	v4 =	vshll.u32 v3, $0x1  }
0x42: {  	v3 =	vand.u32 $0x7, v3;
	v4 =	vand.u32 $0xFFFFFFF0, v4  }
0x43: {  	v3 =	vor.u32 v3, v4  }
0x44: {  	v4 =	vperm.xlane v3, v0;
	_ =	sdelay $0x1  }
0x45: {  	v3 =	vperm.xlane v3, v2;
	v4 =	vadd.s32 v1, v4;
	_ =	sdelay $0x1  }
0x46: {  	v3 =	vadd.s32 v1, v3;
	_ =	sdelay $0x2  }
0x47: {  	[tilespmem:s20], [sflag:$0x1] =	stream.indirect_vreg.gather [hbm4b:s3+s2], $0x80, v4, vm0, $0xb8;
	[tilespmem:$0x18100] =	vst v63  }
0x48: {  	_ = 	snop  }
0x49: {  	[tilespmem:s21], [sflag:$0x1] =	stream.indirect_vreg.gather [hbm4b:s3+s2], $0x80, v3, vm0, $0xb8;
	[tilespmem:$0x18100] =	vst v63  }
0x4a: {  	v3 =	vld [tilespmem:$0x80D0];
	_ =	sdelay $0x4  }
0x4b: {  	v4 =	vshll.u32 v3, $0x1  }
0x4c: {  	v3 =	vand.u32 $0x7, v3;
	v4 =	vand.u32 $0xFFFFFFF0, v4  }
0x4d: {  	v3 =	vor.u32 v3, v4  }
0x4e: {  	v4 =	vperm.xlane v3, v0;
	_ =	sdelay $0x1  }
0x4f: {  	v3 =	vperm.xlane v3, v2;
	v4 =	vadd.s32 v1, v4;
	_ =	sdelay $0x1  }
0x50: {  	v3 =	vadd.s32 v1, v3;
	_ =	sdelay $0x2  }
0x51: {  	[tilespmem:s22], [sflag:$0x1] =	stream.indirect_vreg.gather [hbm4b:s3+s2], $0x80, v4, vm0, $0xb8;
	[tilespmem:$0x18100] =	vst v63  }
0x52: {  	_ = 	snop  }
0x53: {  	[tilespmem:s23], [sflag:$0x1] =	stream.indirect_vreg.gather [hbm4b:s3+s2], $0x80, v3, vm0, $0xb8;
	[tilespmem:$0x18100] =	vst v63  }
0x54: {  	v3 =	vld [tilespmem:$0x80E0];
	_ =	sdelay $0x4  }
0x55: {  	v4 =	vshll.u32 v3, $0x1  }
0x56: {  	v3 =	vand.u32 $0x7, v3;
	v4 =	vand.u32 $0xFFFFFFF0, v4  }
0x57: {  	v3 =	vor.u32 v3, v4  }
0x58: {  	v4 =	vperm.xlane v3, v0;
	_ =	sdelay $0x1  }
0x59: {  	v3 =	vperm.xlane v3, v2;
	v4 =	vadd.s32 v1, v4;
	_ =	sdelay $0x1  }
0x5a: {  	v3 =	vadd.s32 v1, v3;
	_ =	sdelay $0x2  }
0x5b: {  	[tilespmem:s24], [sflag:$0x1] =	stream.indirect_vreg.gather [hbm4b:s3+s2], $0x80, v4, vm0, $0xb8;
	[tilespmem:$0x18100] =	vst v63  }
0x5c: {  	_ = 	snop  }
0x5d: {  	[tilespmem:s25], [sflag:$0x1] =	stream.indirect_vreg.gather [hbm4b:s3+s2], $0x80, v3, vm0, $0xb8;
	[tilespmem:$0x18100] =	vst v63  }
0x5e: {  	v3 =	vld [tilespmem:$0x80F0];
	_ =	sdelay $0x4  }
0x5f: {  	v4 =	vshll.u32 v3, $0x1  }
0x60: {  	v3 =	vand.u32 $0x7, v3;
	v4 =	vand.u32 $0xFFFFFFF0, v4  }
0x61: {  	v3 =	vor.u32 v3, v4  }
0x62: {  	v4 =	vperm.xlane v3, v0;
	_ =	sdelay $0x1  }
0x63: {  	v3 =	vperm.xlane v3, v2;
	v4 =	vadd.s32 v1, v4;
	_ =	sdelay $0x1  }
0x64: {  	v3 =	vadd.s32 v1, v3;
	_ =	sdelay $0x2  }
0x65: {  	[tilespmem:s26], [sflag:$0x1] =	stream.indirect_vreg.gather [hbm4b:s3+s2], $0x80, v4, vm0, $0xb8;
	[tilespmem:$0x18100] =	vst v63  }
0x66: {  	_ = 	snop  }
0x67: {  	[tilespmem:s28], [sflag:$0x1] =	stream.indirect_vreg.gather [hbm4b:s3+s2], $0x80, v3, vm0, $0xb8;
	[tilespmem:$0x18100] =	vst v63  }
0x68: {  	_ = 	snop  }
0x69: {  	[tilespmem:s29], [sflag:$0x2] =	stream.linear.gather [hbm4b:s5+s2], $0x8000, $0x38;
	[tilespmem:$0x18100] =	vst v63  }
0x6a: {  	_ =	swait.ge [sflag:s11], $0x8000  }
0x6b: {  	[sflag:s11] =	ssyncset.done $0x0  }
0x6c: {  	[sflag:s11] =	ssyncadd.s32 $0xFFFF8000  }
0x6d: {  	[tilespmem:s2], [sflag:$0x2] =	stream.linear.gather [hbm4b:s6+s2], $0x8000, $0x38;
	[tilespmem:$0x18100] =	vst v63  }
0x6e: {  	_ =	swait.ge [sflag:s11], $0x8000  }
0x6f: {  	[sflag:s11] =	ssyncset.done $0x0  }
0x70: {  	[sflag:s11] =	ssyncadd.s32 $0xFFFF8000  }
0x71: {  	_ =	swait.ge [sflag:s30], $0x8000  }
0x72: {  	s15 =	sand.u32 $0x7800, s2;
	s10 =	sand.u32 $0x380, s2;
	[sflag:s30] =	ssyncset.done $0x0  }
0x73: {  	s1 =	sor.u32 s10, s15;
	[sflag:s30] =	ssyncadd.s32 $0xFFFF8000  }
0x74: {  	v4 =	vld [tilespmem:s1+$0x400]  }
0x75: {  	v5 =	vld [tilespmem:s1+$0x10560]  }
0x76: {  	v6 =	vld [tilespmem:s1+$0x8550]  }
0x77: {  	v7 =	vld [tilespmem:s1+$0x10550]  }
0x78: {  	v8 =	vld [tilespmem:s1+$0x8540]  }
0x79: {  	v9 =	vld [tilespmem:s1+$0x10540]  }
0x7a: {  	v10 =	vld [tilespmem:s1+$0x420]  }
0x7b: {  	v11 =	vld [tilespmem:s1+$0x460]  }
0x7c: {  	v12 =	vld [tilespmem:s1+$0x450]  }
0x7d: {  	v13 =	vld [tilespmem:s1+$0x8530]  }
0x7e: {  	v14 =	vld [tilespmem:s1+$0x10530]  }
0x7f: {  	v15 =	vld [tilespmem:s1+$0x440]  }
0x80: {  	v16 =	vld [tilespmem:s1+$0x8520]  }
0x81: {  	v17 =	vld [tilespmem:s1+$0x10520]  }
0x82: {  	v18 =	vld [tilespmem:s1+$0x8510]  }
0x83: {  	v19 =	vld [tilespmem:s1+$0x430]  }
0x84: {  	v3 =	vld [tilespmem:s1+$0x8500]  }
0x85: {  	v20 =	vld [tilespmem:s1+$0x10500]  }
0x86: {  	v21 =	vld [tilespmem:s1+$0x10510]  }
0x87: {  	v22 =	vld [tilespmem:s1+$0x8140]  }
0x88: {  	v23 =	vld [tilespmem:s1+$0x10140]  }
0x89: {  	v24 =	vld [tilespmem:s1+$0x8130]  }
0x8a: {  	v25 =	vld [tilespmem:s1+$0x8120]  }
0x8b: {  	v26 =	vld [tilespmem:s1+$0x8110]  }
0x8c: {  	v27 =	vld [tilespmem:s1+$0x10110];
	v3 =	vsub.f32 v20, v3  }
0x8d: {  	v30 =	vld [tilespmem:s1+$0x10130]  }
0x8e: {  	v16 =	vsub.f32 v17, v16;
	v17 =	vld [tilespmem:s1+$0x8100];
	v4 =	vsub.f32 v4, v3  }
0x8f: {  	v13 =	vsub.f32 v14, v13;
	v14 =	vld [tilespmem:s1+$0x10100]  }
0x90: {  	v28 =	vsub.f32 v9, v8;
	v9 =	vld [tilespmem:s1+$0x0];
	[tilespmem:s1+$0x10500] =	vst v4;
	v4 =	vsub.f32 v10, v16  }
0x91: {  	v8 =	vld [tilespmem:s1+$0x10570]  }
0x92: {  	v10 =	vld [tilespmem:s1+$0x8560];
	[tilespmem:s1+$0x10520] =	vst v4;
	v4 =	vsub.f32 v19, v13  }
0x93: {  	v19 =	vld [tilespmem:s1+$0x8570]  }
0x94: {  	v20 =	vld [tilespmem:s1+$0x10120];
	v29 =	vsub.f32 v7, v6;
	[tilespmem:s1+$0x10530] =	vst v4;
	v4 =	vsub.f32 v15, v28  }
0x95: {  	v7 =	vld [tilespmem:s1+$0x470];
	v14 =	vsub.f32 v14, v17  }
0x96: {  	v32 =	vld [tilespmem:s1+$0x50];
	v6 =	vsub.f32 v21, v18;
	[tilespmem:s1+$0x10540] =	vst v4;
	v4 =	vsub.f32 v12, v29  }
0x97: {  	v18 =	vld [tilespmem:s1+$0x10150];
	v9 =	vsub.f32 v9, v14;
	v31 =	vsub.f32 v5, v10  }
0x98: {  	v15 =	vld [tilespmem:s1+$0x8150];
	v12 =	vsub.f32 v27, v26;
	v19 =	vsub.f32 v8, v19;
	[tilespmem:s1+$0x10550] =	vst v4;
	v4 =	vmul.f32 v14, v14  }
0x99: {  	v10 =	vimm.f32 $0.0e+00;
	v26 =	vld [tilespmem:s1+$0x8160];
	v5 =	vsub.f32 v11, v31;
	v8 =	vsub.f32 v20, v25  }
0x9a: {  	v20 =	vld [tilespmem:s1+$0x10160];
	v11 =	vmul.f32 v12, v12;
	v7 =	vsub.f32 v7, v19;
	v10 =	vadd.f32 v4, v10  }
0x9b: {  	[tilespmem:s1+$0x10100] =	vst v9;
	v9 =	vmul.f32 v13, v13;
	v4 =	vsub.f32 v23, v22  }
0x9c: {  	v21 =	vld [tilespmem:s1+$0x8170];
	v14 =	vmul.f32 v8, v8;
	[tilespmem:s1+$0x10570] =	vst v7;
	v7 =	vsub.f32 v30, v24;
	v22 =	vadd.f32 v11, v10  }
0x9d: {  	v27 =	vld [tilespmem:s1+$0x60];
	v13 =	vmul.f32 v31, v31;
	[tilespmem:s1+$0x10560] =	vst v5;
	v5 =	vmul.f32 v6, v6;
	v23 =	vsub.f32 v18, v15  }
0x9e: {  	v17 =	vld [tilespmem:s1+$0x10170];
	v10 =	vmul.f32 v16, v16;
	v15 =	vmul.f32 v7, v7;
	v22 =	vadd.f32 v14, v22  }
0x9f: {  	v18 =	vld [tilespmem:s1+$0x70];
	v11 =	vmul.f32 v29, v29;
	v24 =	vsub.f32 v32, v23;
	v26 =	vsub.f32 v20, v26  }
0xa0: {  	v16 =	vld [tilespmem:s1+$0x410];
	v25 =	vmul.f32 v4, v4;
	v14 =	vmul.f32 v19, v19;
	v63 =	vadd.f32 v15, v22  }
0xa1: {  	v20 =	vld [tilespmem:s1+$0x20];
	[tilespmem:s1+$0x10150] =	vst v24;
	v24 =	vmul.f32 v26, v26;
	v15 =	vmul.f32 v28, v28  }
0xa2: {  	s10 =	simm.s32 $0x80;
	s12 =	simm.s32 $0x100;
	v19 =	vld [tilespmem:s1+$0x10];
	v22 =	vmul.f32 v23, v23;
	v23 =	vsub.f32 v27, v26;
	v25 =	vadd.f32 v25, v63  }
.LBB2_2:
0xa3: {  	s13 =	smov.u32 s12  }
0xa4: {  	s14 =	sand.u32 $0x7800, s12;
	s15 =	sand.u32 $0x380, s10;
	v26 =	vld [tilespmem:s1+$0x30];
	v17 =	vsub.f32 v17, v21;
	s13 =	sadd.s32 $0x100, s12  }
0xa5: {  	p0 =	sne.s32 s12, $0x7F00;
	s14 =	sor.u32 s15, s14;
	v22 =	vadd.f32 v22, v25;
	v6 =	vsub.f32 v16, v6;
	v21 =	vld [tilespmem:s1+$0x40];
	[tilespmem:s1+$0x10160] =	vst v23  }
0xa6: {  	v18 =	vsub.f32 v18, v17;
	v17 =	vmul.f32 v17, v17;
	v16 =	vld [tilespmem:s14+$0x400]  }
0xa7: {  	v12 =	vsub.f32 v19, v12;
	v19 =	vadd.f32 v24, v22;
	v23 =	vld [tilespmem:s14+$0x10560];
	[tilespmem:s1+$0x10510] =	vst v6  }
0xa8: {  	v3 =	vmul.f32 v3, v3;
	v6 =	vsub.f32 v20, v8;
	v22 =	vld [tilespmem:s14+$0x8550];
	[tilespmem:s1+$0x10170] =	vst v18  }
0xa9: {  	v7 =	vsub.f32 v26, v7;
	v8 =	vadd.f32 v17, v19;
	v18 =	vld [tilespmem:s14+$0x10550];
	[tilespmem:s1+$0x10110] =	vst v12  }
0xaa: {  	v17 =	vld [tilespmem:s14+$0x8540];
	[tilespmem:s1+$0x10120] =	vst v6;
	v4 =	vsub.f32 v21, v4  }
0xab: {  	v3 =	vadd.f32 v3, v8;
	v19 =	vld [tilespmem:s14+$0x10540];
	[tilespmem:s1+$0x10130] =	vst v7  }
0xac: {  	v12 =	vld [tilespmem:s14+$0x420];
	[tilespmem:s1+$0x10140] =	vst v4;
	s1 =	smov.u32 s14  }
0xad: {  	v3 =	vadd.f32 v5, v3;
	v20 =	vld [tilespmem:s1+$0x460]  }
0xae: {  	v21 =	vld [tilespmem:s1+$0x450]  }
0xaf: {  	v3 =	vadd.f32 v10, v3;
	v8 =	vld [tilespmem:s1+$0x8530]  }
0xb0: {  	v10 =	vld [tilespmem:s1+$0x10530]  }
0xb1: {  	v3 =	vadd.f32 v9, v3;
	v24 =	vld [tilespmem:s1+$0x440]  }
0xb2: {  	v9 =	vld [tilespmem:s1+$0x8520]  }
0xb3: {  	v3 =	vadd.f32 v15, v3;
	v25 =	vld [tilespmem:s1+$0x10520]  }
0xb4: {  	v4 =	vld [tilespmem:s1+$0x8510]  }
0xb5: {  	v3 =	vadd.f32 v11, v3;
	v15 =	vld [tilespmem:s1+$0x430]  }
0xb6: {  	v5 =	vld [tilespmem:s1+$0x10510]  }
0xb7: {  	v3 =	vadd.f32 v13, v3;
	v6 =	vld [tilespmem:s1+$0x8500]  }
0xb8: {  	v7 =	vld [tilespmem:s1+$0x10500]  }
0xb9: {  	v13 =	vadd.f32 v14, v3;
	v11 =	vld [tilespmem:s1+$0x8140]  }
0xba: {  	v14 =	vld [tilespmem:s1+$0x10140]  }
0xbb: {  	v26 =	vld [tilespmem:s1+$0x8130]  }
0xbc: {  	v27 =	vld [tilespmem:s1+$0x10130]  }
0xbd: {  	v28 =	vld [tilespmem:s1+$0x8120];
	v3 =	vsub.f32 v7, v6  }
0xbe: {  	v6 =	vsub.f32 v5, v4;
	v29 =	vld [tilespmem:s1+$0x10120]  }
0xbf: {  	v30 =	vld [tilespmem:s1+$0x8110];
	v4 =	vsub.f32 v14, v11;
	v11 =	vsub.f32 v16, v3  }
0xc0: {  	v5 =	vmul.f32 v6, v6;
	v14 =	vld [tilespmem:s1+$0x10110]  }
0xc1: {  	v9 =	vsub.f32 v25, v9;
	v16 =	vld [tilespmem:s1+$0x8100];
	v7 =	vsub.f32 v27, v26;
	[tilespmem:s1+$0x10500] =	vst v11  }
0xc2: {  	v25 =	vsub.f32 v10, v8;
	v11 =	vld [tilespmem:s1+$0x10100]  }
0xc3: {  	v10 =	vmul.f32 v9, v9;
	v26 =	vsub.f32 v12, v9;
	v8 =	vsub.f32 v29, v28;
	v27 =	vld [tilespmem:s1+$0x8560]  }
0xc4: {  	v15 =	vsub.f32 v15, v25;
	v9 =	vmul.f32 v25, v25;
	v25 =	vld [tilespmem:s1+$0x10570]  }
0xc5: {  	v19 =	vsub.f32 v19, v17;
	v12 =	vsub.f32 v14, v30;
	[tilespmem:s1+$0x10520] =	vst v26;
	v14 =	vld [tilespmem:s1+$0x8570]  }
0xc6: {  	v17 =	vld [tilespmem:s1+$0x0];
	[tilespmem:s1+$0x10530] =	vst v15;
	v15 =	vsub.f32 v18, v22  }
0xc7: {  	v18 =	vsub.f32 v24, v19;
	v16 =	vsub.f32 v11, v16;
	v22 =	vld [tilespmem:s1+$0x470]  }
0xc8: {  	v24 =	vld [tilespmem:s1+$0x10150];
	v11 =	vmul.f32 v15, v15;
	v23 =	vsub.f32 v23, v27  }
0xc9: {  	v27 =	vmul.f32 v12, v12;
	v15 =	vsub.f32 v21, v15;
	v26 =	vmul.f32 v16, v16;
	v28 =	vld [tilespmem:s1+$0x8150];
	[tilespmem:s1+$0x10540] =	vst v18  }
0xca: {  	v18 =	vmul.f32 v8, v8;
	v29 =	vld [tilespmem:s1+$0x10160];
	v14 =	vsub.f32 v25, v14  }
0xcb: {  	v21 =	vadd.f32 v26, v13;
	v25 =	vld [tilespmem:s1+$0x50];
	[tilespmem:s1+$0x10550] =	vst v15;
	v15 =	vsub.f32 v20, v23;
	v13 =	vmul.f32 v23, v23  }
0xcc: {  	v16 =	vsub.f32 v17, v16;
	v20 =	vld [tilespmem:s1+$0x8160];
	v22 =	vsub.f32 v22, v14  }
0xcd: {  	v14 =	vmul.f32 v14, v14;
	v21 =	vadd.f32 v27, v21;
	v23 =	vld [tilespmem:s1+$0x60];
	[tilespmem:s1+$0x10560] =	vst v15  }
0xce: {  	v26 =	vmul.f32 v7, v7;
	v24 =	vsub.f32 v24, v28;
	v17 =	vld [tilespmem:s1+$0x10170];
	[tilespmem:s1+$0x10570] =	vst v22  }
.Ltmp0:
0xcf: {  	v15 =	vmul.f32 v19, v19;
	[tilespmem:s1+$0x10100] =	vst v16;
	v18 =	vadd.f32 v18, v21;
	v21 =	vld [tilespmem:s1+$0x8170];
	(pc) =	sbr.rel @p0 .LBB2_2-.Ltmp0, $4  }
0xd0: {  	v27 =	vmul.f32 v4, v4;
	v25 =	vsub.f32 v25, v24;
	v22 =	vmul.f32 v24, v24;
	v16 =	vld [tilespmem:s1+$0x410]  }
0xd1: {  	v24 =	vadd.f32 v26, v18;
	v26 =	vsub.f32 v29, v20;
	v18 =	vld [tilespmem:s1+$0x70]  }
0xd2: {  	v19 =	vld [tilespmem:s1+$0x10];
	[tilespmem:s1+$0x10150] =	vst v25  }
0xd3: {  	s10 =	sadd.s32 $0x80, s10;
	s12 =	smov.u32 s13;
	v20 =	vld [tilespmem:s1+$0x20];
	v25 =	vadd.f32 v27, v24;
	v23 =	vsub.f32 v23, v26;
	v24 =	vmul.f32 v26, v26  }
0xd4: {  	_ = 	snop  }
0xd5: {  	v17 =	vsub.f32 v17, v21;
	v58 =	vadd.f32 v22, v25;
	_ =	sdelay $0x1  }
0xd6: {  	v59 =	vmul.f32 v17, v17;
	v21 =	vadd.f32 v24, v58;
	_ =	sdelay $0x1  }
0xd7: {  	v3 =	vmul.f32 v3, v3;
	v21 =	vadd.f32 v59, v21;
	_ =	sdelay $0x1  }
0xd8: {  	v3 =	vadd.f32 v3, v21;
	_ =	sdelay $0x1  }
0xd9: {  	v3 =	vadd.f32 v5, v3;
	_ =	sdelay $0x1  }
0xda: {  	v3 =	vadd.f32 v10, v3;
	_ =	sdelay $0x1  }
0xdb: {  	v3 =	vadd.f32 v9, v3  }
0xdc: {  	v61 =	vld [tilespmem:s1+$0x40]  }
0xdd: {  	v60 =	vld [tilespmem:s1+$0x30];
	v6 =	vsub.f32 v16, v6;
	v3 =	vadd.f32 v15, v3  }
0xde: {  	[tilespmem:s1+$0x10160] =	vst v23;
	v62 =	vsub.f32 v18, v17  }
0xdf: {  	v12 =	vsub.f32 v19, v12;
	[tilespmem:s1+$0x10510] =	vst v6;
	v3 =	vadd.f32 v11, v3  }
0xe0: {  	v63 =	vsub.f32 v20, v8;
	[tilespmem:s1+$0x10170] =	vst v62  }
0xe1: {  	[tilespmem:s1+$0x10110] =	vst v12;
	v4 =	vsub.f32 v61, v4;
	v3 =	vadd.f32 v13, v3  }
0xe2: {  	[tilespmem:s1+$0x10120] =	vst v63;
	v5 =	vsub.f32 v60, v7  }
0xe3: {  	[tilespmem:s1+$0x10140] =	vst v4;
	v3 =	vadd.f32 v14, v3  }
0xe4: {  	[tilespmem:s1+$0x10130] =	vst v5  }
0xe5: {  	[tilespmem:$0x8000] =	vst v3  }
0xe6: {  	[hbm4b:s7+s2] =	stream.linear.scatter [tilespmem:s29], [sflag:$0x2], $0x8000, $0x38;
	[tilespmem:$0x18100] =	vst v63  }
0xe7: {  	s0 =	sadd.s32 $0x1, s0;
	_ =	swait.ge [sflag:s11], $0x8000  }
0xe8: {  	p0 =	sne.s32 s0, s9;
	[sflag:s11] =	ssyncset.done $0x0  }
.Ltmp1:
0xe9: {  	[sflag:s11] =	ssyncadd.s32 $0xFFFF8000;
	(pc) =	sbr.rel @p0 .LBB2_1-.Ltmp1, $4  }
0xea: {  	[hbm4b:s8+s2] =	stream.linear.scatter [tilespmem:s31], [sflag:$0x2], $0x80, $0x38;
	[tilespmem:$0x18100] =	vst v63  }
0xeb: {  	_ =	swait.ge [sflag:s11], $0x80  }
0xec: {  	[sflag:s11] =	ssyncset.done $0x0  }
0xed: {  	[sflag:s11] =	ssyncadd.s32 $0xFFFFFF80  }
0xee: {  	_ =	sfence.sel $0x180000  }
0xef: {  	[bflag:$0x0] =	sbarrier.arrive $0xFFFF  }
0xf0: {  	_ =	strace $0x90000050  }
0xf1: {  	s0 =	stileid.u32;
	[bflag:$0x2] =	sbarrier.arrive $0xFFFF  }
0xf2: {  	p0 =	sne.s32 s0, $0x0;
	s0 =	rddreg [dreg:$0x3]  }
0xf3: {  	s0 =	sadd.s32 @!p0 $0x100000, s0  }
0xf4: {  	[sflag:s0] =	ssyncadd.tile.s32 @!p0 $0x1;
	_ =	shalt  }
.Lfunc_end2:
_tile_overlayer_lowered:
.L_overlay_start_2:
0xf5: {  	(tag) =	ssettag $0x2  }
0xf6: {  	s0 =	rddreg [dreg:$0x0];
	s2 =	stileid.u32  }
0xf7: {  	s1 =	rddreg [dreg:$0x1];
	p0 =	sne.s32 s2, $0x0  }
0xf8: {  	s3 =	rddreg [dreg:$0x2];
	[bflag:$0x3] =	sbarrier.arrive $0xFFFF;
	s2 =	simm.s32 @!p0 $0x1C02  }
0xf9: {  	[timem:s3], [sflag:s2] =	dma.local @!p0 [hbm:s0], s1  }
0xfa: {  	s0 =	simm.s32 @!p0 $0x2  }
0xfb: {  	_ =	swait.ge @!p0 [sflag:s0], s1  }
0xfc: {  	s1 =	ssub.s32 @!p0 $0x0, s1;
	[sflag:s0] =	ssyncset.done @!p0 $0x0  }
0xfd: {  	[sflag:s0] =	ssyncadd.s32 @!p0 s1  }
0xfe: {  	[bflag:$0x3] =	sbarrier.arrive $0xFFFF  }
0xff: {  	_ =	shalt  }

</sc_bundles>
